<compile_context>
chip_gen: v7x
topology: tpu7x:2x2x1
jax: 0.10.2.dev20260603
libtpu: 0.0.44.dev20260713+nightly
codegen_flags: <defaults>
</compile_context>

<pallas_src>
import jax
import jax.numpy as jnp
from jax import lax
from jax.experimental import pallas as pl
from jax.experimental.pallas import tpu as pltpu
from jax.experimental.pallas import tpu_sc as plsc

S = 2048
H = 12
NC, NS, L = 2, 16, 16
NW = NC * NS
ROWS = S // NW
NG = ROWS // 8
JCH = S // L
NB = 59
AB = NB * NB
NPAIR = H // 2
CI_OFF = (29 * NB + 29) * 64 + 32


def _sc_body(x_hbm, y_hbm, z_hbm, bx_hbm, by_hbm, bz_hbm, out_hbm,
             x_v, y_v, z_v, cz_v, bx_v, by_v, bz_v, txy_v, tz_v, pairbuf,
             sem0, sem1):
    wid = lax.axis_index("s") * NC + lax.axis_index("c")
    row_base = wid * ROWS

    pltpu.sync_copy(x_hbm, x_v)
    pltpu.sync_copy(y_hbm, y_v)
    pltpu.sync_copy(z_hbm, z_v)
    pltpu.sync_copy(bx_hbm, bx_v)
    pltpu.sync_copy(by_hbm, by_v)
    pltpu.sync_copy(bz_hbm, bz_v)

    def build_cz(jc, carry):
        sl = pl.ds(jc * L, L)
        cz_v[sl] = (x_v[sl] * NB + y_v[sl]) * 64 + z_v[sl]
        return carry

    lax.fori_loop(0, JCH, build_cz, 0)

    lane = lax.iota(jnp.int32, L)
    bvecs = [lane + L * k for k in range(4)]
    bys = [jnp.minimum(bv + 3, 64) * H for bv in bvecs]
    bmasks = [bv < NB for bv in bvecs]

    for p in range(NPAIR):
        h0 = 2 * p
        h1 = 2 * p + 1

        czc = jnp.minimum(lane, 8) * H
        gz_lo = plsc.load_gather(bz_v, [czc + h0])
        gz_hi = plsc.load_gather(bz_v, [czc + h1])
        packed_z = plsc.bitcast(
            plsc.pack(gz_lo, gz_hi, format=plsc.PackFormat.INTERLEAVED),
            jnp.int32)
        plsc.store_scatter(tz_v, [lane + p * 9], packed_z, mask=lane < 9)

        def a_loop(a, carry):
            a3 = jnp.full((L,), (a + 3) * H, jnp.int32)
            bx_lo = plsc.load_gather(bx_v, [a3 + h0])
            bx_hi = plsc.load_gather(bx_v, [a3 + h1])
            base = p * AB + a * NB
            for k in range(4):
                v_lo = plsc.load_gather(by_v, [bys[k] + h0]) + bx_lo
                v_hi = plsc.load_gather(by_v, [bys[k] + h1]) + bx_hi
                packed = plsc.bitcast(
                    plsc.pack(v_lo, v_hi,
                              format=plsc.PackFormat.INTERLEAVED),
                    jnp.int32)
                plsc.store_scatter(txy_v, [bvecs[k] + base], packed,
                                   mask=bmasks[k])
            return carry

        lax.fori_loop(0, NB, a_loop, 0)

    sems = (sem0, sem1)

    def compute_pair(p, i0, par):
        def row_body(rr, carry):
            splat_i = jnp.full((L,), i0 + rr, jnp.int32)
            ci = plsc.load_gather(cz_v, [splat_i]) + CI_OFF

            @plsc.parallel_loop(0, JCH, unroll=8)
            def col_body(jc):
                t = ci - cz_v[pl.ds(jc * L, L)]
                dxy = lax.shift_right_logical(t, 6)
                rz = jnp.clip(t & 63, 28, 36)
                gxy = plsc.load_gather(txy_v, [dxy + p * AB])
                gz = plsc.load_gather(tz_v, [rz + (p * 9 - 28)])
                v = plsc.bitcast(gxy, jnp.bfloat16) \
                    + plsc.bitcast(gz, jnp.bfloat16)
                lo, hi = plsc.unpack(v, format=plsc.PackFormat.INTERLEAVED)
                pairbuf[par, 0, rr, pl.ds(jc * L, L)] = lo
                pairbuf[par, 1, rr, pl.ds(jc * L, L)] = hi

            return carry

        lax.fori_loop(0, 8, row_body, 0)

    def drain(par):
        pltpu.make_async_copy(
            out_hbm.at[0, pl.ds(0, 2), pl.ds(0, 8), :], pairbuf.at[par],
            sems[par]).wait()

    def group_body(g, carry):
        i0 = row_base + g * 8
        for p in range(NPAIR):
            par = p % 2
            if p < 2:
                @pl.when(g > 0)
                def _():
                    drain(par)
            else:
                drain(par)
            compute_pair(p, i0, par)
            pltpu.async_copy(pairbuf.at[par, 0],
                             out_hbm.at[0, 2 * p, pl.ds(i0, 8), :],
                             sems[par])
            pltpu.async_copy(pairbuf.at[par, 1],
                             out_hbm.at[0, 2 * p + 1, pl.ds(i0, 8), :],
                             sems[par])
        return carry

    lax.fori_loop(0, NG, group_body, 0)
    drain(0)
    drain(1)


@jax.jit
def kernel(pos_xyz, bias_x, bias_y, bias_z):
    x = pos_xyz[0, :, 0]
    y = pos_xyz[0, :, 1]
    z = pos_xyz[0, :, 2]

    mesh = plsc.VectorSubcoreMesh(core_axis_name="c", subcore_axis_name="s")
    out = pl.kernel(
        _sc_body,
        out_type=jax.ShapeDtypeStruct((1, H, S, S), jnp.float32),
        mesh=mesh,
        compiler_params=pltpu.CompilerParams(
            needs_layout_passes=False, use_tc_tiling_on_sc=True),
        scratch_types=[
            pltpu.VMEM((S,), jnp.int32),
            pltpu.VMEM((S,), jnp.int32),
            pltpu.VMEM((S,), jnp.int32),
            pltpu.VMEM((S,), jnp.int32),
            pltpu.VMEM((65 * H,), jnp.float32),
            pltpu.VMEM((65 * H,), jnp.float32),
            pltpu.VMEM((9 * H,), jnp.float32),
            pltpu.VMEM((NPAIR * AB,), jnp.int32),
            pltpu.VMEM((NPAIR * 9 + 7,), jnp.int32),
            pltpu.VMEM((2, 2, 8, S), jnp.float32),
            pltpu.SemaphoreType.DMA,
            pltpu.SemaphoreType.DMA,
        ],
    )(x, y, z, bias_x.reshape(65 * H), bias_y.reshape(65 * H),
      bias_z.reshape(9 * H))

    return out

# --- scband reference (transcript-rebuilt; emitter-appended) ---
"""Pipeline reference for scband-relative-position-bias3-d-17360257810452 (READ-ONLY COPY).

The authoritative reference and input builder live on the scoring server;
editing this copy changes nothing except your own understanding.
"""

import jax, jax.numpy as jnp
import numpy as np

MAX_DIST_XY = 32
MAX_DIST_Z = 4
N_HEADS = 12


def setup_inputs(seed: int = 0) -> dict:
    key = jax.random.key(seed)
    k1, k2, k3, k4 = jax.random.split(key, 4)
    pos_xyz = jax.random.randint(k1, (1, 2048, 3), 0, 30, dtype=jnp.int32)
    num_buckets_xy = 2 * MAX_DIST_XY + 1
    num_buckets_z = 2 * MAX_DIST_Z + 1
    bias_x = jax.random.normal(k2, (num_buckets_xy, N_HEADS), dtype=jnp.float32) * 0.02
    bias_y = jax.random.normal(k3, (num_buckets_xy, N_HEADS), dtype=jnp.float32) * 0.02
    bias_z = jax.random.normal(k4, (num_buckets_z, N_HEADS), dtype=jnp.float32) * 0.02
    return {"pos_xyz": pos_xyz, "bias_x": bias_x, "bias_y": bias_y, "bias_z": bias_z}


def reference(pos_xyz, bias_x, bias_y, bias_z):
    x = pos_xyz[..., 0]
    y = pos_xyz[..., 1]
    z = pos_xyz[..., 2]
    dx = x[..., :, None] - x[..., None, :]
    dy = y[..., :, None] - y[..., None, :]
    dz = z[..., :, None] - z[..., None, :]
    dx = jnp.clip(dx, -MAX_DIST_XY, MAX_DIST_XY) + MAX_DIST_XY
    dy = jnp.clip(dy, -MAX_DIST_XY, MAX_DIST_XY) + MAX_DIST_XY
    dz = jnp.clip(dz, -MAX_DIST_Z, MAX_DIST_Z) + MAX_DIST_Z
    bx = jnp.take(bias_x, dx, axis=0)  # [B, S, S, H]
    by = jnp.take(bias_y, dy, axis=0)
    bz = jnp.take(bias_z, dz, axis=0)
    bias = (bx + by + bz).transpose(0, 3, 1, 2)  # [B, H, S, S]
    return bias

if __name__ == "__main__":
    import jax
    _d = setup_inputs()
    print(jax.jit(kernel)(*tuple(_d.values())))

</pallas_src>

<mosaic_0001>
#map = affine_map<(d0, d1) -> (0)>
#map1 = affine_map<(d0, d1) -> (0, 0, 0, 0)>
module attributes {stable_mosaic.version = 14 : i64} {
  func.func @_sc_body(%arg0: i32, %arg1: i32, %arg2: memref<2048xi32, #tpu.memory_space<hbm>>, %arg3: memref<2048xi32, #tpu.memory_space<hbm>>, %arg4: memref<2048xi32, #tpu.memory_space<hbm>>, %arg5: memref<780xf32, #tpu.memory_space<hbm>>, %arg6: memref<780xf32, #tpu.memory_space<hbm>>, %arg7: memref<108xf32, #tpu.memory_space<hbm>>, %arg8: memref<1x12x2048x2048xf32, #tpu.memory_space<hbm>>, %arg9: memref<2048xi32, #tpu.memory_space<vmem>>, %arg10: memref<2048xi32, #tpu.memory_space<vmem>>, %arg11: memref<2048xi32, #tpu.memory_space<vmem>>, %arg12: memref<2048xi32, #tpu.memory_space<vmem>>, %arg13: memref<780xf32, #tpu.memory_space<vmem>>, %arg14: memref<780xf32, #tpu.memory_space<vmem>>, %arg15: memref<108xf32, #tpu.memory_space<vmem>>, %arg16: memref<20886xi32, #tpu.memory_space<vmem>>, %arg17: memref<61xi32, #tpu.memory_space<vmem>>, %arg18: memref<2x2x8x2048xf32, #tpu.memory_space<vmem>>, %arg19: memref<!tpu.dma_semaphore, #tpu.memory_space<semaphore_mem>>, %arg20: memref<!tpu.dma_semaphore, #tpu.memory_space<semaphore_mem>>) attributes {dimension_semantics = [#tpu.dimension_semantics<core_parallel>, #tpu.dimension_semantics<subcore_parallel>], iteration_bounds = array<i64: 2, 16>, scalar_prefetch = 0 : i64, scratch_operands = 12 : i64, tpu.core_type = #tpu.core_type<sc_vector_subcore>, window_params = [{transform_indices = #map}, {transform_indices = #map}, {transform_indices = #map}, {transform_indices = #map}, {transform_indices = #map}, {transform_indices = #map}, {transform_indices = #map1}]} {
    %mul3A = arith.constant 2 : i32
    %mul3A_0 = arith.muli %arg1, %mul3A : i32
    %add3A = arith.addi %mul3A_0, %arg0 : i32
    %mul3A_1 = arith.constant 64 : i32
    %mul3A_2 = arith.muli %add3A, %mul3A_1 : i32
    "tpu.region"() ({
      %run_scoped3A = tpu.sem_alloc : memref<!tpu.dma_semaphore, #tpu.memory_space<semaphore_mem>>
      tpu.enqueue_dma source(%arg2 : memref<2048xi32, #tpu.memory_space<hbm>>) target(%arg9 : memref<2048xi32, #tpu.memory_space<vmem>>) target_semaphore(%run_scoped3A : memref<!tpu.dma_semaphore, #tpu.memory_space<semaphore_mem>>)
      tpu.wait_dma2 semaphore(%run_scoped3A : memref<!tpu.dma_semaphore, #tpu.memory_space<semaphore_mem>>) src(%arg2 : memref<2048xi32, #tpu.memory_space<hbm>>) dst(%arg9 : memref<2048xi32, #tpu.memory_space<vmem>>)
      tpu.yield
    }) : () -> ()
    "tpu.region"() ({
      %run_scoped3A = tpu.sem_alloc : memref<!tpu.dma_semaphore, #tpu.memory_space<semaphore_mem>>
      tpu.enqueue_dma source(%arg3 : memref<2048xi32, #tpu.memory_space<hbm>>) target(%arg10 : memref<2048xi32, #tpu.memory_space<vmem>>) target_semaphore(%run_scoped3A : memref<!tpu.dma_semaphore, #tpu.memory_space<semaphore_mem>>)
      tpu.wait_dma2 semaphore(%run_scoped3A : memref<!tpu.dma_semaphore, #tpu.memory_space<semaphore_mem>>) src(%arg3 : memref<2048xi32, #tpu.memory_space<hbm>>) dst(%arg10 : memref<2048xi32, #tpu.memory_space<vmem>>)
      tpu.yield
    }) : () -> ()
    "tpu.region"() ({
      %run_scoped3A = tpu.sem_alloc : memref<!tpu.dma_semaphore, #tpu.memory_space<semaphore_mem>>
      tpu.enqueue_dma source(%arg4 : memref<2048xi32, #tpu.memory_space<hbm>>) target(%arg11 : memref<2048xi32, #tpu.memory_space<vmem>>) target_semaphore(%run_scoped3A : memref<!tpu.dma_semaphore, #tpu.memory_space<semaphore_mem>>)
      tpu.wait_dma2 semaphore(%run_scoped3A : memref<!tpu.dma_semaphore, #tpu.memory_space<semaphore_mem>>) src(%arg4 : memref<2048xi32, #tpu.memory_space<hbm>>) dst(%arg11 : memref<2048xi32, #tpu.memory_space<vmem>>)
      tpu.yield
    }) : () -> ()
    "tpu.region"() ({
      %run_scoped3A = tpu.sem_alloc : memref<!tpu.dma_semaphore, #tpu.memory_space<semaphore_mem>>
      tpu.enqueue_dma source(%arg5 : memref<780xf32, #tpu.memory_space<hbm>>) target(%arg13 : memref<780xf32, #tpu.memory_space<vmem>>) target_semaphore(%run_scoped3A : memref<!tpu.dma_semaphore, #tpu.memory_space<semaphore_mem>>)
      tpu.wait_dma2 semaphore(%run_scoped3A : memref<!tpu.dma_semaphore, #tpu.memory_space<semaphore_mem>>) src(%arg5 : memref<780xf32, #tpu.memory_space<hbm>>) dst(%arg13 : memref<780xf32, #tpu.memory_space<vmem>>)
      tpu.yield
    }) : () -> ()
    "tpu.region"() ({
      %run_scoped3A = tpu.sem_alloc : memref<!tpu.dma_semaphore, #tpu.memory_space<semaphore_mem>>
      tpu.enqueue_dma source(%arg6 : memref<780xf32, #tpu.memory_space<hbm>>) target(%arg14 : memref<780xf32, #tpu.memory_space<vmem>>) target_semaphore(%run_scoped3A : memref<!tpu.dma_semaphore, #tpu.memory_space<semaphore_mem>>)
      tpu.wait_dma2 semaphore(%run_scoped3A : memref<!tpu.dma_semaphore, #tpu.memory_space<semaphore_mem>>) src(%arg6 : memref<780xf32, #tpu.memory_space<hbm>>) dst(%arg14 : memref<780xf32, #tpu.memory_space<vmem>>)
      tpu.yield
    }) : () -> ()
    "tpu.region"() ({
      %run_scoped3A = tpu.sem_alloc : memref<!tpu.dma_semaphore, #tpu.memory_space<semaphore_mem>>
      tpu.enqueue_dma source(%arg7 : memref<108xf32, #tpu.memory_space<hbm>>) target(%arg15 : memref<108xf32, #tpu.memory_space<vmem>>) target_semaphore(%run_scoped3A : memref<!tpu.dma_semaphore, #tpu.memory_space<semaphore_mem>>)
      tpu.wait_dma2 semaphore(%run_scoped3A : memref<!tpu.dma_semaphore, #tpu.memory_space<semaphore_mem>>) src(%arg7 : memref<108xf32, #tpu.memory_space<hbm>>) dst(%arg15 : memref<108xf32, #tpu.memory_space<vmem>>)
      tpu.yield
    }) : () -> ()
    %scan3A = arith.constant 0 : i32
    %scan3A_3 = arith.constant 0 : i32
    %scan3A_4 = arith.constant 128 : i32
    %scan3A_5 = arith.addi %scan3A_3, %scan3A_4 : i32
    %scan3A_6 = arith.constant 1 : i32
    scf.for %scan3A_280 = %scan3A_3 to %scan3A_5 step %scan3A_6  : i32 {
      %mul3A_281 = arith.constant 16 : i32
      %mul3A_282 = arith.muli %scan3A_280, %mul3A_281 : i32
      %get3A = arith.index_cast %mul3A_282 : i32 to index
      %get3A_283 = tpu.vector_load %arg9[%get3A] {strides = array<i32>} : memref<2048xi32, #tpu.memory_space<vmem>>, vector<16xi32>,
      %mul3A_284 = arith.constant 59 : i32
      %mul3A_285 = vector.broadcast %mul3A_284 : i32 to vector<16xi32>
      %mul3A_286 = arith.muli %get3A_283, %mul3A_285 : vector<16xi32>
      %get3A_287 = arith.index_cast %mul3A_282 : i32 to index
      %get3A_288 = tpu.vector_load %arg10[%get3A_287] {strides = array<i32>} : memref<2048xi32, #tpu.memory_space<vmem>>, vector<16xi32>,
      %add3A_289 = arith.addi %mul3A_286, %get3A_288 : vector<16xi32>
      %mul3A_290 = arith.constant 64 : i32
      %mul3A_291 = vector.broadcast %mul3A_290 : i32 to vector<16xi32>
      %mul3A_292 = arith.muli %add3A_289, %mul3A_291 : vector<16xi32>
      %get3A_293 = arith.index_cast %mul3A_282 : i32 to index
      %get3A_294 = tpu.vector_load %arg11[%get3A_293] {strides = array<i32>} : memref<2048xi32, #tpu.memory_space<vmem>>, vector<16xi32>,
      %add3A_295 = arith.addi %mul3A_292, %get3A_294 : vector<16xi32>
      %swap3A = arith.index_cast %mul3A_282 : i32 to index
      %swap3A_296 = tpu.vector_load %arg12[%swap3A] {strides = array<i32>} : memref<2048xi32, #tpu.memory_space<vmem>>, vector<16xi32>,
      tpu.vector_store %arg12[%swap3A], %add3A_295 {strides = array<i32>} : memref<2048xi32, #tpu.memory_space<vmem>>, vector<16xi32>,
    }
    %scan3A_7 = arith.constant 128 : i32
    %iota3A = tpu.iota {dimensions = array<i32: 0>} : vector<16xi32>
    %add3A_8 = arith.constant 0 : i32
    %add3A_9 = vector.broadcast %add3A_8 : i32 to vector<16xi32>
    %add3A_10 = arith.addi %iota3A, %add3A_9 : vector<16xi32>
    %add3A_11 = arith.constant 16 : i32
    %add3A_12 = vector.broadcast %add3A_11 : i32 to vector<16xi32>
    %add3A_13 = arith.addi %iota3A, %add3A_12 : vector<16xi32>
    %add3A_14 = arith.constant 32 : i32
    %add3A_15 = vector.broadcast %add3A_14 : i32 to vector<16xi32>
    %add3A_16 = arith.addi %iota3A, %add3A_15 : vector<16xi32>
    %add3A_17 = arith.constant 48 : i32
    %add3A_18 = vector.broadcast %add3A_17 : i32 to vector<16xi32>
    %add3A_19 = arith.addi %iota3A, %add3A_18 : vector<16xi32>
    %add3A_20 = arith.constant 3 : i32
    %add3A_21 = vector.broadcast %add3A_20 : i32 to vector<16xi32>
    %add3A_22 = arith.addi %add3A_10, %add3A_21 : vector<16xi32>
    %min3A = arith.constant 64 : i32
    %min3A_23 = vector.broadcast %min3A : i32 to vector<16xi32>
    %min3A_24 = arith.minsi %add3A_22, %min3A_23 : vector<16xi32>
    %mul3A_25 = arith.constant 12 : i32
    %mul3A_26 = vector.broadcast %mul3A_25 : i32 to vector<16xi32>
    %mul3A_27 = arith.muli %min3A_24, %mul3A_26 : vector<16xi32>
    %add3A_28 = arith.constant 3 : i32
    %add3A_29 = vector.broadcast %add3A_28 : i32 to vector<16xi32>
    %add3A_30 = arith.addi %add3A_13, %add3A_29 : vector<16xi32>
    %min3A_31 = arith.constant 64 : i32
    %min3A_32 = vector.broadcast %min3A_31 : i32 to vector<16xi32>
    %min3A_33 = arith.minsi %add3A_30, %min3A_32 : vector<16xi32>
    %mul3A_34 = arith.constant 12 : i32
    %mul3A_35 = vector.broadcast %mul3A_34 : i32 to vector<16xi32>
    %mul3A_36 = arith.muli %min3A_33, %mul3A_35 : vector<16xi32>
    %add3A_37 = arith.constant 3 : i32
    %add3A_38 = vector.broadcast %add3A_37 : i32 to vector<16xi32>
    %add3A_39 = arith.addi %add3A_16, %add3A_38 : vector<16xi32>
    %min3A_40 = arith.constant 64 : i32
    %min3A_41 = vector.broadcast %min3A_40 : i32 to vector<16xi32>
    %min3A_42 = arith.minsi %add3A_39, %min3A_41 : vector<16xi32>
    %mul3A_43 = arith.constant 12 : i32
    %mul3A_44 = vector.broadcast %mul3A_43 : i32 to vector<16xi32>
    %mul3A_45 = arith.muli %min3A_42, %mul3A_44 : vector<16xi32>
    %add3A_46 = arith.constant 3 : i32
    %add3A_47 = vector.broadcast %add3A_46 : i32 to vector<16xi32>
    %add3A_48 = arith.addi %add3A_19, %add3A_47 : vector<16xi32>
    %min3A_49 = arith.constant 64 : i32
    %min3A_50 = vector.broadcast %min3A_49 : i32 to vector<16xi32>
    %min3A_51 = arith.minsi %add3A_48, %min3A_50 : vector<16xi32>
    %mul3A_52 = arith.constant 12 : i32
    %mul3A_53 = vector.broadcast %mul3A_52 : i32 to vector<16xi32>
    %mul3A_54 = arith.muli %min3A_51, %mul3A_53 : vector<16xi32>
    %lt3A = arith.constant 59 : i32
    %lt3A_55 = vector.broadcast %lt3A : i32 to vector<16xi32>
    %lt3A_56 = arith.cmpi slt, %add3A_10, %lt3A_55 : vector<16xi32>
    %lt3A_57 = arith.constant 59 : i32
    %lt3A_58 = vector.broadcast %lt3A_57 : i32 to vector<16xi32>
    %lt3A_59 = arith.cmpi slt, %add3A_13, %lt3A_58 : vector<16xi32>
    %lt3A_60 = arith.constant 59 : i32
    %lt3A_61 = vector.broadcast %lt3A_60 : i32 to vector<16xi32>
    %lt3A_62 = arith.cmpi slt, %add3A_16, %lt3A_61 : vector<16xi32>
    %lt3A_63 = arith.constant 59 : i32
    %lt3A_64 = vector.broadcast %lt3A_63 : i32 to vector<16xi32>
    %lt3A_65 = arith.cmpi slt, %add3A_19, %lt3A_64 : vector<16xi32>
    %min3A_66 = arith.constant 8 : i32
    %min3A_67 = vector.broadcast %min3A_66 : i32 to vector<16xi32>
    %min3A_68 = arith.minsi %iota3A, %min3A_67 : vector<16xi32>
    %mul3A_69 = arith.constant 12 : i32
    %mul3A_70 = vector.broadcast %mul3A_69 : i32 to vector<16xi32>
    %mul3A_71 = arith.muli %min3A_68, %mul3A_70 : vector<16xi32>
    %add3A_72 = arith.constant 0 : i32
    %add3A_73 = vector.broadcast %add3A_72 : i32 to vector<16xi32>
    %add3A_74 = arith.addi %mul3A_71, %add3A_73 : vector<16xi32>
    %gather3A = tpu.vector_load_idx %arg15[%add3A_74] : memref<108xf32, #tpu.memory_space<vmem>>[vector<16xi32>], vector<16xf32>,
    %add3A_75 = arith.constant 1 : i32
    %add3A_76 = vector.broadcast %add3A_75 : i32 to vector<16xi32>
    %add3A_77 = arith.addi %mul3A_71, %add3A_76 : vector<16xi32>
    %gather3A_78 = tpu.vector_load_idx %arg15[%add3A_77] : memref<108xf32, #tpu.memory_space<vmem>>[vector<16xi32>], vector<16xf32>,
    %pack3A = tpu.pack_subelements %gather3A, %gather3A_78 {pack_format = #tpu.pack_format<interleaved>, positions = array<i32: 0, 1>} : vector<16xf32>, vector<16xf32> -> vector<32xbf16>
    %bitcast3A = vector.bitcast %pack3A : vector<32xbf16> to vector<16xi32>
    %add3A_79 = arith.constant 0 : i32
    %add3A_80 = vector.broadcast %add3A_79 : i32 to vector<16xi32>
    %add3A_81 = arith.addi %iota3A, %add3A_80 : vector<16xi32>
    %lt3A_82 = arith.constant 9 : i32
    %lt3A_83 = vector.broadcast %lt3A_82 : i32 to vector<16xi32>
    %lt3A_84 = arith.cmpi slt, %iota3A, %lt3A_83 : vector<16xi32>
    tpu.vector_store_idx %arg17[%add3A_81], %bitcast3A masked %lt3A_84 : memref<61xi32, #tpu.memory_space<vmem>>[vector<16xi32>], vector<16xi32>, vector<16xi1>
    %scan3A_85 = arith.constant 0 : i32
    %scan3A_86 = arith.constant 0 : i32
    %scan3A_87 = arith.constant 59 : i32
    %scan3A_88 = arith.addi %scan3A_86, %scan3A_87 : i32
    %scan3A_89 = arith.constant 1 : i32
    scf.for %scan3A_280 = %scan3A_86 to %scan3A_88 step %scan3A_89  : i32 {
      %add3A_281 = arith.constant 3 : i32
      %add3A_282 = arith.addi %scan3A_280, %add3A_281 : i32
      %mul3A_283 = arith.constant 12 : i32
      %mul3A_284 = arith.muli %add3A_282, %mul3A_283 : i32
      %broadcast_in_dim3A = vector.broadcast %mul3A_284 : i32 to vector<16xi32>
      %add3A_285 = arith.constant 0 : i32
      %add3A_286 = vector.broadcast %add3A_285 : i32 to vector<16xi32>
      %add3A_287 = arith.addi %broadcast_in_dim3A, %add3A_286 : vector<16xi32>
      %gather3A_288 = tpu.vector_load_idx %arg13[%add3A_287] : memref<780xf32, #tpu.memory_space<vmem>>[vector<16xi32>], vector<16xf32>,
      %add3A_289 = arith.constant 1 : i32
      %add3A_290 = vector.broadcast %add3A_289 : i32 to vector<16xi32>
      %add3A_291 = arith.addi %broadcast_in_dim3A, %add3A_290 : vector<16xi32>
      %gather3A_292 = tpu.vector_load_idx %arg13[%add3A_291] : memref<780xf32, #tpu.memory_space<vmem>>[vector<16xi32>], vector<16xf32>,
      %mul3A_293 = arith.constant 59 : i32
      %mul3A_294 = arith.muli %scan3A_280, %mul3A_293 : i32
      %add3A_295 = arith.constant 0 : i32
      %add3A_296 = arith.addi %add3A_295, %mul3A_294 : i32
      %add3A_297 = arith.constant 0 : i32
      %add3A_298 = vector.broadcast %add3A_297 : i32 to vector<16xi32>
      %add3A_299 = arith.addi %mul3A_27, %add3A_298 : vector<16xi32>
      %gather3A_300 = tpu.vector_load_idx %arg14[%add3A_299] : memref<780xf32, #tpu.memory_space<vmem>>[vector<16xi32>], vector<16xf32>,
      %add3A_301 = arith.addf %gather3A_300, %gather3A_288 : vector<16xf32>
      %add3A_302 = arith.constant 1 : i32
      %add3A_303 = vector.broadcast %add3A_302 : i32 to vector<16xi32>
      %add3A_304 = arith.addi %mul3A_27, %add3A_303 : vector<16xi32>
      %gather3A_305 = tpu.vector_load_idx %arg14[%add3A_304] : memref<780xf32, #tpu.memory_space<vmem>>[vector<16xi32>], vector<16xf32>,
      %add3A_306 = arith.addf %gather3A_305, %gather3A_292 : vector<16xf32>
      %pack3A_307 = tpu.pack_subelements %add3A_301, %add3A_306 {pack_format = #tpu.pack_format<interleaved>, positions = array<i32: 0, 1>} : vector<16xf32>, vector<16xf32> -> vector<32xbf16>
      %bitcast3A_308 = vector.bitcast %pack3A_307 : vector<32xbf16> to vector<16xi32>
      %add3A_309 = vector.broadcast %add3A_296 : i32 to vector<16xi32>
      %add3A_310 = arith.addi %add3A_10, %add3A_309 : vector<16xi32>
      tpu.vector_store_idx %arg16[%add3A_310], %bitcast3A_308 masked %lt3A_56 : memref<20886xi32, #tpu.memory_space<vmem>>[vector<16xi32>], vector<16xi32>, vector<16xi1>
      %add3A_311 = arith.constant 0 : i32
      %add3A_312 = vector.broadcast %add3A_311 : i32 to vector<16xi32>
      %add3A_313 = arith.addi %mul3A_36, %add3A_312 : vector<16xi32>
      %gather3A_314 = tpu.vector_load_idx %arg14[%add3A_313] : memref<780xf32, #tpu.memory_space<vmem>>[vector<16xi32>], vector<16xf32>,
      %add3A_315 = arith.addf %gather3A_314, %gather3A_288 : vector<16xf32>
      %add3A_316 = arith.constant 1 : i32
      %add3A_317 = vector.broadcast %add3A_316 : i32 to vector<16xi32>
      %add3A_318 = arith.addi %mul3A_36, %add3A_317 : vector<16xi32>
      %gather3A_319 = tpu.vector_load_idx %arg14[%add3A_318] : memref<780xf32, #tpu.memory_space<vmem>>[vector<16xi32>], vector<16xf32>,
      %add3A_320 = arith.addf %gather3A_319, %gather3A_292 : vector<16xf32>
      %pack3A_321 = tpu.pack_subelements %add3A_315, %add3A_320 {pack_format = #tpu.pack_format<interleaved>, positions = array<i32: 0, 1>} : vector<16xf32>, vector<16xf32> -> vector<32xbf16>
      %bitcast3A_322 = vector.bitcast %pack3A_321 : vector<32xbf16> to vector<16xi32>
      %add3A_323 = vector.broadcast %add3A_296 : i32 to vector<16xi32>
      %add3A_324 = arith.addi %add3A_13, %add3A_323 : vector<16xi32>
      tpu.vector_store_idx %arg16[%add3A_324], %bitcast3A_322 masked %lt3A_59 : memref<20886xi32, #tpu.memory_space<vmem>>[vector<16xi32>], vector<16xi32>, vector<16xi1>
      %add3A_325 = arith.constant 0 : i32
      %add3A_326 = vector.broadcast %add3A_325 : i32 to vector<16xi32>
      %add3A_327 = arith.addi %mul3A_45, %add3A_326 : vector<16xi32>
      %gather3A_328 = tpu.vector_load_idx %arg14[%add3A_327] : memref<780xf32, #tpu.memory_space<vmem>>[vector<16xi32>], vector<16xf32>,
      %add3A_329 = arith.addf %gather3A_328, %gather3A_288 : vector<16xf32>
      %add3A_330 = arith.constant 1 : i32
      %add3A_331 = vector.broadcast %add3A_330 : i32 to vector<16xi32>
      %add3A_332 = arith.addi %mul3A_45, %add3A_331 : vector<16xi32>
      %gather3A_333 = tpu.vector_load_idx %arg14[%add3A_332] : memref<780xf32, #tpu.memory_space<vmem>>[vector<16xi32>], vector<16xf32>,
      %add3A_334 = arith.addf %gather3A_333, %gather3A_292 : vector<16xf32>
      %pack3A_335 = tpu.pack_subelements %add3A_329, %add3A_334 {pack_format = #tpu.pack_format<interleaved>, positions = array<i32: 0, 1>} : vector<16xf32>, vector<16xf32> -> vector<32xbf16>
      %bitcast3A_336 = vector.bitcast %pack3A_335 : vector<32xbf16> to vector<16xi32>
      %add3A_337 = vector.broadcast %add3A_296 : i32 to vector<16xi32>
      %add3A_338 = arith.addi %add3A_16, %add3A_337 : vector<16xi32>
      tpu.vector_store_idx %arg16[%add3A_338], %bitcast3A_336 masked %lt3A_62 : memref<20886xi32, #tpu.memory_space<vmem>>[vector<16xi32>], vector<16xi32>, vector<16xi1>
      %add3A_339 = arith.constant 0 : i32
      %add3A_340 = vector.broadcast %add3A_339 : i32 to vector<16xi32>
      %add3A_341 = arith.addi %mul3A_54, %add3A_340 : vector<16xi32>
      %gather3A_342 = tpu.vector_load_idx %arg14[%add3A_341] : memref<780xf32, #tpu.memory_space<vmem>>[vector<16xi32>], vector<16xf32>,
      %add3A_343 = arith.addf %gather3A_342, %gather3A_288 : vector<16xf32>
      %add3A_344 = arith.constant 1 : i32
      %add3A_345 = vector.broadcast %add3A_344 : i32 to vector<16xi32>
      %add3A_346 = arith.addi %mul3A_54, %add3A_345 : vector<16xi32>
      %gather3A_347 = tpu.vector_load_idx %arg14[%add3A_346] : memref<780xf32, #tpu.memory_space<vmem>>[vector<16xi32>], vector<16xf32>,
      %add3A_348 = arith.addf %gather3A_347, %gather3A_292 : vector<16xf32>
      %pack3A_349 = tpu.pack_subelements %add3A_343, %add3A_348 {pack_format = #tpu.pack_format<interleaved>, positions = array<i32: 0, 1>} : vector<16xf32>, vector<16xf32> -> vector<32xbf16>
      %bitcast3A_350 = vector.bitcast %pack3A_349 : vector<32xbf16> to vector<16xi32>
      %add3A_351 = vector.broadcast %add3A_296 : i32 to vector<16xi32>
      %add3A_352 = arith.addi %add3A_19, %add3A_351 : vector<16xi32>
      tpu.vector_store_idx %arg16[%add3A_352], %bitcast3A_350 masked %lt3A_65 : memref<20886xi32, #tpu.memory_space<vmem>>[vector<16xi32>], vector<16xi32>, vector<16xi1>
    }
    %scan3A_90 = arith.constant 59 : i32
    %min3A_91 = arith.constant 8 : i32
    %min3A_92 = vector.broadcast %min3A_91 : i32 to vector<16xi32>
    %min3A_93 = arith.minsi %iota3A, %min3A_92 : vector<16xi32>
    %mul3A_94 = arith.constant 12 : i32
    %mul3A_95 = vector.broadcast %mul3A_94 : i32 to vector<16xi32>
    %mul3A_96 = arith.muli %min3A_93, %mul3A_95 : vector<16xi32>
    %add3A_97 = arith.constant 2 : i32
    %add3A_98 = vector.broadcast %add3A_97 : i32 to vector<16xi32>
    %add3A_99 = arith.addi %mul3A_96, %add3A_98 : vector<16xi32>
    %gather3A_100 = tpu.vector_load_idx %arg15[%add3A_99] : memref<108xf32, #tpu.memory_space<vmem>>[vector<16xi32>], vector<16xf32>,
    %add3A_101 = arith.constant 3 : i32
    %add3A_102 = vector.broadcast %add3A_101 : i32 to vector<16xi32>
    %add3A_103 = arith.addi %mul3A_96, %add3A_102 : vector<16xi32>
    %gather3A_104 = tpu.vector_load_idx %arg15[%add3A_103] : memref<108xf32, #tpu.memory_space<vmem>>[vector<16xi32>], vector<16xf32>,
    %pack3A_105 = tpu.pack_subelements %gather3A_100, %gather3A_104 {pack_format = #tpu.pack_format<interleaved>, positions = array<i32: 0, 1>} : vector<16xf32>, vector<16xf32> -> vector<32xbf16>
    %bitcast3A_106 = vector.bitcast %pack3A_105 : vector<32xbf16> to vector<16xi32>
    %add3A_107 = arith.constant 9 : i32
    %add3A_108 = vector.broadcast %add3A_107 : i32 to vector<16xi32>
    %add3A_109 = arith.addi %iota3A, %add3A_108 : vector<16xi32>
    %lt3A_110 = arith.constant 9 : i32
    %lt3A_111 = vector.broadcast %lt3A_110 : i32 to vector<16xi32>
    %lt3A_112 = arith.cmpi slt, %iota3A, %lt3A_111 : vector<16xi32>
    tpu.vector_store_idx %arg17[%add3A_109], %bitcast3A_106 masked %lt3A_112 : memref<61xi32, #tpu.memory_space<vmem>>[vector<16xi32>], vector<16xi32>, vector<16xi1>
    %scan3A_113 = arith.constant 0 : i32
    %scan3A_114 = arith.constant 0 : i32
    %scan3A_115 = arith.constant 59 : i32
    %scan3A_116 = arith.addi %scan3A_114, %scan3A_115 : i32
    %scan3A_117 = arith.constant 1 : i32
    scf.for %scan3A_280 = %scan3A_114 to %scan3A_116 step %scan3A_117  : i32 {
      %add3A_281 = arith.constant 3 : i32
      %add3A_282 = arith.addi %scan3A_280, %add3A_281 : i32
      %mul3A_283 = arith.constant 12 : i32
      %mul3A_284 = arith.muli %add3A_282, %mul3A_283 : i32
      %broadcast_in_dim3A = vector.broadcast %mul3A_284 : i32 to vector<16xi32>
      %add3A_285 = arith.constant 2 : i32
      %add3A_286 = vector.broadcast %add3A_285 : i32 to vector<16xi32>
      %add3A_287 = arith.addi %broadcast_in_dim3A, %add3A_286 : vector<16xi32>
      %gather3A_288 = tpu.vector_load_idx %arg13[%add3A_287] : memref<780xf32, #tpu.memory_space<vmem>>[vector<16xi32>], vector<16xf32>,
      %add3A_289 = arith.constant 3 : i32
      %add3A_290 = vector.broadcast %add3A_289 : i32 to vector<16xi32>
      %add3A_291 = arith.addi %broadcast_in_dim3A, %add3A_290 : vector<16xi32>
      %gather3A_292 = tpu.vector_load_idx %arg13[%add3A_291] : memref<780xf32, #tpu.memory_space<vmem>>[vector<16xi32>], vector<16xf32>,
      %mul3A_293 = arith.constant 59 : i32
      %mul3A_294 = arith.muli %scan3A_280, %mul3A_293 : i32
      %add3A_295 = arith.constant 3481 : i32
      %add3A_296 = arith.addi %add3A_295, %mul3A_294 : i32
      %add3A_297 = arith.constant 2 : i32
      %add3A_298 = vector.broadcast %add3A_297 : i32 to vector<16xi32>
      %add3A_299 = arith.addi %mul3A_27, %add3A_298 : vector<16xi32>
      %gather3A_300 = tpu.vector_load_idx %arg14[%add3A_299] : memref<780xf32, #tpu.memory_space<vmem>>[vector<16xi32>], vector<16xf32>,
      %add3A_301 = arith.addf %gather3A_300, %gather3A_288 : vector<16xf32>
      %add3A_302 = arith.constant 3 : i32
      %add3A_303 = vector.broadcast %add3A_302 : i32 to vector<16xi32>
      %add3A_304 = arith.addi %mul3A_27, %add3A_303 : vector<16xi32>
      %gather3A_305 = tpu.vector_load_idx %arg14[%add3A_304] : memref<780xf32, #tpu.memory_space<vmem>>[vector<16xi32>], vector<16xf32>,
      %add3A_306 = arith.addf %gather3A_305, %gather3A_292 : vector<16xf32>
      %pack3A_307 = tpu.pack_subelements %add3A_301, %add3A_306 {pack_format = #tpu.pack_format<interleaved>, positions = array<i32: 0, 1>} : vector<16xf32>, vector<16xf32> -> vector<32xbf16>
      %bitcast3A_308 = vector.bitcast %pack3A_307 : vector<32xbf16> to vector<16xi32>
      %add3A_309 = vector.broadcast %add3A_296 : i32 to vector<16xi32>
      %add3A_310 = arith.addi %add3A_10, %add3A_309 : vector<16xi32>
      tpu.vector_store_idx %arg16[%add3A_310], %bitcast3A_308 masked %lt3A_56 : memref<20886xi32, #tpu.memory_space<vmem>>[vector<16xi32>], vector<16xi32>, vector<16xi1>
      %add3A_311 = arith.constant 2 : i32
      %add3A_312 = vector.broadcast %add3A_311 : i32 to vector<16xi32>
      %add3A_313 = arith.addi %mul3A_36, %add3A_312 : vector<16xi32>
      %gather3A_314 = tpu.vector_load_idx %arg14[%add3A_313] : memref<780xf32, #tpu.memory_space<vmem>>[vector<16xi32>], vector<16xf32>,
      %add3A_315 = arith.addf %gather3A_314, %gather3A_288 : vector<16xf32>
      %add3A_316 = arith.constant 3 : i32
      %add3A_317 = vector.broadcast %add3A_316 : i32 to vector<16xi32>
      %add3A_318 = arith.addi %mul3A_36, %add3A_317 : vector<16xi32>
      %gather3A_319 = tpu.vector_load_idx %arg14[%add3A_318] : memref<780xf32, #tpu.memory_space<vmem>>[vector<16xi32>], vector<16xf32>,
      %add3A_320 = arith.addf %gather3A_319, %gather3A_292 : vector<16xf32>
      %pack3A_321 = tpu.pack_subelements %add3A_315, %add3A_320 {pack_format = #tpu.pack_format<interleaved>, positions = array<i32: 0, 1>} : vector<16xf32>, vector<16xf32> -> vector<32xbf16>
      %bitcast3A_322 = vector.bitcast %pack3A_321 : vector<32xbf16> to vector<16xi32>
      %add3A_323 = vector.broadcast %add3A_296 : i32 to vector<16xi32>
      %add3A_324 = arith.addi %add3A_13, %add3A_323 : vector<16xi32>
      tpu.vector_store_idx %arg16[%add3A_324], %bitcast3A_322 masked %lt3A_59 : memref<20886xi32, #tpu.memory_space<vmem>>[vector<16xi32>], vector<16xi32>, vector<16xi1>
      %add3A_325 = arith.constant 2 : i32
      %add3A_326 = vector.broadcast %add3A_325 : i32 to vector<16xi32>
      %add3A_327 = arith.addi %mul3A_45, %add3A_326 : vector<16xi32>
      %gather3A_328 = tpu.vector_load_idx %arg14[%add3A_327] : memref<780xf32, #tpu.memory_space<vmem>>[vector<16xi32>], vector<16xf32>,
      %add3A_329 = arith.addf %gather3A_328, %gather3A_288 : vector<16xf32>
      %add3A_330 = arith.constant 3 : i32
      %add3A_331 = vector.broadcast %add3A_330 : i32 to vector<16xi32>
      %add3A_332 = arith.addi %mul3A_45, %add3A_331 : vector<16xi32>
      %gather3A_333 = tpu.vector_load_idx %arg14[%add3A_332] : memref<780xf32, #tpu.memory_space<vmem>>[vector<16xi32>], vector<16xf32>,
      %add3A_334 = arith.addf %gather3A_333, %gather3A_292 : vector<16xf32>
      %pack3A_335 = tpu.pack_subelements %add3A_329, %add3A_334 {pack_format = #tpu.pack_format<interleaved>, positions = array<i32: 0, 1>} : vector<16xf32>, vector<16xf32> -> vector<32xbf16>
      %bitcast3A_336 = vector.bitcast %pack3A_335 : vector<32xbf16> to vector<16xi32>
      %add3A_337 = vector.broadcast %add3A_296 : i32 to vector<16xi32>
      %add3A_338 = arith.addi %add3A_16, %add3A_337 : vector<16xi32>
      tpu.vector_store_idx %arg16[%add3A_338], %bitcast3A_336 masked %lt3A_62 : memref<20886xi32, #tpu.memory_space<vmem>>[vector<16xi32>], vector<16xi32>, vector<16xi1>
      %add3A_339 = arith.constant 2 : i32
      %add3A_340 = vector.broadcast %add3A_339 : i32 to vector<16xi32>
      %add3A_341 = arith.addi %mul3A_54, %add3A_340 : vector<16xi32>
      %gather3A_342 = tpu.vector_load_idx %arg14[%add3A_341] : memref<780xf32, #tpu.memory_space<vmem>>[vector<16xi32>], vector<16xf32>,
      %add3A_343 = arith.addf %gather3A_342, %gather3A_288 : vector<16xf32>
      %add3A_344 = arith.constant 3 : i32
      %add3A_345 = vector.broadcast %add3A_344 : i32 to vector<16xi32>
      %add3A_346 = arith.addi %mul3A_54, %add3A_345 : vector<16xi32>
      %gather3A_347 = tpu.vector_load_idx %arg14[%add3A_346] : memref<780xf32, #tpu.memory_space<vmem>>[vector<16xi32>], vector<16xf32>,
      %add3A_348 = arith.addf %gather3A_347, %gather3A_292 : vector<16xf32>
      %pack3A_349 = tpu.pack_subelements %add3A_343, %add3A_348 {pack_format = #tpu.pack_format<interleaved>, positions = array<i32: 0, 1>} : vector<16xf32>, vector<16xf32> -> vector<32xbf16>
      %bitcast3A_350 = vector.bitcast %pack3A_349 : vector<32xbf16> to vector<16xi32>
      %add3A_351 = vector.broadcast %add3A_296 : i32 to vector<16xi32>
      %add3A_352 = arith.addi %add3A_19, %add3A_351 : vector<16xi32>
      tpu.vector_store_idx %arg16[%add3A_352], %bitcast3A_350 masked %lt3A_65 : memref<20886xi32, #tpu.memory_space<vmem>>[vector<16xi32>], vector<16xi32>, vector<16xi1>
    }
    %scan3A_118 = arith.constant 59 : i32
    %min3A_119 = arith.constant 8 : i32
    %min3A_120 = vector.broadcast %min3A_119 : i32 to vector<16xi32>
    %min3A_121 = arith.minsi %iota3A, %min3A_120 : vector<16xi32>
    %mul3A_122 = arith.constant 12 : i32
    %mul3A_123 = vector.broadcast %mul3A_122 : i32 to vector<16xi32>
    %mul3A_124 = arith.muli %min3A_121, %mul3A_123 : vector<16xi32>
    %add3A_125 = arith.constant 4 : i32
    %add3A_126 = vector.broadcast %add3A_125 : i32 to vector<16xi32>
    %add3A_127 = arith.addi %mul3A_124, %add3A_126 : vector<16xi32>
    %gather3A_128 = tpu.vector_load_idx %arg15[%add3A_127] : memref<108xf32, #tpu.memory_space<vmem>>[vector<16xi32>], vector<16xf32>,
    %add3A_129 = arith.constant 5 : i32
    %add3A_130 = vector.broadcast %add3A_129 : i32 to vector<16xi32>
    %add3A_131 = arith.addi %mul3A_124, %add3A_130 : vector<16xi32>
    %gather3A_132 = tpu.vector_load_idx %arg15[%add3A_131] : memref<108xf32, #tpu.memory_space<vmem>>[vector<16xi32>], vector<16xf32>,
    %pack3A_133 = tpu.pack_subelements %gather3A_128, %gather3A_132 {pack_format = #tpu.pack_format<interleaved>, positions = array<i32: 0, 1>} : vector<16xf32>, vector<16xf32> -> vector<32xbf16>
    %bitcast3A_134 = vector.bitcast %pack3A_133 : vector<32xbf16> to vector<16xi32>
    %add3A_135 = arith.constant 18 : i32
    %add3A_136 = vector.broadcast %add3A_135 : i32 to vector<16xi32>
    %add3A_137 = arith.addi %iota3A, %add3A_136 : vector<16xi32>
    %lt3A_138 = arith.constant 9 : i32
    %lt3A_139 = vector.broadcast %lt3A_138 : i32 to vector<16xi32>
    %lt3A_140 = arith.cmpi slt, %iota3A, %lt3A_139 : vector<16xi32>
    tpu.vector_store_idx %arg17[%add3A_137], %bitcast3A_134 masked %lt3A_140 : memref<61xi32, #tpu.memory_space<vmem>>[vector<16xi32>], vector<16xi32>, vector<16xi1>
    %scan3A_141 = arith.constant 0 : i32
    %scan3A_142 = arith.constant 0 : i32
    %scan3A_143 = arith.constant 59 : i32
    %scan3A_144 = arith.addi %scan3A_142, %scan3A_143 : i32
    %scan3A_145 = arith.constant 1 : i32
    scf.for %scan3A_280 = %scan3A_142 to %scan3A_144 step %scan3A_145  : i32 {
      %add3A_281 = arith.constant 3 : i32
      %add3A_282 = arith.addi %scan3A_280, %add3A_281 : i32
      %mul3A_283 = arith.constant 12 : i32
      %mul3A_284 = arith.muli %add3A_282, %mul3A_283 : i32
      %broadcast_in_dim3A = vector.broadcast %mul3A_284 : i32 to vector<16xi32>
      %add3A_285 = arith.constant 4 : i32
      %add3A_286 = vector.broadcast %add3A_285 : i32 to vector<16xi32>
      %add3A_287 = arith.addi %broadcast_in_dim3A, %add3A_286 : vector<16xi32>
      %gather3A_288 = tpu.vector_load_idx %arg13[%add3A_287] : memref<780xf32, #tpu.memory_space<vmem>>[vector<16xi32>], vector<16xf32>,
      %add3A_289 = arith.constant 5 : i32
      %add3A_290 = vector.broadcast %add3A_289 : i32 to vector<16xi32>
      %add3A_291 = arith.addi %broadcast_in_dim3A, %add3A_290 : vector<16xi32>
      %gather3A_292 = tpu.vector_load_idx %arg13[%add3A_291] : memref<780xf32, #tpu.memory_space<vmem>>[vector<16xi32>], vector<16xf32>,
      %mul3A_293 = arith.constant 59 : i32
      %mul3A_294 = arith.muli %scan3A_280, %mul3A_293 : i32
      %add3A_295 = arith.constant 6962 : i32
      %add3A_296 = arith.addi %add3A_295, %mul3A_294 : i32
      %add3A_297 = arith.constant 4 : i32
      %add3A_298 = vector.broadcast %add3A_297 : i32 to vector<16xi32>
      %add3A_299 = arith.addi %mul3A_27, %add3A_298 : vector<16xi32>
      %gather3A_300 = tpu.vector_load_idx %arg14[%add3A_299] : memref<780xf32, #tpu.memory_space<vmem>>[vector<16xi32>], vector<16xf32>,
      %add3A_301 = arith.addf %gather3A_300, %gather3A_288 : vector<16xf32>
      %add3A_302 = arith.constant 5 : i32
      %add3A_303 = vector.broadcast %add3A_302 : i32 to vector<16xi32>
      %add3A_304 = arith.addi %mul3A_27, %add3A_303 : vector<16xi32>
      %gather3A_305 = tpu.vector_load_idx %arg14[%add3A_304] : memref<780xf32, #tpu.memory_space<vmem>>[vector<16xi32>], vector<16xf32>,
      %add3A_306 = arith.addf %gather3A_305, %gather3A_292 : vector<16xf32>
      %pack3A_307 = tpu.pack_subelements %add3A_301, %add3A_306 {pack_format = #tpu.pack_format<interleaved>, positions = array<i32: 0, 1>} : vector<16xf32>, vector<16xf32> -> vector<32xbf16>
      %bitcast3A_308 = vector.bitcast %pack3A_307 : vector<32xbf16> to vector<16xi32>
      %add3A_309 = vector.broadcast %add3A_296 : i32 to vector<16xi32>
      %add3A_310 = arith.addi %add3A_10, %add3A_309 : vector<16xi32>
      tpu.vector_store_idx %arg16[%add3A_310], %bitcast3A_308 masked %lt3A_56 : memref<20886xi32, #tpu.memory_space<vmem>>[vector<16xi32>], vector<16xi32>, vector<16xi1>
      %add3A_311 = arith.constant 4 : i32
      %add3A_312 = vector.broadcast %add3A_311 : i32 to vector<16xi32>
      %add3A_313 = arith.addi %mul3A_36, %add3A_312 : vector<16xi32>
      %gather3A_314 = tpu.vector_load_idx %arg14[%add3A_313] : memref<780xf32, #tpu.memory_space<vmem>>[vector<16xi32>], vector<16xf32>,
      %add3A_315 = arith.addf %gather3A_314, %gather3A_288 : vector<16xf32>
      %add3A_316 = arith.constant 5 : i32
      %add3A_317 = vector.broadcast %add3A_316 : i32 to vector<16xi32>
      %add3A_318 = arith.addi %mul3A_36, %add3A_317 : vector<16xi32>
      %gather3A_319 = tpu.vector_load_idx %arg14[%add3A_318] : memref<780xf32, #tpu.memory_space<vmem>>[vector<16xi32>], vector<16xf32>,
      %add3A_320 = arith.addf %gather3A_319, %gather3A_292 : vector<16xf32>
      %pack3A_321 = tpu.pack_subelements %add3A_315, %add3A_320 {pack_format = #tpu.pack_format<interleaved>, positions = array<i32: 0, 1>} : vector<16xf32>, vector<16xf32> -> vector<32xbf16>
      %bitcast3A_322 = vector.bitcast %pack3A_321 : vector<32xbf16> to vector<16xi32>
      %add3A_323 = vector.broadcast %add3A_296 : i32 to vector<16xi32>
      %add3A_324 = arith.addi %add3A_13, %add3A_323 : vector<16xi32>
      tpu.vector_store_idx %arg16[%add3A_324], %bitcast3A_322 masked %lt3A_59 : memref<20886xi32, #tpu.memory_space<vmem>>[vector<16xi32>], vector<16xi32>, vector<16xi1>
      %add3A_325 = arith.constant 4 : i32
      %add3A_326 = vector.broadcast %add3A_325 : i32 to vector<16xi32>
      %add3A_327 = arith.addi %mul3A_45, %add3A_326 : vector<16xi32>
      %gather3A_328 = tpu.vector_load_idx %arg14[%add3A_327] : memref<780xf32, #tpu.memory_space<vmem>>[vector<16xi32>], vector<16xf32>,
      %add3A_329 = arith.addf %gather3A_328, %gather3A_288 : vector<16xf32>
      %add3A_330 = arith.constant 5 : i32
      %add3A_331 = vector.broadcast %add3A_330 : i32 to vector<16xi32>
      %add3A_332 = arith.addi %mul3A_45, %add3A_331 : vector<16xi32>
      %gather3A_333 = tpu.vector_load_idx %arg14[%add3A_332] : memref<780xf32, #tpu.memory_space<vmem>>[vector<16xi32>], vector<16xf32>,
      %add3A_334 = arith.addf %gather3A_333, %gather3A_292 : vector<16xf32>
      %pack3A_335 = tpu.pack_subelements %add3A_329, %add3A_334 {pack_format = #tpu.pack_format<interleaved>, positions = array<i32: 0, 1>} : vector<16xf32>, vector<16xf32> -> vector<32xbf16>
      %bitcast3A_336 = vector.bitcast %pack3A_335 : vector<32xbf16> to vector<16xi32>
      %add3A_337 = vector.broadcast %add3A_296 : i32 to vector<16xi32>
      %add3A_338 = arith.addi %add3A_16, %add3A_337 : vector<16xi32>
      tpu.vector_store_idx %arg16[%add3A_338], %bitcast3A_336 masked %lt3A_62 : memref<20886xi32, #tpu.memory_space<vmem>>[vector<16xi32>], vector<16xi32>, vector<16xi1>
      %add3A_339 = arith.constant 4 : i32
      %add3A_340 = vector.broadcast %add3A_339 : i32 to vector<16xi32>
      %add3A_341 = arith.addi %mul3A_54, %add3A_340 : vector<16xi32>
      %gather3A_342 = tpu.vector_load_idx %arg14[%add3A_341] : memref<780xf32, #tpu.memory_space<vmem>>[vector<16xi32>], vector<16xf32>,
      %add3A_343 = arith.addf %gather3A_342, %gather3A_288 : vector<16xf32>
      %add3A_344 = arith.constant 5 : i32
      %add3A_345 = vector.broadcast %add3A_344 : i32 to vector<16xi32>
      %add3A_346 = arith.addi %mul3A_54, %add3A_345 : vector<16xi32>
      %gather3A_347 = tpu.vector_load_idx %arg14[%add3A_346] : memref<780xf32, #tpu.memory_space<vmem>>[vector<16xi32>], vector<16xf32>,
      %add3A_348 = arith.addf %gather3A_347, %gather3A_292 : vector<16xf32>
      %pack3A_349 = tpu.pack_subelements %add3A_343, %add3A_348 {pack_format = #tpu.pack_format<interleaved>, positions = array<i32: 0, 1>} : vector<16xf32>, vector<16xf32> -> vector<32xbf16>
      %bitcast3A_350 = vector.bitcast %pack3A_349 : vector<32xbf16> to vector<16xi32>
      %add3A_351 = vector.broadcast %add3A_296 : i32 to vector<16xi32>
      %add3A_352 = arith.addi %add3A_19, %add3A_351 : vector<16xi32>
      tpu.vector_store_idx %arg16[%add3A_352], %bitcast3A_350 masked %lt3A_65 : memref<20886xi32, #tpu.memory_space<vmem>>[vector<16xi32>], vector<16xi32>, vector<16xi1>
    }
    %scan3A_146 = arith.constant 59 : i32
    %min3A_147 = arith.constant 8 : i32
    %min3A_148 = vector.broadcast %min3A_147 : i32 to vector<16xi32>
    %min3A_149 = arith.minsi %iota3A, %min3A_148 : vector<16xi32>
    %mul3A_150 = arith.constant 12 : i32
    %mul3A_151 = vector.broadcast %mul3A_150 : i32 to vector<16xi32>
    %mul3A_152 = arith.muli %min3A_149, %mul3A_151 : vector<16xi32>
    %add3A_153 = arith.constant 6 : i32
    %add3A_154 = vector.broadcast %add3A_153 : i32 to vector<16xi32>
    %add3A_155 = arith.addi %mul3A_152, %add3A_154 : vector<16xi32>
    %gather3A_156 = tpu.vector_load_idx %arg15[%add3A_155] : memref<108xf32, #tpu.memory_space<vmem>>[vector<16xi32>], vector<16xf32>,
    %add3A_157 = arith.constant 7 : i32
    %add3A_158 = vector.broadcast %add3A_157 : i32 to vector<16xi32>
    %add3A_159 = arith.addi %mul3A_152, %add3A_158 : vector<16xi32>
    %gather3A_160 = tpu.vector_load_idx %arg15[%add3A_159] : memref<108xf32, #tpu.memory_space<vmem>>[vector<16xi32>], vector<16xf32>,
    %pack3A_161 = tpu.pack_subelements %gather3A_156, %gather3A_160 {pack_format = #tpu.pack_format<interleaved>, positions = array<i32: 0, 1>} : vector<16xf32>, vector<16xf32> -> vector<32xbf16>
    %bitcast3A_162 = vector.bitcast %pack3A_161 : vector<32xbf16> to vector<16xi32>
    %add3A_163 = arith.constant 27 : i32
    %add3A_164 = vector.broadcast %add3A_163 : i32 to vector<16xi32>
    %add3A_165 = arith.addi %iota3A, %add3A_164 : vector<16xi32>
    %lt3A_166 = arith.constant 9 : i32
    %lt3A_167 = vector.broadcast %lt3A_166 : i32 to vector<16xi32>
    %lt3A_168 = arith.cmpi slt, %iota3A, %lt3A_167 : vector<16xi32>
    tpu.vector_store_idx %arg17[%add3A_165], %bitcast3A_162 masked %lt3A_168 : memref<61xi32, #tpu.memory_space<vmem>>[vector<16xi32>], vector<16xi32>, vector<16xi1>
    %scan3A_169 = arith.constant 0 : i32
    %scan3A_170 = arith.constant 0 : i32
    %scan3A_171 = arith.constant 59 : i32
    %scan3A_172 = arith.addi %scan3A_170, %scan3A_171 : i32
    %scan3A_173 = arith.constant 1 : i32
    scf.for %scan3A_280 = %scan3A_170 to %scan3A_172 step %scan3A_173  : i32 {
      %add3A_281 = arith.constant 3 : i32
      %add3A_282 = arith.addi %scan3A_280, %add3A_281 : i32
      %mul3A_283 = arith.constant 12 : i32
      %mul3A_284 = arith.muli %add3A_282, %mul3A_283 : i32
      %broadcast_in_dim3A = vector.broadcast %mul3A_284 : i32 to vector<16xi32>
      %add3A_285 = arith.constant 6 : i32
      %add3A_286 = vector.broadcast %add3A_285 : i32 to vector<16xi32>
      %add3A_287 = arith.addi %broadcast_in_dim3A, %add3A_286 : vector<16xi32>
      %gather3A_288 = tpu.vector_load_idx %arg13[%add3A_287] : memref<780xf32, #tpu.memory_space<vmem>>[vector<16xi32>], vector<16xf32>,
      %add3A_289 = arith.constant 7 : i32
      %add3A_290 = vector.broadcast %add3A_289 : i32 to vector<16xi32>
      %add3A_291 = arith.addi %broadcast_in_dim3A, %add3A_290 : vector<16xi32>
      %gather3A_292 = tpu.vector_load_idx %arg13[%add3A_291] : memref<780xf32, #tpu.memory_space<vmem>>[vector<16xi32>], vector<16xf32>,
      %mul3A_293 = arith.constant 59 : i32
      %mul3A_294 = arith.muli %scan3A_280, %mul3A_293 : i32
      %add3A_295 = arith.constant 10443 : i32
      %add3A_296 = arith.addi %add3A_295, %mul3A_294 : i32
      %add3A_297 = arith.constant 6 : i32
      %add3A_298 = vector.broadcast %add3A_297 : i32 to vector<16xi32>
      %add3A_299 = arith.addi %mul3A_27, %add3A_298 : vector<16xi32>
      %gather3A_300 = tpu.vector_load_idx %arg14[%add3A_299] : memref<780xf32, #tpu.memory_space<vmem>>[vector<16xi32>], vector<16xf32>,
      %add3A_301 = arith.addf %gather3A_300, %gather3A_288 : vector<16xf32>
      %add3A_302 = arith.constant 7 : i32
      %add3A_303 = vector.broadcast %add3A_302 : i32 to vector<16xi32>
      %add3A_304 = arith.addi %mul3A_27, %add3A_303 : vector<16xi32>
      %gather3A_305 = tpu.vector_load_idx %arg14[%add3A_304] : memref<780xf32, #tpu.memory_space<vmem>>[vector<16xi32>], vector<16xf32>,
      %add3A_306 = arith.addf %gather3A_305, %gather3A_292 : vector<16xf32>
      %pack3A_307 = tpu.pack_subelements %add3A_301, %add3A_306 {pack_format = #tpu.pack_format<interleaved>, positions = array<i32: 0, 1>} : vector<16xf32>, vector<16xf32> -> vector<32xbf16>
      %bitcast3A_308 = vector.bitcast %pack3A_307 : vector<32xbf16> to vector<16xi32>
      %add3A_309 = vector.broadcast %add3A_296 : i32 to vector<16xi32>
      %add3A_310 = arith.addi %add3A_10, %add3A_309 : vector<16xi32>
      tpu.vector_store_idx %arg16[%add3A_310], %bitcast3A_308 masked %lt3A_56 : memref<20886xi32, #tpu.memory_space<vmem>>[vector<16xi32>], vector<16xi32>, vector<16xi1>
      %add3A_311 = arith.constant 6 : i32
      %add3A_312 = vector.broadcast %add3A_311 : i32 to vector<16xi32>
      %add3A_313 = arith.addi %mul3A_36, %add3A_312 : vector<16xi32>
      %gather3A_314 = tpu.vector_load_idx %arg14[%add3A_313] : memref<780xf32, #tpu.memory_space<vmem>>[vector<16xi32>], vector<16xf32>,
      %add3A_315 = arith.addf %gather3A_314, %gather3A_288 : vector<16xf32>
      %add3A_316 = arith.constant 7 : i32
      %add3A_317 = vector.broadcast %add3A_316 : i32 to vector<16xi32>
      %add3A_318 = arith.addi %mul3A_36, %add3A_317 : vector<16xi32>
      %gather3A_319 = tpu.vector_load_idx %arg14[%add3A_318] : memref<780xf32, #tpu.memory_space<vmem>>[vector<16xi32>], vector<16xf32>,
      %add3A_320 = arith.addf %gather3A_319, %gather3A_292 : vector<16xf32>
      %pack3A_321 = tpu.pack_subelements %add3A_315, %add3A_320 {pack_format = #tpu.pack_format<interleaved>, positions = array<i32: 0, 1>} : vector<16xf32>, vector<16xf32> -> vector<32xbf16>
      %bitcast3A_322 = vector.bitcast %pack3A_321 : vector<32xbf16> to vector<16xi32>
      %add3A_323 = vector.broadcast %add3A_296 : i32 to vector<16xi32>
      %add3A_324 = arith.addi %add3A_13, %add3A_323 : vector<16xi32>
      tpu.vector_store_idx %arg16[%add3A_324], %bitcast3A_322 masked %lt3A_59 : memref<20886xi32, #tpu.memory_space<vmem>>[vector<16xi32>], vector<16xi32>, vector<16xi1>
      %add3A_325 = arith.constant 6 : i32
      %add3A_326 = vector.broadcast %add3A_325 : i32 to vector<16xi32>
      %add3A_327 = arith.addi %mul3A_45, %add3A_326 : vector<16xi32>
      %gather3A_328 = tpu.vector_load_idx %arg14[%add3A_327] : memref<780xf32, #tpu.memory_space<vmem>>[vector<16xi32>], vector<16xf32>,
      %add3A_329 = arith.addf %gather3A_328, %gather3A_288 : vector<16xf32>
      %add3A_330 = arith.constant 7 : i32
      %add3A_331 = vector.broadcast %add3A_330 : i32 to vector<16xi32>
      %add3A_332 = arith.addi %mul3A_45, %add3A_331 : vector<16xi32>
      %gather3A_333 = tpu.vector_load_idx %arg14[%add3A_332] : memref<780xf32, #tpu.memory_space<vmem>>[vector<16xi32>], vector<16xf32>,
      %add3A_334 = arith.addf %gather3A_333, %gather3A_292 : vector<16xf32>
      %pack3A_335 = tpu.pack_subelements %add3A_329, %add3A_334 {pack_format = #tpu.pack_format<interleaved>, positions = array<i32: 0, 1>} : vector<16xf32>, vector<16xf32> -> vector<32xbf16>
      %bitcast3A_336 = vector.bitcast %pack3A_335 : vector<32xbf16> to vector<16xi32>
      %add3A_337 = vector.broadcast %add3A_296 : i32 to vector<16xi32>
      %add3A_338 = arith.addi %add3A_16, %add3A_337 : vector<16xi32>
      tpu.vector_store_idx %arg16[%add3A_338], %bitcast3A_336 masked %lt3A_62 : memref<20886xi32, #tpu.memory_space<vmem>>[vector<16xi32>], vector<16xi32>, vector<16xi1>
      %add3A_339 = arith.constant 6 : i32
      %add3A_340 = vector.broadcast %add3A_339 : i32 to vector<16xi32>
      %add3A_341 = arith.addi %mul3A_54, %add3A_340 : vector<16xi32>
      %gather3A_342 = tpu.vector_load_idx %arg14[%add3A_341] : memref<780xf32, #tpu.memory_space<vmem>>[vector<16xi32>], vector<16xf32>,
      %add3A_343 = arith.addf %gather3A_342, %gather3A_288 : vector<16xf32>
      %add3A_344 = arith.constant 7 : i32
      %add3A_345 = vector.broadcast %add3A_344 : i32 to vector<16xi32>
      %add3A_346 = arith.addi %mul3A_54, %add3A_345 : vector<16xi32>
      %gather3A_347 = tpu.vector_load_idx %arg14[%add3A_346] : memref<780xf32, #tpu.memory_space<vmem>>[vector<16xi32>], vector<16xf32>,
      %add3A_348 = arith.addf %gather3A_347, %gather3A_292 : vector<16xf32>
      %pack3A_349 = tpu.pack_subelements %add3A_343, %add3A_348 {pack_format = #tpu.pack_format<interleaved>, positions = array<i32: 0, 1>} : vector<16xf32>, vector<16xf32> -> vector<32xbf16>
      %bitcast3A_350 = vector.bitcast %pack3A_349 : vector<32xbf16> to vector<16xi32>
      %add3A_351 = vector.broadcast %add3A_296 : i32 to vector<16xi32>
      %add3A_352 = arith.addi %add3A_19, %add3A_351 : vector<16xi32>
      tpu.vector_store_idx %arg16[%add3A_352], %bitcast3A_350 masked %lt3A_65 : memref<20886xi32, #tpu.memory_space<vmem>>[vector<16xi32>], vector<16xi32>, vector<16xi1>
    }
    %scan3A_174 = arith.constant 59 : i32
    %min3A_175 = arith.constant 8 : i32
    %min3A_176 = vector.broadcast %min3A_175 : i32 to vector<16xi32>
    %min3A_177 = arith.minsi %iota3A, %min3A_176 : vector<16xi32>
    %mul3A_178 = arith.constant 12 : i32
    %mul3A_179 = vector.broadcast %mul3A_178 : i32 to vector<16xi32>
    %mul3A_180 = arith.muli %min3A_177, %mul3A_179 : vector<16xi32>
    %add3A_181 = arith.constant 8 : i32
    %add3A_182 = vector.broadcast %add3A_181 : i32 to vector<16xi32>
    %add3A_183 = arith.addi %mul3A_180, %add3A_182 : vector<16xi32>
    %gather3A_184 = tpu.vector_load_idx %arg15[%add3A_183] : memref<108xf32, #tpu.memory_space<vmem>>[vector<16xi32>], vector<16xf32>,
    %add3A_185 = arith.constant 9 : i32
    %add3A_186 = vector.broadcast %add3A_185 : i32 to vector<16xi32>
    %add3A_187 = arith.addi %mul3A_180, %add3A_186 : vector<16xi32>
    %gather3A_188 = tpu.vector_load_idx %arg15[%add3A_187] : memref<108xf32, #tpu.memory_space<vmem>>[vector<16xi32>], vector<16xf32>,
    %pack3A_189 = tpu.pack_subelements %gather3A_184, %gather3A_188 {pack_format = #tpu.pack_format<interleaved>, positions = array<i32: 0, 1>} : vector<16xf32>, vector<16xf32> -> vector<32xbf16>
    %bitcast3A_190 = vector.bitcast %pack3A_189 : vector<32xbf16> to vector<16xi32>
    %add3A_191 = arith.constant 36 : i32
    %add3A_192 = vector.broadcast %add3A_191 : i32 to vector<16xi32>
    %add3A_193 = arith.addi %iota3A, %add3A_192 : vector<16xi32>
    %lt3A_194 = arith.constant 9 : i32
    %lt3A_195 = vector.broadcast %lt3A_194 : i32 to vector<16xi32>
    %lt3A_196 = arith.cmpi slt, %iota3A, %lt3A_195 : vector<16xi32>
    tpu.vector_store_idx %arg17[%add3A_193], %bitcast3A_190 masked %lt3A_196 : memref<61xi32, #tpu.memory_space<vmem>>[vector<16xi32>], vector<16xi32>, vector<16xi1>
    %scan3A_197 = arith.constant 0 : i32
    %scan3A_198 = arith.constant 0 : i32
    %scan3A_199 = arith.constant 59 : i32
    %scan3A_200 = arith.addi %scan3A_198, %scan3A_199 : i32
    %scan3A_201 = arith.constant 1 : i32
    scf.for %scan3A_280 = %scan3A_198 to %scan3A_200 step %scan3A_201  : i32 {
      %add3A_281 = arith.constant 3 : i32
      %add3A_282 = arith.addi %scan3A_280, %add3A_281 : i32
      %mul3A_283 = arith.constant 12 : i32
      %mul3A_284 = arith.muli %add3A_282, %mul3A_283 : i32
      %broadcast_in_dim3A = vector.broadcast %mul3A_284 : i32 to vector<16xi32>
      %add3A_285 = arith.constant 8 : i32
      %add3A_286 = vector.broadcast %add3A_285 : i32 to vector<16xi32>
      %add3A_287 = arith.addi %broadcast_in_dim3A, %add3A_286 : vector<16xi32>
      %gather3A_288 = tpu.vector_load_idx %arg13[%add3A_287] : memref<780xf32, #tpu.memory_space<vmem>>[vector<16xi32>], vector<16xf32>,
      %add3A_289 = arith.constant 9 : i32
      %add3A_290 = vector.broadcast %add3A_289 : i32 to vector<16xi32>
      %add3A_291 = arith.addi %broadcast_in_dim3A, %add3A_290 : vector<16xi32>
      %gather3A_292 = tpu.vector_load_idx %arg13[%add3A_291] : memref<780xf32, #tpu.memory_space<vmem>>[vector<16xi32>], vector<16xf32>,
      %mul3A_293 = arith.constant 59 : i32
      %mul3A_294 = arith.muli %scan3A_280, %mul3A_293 : i32
      %add3A_295 = arith.constant 13924 : i32
      %add3A_296 = arith.addi %add3A_295, %mul3A_294 : i32
      %add3A_297 = arith.constant 8 : i32
      %add3A_298 = vector.broadcast %add3A_297 : i32 to vector<16xi32>
      %add3A_299 = arith.addi %mul3A_27, %add3A_298 : vector<16xi32>
      %gather3A_300 = tpu.vector_load_idx %arg14[%add3A_299] : memref<780xf32, #tpu.memory_space<vmem>>[vector<16xi32>], vector<16xf32>,
      %add3A_301 = arith.addf %gather3A_300, %gather3A_288 : vector<16xf32>
      %add3A_302 = arith.constant 9 : i32
      %add3A_303 = vector.broadcast %add3A_302 : i32 to vector<16xi32>
      %add3A_304 = arith.addi %mul3A_27, %add3A_303 : vector<16xi32>
      %gather3A_305 = tpu.vector_load_idx %arg14[%add3A_304] : memref<780xf32, #tpu.memory_space<vmem>>[vector<16xi32>], vector<16xf32>,
      %add3A_306 = arith.addf %gather3A_305, %gather3A_292 : vector<16xf32>
      %pack3A_307 = tpu.pack_subelements %add3A_301, %add3A_306 {pack_format = #tpu.pack_format<interleaved>, positions = array<i32: 0, 1>} : vector<16xf32>, vector<16xf32> -> vector<32xbf16>
      %bitcast3A_308 = vector.bitcast %pack3A_307 : vector<32xbf16> to vector<16xi32>
      %add3A_309 = vector.broadcast %add3A_296 : i32 to vector<16xi32>
      %add3A_310 = arith.addi %add3A_10, %add3A_309 : vector<16xi32>
      tpu.vector_store_idx %arg16[%add3A_310], %bitcast3A_308 masked %lt3A_56 : memref<20886xi32, #tpu.memory_space<vmem>>[vector<16xi32>], vector<16xi32>, vector<16xi1>
      %add3A_311 = arith.constant 8 : i32
      %add3A_312 = vector.broadcast %add3A_311 : i32 to vector<16xi32>
      %add3A_313 = arith.addi %mul3A_36, %add3A_312 : vector<16xi32>
      %gather3A_314 = tpu.vector_load_idx %arg14[%add3A_313] : memref<780xf32, #tpu.memory_space<vmem>>[vector<16xi32>], vector<16xf32>,
      %add3A_315 = arith.addf %gather3A_314, %gather3A_288 : vector<16xf32>
      %add3A_316 = arith.constant 9 : i32
      %add3A_317 = vector.broadcast %add3A_316 : i32 to vector<16xi32>
      %add3A_318 = arith.addi %mul3A_36, %add3A_317 : vector<16xi32>
      %gather3A_319 = tpu.vector_load_idx %arg14[%add3A_318] : memref<780xf32, #tpu.memory_space<vmem>>[vector<16xi32>], vector<16xf32>,
      %add3A_320 = arith.addf %gather3A_319, %gather3A_292 : vector<16xf32>
      %pack3A_321 = tpu.pack_subelements %add3A_315, %add3A_320 {pack_format = #tpu.pack_format<interleaved>, positions = array<i32: 0, 1>} : vector<16xf32>, vector<16xf32> -> vector<32xbf16>
      %bitcast3A_322 = vector.bitcast %pack3A_321 : vector<32xbf16> to vector<16xi32>
      %add3A_323 = vector.broadcast %add3A_296 : i32 to vector<16xi32>
      %add3A_324 = arith.addi %add3A_13, %add3A_323 : vector<16xi32>
      tpu.vector_store_idx %arg16[%add3A_324], %bitcast3A_322 masked %lt3A_59 : memref<20886xi32, #tpu.memory_space<vmem>>[vector<16xi32>], vector<16xi32>, vector<16xi1>
      %add3A_325 = arith.constant 8 : i32
      %add3A_326 = vector.broadcast %add3A_325 : i32 to vector<16xi32>
      %add3A_327 = arith.addi %mul3A_45, %add3A_326 : vector<16xi32>
      %gather3A_328 = tpu.vector_load_idx %arg14[%add3A_327] : memref<780xf32, #tpu.memory_space<vmem>>[vector<16xi32>], vector<16xf32>,
      %add3A_329 = arith.addf %gather3A_328, %gather3A_288 : vector<16xf32>
      %add3A_330 = arith.constant 9 : i32
      %add3A_331 = vector.broadcast %add3A_330 : i32 to vector<16xi32>
      %add3A_332 = arith.addi %mul3A_45, %add3A_331 : vector<16xi32>
      %gather3A_333 = tpu.vector_load_idx %arg14[%add3A_332] : memref<780xf32, #tpu.memory_space<vmem>>[vector<16xi32>], vector<16xf32>,
      %add3A_334 = arith.addf %gather3A_333, %gather3A_292 : vector<16xf32>
      %pack3A_335 = tpu.pack_subelements %add3A_329, %add3A_334 {pack_format = #tpu.pack_format<interleaved>, positions = array<i32: 0, 1>} : vector<16xf32>, vector<16xf32> -> vector<32xbf16>
      %bitcast3A_336 = vector.bitcast %pack3A_335 : vector<32xbf16> to vector<16xi32>
      %add3A_337 = vector.broadcast %add3A_296 : i32 to vector<16xi32>
      %add3A_338 = arith.addi %add3A_16, %add3A_337 : vector<16xi32>
      tpu.vector_store_idx %arg16[%add3A_338], %bitcast3A_336 masked %lt3A_62 : memref<20886xi32, #tpu.memory_space<vmem>>[vector<16xi32>], vector<16xi32>, vector<16xi1>
      %add3A_339 = arith.constant 8 : i32
      %add3A_340 = vector.broadcast %add3A_339 : i32 to vector<16xi32>
      %add3A_341 = arith.addi %mul3A_54, %add3A_340 : vector<16xi32>
      %gather3A_342 = tpu.vector_load_idx %arg14[%add3A_341] : memref<780xf32, #tpu.memory_space<vmem>>[vector<16xi32>], vector<16xf32>,
      %add3A_343 = arith.addf %gather3A_342, %gather3A_288 : vector<16xf32>
      %add3A_344 = arith.constant 9 : i32
      %add3A_345 = vector.broadcast %add3A_344 : i32 to vector<16xi32>
      %add3A_346 = arith.addi %mul3A_54, %add3A_345 : vector<16xi32>
      %gather3A_347 = tpu.vector_load_idx %arg14[%add3A_346] : memref<780xf32, #tpu.memory_space<vmem>>[vector<16xi32>], vector<16xf32>,
      %add3A_348 = arith.addf %gather3A_347, %gather3A_292 : vector<16xf32>
      %pack3A_349 = tpu.pack_subelements %add3A_343, %add3A_348 {pack_format = #tpu.pack_format<interleaved>, positions = array<i32: 0, 1>} : vector<16xf32>, vector<16xf32> -> vector<32xbf16>
      %bitcast3A_350 = vector.bitcast %pack3A_349 : vector<32xbf16> to vector<16xi32>
      %add3A_351 = vector.broadcast %add3A_296 : i32 to vector<16xi32>
      %add3A_352 = arith.addi %add3A_19, %add3A_351 : vector<16xi32>
      tpu.vector_store_idx %arg16[%add3A_352], %bitcast3A_350 masked %lt3A_65 : memref<20886xi32, #tpu.memory_space<vmem>>[vector<16xi32>], vector<16xi32>, vector<16xi1>
    }
    %scan3A_202 = arith.constant 59 : i32
    %min3A_203 = arith.constant 8 : i32
    %min3A_204 = vector.broadcast %min3A_203 : i32 to vector<16xi32>
    %min3A_205 = arith.minsi %iota3A, %min3A_204 : vector<16xi32>
    %mul3A_206 = arith.constant 12 : i32
    %mul3A_207 = vector.broadcast %mul3A_206 : i32 to vector<16xi32>
    %mul3A_208 = arith.muli %min3A_205, %mul3A_207 : vector<16xi32>
    %add3A_209 = arith.constant 10 : i32
    %add3A_210 = vector.broadcast %add3A_209 : i32 to vector<16xi32>
    %add3A_211 = arith.addi %mul3A_208, %add3A_210 : vector<16xi32>
    %gather3A_212 = tpu.vector_load_idx %arg15[%add3A_211] : memref<108xf32, #tpu.memory_space<vmem>>[vector<16xi32>], vector<16xf32>,
    %add3A_213 = arith.constant 11 : i32
    %add3A_214 = vector.broadcast %add3A_213 : i32 to vector<16xi32>
    %add3A_215 = arith.addi %mul3A_208, %add3A_214 : vector<16xi32>
    %gather3A_216 = tpu.vector_load_idx %arg15[%add3A_215] : memref<108xf32, #tpu.memory_space<vmem>>[vector<16xi32>], vector<16xf32>,
    %pack3A_217 = tpu.pack_subelements %gather3A_212, %gather3A_216 {pack_format = #tpu.pack_format<interleaved>, positions = array<i32: 0, 1>} : vector<16xf32>, vector<16xf32> -> vector<32xbf16>
    %bitcast3A_218 = vector.bitcast %pack3A_217 : vector<32xbf16> to vector<16xi32>
    %add3A_219 = arith.constant 45 : i32
    %add3A_220 = vector.broadcast %add3A_219 : i32 to vector<16xi32>
    %add3A_221 = arith.addi %iota3A, %add3A_220 : vector<16xi32>
    %lt3A_222 = arith.constant 9 : i32
    %lt3A_223 = vector.broadcast %lt3A_222 : i32 to vector<16xi32>
    %lt3A_224 = arith.cmpi slt, %iota3A, %lt3A_223 : vector<16xi32>
    tpu.vector_store_idx %arg17[%add3A_221], %bitcast3A_218 masked %lt3A_224 : memref<61xi32, #tpu.memory_space<vmem>>[vector<16xi32>], vector<16xi32>, vector<16xi1>
    %scan3A_225 = arith.constant 0 : i32
    %scan3A_226 = arith.constant 0 : i32
    %scan3A_227 = arith.constant 59 : i32
    %scan3A_228 = arith.addi %scan3A_226, %scan3A_227 : i32
    %scan3A_229 = arith.constant 1 : i32
    scf.for %scan3A_280 = %scan3A_226 to %scan3A_228 step %scan3A_229  : i32 {
      %add3A_281 = arith.constant 3 : i32
      %add3A_282 = arith.addi %scan3A_280, %add3A_281 : i32
      %mul3A_283 = arith.constant 12 : i32
      %mul3A_284 = arith.muli %add3A_282, %mul3A_283 : i32
      %broadcast_in_dim3A = vector.broadcast %mul3A_284 : i32 to vector<16xi32>
      %add3A_285 = arith.constant 10 : i32
      %add3A_286 = vector.broadcast %add3A_285 : i32 to vector<16xi32>
      %add3A_287 = arith.addi %broadcast_in_dim3A, %add3A_286 : vector<16xi32>
      %gather3A_288 = tpu.vector_load_idx %arg13[%add3A_287] : memref<780xf32, #tpu.memory_space<vmem>>[vector<16xi32>], vector<16xf32>,
      %add3A_289 = arith.constant 11 : i32
      %add3A_290 = vector.broadcast %add3A_289 : i32 to vector<16xi32>
      %add3A_291 = arith.addi %broadcast_in_dim3A, %add3A_290 : vector<16xi32>
      %gather3A_292 = tpu.vector_load_idx %arg13[%add3A_291] : memref<780xf32, #tpu.memory_space<vmem>>[vector<16xi32>], vector<16xf32>,
      %mul3A_293 = arith.constant 59 : i32
      %mul3A_294 = arith.muli %scan3A_280, %mul3A_293 : i32
      %add3A_295 = arith.constant 17405 : i32
      %add3A_296 = arith.addi %add3A_295, %mul3A_294 : i32
      %add3A_297 = arith.constant 10 : i32
      %add3A_298 = vector.broadcast %add3A_297 : i32 to vector<16xi32>
      %add3A_299 = arith.addi %mul3A_27, %add3A_298 : vector<16xi32>
      %gather3A_300 = tpu.vector_load_idx %arg14[%add3A_299] : memref<780xf32, #tpu.memory_space<vmem>>[vector<16xi32>], vector<16xf32>,
      %add3A_301 = arith.addf %gather3A_300, %gather3A_288 : vector<16xf32>
      %add3A_302 = arith.constant 11 : i32
      %add3A_303 = vector.broadcast %add3A_302 : i32 to vector<16xi32>
      %add3A_304 = arith.addi %mul3A_27, %add3A_303 : vector<16xi32>
      %gather3A_305 = tpu.vector_load_idx %arg14[%add3A_304] : memref<780xf32, #tpu.memory_space<vmem>>[vector<16xi32>], vector<16xf32>,
      %add3A_306 = arith.addf %gather3A_305, %gather3A_292 : vector<16xf32>
      %pack3A_307 = tpu.pack_subelements %add3A_301, %add3A_306 {pack_format = #tpu.pack_format<interleaved>, positions = array<i32: 0, 1>} : vector<16xf32>, vector<16xf32> -> vector<32xbf16>
      %bitcast3A_308 = vector.bitcast %pack3A_307 : vector<32xbf16> to vector<16xi32>
      %add3A_309 = vector.broadcast %add3A_296 : i32 to vector<16xi32>
      %add3A_310 = arith.addi %add3A_10, %add3A_309 : vector<16xi32>
      tpu.vector_store_idx %arg16[%add3A_310], %bitcast3A_308 masked %lt3A_56 : memref<20886xi32, #tpu.memory_space<vmem>>[vector<16xi32>], vector<16xi32>, vector<16xi1>
      %add3A_311 = arith.constant 10 : i32
      %add3A_312 = vector.broadcast %add3A_311 : i32 to vector<16xi32>
      %add3A_313 = arith.addi %mul3A_36, %add3A_312 : vector<16xi32>
      %gather3A_314 = tpu.vector_load_idx %arg14[%add3A_313] : memref<780xf32, #tpu.memory_space<vmem>>[vector<16xi32>], vector<16xf32>,
      %add3A_315 = arith.addf %gather3A_314, %gather3A_288 : vector<16xf32>
      %add3A_316 = arith.constant 11 : i32
      %add3A_317 = vector.broadcast %add3A_316 : i32 to vector<16xi32>
      %add3A_318 = arith.addi %mul3A_36, %add3A_317 : vector<16xi32>
      %gather3A_319 = tpu.vector_load_idx %arg14[%add3A_318] : memref<780xf32, #tpu.memory_space<vmem>>[vector<16xi32>], vector<16xf32>,
      %add3A_320 = arith.addf %gather3A_319, %gather3A_292 : vector<16xf32>
      %pack3A_321 = tpu.pack_subelements %add3A_315, %add3A_320 {pack_format = #tpu.pack_format<interleaved>, positions = array<i32: 0, 1>} : vector<16xf32>, vector<16xf32> -> vector<32xbf16>
      %bitcast3A_322 = vector.bitcast %pack3A_321 : vector<32xbf16> to vector<16xi32>
      %add3A_323 = vector.broadcast %add3A_296 : i32 to vector<16xi32>
      %add3A_324 = arith.addi %add3A_13, %add3A_323 : vector<16xi32>
      tpu.vector_store_idx %arg16[%add3A_324], %bitcast3A_322 masked %lt3A_59 : memref<20886xi32, #tpu.memory_space<vmem>>[vector<16xi32>], vector<16xi32>, vector<16xi1>
      %add3A_325 = arith.constant 10 : i32
      %add3A_326 = vector.broadcast %add3A_325 : i32 to vector<16xi32>
      %add3A_327 = arith.addi %mul3A_45, %add3A_326 : vector<16xi32>
      %gather3A_328 = tpu.vector_load_idx %arg14[%add3A_327] : memref<780xf32, #tpu.memory_space<vmem>>[vector<16xi32>], vector<16xf32>,
      %add3A_329 = arith.addf %gather3A_328, %gather3A_288 : vector<16xf32>
      %add3A_330 = arith.constant 11 : i32
      %add3A_331 = vector.broadcast %add3A_330 : i32 to vector<16xi32>
      %add3A_332 = arith.addi %mul3A_45, %add3A_331 : vector<16xi32>
      %gather3A_333 = tpu.vector_load_idx %arg14[%add3A_332] : memref<780xf32, #tpu.memory_space<vmem>>[vector<16xi32>], vector<16xf32>,
      %add3A_334 = arith.addf %gather3A_333, %gather3A_292 : vector<16xf32>
      %pack3A_335 = tpu.pack_subelements %add3A_329, %add3A_334 {pack_format = #tpu.pack_format<interleaved>, positions = array<i32: 0, 1>} : vector<16xf32>, vector<16xf32> -> vector<32xbf16>
      %bitcast3A_336 = vector.bitcast %pack3A_335 : vector<32xbf16> to vector<16xi32>
      %add3A_337 = vector.broadcast %add3A_296 : i32 to vector<16xi32>
      %add3A_338 = arith.addi %add3A_16, %add3A_337 : vector<16xi32>
      tpu.vector_store_idx %arg16[%add3A_338], %bitcast3A_336 masked %lt3A_62 : memref<20886xi32, #tpu.memory_space<vmem>>[vector<16xi32>], vector<16xi32>, vector<16xi1>
      %add3A_339 = arith.constant 10 : i32
      %add3A_340 = vector.broadcast %add3A_339 : i32 to vector<16xi32>
      %add3A_341 = arith.addi %mul3A_54, %add3A_340 : vector<16xi32>
      %gather3A_342 = tpu.vector_load_idx %arg14[%add3A_341] : memref<780xf32, #tpu.memory_space<vmem>>[vector<16xi32>], vector<16xf32>,
      %add3A_343 = arith.addf %gather3A_342, %gather3A_288 : vector<16xf32>
      %add3A_344 = arith.constant 11 : i32
      %add3A_345 = vector.broadcast %add3A_344 : i32 to vector<16xi32>
      %add3A_346 = arith.addi %mul3A_54, %add3A_345 : vector<16xi32>
      %gather3A_347 = tpu.vector_load_idx %arg14[%add3A_346] : memref<780xf32, #tpu.memory_space<vmem>>[vector<16xi32>], vector<16xf32>,
      %add3A_348 = arith.addf %gather3A_347, %gather3A_292 : vector<16xf32>
      %pack3A_349 = tpu.pack_subelements %add3A_343, %add3A_348 {pack_format = #tpu.pack_format<interleaved>, positions = array<i32: 0, 1>} : vector<16xf32>, vector<16xf32> -> vector<32xbf16>
      %bitcast3A_350 = vector.bitcast %pack3A_349 : vector<32xbf16> to vector<16xi32>
      %add3A_351 = vector.broadcast %add3A_296 : i32 to vector<16xi32>
      %add3A_352 = arith.addi %add3A_19, %add3A_351 : vector<16xi32>
      tpu.vector_store_idx %arg16[%add3A_352], %bitcast3A_350 masked %lt3A_65 : memref<20886xi32, #tpu.memory_space<vmem>>[vector<16xi32>], vector<16xi32>, vector<16xi1>
    }
    %scan3A_230 = arith.constant 59 : i32
    %scan3A_231 = arith.constant 0 : i32
    %scan3A_232 = arith.constant 0 : i32
    %scan3A_233 = arith.constant 8 : i32
    %scan3A_234 = arith.addi %scan3A_232, %scan3A_233 : i32
    %scan3A_235 = arith.constant 1 : i32
    scf.for %scan3A_280 = %scan3A_232 to %scan3A_234 step %scan3A_235  : i32 {
      %mul3A_281 = arith.constant 8 : i32
      %mul3A_282 = arith.muli %scan3A_280, %mul3A_281 : i32
      %add3A_283 = arith.addi %mul3A_2, %mul3A_282 : i32
      %gt3A = arith.constant 0 : i32
      %gt3A_284 = arith.cmpi sgt, %scan3A_280, %gt3A : i32
      %convert_element_type3A = arith.extui %gt3A_284 : i1 to i32
      %cond3A = arith.constant 0 : i32
      %cond3A_285 = arith.cmpi ne, %convert_element_type3A, %cond3A : i32
      scf.if %cond3A_285 {
        %dma_wait3A_630 = arith.constant 0 : i32
        %dma_wait3A_631 = arith.constant 0 : i32
        %dma_wait3A_632 = arith.constant 0 : i32
        %dma_wait3A_633 = arith.constant 0 : i32
        %dma_wait3A_634 = arith.constant 0 : i32
        %dma_wait3A_635 = tpu.memref_slice %arg18[%dma_wait3A_631, %dma_wait3A_632, %dma_wait3A_633, %dma_wait3A_634] : memref<2x2x8x2048xf32, #tpu.memory_space<vmem>> -> memref<1x2x8x2048xf32, #tpu.memory_space<vmem>>
        %dma_wait3A_636 = tpu.memref_squeeze %dma_wait3A_635 : memref<1x2x8x2048xf32, #tpu.memory_space<vmem>> -> memref<2x8x2048xf32, #tpu.memory_space<vmem>>
        %dma_wait3A_637 = arith.constant 0 : i32
        %dma_wait3A_638 = arith.constant 0 : i32
        %dma_wait3A_639 = arith.constant 0 : i32
        %dma_wait3A_640 = tpu.memref_slice %arg8[%dma_wait3A_630, %dma_wait3A_637, %dma_wait3A_638, %dma_wait3A_639] : memref<1x12x2048x2048xf32, #tpu.memory_space<hbm>> -> memref<1x2x8x2048xf32, #tpu.memory_space<hbm>>
        %dma_wait3A_641 = tpu.memref_squeeze %dma_wait3A_640 : memref<1x2x8x2048xf32, #tpu.memory_space<hbm>> -> memref<2x8x2048xf32, #tpu.memory_space<hbm>>
        %dma_wait3A_642 = arith.constant 0 : i32
        %dma_wait3A_643 = arith.constant 0 : i32
        %dma_wait3A_644 = arith.constant 0 : i32
        %dma_wait3A_645 = tpu.memref_slice %arg18[%dma_wait3A_631, %dma_wait3A_642, %dma_wait3A_643, %dma_wait3A_644] : memref<2x2x8x2048xf32, #tpu.memory_space<vmem>> -> memref<1x2x8x2048xf32, #tpu.memory_space<vmem>>
        %dma_wait3A_646 = tpu.memref_squeeze %dma_wait3A_645 : memref<1x2x8x2048xf32, #tpu.memory_space<vmem>> -> memref<2x8x2048xf32, #tpu.memory_space<vmem>>
        %dma_wait3A_647 = arith.constant 0 : i32
        %dma_wait3A_648 = arith.constant 0 : i32
        %dma_wait3A_649 = arith.constant 0 : i32
        %dma_wait3A_650 = tpu.memref_slice %arg8[%dma_wait3A_630, %dma_wait3A_647, %dma_wait3A_648, %dma_wait3A_649] : memref<1x12x2048x2048xf32, #tpu.memory_space<hbm>> -> memref<1x2x8x2048xf32, #tpu.memory_space<hbm>>
        %dma_wait3A_651 = tpu.memref_squeeze %dma_wait3A_650 : memref<1x2x8x2048xf32, #tpu.memory_space<hbm>> -> memref<2x8x2048xf32, #tpu.memory_space<hbm>>
        tpu.wait_dma2 semaphore(%arg19 : memref<!tpu.dma_semaphore, #tpu.memory_space<semaphore_mem>>) src(%dma_wait3A_651 : memref<2x8x2048xf32, #tpu.memory_space<hbm>>) dst(%dma_wait3A_646 : memref<2x8x2048xf32, #tpu.memory_space<vmem>>)
      } else {
      }
      %scan3A_286 = arith.constant 0 : i32
      %scan3A_287 = arith.constant 0 : i32
      %scan3A_288 = arith.constant 8 : i32
      %scan3A_289 = arith.addi %scan3A_287, %scan3A_288 : i32
      %scan3A_290 = arith.constant 1 : i32
      scf.for %scan3A_630 = %scan3A_287 to %scan3A_289 step %scan3A_290  : i32 {
        %add3A_631 = arith.addi %add3A_283, %scan3A_630 : i32
        %broadcast_in_dim3A = vector.broadcast %add3A_631 : i32 to vector<16xi32>
        %gather3A_632 = tpu.vector_load_idx %arg12[%broadcast_in_dim3A] : memref<2048xi32, #tpu.memory_space<vmem>>[vector<16xi32>], vector<16xi32>,
        %add3A_633 = arith.constant 111392 : i32
        %add3A_634 = vector.broadcast %add3A_633 : i32 to vector<16xi32>
        %add3A_635 = arith.addi %gather3A_632, %add3A_634 : vector<16xi32>
        %parallel_loop3A = arith.constant 0 : i32
        %parallel_loop3A_636 = arith.constant 128 : i32
        %parallel_loop3A_637 = arith.constant 1 : i32
        scf.for %parallel_loop3A_638 = %parallel_loop3A to %parallel_loop3A_636 step %parallel_loop3A_637  : i32 {
          %parallel_loop3A_639 = arith.constant 16 : i32
          %parallel_loop3A_640 = arith.muli %parallel_loop3A_638, %parallel_loop3A_639 : i32
          %parallel_loop3A_641 = arith.index_cast %parallel_loop3A_640 : i32 to index
          %parallel_loop3A_642 = tpu.vector_load %arg12[%parallel_loop3A_641] {strides = array<i32>} : memref<2048xi32, #tpu.memory_space<vmem>>, vector<16xi32>,
          %parallel_loop3A_643 = arith.subi %add3A_635, %parallel_loop3A_642 : vector<16xi32>
          %parallel_loop3A_644 = arith.constant 6 : i32
          %parallel_loop3A_645 = vector.broadcast %parallel_loop3A_644 : i32 to vector<16xi32>
          %parallel_loop3A_646 = arith.shrui %parallel_loop3A_643, %parallel_loop3A_645 : vector<16xi32>
          %parallel_loop3A_647 = arith.constant 63 : i32
          %parallel_loop3A_648 = vector.broadcast %parallel_loop3A_647 : i32 to vector<16xi32>
          %parallel_loop3A_649 = arith.andi %parallel_loop3A_643, %parallel_loop3A_648 : vector<16xi32>
          %parallel_loop3A_650 = arith.constant 28 : i32
          %parallel_loop3A_651 = arith.constant 36 : i32
          %parallel_loop3A_652 = vector.broadcast %parallel_loop3A_650 : i32 to vector<16xi32>
          %parallel_loop3A_653 = arith.maxsi %parallel_loop3A_652, %parallel_loop3A_649 : vector<16xi32>
          %parallel_loop3A_654 = vector.broadcast %parallel_loop3A_651 : i32 to vector<16xi32>
          %parallel_loop3A_655 = arith.minsi %parallel_loop3A_654, %parallel_loop3A_653 : vector<16xi32>
          %parallel_loop3A_656 = arith.constant 0 : i32
          %parallel_loop3A_657 = vector.broadcast %parallel_loop3A_656 : i32 to vector<16xi32>
          %parallel_loop3A_658 = arith.addi %parallel_loop3A_646, %parallel_loop3A_657 : vector<16xi32>
          %parallel_loop3A_659 = tpu.vector_load_idx %arg16[%parallel_loop3A_658] : memref<20886xi32, #tpu.memory_space<vmem>>[vector<16xi32>], vector<16xi32>,
          %parallel_loop3A_660 = arith.constant -28 : i32
          %parallel_loop3A_661 = vector.broadcast %parallel_loop3A_660 : i32 to vector<16xi32>
          %parallel_loop3A_662 = arith.addi %parallel_loop3A_655, %parallel_loop3A_661 : vector<16xi32>
          %parallel_loop3A_663 = tpu.vector_load_idx %arg17[%parallel_loop3A_662] : memref<61xi32, #tpu.memory_space<vmem>>[vector<16xi32>], vector<16xi32>,
          %parallel_loop3A_664 = vector.bitcast %parallel_loop3A_659 : vector<16xi32> to vector<32xbf16>
          %parallel_loop3A_665 = vector.bitcast %parallel_loop3A_663 : vector<16xi32> to vector<32xbf16>
          %parallel_loop3A_666 = arith.addf %parallel_loop3A_664, %parallel_loop3A_665 : vector<32xbf16>
          %parallel_loop3A_667 = tpu.unpack_subelements %parallel_loop3A_666, 0 {pack_format = #tpu.pack_format<interleaved>} : vector<32xbf16> -> vector<16xf32>
          %parallel_loop3A_668 = tpu.unpack_subelements %parallel_loop3A_666, 1 {pack_format = #tpu.pack_format<interleaved>} : vector<32xbf16> -> vector<16xf32>
          %parallel_loop3A_669 = arith.constant 16 : i32
          %parallel_loop3A_670 = arith.muli %parallel_loop3A_638, %parallel_loop3A_669 : i32
          %parallel_loop3A_671 = arith.constant 0 : i32
          %parallel_loop3A_672 = arith.constant 0 : i32
          %parallel_loop3A_673 = arith.index_cast %parallel_loop3A_671 : i32 to index
          %parallel_loop3A_674 = arith.index_cast %parallel_loop3A_672 : i32 to index
          %parallel_loop3A_675 = arith.index_cast %scan3A_630 : i32 to index
          %parallel_loop3A_676 = arith.index_cast %parallel_loop3A_670 : i32 to index
          %parallel_loop3A_677 = tpu.vector_load %arg18[%parallel_loop3A_673, %parallel_loop3A_674, %parallel_loop3A_675, %parallel_loop3A_676] {strides = array<i32>} : memref<2x2x8x2048xf32, #tpu.memory_space<vmem>>, vector<16xf32>,
          tpu.vector_store %arg18[%parallel_loop3A_673, %parallel_loop3A_674, %parallel_loop3A_675, %parallel_loop3A_676], %parallel_loop3A_667 {strides = array<i32>} : memref<2x2x8x2048xf32, #tpu.memory_space<vmem>>, vector<16xf32>,
          %parallel_loop3A_678 = arith.constant 16 : i32
          %parallel_loop3A_679 = arith.muli %parallel_loop3A_638, %parallel_loop3A_678 : i32
          %parallel_loop3A_680 = arith.constant 0 : i32
          %parallel_loop3A_681 = arith.constant 1 : i32
          %parallel_loop3A_682 = arith.index_cast %parallel_loop3A_680 : i32 to index
          %parallel_loop3A_683 = arith.index_cast %parallel_loop3A_681 : i32 to index
          %parallel_loop3A_684 = arith.index_cast %scan3A_630 : i32 to index
          %parallel_loop3A_685 = arith.index_cast %parallel_loop3A_679 : i32 to index
          %parallel_loop3A_686 = tpu.vector_load %arg18[%parallel_loop3A_682, %parallel_loop3A_683, %parallel_loop3A_684, %parallel_loop3A_685] {strides = array<i32>} : memref<2x2x8x2048xf32, #tpu.memory_space<vmem>>, vector<16xf32>,
          tpu.vector_store %arg18[%parallel_loop3A_682, %parallel_loop3A_683, %parallel_loop3A_684, %parallel_loop3A_685], %parallel_loop3A_668 {strides = array<i32>} : memref<2x2x8x2048xf32, #tpu.memory_space<vmem>>, vector<16xf32>,
        } {sc.loop_unroll_factor = 8 : i64, sc.parallel_access}
      }
      %scan3A_291 = arith.constant 8 : i32
      %dma_start3A = arith.constant 0 : i32
      %dma_start3A_292 = arith.constant 0 : i32
      %dma_start3A_293 = arith.constant 0 : i32
      %dma_start3A_294 = arith.constant 0 : i32
      %dma_start3A_295 = arith.constant 0 : i32
      %dma_start3A_296 = arith.constant 0 : i32
      %dma_start3A_297 = tpu.memref_slice %arg18[%dma_start3A, %dma_start3A_292, %dma_start3A_295, %dma_start3A_296] : memref<2x2x8x2048xf32, #tpu.memory_space<vmem>> -> memref<1x1x8x2048xf32, #tpu.memory_space<vmem>>
      %dma_start3A_298 = tpu.memref_squeeze %dma_start3A_297 : memref<1x1x8x2048xf32, #tpu.memory_space<vmem>> -> memref<8x2048xf32, #tpu.memory_space<vmem>>
      %dma_start3A_299 = arith.constant 0 : i32
      %dma_start3A_300 = tpu.memref_slice %arg8[%dma_start3A_293, %dma_start3A_294, %add3A_283, %dma_start3A_299] : memref<1x12x2048x2048xf32, #tpu.memory_space<hbm>> -> memref<1x1x8x2048xf32, #tpu.memory_space<hbm>>
      %dma_start3A_301 = tpu.memref_squeeze %dma_start3A_300 : memref<1x1x8x2048xf32, #tpu.memory_space<hbm>> -> memref<8x2048xf32, #tpu.memory_space<hbm>>
      %dma_start3A_302 = arith.constant 0 : i32
      %dma_start3A_303 = tpu.memref_slice %arg8[%dma_start3A_293, %dma_start3A_294, %add3A_283, %dma_start3A_302] : memref<1x12x2048x2048xf32, #tpu.memory_space<hbm>> -> memref<1x1x8x2048xf32, #tpu.memory_space<hbm>>
      %dma_start3A_304 = tpu.memref_squeeze %dma_start3A_303 : memref<1x1x8x2048xf32, #tpu.memory_space<hbm>> -> memref<8x2048xf32, #tpu.memory_space<hbm>>
      %dma_start3A_305 = arith.constant 0 : i32
      %dma_start3A_306 = arith.constant 0 : i32
      %dma_start3A_307 = tpu.memref_slice %arg18[%dma_start3A, %dma_start3A_292, %dma_start3A_305, %dma_start3A_306] : memref<2x2x8x2048xf32, #tpu.memory_space<vmem>> -> memref<1x1x8x2048xf32, #tpu.memory_space<vmem>>
      %dma_start3A_308 = tpu.memref_squeeze %dma_start3A_307 : memref<1x1x8x2048xf32, #tpu.memory_space<vmem>> -> memref<8x2048xf32, #tpu.memory_space<vmem>>
      tpu.enqueue_dma source(%dma_start3A_308 : memref<8x2048xf32, #tpu.memory_space<vmem>>) target(%dma_start3A_304 : memref<8x2048xf32, #tpu.memory_space<hbm>>) target_semaphore(%arg19 : memref<!tpu.dma_semaphore, #tpu.memory_space<semaphore_mem>>)
      %dma_start3A_309 = arith.constant 0 : i32
      %dma_start3A_310 = arith.constant 1 : i32
      %dma_start3A_311 = arith.constant 0 : i32
      %dma_start3A_312 = arith.constant 1 : i32
      %dma_start3A_313 = arith.constant 0 : i32
      %dma_start3A_314 = arith.constant 0 : i32
      %dma_start3A_315 = tpu.memref_slice %arg18[%dma_start3A_309, %dma_start3A_310, %dma_start3A_313, %dma_start3A_314] : memref<2x2x8x2048xf32, #tpu.memory_space<vmem>> -> memref<1x1x8x2048xf32, #tpu.memory_space<vmem>>
      %dma_start3A_316 = tpu.memref_squeeze %dma_start3A_315 : memref<1x1x8x2048xf32, #tpu.memory_space<vmem>> -> memref<8x2048xf32, #tpu.memory_space<vmem>>
      %dma_start3A_317 = arith.constant 0 : i32
      %dma_start3A_318 = tpu.memref_slice %arg8[%dma_start3A_311, %dma_start3A_312, %add3A_283, %dma_start3A_317] : memref<1x12x2048x2048xf32, #tpu.memory_space<hbm>> -> memref<1x1x8x2048xf32, #tpu.memory_space<hbm>>
      %dma_start3A_319 = tpu.memref_squeeze %dma_start3A_318 : memref<1x1x8x2048xf32, #tpu.memory_space<hbm>> -> memref<8x2048xf32, #tpu.memory_space<hbm>>
      %dma_start3A_320 = arith.constant 0 : i32
      %dma_start3A_321 = tpu.memref_slice %arg8[%dma_start3A_311, %dma_start3A_312, %add3A_283, %dma_start3A_320] : memref<1x12x2048x2048xf32, #tpu.memory_space<hbm>> -> memref<1x1x8x2048xf32, #tpu.memory_space<hbm>>
      %dma_start3A_322 = tpu.memref_squeeze %dma_start3A_321 : memref<1x1x8x2048xf32, #tpu.memory_space<hbm>> -> memref<8x2048xf32, #tpu.memory_space<hbm>>
      %dma_start3A_323 = arith.constant 0 : i32
      %dma_start3A_324 = arith.constant 0 : i32
      %dma_start3A_325 = tpu.memref_slice %arg18[%dma_start3A_309, %dma_start3A_310, %dma_start3A_323, %dma_start3A_324] : memref<2x2x8x2048xf32, #tpu.memory_space<vmem>> -> memref<1x1x8x2048xf32, #tpu.memory_space<vmem>>
      %dma_start3A_326 = tpu.memref_squeeze %dma_start3A_325 : memref<1x1x8x2048xf32, #tpu.memory_space<vmem>> -> memref<8x2048xf32, #tpu.memory_space<vmem>>
      tpu.enqueue_dma source(%dma_start3A_326 : memref<8x2048xf32, #tpu.memory_space<vmem>>) target(%dma_start3A_322 : memref<8x2048xf32, #tpu.memory_space<hbm>>) target_semaphore(%arg19 : memref<!tpu.dma_semaphore, #tpu.memory_space<semaphore_mem>>)
      %gt3A_327 = arith.constant 0 : i32
      %gt3A_328 = arith.cmpi sgt, %scan3A_280, %gt3A_327 : i32
      %convert_element_type3A_329 = arith.extui %gt3A_328 : i1 to i32
      %cond3A_330 = arith.constant 0 : i32
      %cond3A_331 = arith.cmpi ne, %convert_element_type3A_329, %cond3A_330 : i32
      scf.if %cond3A_331 {
        %dma_wait3A_630 = arith.constant 0 : i32
        %dma_wait3A_631 = arith.constant 1 : i32
        %dma_wait3A_632 = arith.constant 0 : i32
        %dma_wait3A_633 = arith.constant 0 : i32
        %dma_wait3A_634 = arith.constant 0 : i32
        %dma_wait3A_635 = tpu.memref_slice %arg18[%dma_wait3A_631, %dma_wait3A_632, %dma_wait3A_633, %dma_wait3A_634] : memref<2x2x8x2048xf32, #tpu.memory_space<vmem>> -> memref<1x2x8x2048xf32, #tpu.memory_space<vmem>>
        %dma_wait3A_636 = tpu.memref_squeeze %dma_wait3A_635 : memref<1x2x8x2048xf32, #tpu.memory_space<vmem>> -> memref<2x8x2048xf32, #tpu.memory_space<vmem>>
        %dma_wait3A_637 = arith.constant 0 : i32
        %dma_wait3A_638 = arith.constant 0 : i32
        %dma_wait3A_639 = arith.constant 0 : i32
        %dma_wait3A_640 = tpu.memref_slice %arg8[%dma_wait3A_630, %dma_wait3A_637, %dma_wait3A_638, %dma_wait3A_639] : memref<1x12x2048x2048xf32, #tpu.memory_space<hbm>> -> memref<1x2x8x2048xf32, #tpu.memory_space<hbm>>
        %dma_wait3A_641 = tpu.memref_squeeze %dma_wait3A_640 : memref<1x2x8x2048xf32, #tpu.memory_space<hbm>> -> memref<2x8x2048xf32, #tpu.memory_space<hbm>>
        %dma_wait3A_642 = arith.constant 0 : i32
        %dma_wait3A_643 = arith.constant 0 : i32
        %dma_wait3A_644 = arith.constant 0 : i32
        %dma_wait3A_645 = tpu.memref_slice %arg18[%dma_wait3A_631, %dma_wait3A_642, %dma_wait3A_643, %dma_wait3A_644] : memref<2x2x8x2048xf32, #tpu.memory_space<vmem>> -> memref<1x2x8x2048xf32, #tpu.memory_space<vmem>>
        %dma_wait3A_646 = tpu.memref_squeeze %dma_wait3A_645 : memref<1x2x8x2048xf32, #tpu.memory_space<vmem>> -> memref<2x8x2048xf32, #tpu.memory_space<vmem>>
        %dma_wait3A_647 = arith.constant 0 : i32
        %dma_wait3A_648 = arith.constant 0 : i32
        %dma_wait3A_649 = arith.constant 0 : i32
        %dma_wait3A_650 = tpu.memref_slice %arg8[%dma_wait3A_630, %dma_wait3A_647, %dma_wait3A_648, %dma_wait3A_649] : memref<1x12x2048x2048xf32, #tpu.memory_space<hbm>> -> memref<1x2x8x2048xf32, #tpu.memory_space<hbm>>
        %dma_wait3A_651 = tpu.memref_squeeze %dma_wait3A_650 : memref<1x2x8x2048xf32, #tpu.memory_space<hbm>> -> memref<2x8x2048xf32, #tpu.memory_space<hbm>>
        tpu.wait_dma2 semaphore(%arg20 : memref<!tpu.dma_semaphore, #tpu.memory_space<semaphore_mem>>) src(%dma_wait3A_651 : memref<2x8x2048xf32, #tpu.memory_space<hbm>>) dst(%dma_wait3A_646 : memref<2x8x2048xf32, #tpu.memory_space<vmem>>)
      } else {
      }
      %scan3A_332 = arith.constant 0 : i32
      %scan3A_333 = arith.constant 0 : i32
      %scan3A_334 = arith.constant 8 : i32
      %scan3A_335 = arith.addi %scan3A_333, %scan3A_334 : i32
      %scan3A_336 = arith.constant 1 : i32
      scf.for %scan3A_630 = %scan3A_333 to %scan3A_335 step %scan3A_336  : i32 {
        %add3A_631 = arith.addi %add3A_283, %scan3A_630 : i32
        %broadcast_in_dim3A = vector.broadcast %add3A_631 : i32 to vector<16xi32>
        %gather3A_632 = tpu.vector_load_idx %arg12[%broadcast_in_dim3A] : memref<2048xi32, #tpu.memory_space<vmem>>[vector<16xi32>], vector<16xi32>,
        %add3A_633 = arith.constant 111392 : i32
        %add3A_634 = vector.broadcast %add3A_633 : i32 to vector<16xi32>
        %add3A_635 = arith.addi %gather3A_632, %add3A_634 : vector<16xi32>
        %parallel_loop3A = arith.constant 0 : i32
        %parallel_loop3A_636 = arith.constant 128 : i32
        %parallel_loop3A_637 = arith.constant 1 : i32
        scf.for %parallel_loop3A_638 = %parallel_loop3A to %parallel_loop3A_636 step %parallel_loop3A_637  : i32 {
          %parallel_loop3A_639 = arith.constant 16 : i32
          %parallel_loop3A_640 = arith.muli %parallel_loop3A_638, %parallel_loop3A_639 : i32
          %parallel_loop3A_641 = arith.index_cast %parallel_loop3A_640 : i32 to index
          %parallel_loop3A_642 = tpu.vector_load %arg12[%parallel_loop3A_641] {strides = array<i32>} : memref<2048xi32, #tpu.memory_space<vmem>>, vector<16xi32>,
          %parallel_loop3A_643 = arith.subi %add3A_635, %parallel_loop3A_642 : vector<16xi32>
          %parallel_loop3A_644 = arith.constant 6 : i32
          %parallel_loop3A_645 = vector.broadcast %parallel_loop3A_644 : i32 to vector<16xi32>
          %parallel_loop3A_646 = arith.shrui %parallel_loop3A_643, %parallel_loop3A_645 : vector<16xi32>
          %parallel_loop3A_647 = arith.constant 63 : i32
          %parallel_loop3A_648 = vector.broadcast %parallel_loop3A_647 : i32 to vector<16xi32>
          %parallel_loop3A_649 = arith.andi %parallel_loop3A_643, %parallel_loop3A_648 : vector<16xi32>
          %parallel_loop3A_650 = arith.constant 28 : i32
          %parallel_loop3A_651 = arith.constant 36 : i32
          %parallel_loop3A_652 = vector.broadcast %parallel_loop3A_650 : i32 to vector<16xi32>
          %parallel_loop3A_653 = arith.maxsi %parallel_loop3A_652, %parallel_loop3A_649 : vector<16xi32>
          %parallel_loop3A_654 = vector.broadcast %parallel_loop3A_651 : i32 to vector<16xi32>
          %parallel_loop3A_655 = arith.minsi %parallel_loop3A_654, %parallel_loop3A_653 : vector<16xi32>
          %parallel_loop3A_656 = arith.constant 3481 : i32
          %parallel_loop3A_657 = vector.broadcast %parallel_loop3A_656 : i32 to vector<16xi32>
          %parallel_loop3A_658 = arith.addi %parallel_loop3A_646, %parallel_loop3A_657 : vector<16xi32>
          %parallel_loop3A_659 = tpu.vector_load_idx %arg16[%parallel_loop3A_658] : memref<20886xi32, #tpu.memory_space<vmem>>[vector<16xi32>], vector<16xi32>,
          %parallel_loop3A_660 = arith.constant -19 : i32
          %parallel_loop3A_661 = vector.broadcast %parallel_loop3A_660 : i32 to vector<16xi32>
          %parallel_loop3A_662 = arith.addi %parallel_loop3A_655, %parallel_loop3A_661 : vector<16xi32>
          %parallel_loop3A_663 = tpu.vector_load_idx %arg17[%parallel_loop3A_662] : memref<61xi32, #tpu.memory_space<vmem>>[vector<16xi32>], vector<16xi32>,
          %parallel_loop3A_664 = vector.bitcast %parallel_loop3A_659 : vector<16xi32> to vector<32xbf16>
          %parallel_loop3A_665 = vector.bitcast %parallel_loop3A_663 : vector<16xi32> to vector<32xbf16>
          %parallel_loop3A_666 = arith.addf %parallel_loop3A_664, %parallel_loop3A_665 : vector<32xbf16>
          %parallel_loop3A_667 = tpu.unpack_subelements %parallel_loop3A_666, 0 {pack_format = #tpu.pack_format<interleaved>} : vector<32xbf16> -> vector<16xf32>
          %parallel_loop3A_668 = tpu.unpack_subelements %parallel_loop3A_666, 1 {pack_format = #tpu.pack_format<interleaved>} : vector<32xbf16> -> vector<16xf32>
          %parallel_loop3A_669 = arith.constant 16 : i32
          %parallel_loop3A_670 = arith.muli %parallel_loop3A_638, %parallel_loop3A_669 : i32
          %parallel_loop3A_671 = arith.constant 1 : i32
          %parallel_loop3A_672 = arith.constant 0 : i32
          %parallel_loop3A_673 = arith.index_cast %parallel_loop3A_671 : i32 to index
          %parallel_loop3A_674 = arith.index_cast %parallel_loop3A_672 : i32 to index
          %parallel_loop3A_675 = arith.index_cast %scan3A_630 : i32 to index
          %parallel_loop3A_676 = arith.index_cast %parallel_loop3A_670 : i32 to index
          %parallel_loop3A_677 = tpu.vector_load %arg18[%parallel_loop3A_673, %parallel_loop3A_674, %parallel_loop3A_675, %parallel_loop3A_676] {strides = array<i32>} : memref<2x2x8x2048xf32, #tpu.memory_space<vmem>>, vector<16xf32>,
          tpu.vector_store %arg18[%parallel_loop3A_673, %parallel_loop3A_674, %parallel_loop3A_675, %parallel_loop3A_676], %parallel_loop3A_667 {strides = array<i32>} : memref<2x2x8x2048xf32, #tpu.memory_space<vmem>>, vector<16xf32>,
          %parallel_loop3A_678 = arith.constant 16 : i32
          %parallel_loop3A_679 = arith.muli %parallel_loop3A_638, %parallel_loop3A_678 : i32
          %parallel_loop3A_680 = arith.constant 1 : i32
          %parallel_loop3A_681 = arith.constant 1 : i32
          %parallel_loop3A_682 = arith.index_cast %parallel_loop3A_680 : i32 to index
          %parallel_loop3A_683 = arith.index_cast %parallel_loop3A_681 : i32 to index
          %parallel_loop3A_684 = arith.index_cast %scan3A_630 : i32 to index
          %parallel_loop3A_685 = arith.index_cast %parallel_loop3A_679 : i32 to index
          %parallel_loop3A_686 = tpu.vector_load %arg18[%parallel_loop3A_682, %parallel_loop3A_683, %parallel_loop3A_684, %parallel_loop3A_685] {strides = array<i32>} : memref<2x2x8x2048xf32, #tpu.memory_space<vmem>>, vector<16xf32>,
          tpu.vector_store %arg18[%parallel_loop3A_682, %parallel_loop3A_683, %parallel_loop3A_684, %parallel_loop3A_685], %parallel_loop3A_668 {strides = array<i32>} : memref<2x2x8x2048xf32, #tpu.memory_space<vmem>>, vector<16xf32>,
        } {sc.loop_unroll_factor = 8 : i64, sc.parallel_access}
      }
      %scan3A_337 = arith.constant 8 : i32
      %dma_start3A_338 = arith.constant 1 : i32
      %dma_start3A_339 = arith.constant 0 : i32
      %dma_start3A_340 = arith.constant 0 : i32
      %dma_start3A_341 = arith.constant 2 : i32
      %dma_start3A_342 = arith.constant 0 : i32
      %dma_start3A_343 = arith.constant 0 : i32
      %dma_start3A_344 = tpu.memref_slice %arg18[%dma_start3A_338, %dma_start3A_339, %dma_start3A_342, %dma_start3A_343] : memref<2x2x8x2048xf32, #tpu.memory_space<vmem>> -> memref<1x1x8x2048xf32, #tpu.memory_space<vmem>>
      %dma_start3A_345 = tpu.memref_squeeze %dma_start3A_344 : memref<1x1x8x2048xf32, #tpu.memory_space<vmem>> -> memref<8x2048xf32, #tpu.memory_space<vmem>>
      %dma_start3A_346 = arith.constant 0 : i32
      %dma_start3A_347 = tpu.memref_slice %arg8[%dma_start3A_340, %dma_start3A_341, %add3A_283, %dma_start3A_346] : memref<1x12x2048x2048xf32, #tpu.memory_space<hbm>> -> memref<1x1x8x2048xf32, #tpu.memory_space<hbm>>
      %dma_start3A_348 = tpu.memref_squeeze %dma_start3A_347 : memref<1x1x8x2048xf32, #tpu.memory_space<hbm>> -> memref<8x2048xf32, #tpu.memory_space<hbm>>
      %dma_start3A_349 = arith.constant 0 : i32
      %dma_start3A_350 = tpu.memref_slice %arg8[%dma_start3A_340, %dma_start3A_341, %add3A_283, %dma_start3A_349] : memref<1x12x2048x2048xf32, #tpu.memory_space<hbm>> -> memref<1x1x8x2048xf32, #tpu.memory_space<hbm>>
      %dma_start3A_351 = tpu.memref_squeeze %dma_start3A_350 : memref<1x1x8x2048xf32, #tpu.memory_space<hbm>> -> memref<8x2048xf32, #tpu.memory_space<hbm>>
      %dma_start3A_352 = arith.constant 0 : i32
      %dma_start3A_353 = arith.constant 0 : i32
      %dma_start3A_354 = tpu.memref_slice %arg18[%dma_start3A_338, %dma_start3A_339, %dma_start3A_352, %dma_start3A_353] : memref<2x2x8x2048xf32, #tpu.memory_space<vmem>> -> memref<1x1x8x2048xf32, #tpu.memory_space<vmem>>
      %dma_start3A_355 = tpu.memref_squeeze %dma_start3A_354 : memref<1x1x8x2048xf32, #tpu.memory_space<vmem>> -> memref<8x2048xf32, #tpu.memory_space<vmem>>
      tpu.enqueue_dma source(%dma_start3A_355 : memref<8x2048xf32, #tpu.memory_space<vmem>>) target(%dma_start3A_351 : memref<8x2048xf32, #tpu.memory_space<hbm>>) target_semaphore(%arg20 : memref<!tpu.dma_semaphore, #tpu.memory_space<semaphore_mem>>)
      %dma_start3A_356 = arith.constant 1 : i32
      %dma_start3A_357 = arith.constant 1 : i32
      %dma_start3A_358 = arith.constant 0 : i32
      %dma_start3A_359 = arith.constant 3 : i32
      %dma_start3A_360 = arith.constant 0 : i32
      %dma_start3A_361 = arith.constant 0 : i32
      %dma_start3A_362 = tpu.memref_slice %arg18[%dma_start3A_356, %dma_start3A_357, %dma_start3A_360, %dma_start3A_361] : memref<2x2x8x2048xf32, #tpu.memory_space<vmem>> -> memref<1x1x8x2048xf32, #tpu.memory_space<vmem>>
      %dma_start3A_363 = tpu.memref_squeeze %dma_start3A_362 : memref<1x1x8x2048xf32, #tpu.memory_space<vmem>> -> memref<8x2048xf32, #tpu.memory_space<vmem>>
      %dma_start3A_364 = arith.constant 0 : i32
      %dma_start3A_365 = tpu.memref_slice %arg8[%dma_start3A_358, %dma_start3A_359, %add3A_283, %dma_start3A_364] : memref<1x12x2048x2048xf32, #tpu.memory_space<hbm>> -> memref<1x1x8x2048xf32, #tpu.memory_space<hbm>>
      %dma_start3A_366 = tpu.memref_squeeze %dma_start3A_365 : memref<1x1x8x2048xf32, #tpu.memory_space<hbm>> -> memref<8x2048xf32, #tpu.memory_space<hbm>>
      %dma_start3A_367 = arith.constant 0 : i32
      %dma_start3A_368 = tpu.memref_slice %arg8[%dma_start3A_358, %dma_start3A_359, %add3A_283, %dma_start3A_367] : memref<1x12x2048x2048xf32, #tpu.memory_space<hbm>> -> memref<1x1x8x2048xf32, #tpu.memory_space<hbm>>
      %dma_start3A_369 = tpu.memref_squeeze %dma_start3A_368 : memref<1x1x8x2048xf32, #tpu.memory_space<hbm>> -> memref<8x2048xf32, #tpu.memory_space<hbm>>
      %dma_start3A_370 = arith.constant 0 : i32
      %dma_start3A_371 = arith.constant 0 : i32
      %dma_start3A_372 = tpu.memref_slice %arg18[%dma_start3A_356, %dma_start3A_357, %dma_start3A_370, %dma_start3A_371] : memref<2x2x8x2048xf32, #tpu.memory_space<vmem>> -> memref<1x1x8x2048xf32, #tpu.memory_space<vmem>>
      %dma_start3A_373 = tpu.memref_squeeze %dma_start3A_372 : memref<1x1x8x2048xf32, #tpu.memory_space<vmem>> -> memref<8x2048xf32, #tpu.memory_space<vmem>>
      tpu.enqueue_dma source(%dma_start3A_373 : memref<8x2048xf32, #tpu.memory_space<vmem>>) target(%dma_start3A_369 : memref<8x2048xf32, #tpu.memory_space<hbm>>) target_semaphore(%arg20 : memref<!tpu.dma_semaphore, #tpu.memory_space<semaphore_mem>>)
      %dma_wait3A_374 = arith.constant 0 : i32
      %dma_wait3A_375 = arith.constant 0 : i32
      %dma_wait3A_376 = arith.constant 0 : i32
      %dma_wait3A_377 = arith.constant 0 : i32
      %dma_wait3A_378 = arith.constant 0 : i32
      %dma_wait3A_379 = tpu.memref_slice %arg18[%dma_wait3A_375, %dma_wait3A_376, %dma_wait3A_377, %dma_wait3A_378] : memref<2x2x8x2048xf32, #tpu.memory_space<vmem>> -> memref<1x2x8x2048xf32, #tpu.memory_space<vmem>>
      %dma_wait3A_380 = tpu.memref_squeeze %dma_wait3A_379 : memref<1x2x8x2048xf32, #tpu.memory_space<vmem>> -> memref<2x8x2048xf32, #tpu.memory_space<vmem>>
      %dma_wait3A_381 = arith.constant 0 : i32
      %dma_wait3A_382 = arith.constant 0 : i32
      %dma_wait3A_383 = arith.constant 0 : i32
      %dma_wait3A_384 = tpu.memref_slice %arg8[%dma_wait3A_374, %dma_wait3A_381, %dma_wait3A_382, %dma_wait3A_383] : memref<1x12x2048x2048xf32, #tpu.memory_space<hbm>> -> memref<1x2x8x2048xf32, #tpu.memory_space<hbm>>
      %dma_wait3A_385 = tpu.memref_squeeze %dma_wait3A_384 : memref<1x2x8x2048xf32, #tpu.memory_space<hbm>> -> memref<2x8x2048xf32, #tpu.memory_space<hbm>>
      %dma_wait3A_386 = arith.constant 0 : i32
      %dma_wait3A_387 = arith.constant 0 : i32
      %dma_wait3A_388 = arith.constant 0 : i32
      %dma_wait3A_389 = tpu.memref_slice %arg18[%dma_wait3A_375, %dma_wait3A_386, %dma_wait3A_387, %dma_wait3A_388] : memref<2x2x8x2048xf32, #tpu.memory_space<vmem>> -> memref<1x2x8x2048xf32, #tpu.memory_space<vmem>>
      %dma_wait3A_390 = tpu.memref_squeeze %dma_wait3A_389 : memref<1x2x8x2048xf32, #tpu.memory_space<vmem>> -> memref<2x8x2048xf32, #tpu.memory_space<vmem>>
      %dma_wait3A_391 = arith.constant 0 : i32
      %dma_wait3A_392 = arith.constant 0 : i32
      %dma_wait3A_393 = arith.constant 0 : i32
      %dma_wait3A_394 = tpu.memref_slice %arg8[%dma_wait3A_374, %dma_wait3A_391, %dma_wait3A_392, %dma_wait3A_393] : memref<1x12x2048x2048xf32, #tpu.memory_space<hbm>> -> memref<1x2x8x2048xf32, #tpu.memory_space<hbm>>
      %dma_wait3A_395 = tpu.memref_squeeze %dma_wait3A_394 : memref<1x2x8x2048xf32, #tpu.memory_space<hbm>> -> memref<2x8x2048xf32, #tpu.memory_space<hbm>>
      tpu.wait_dma2 semaphore(%arg19 : memref<!tpu.dma_semaphore, #tpu.memory_space<semaphore_mem>>) src(%dma_wait3A_395 : memref<2x8x2048xf32, #tpu.memory_space<hbm>>) dst(%dma_wait3A_390 : memref<2x8x2048xf32, #tpu.memory_space<vmem>>)
      %scan3A_396 = arith.constant 0 : i32
      %scan3A_397 = arith.constant 0 : i32
      %scan3A_398 = arith.constant 8 : i32
      %scan3A_399 = arith.addi %scan3A_397, %scan3A_398 : i32
      %scan3A_400 = arith.constant 1 : i32
      scf.for %scan3A_630 = %scan3A_397 to %scan3A_399 step %scan3A_400  : i32 {
        %add3A_631 = arith.addi %add3A_283, %scan3A_630 : i32
        %broadcast_in_dim3A = vector.broadcast %add3A_631 : i32 to vector<16xi32>
        %gather3A_632 = tpu.vector_load_idx %arg12[%broadcast_in_dim3A] : memref<2048xi32, #tpu.memory_space<vmem>>[vector<16xi32>], vector<16xi32>,
        %add3A_633 = arith.constant 111392 : i32
        %add3A_634 = vector.broadcast %add3A_633 : i32 to vector<16xi32>
        %add3A_635 = arith.addi %gather3A_632, %add3A_634 : vector<16xi32>
        %parallel_loop3A = arith.constant 0 : i32
        %parallel_loop3A_636 = arith.constant 128 : i32
        %parallel_loop3A_637 = arith.constant 1 : i32
        scf.for %parallel_loop3A_638 = %parallel_loop3A to %parallel_loop3A_636 step %parallel_loop3A_637  : i32 {
          %parallel_loop3A_639 = arith.constant 16 : i32
          %parallel_loop3A_640 = arith.muli %parallel_loop3A_638, %parallel_loop3A_639 : i32
          %parallel_loop3A_641 = arith.index_cast %parallel_loop3A_640 : i32 to index
          %parallel_loop3A_642 = tpu.vector_load %arg12[%parallel_loop3A_641] {strides = array<i32>} : memref<2048xi32, #tpu.memory_space<vmem>>, vector<16xi32>,
          %parallel_loop3A_643 = arith.subi %add3A_635, %parallel_loop3A_642 : vector<16xi32>
          %parallel_loop3A_644 = arith.constant 6 : i32
          %parallel_loop3A_645 = vector.broadcast %parallel_loop3A_644 : i32 to vector<16xi32>
          %parallel_loop3A_646 = arith.shrui %parallel_loop3A_643, %parallel_loop3A_645 : vector<16xi32>
          %parallel_loop3A_647 = arith.constant 63 : i32
          %parallel_loop3A_648 = vector.broadcast %parallel_loop3A_647 : i32 to vector<16xi32>
          %parallel_loop3A_649 = arith.andi %parallel_loop3A_643, %parallel_loop3A_648 : vector<16xi32>
          %parallel_loop3A_650 = arith.constant 28 : i32
          %parallel_loop3A_651 = arith.constant 36 : i32
          %parallel_loop3A_652 = vector.broadcast %parallel_loop3A_650 : i32 to vector<16xi32>
          %parallel_loop3A_653 = arith.maxsi %parallel_loop3A_652, %parallel_loop3A_649 : vector<16xi32>
          %parallel_loop3A_654 = vector.broadcast %parallel_loop3A_651 : i32 to vector<16xi32>
          %parallel_loop3A_655 = arith.minsi %parallel_loop3A_654, %parallel_loop3A_653 : vector<16xi32>
          %parallel_loop3A_656 = arith.constant 6962 : i32
          %parallel_loop3A_657 = vector.broadcast %parallel_loop3A_656 : i32 to vector<16xi32>
          %parallel_loop3A_658 = arith.addi %parallel_loop3A_646, %parallel_loop3A_657 : vector<16xi32>
          %parallel_loop3A_659 = tpu.vector_load_idx %arg16[%parallel_loop3A_658] : memref<20886xi32, #tpu.memory_space<vmem>>[vector<16xi32>], vector<16xi32>,
          %parallel_loop3A_660 = arith.constant -10 : i32
          %parallel_loop3A_661 = vector.broadcast %parallel_loop3A_660 : i32 to vector<16xi32>
          %parallel_loop3A_662 = arith.addi %parallel_loop3A_655, %parallel_loop3A_661 : vector<16xi32>
          %parallel_loop3A_663 = tpu.vector_load_idx %arg17[%parallel_loop3A_662] : memref<61xi32, #tpu.memory_space<vmem>>[vector<16xi32>], vector<16xi32>,
          %parallel_loop3A_664 = vector.bitcast %parallel_loop3A_659 : vector<16xi32> to vector<32xbf16>
          %parallel_loop3A_665 = vector.bitcast %parallel_loop3A_663 : vector<16xi32> to vector<32xbf16>
          %parallel_loop3A_666 = arith.addf %parallel_loop3A_664, %parallel_loop3A_665 : vector<32xbf16>
          %parallel_loop3A_667 = tpu.unpack_subelements %parallel_loop3A_666, 0 {pack_format = #tpu.pack_format<interleaved>} : vector<32xbf16> -> vector<16xf32>
          %parallel_loop3A_668 = tpu.unpack_subelements %parallel_loop3A_666, 1 {pack_format = #tpu.pack_format<interleaved>} : vector<32xbf16> -> vector<16xf32>
          %parallel_loop3A_669 = arith.constant 16 : i32
          %parallel_loop3A_670 = arith.muli %parallel_loop3A_638, %parallel_loop3A_669 : i32
          %parallel_loop3A_671 = arith.constant 0 : i32
          %parallel_loop3A_672 = arith.constant 0 : i32
          %parallel_loop3A_673 = arith.index_cast %parallel_loop3A_671 : i32 to index
          %parallel_loop3A_674 = arith.index_cast %parallel_loop3A_672 : i32 to index
          %parallel_loop3A_675 = arith.index_cast %scan3A_630 : i32 to index
          %parallel_loop3A_676 = arith.index_cast %parallel_loop3A_670 : i32 to index
          %parallel_loop3A_677 = tpu.vector_load %arg18[%parallel_loop3A_673, %parallel_loop3A_674, %parallel_loop3A_675, %parallel_loop3A_676] {strides = array<i32>} : memref<2x2x8x2048xf32, #tpu.memory_space<vmem>>, vector<16xf32>,
          tpu.vector_store %arg18[%parallel_loop3A_673, %parallel_loop3A_674, %parallel_loop3A_675, %parallel_loop3A_676], %parallel_loop3A_667 {strides = array<i32>} : memref<2x2x8x2048xf32, #tpu.memory_space<vmem>>, vector<16xf32>,
          %parallel_loop3A_678 = arith.constant 16 : i32
          %parallel_loop3A_679 = arith.muli %parallel_loop3A_638, %parallel_loop3A_678 : i32
          %parallel_loop3A_680 = arith.constant 0 : i32
          %parallel_loop3A_681 = arith.constant 1 : i32
          %parallel_loop3A_682 = arith.index_cast %parallel_loop3A_680 : i32 to index
          %parallel_loop3A_683 = arith.index_cast %parallel_loop3A_681 : i32 to index
          %parallel_loop3A_684 = arith.index_cast %scan3A_630 : i32 to index
          %parallel_loop3A_685 = arith.index_cast %parallel_loop3A_679 : i32 to index
          %parallel_loop3A_686 = tpu.vector_load %arg18[%parallel_loop3A_682, %parallel_loop3A_683, %parallel_loop3A_684, %parallel_loop3A_685] {strides = array<i32>} : memref<2x2x8x2048xf32, #tpu.memory_space<vmem>>, vector<16xf32>,
          tpu.vector_store %arg18[%parallel_loop3A_682, %parallel_loop3A_683, %parallel_loop3A_684, %parallel_loop3A_685], %parallel_loop3A_668 {strides = array<i32>} : memref<2x2x8x2048xf32, #tpu.memory_space<vmem>>, vector<16xf32>,
        } {sc.loop_unroll_factor = 8 : i64, sc.parallel_access}
      }
      %scan3A_401 = arith.constant 8 : i32
      %dma_start3A_402 = arith.constant 0 : i32
      %dma_start3A_403 = arith.constant 0 : i32
      %dma_start3A_404 = arith.constant 0 : i32
      %dma_start3A_405 = arith.constant 4 : i32
      %dma_start3A_406 = arith.constant 0 : i32
      %dma_start3A_407 = arith.constant 0 : i32
      %dma_start3A_408 = tpu.memref_slice %arg18[%dma_start3A_402, %dma_start3A_403, %dma_start3A_406, %dma_start3A_407] : memref<2x2x8x2048xf32, #tpu.memory_space<vmem>> -> memref<1x1x8x2048xf32, #tpu.memory_space<vmem>>
      %dma_start3A_409 = tpu.memref_squeeze %dma_start3A_408 : memref<1x1x8x2048xf32, #tpu.memory_space<vmem>> -> memref<8x2048xf32, #tpu.memory_space<vmem>>
      %dma_start3A_410 = arith.constant 0 : i32
      %dma_start3A_411 = tpu.memref_slice %arg8[%dma_start3A_404, %dma_start3A_405, %add3A_283, %dma_start3A_410] : memref<1x12x2048x2048xf32, #tpu.memory_space<hbm>> -> memref<1x1x8x2048xf32, #tpu.memory_space<hbm>>
      %dma_start3A_412 = tpu.memref_squeeze %dma_start3A_411 : memref<1x1x8x2048xf32, #tpu.memory_space<hbm>> -> memref<8x2048xf32, #tpu.memory_space<hbm>>
      %dma_start3A_413 = arith.constant 0 : i32
      %dma_start3A_414 = tpu.memref_slice %arg8[%dma_start3A_404, %dma_start3A_405, %add3A_283, %dma_start3A_413] : memref<1x12x2048x2048xf32, #tpu.memory_space<hbm>> -> memref<1x1x8x2048xf32, #tpu.memory_space<hbm>>
      %dma_start3A_415 = tpu.memref_squeeze %dma_start3A_414 : memref<1x1x8x2048xf32, #tpu.memory_space<hbm>> -> memref<8x2048xf32, #tpu.memory_space<hbm>>
      %dma_start3A_416 = arith.constant 0 : i32
      %dma_start3A_417 = arith.constant 0 : i32
      %dma_start3A_418 = tpu.memref_slice %arg18[%dma_start3A_402, %dma_start3A_403, %dma_start3A_416, %dma_start3A_417] : memref<2x2x8x2048xf32, #tpu.memory_space<vmem>> -> memref<1x1x8x2048xf32, #tpu.memory_space<vmem>>
      %dma_start3A_419 = tpu.memref_squeeze %dma_start3A_418 : memref<1x1x8x2048xf32, #tpu.memory_space<vmem>> -> memref<8x2048xf32, #tpu.memory_space<vmem>>
      tpu.enqueue_dma source(%dma_start3A_419 : memref<8x2048xf32, #tpu.memory_space<vmem>>) target(%dma_start3A_415 : memref<8x2048xf32, #tpu.memory_space<hbm>>) target_semaphore(%arg19 : memref<!tpu.dma_semaphore, #tpu.memory_space<semaphore_mem>>)
      %dma_start3A_420 = arith.constant 0 : i32
      %dma_start3A_421 = arith.constant 1 : i32
      %dma_start3A_422 = arith.constant 0 : i32
      %dma_start3A_423 = arith.constant 5 : i32
      %dma_start3A_424 = arith.constant 0 : i32
      %dma_start3A_425 = arith.constant 0 : i32
      %dma_start3A_426 = tpu.memref_slice %arg18[%dma_start3A_420, %dma_start3A_421, %dma_start3A_424, %dma_start3A_425] : memref<2x2x8x2048xf32, #tpu.memory_space<vmem>> -> memref<1x1x8x2048xf32, #tpu.memory_space<vmem>>
      %dma_start3A_427 = tpu.memref_squeeze %dma_start3A_426 : memref<1x1x8x2048xf32, #tpu.memory_space<vmem>> -> memref<8x2048xf32, #tpu.memory_space<vmem>>
      %dma_start3A_428 = arith.constant 0 : i32
      %dma_start3A_429 = tpu.memref_slice %arg8[%dma_start3A_422, %dma_start3A_423, %add3A_283, %dma_start3A_428] : memref<1x12x2048x2048xf32, #tpu.memory_space<hbm>> -> memref<1x1x8x2048xf32, #tpu.memory_space<hbm>>
      %dma_start3A_430 = tpu.memref_squeeze %dma_start3A_429 : memref<1x1x8x2048xf32, #tpu.memory_space<hbm>> -> memref<8x2048xf32, #tpu.memory_space<hbm>>
      %dma_start3A_431 = arith.constant 0 : i32
      %dma_start3A_432 = tpu.memref_slice %arg8[%dma_start3A_422, %dma_start3A_423, %add3A_283, %dma_start3A_431] : memref<1x12x2048x2048xf32, #tpu.memory_space<hbm>> -> memref<1x1x8x2048xf32, #tpu.memory_space<hbm>>
      %dma_start3A_433 = tpu.memref_squeeze %dma_start3A_432 : memref<1x1x8x2048xf32, #tpu.memory_space<hbm>> -> memref<8x2048xf32, #tpu.memory_space<hbm>>
      %dma_start3A_434 = arith.constant 0 : i32
      %dma_start3A_435 = arith.constant 0 : i32
      %dma_start3A_436 = tpu.memref_slice %arg18[%dma_start3A_420, %dma_start3A_421, %dma_start3A_434, %dma_start3A_435] : memref<2x2x8x2048xf32, #tpu.memory_space<vmem>> -> memref<1x1x8x2048xf32, #tpu.memory_space<vmem>>
      %dma_start3A_437 = tpu.memref_squeeze %dma_start3A_436 : memref<1x1x8x2048xf32, #tpu.memory_space<vmem>> -> memref<8x2048xf32, #tpu.memory_space<vmem>>
      tpu.enqueue_dma source(%dma_start3A_437 : memref<8x2048xf32, #tpu.memory_space<vmem>>) target(%dma_start3A_433 : memref<8x2048xf32, #tpu.memory_space<hbm>>) target_semaphore(%arg19 : memref<!tpu.dma_semaphore, #tpu.memory_space<semaphore_mem>>)
      %dma_wait3A_438 = arith.constant 0 : i32
      %dma_wait3A_439 = arith.constant 1 : i32
      %dma_wait3A_440 = arith.constant 0 : i32
      %dma_wait3A_441 = arith.constant 0 : i32
      %dma_wait3A_442 = arith.constant 0 : i32
      %dma_wait3A_443 = tpu.memref_slice %arg18[%dma_wait3A_439, %dma_wait3A_440, %dma_wait3A_441, %dma_wait3A_442] : memref<2x2x8x2048xf32, #tpu.memory_space<vmem>> -> memref<1x2x8x2048xf32, #tpu.memory_space<vmem>>
      %dma_wait3A_444 = tpu.memref_squeeze %dma_wait3A_443 : memref<1x2x8x2048xf32, #tpu.memory_space<vmem>> -> memref<2x8x2048xf32, #tpu.memory_space<vmem>>
      %dma_wait3A_445 = arith.constant 0 : i32
      %dma_wait3A_446 = arith.constant 0 : i32
      %dma_wait3A_447 = arith.constant 0 : i32
      %dma_wait3A_448 = tpu.memref_slice %arg8[%dma_wait3A_438, %dma_wait3A_445, %dma_wait3A_446, %dma_wait3A_447] : memref<1x12x2048x2048xf32, #tpu.memory_space<hbm>> -> memref<1x2x8x2048xf32, #tpu.memory_space<hbm>>
      %dma_wait3A_449 = tpu.memref_squeeze %dma_wait3A_448 : memref<1x2x8x2048xf32, #tpu.memory_space<hbm>> -> memref<2x8x2048xf32, #tpu.memory_space<hbm>>
      %dma_wait3A_450 = arith.constant 0 : i32
      %dma_wait3A_451 = arith.constant 0 : i32
      %dma_wait3A_452 = arith.constant 0 : i32
      %dma_wait3A_453 = tpu.memref_slice %arg18[%dma_wait3A_439, %dma_wait3A_450, %dma_wait3A_451, %dma_wait3A_452] : memref<2x2x8x2048xf32, #tpu.memory_space<vmem>> -> memref<1x2x8x2048xf32, #tpu.memory_space<vmem>>
      %dma_wait3A_454 = tpu.memref_squeeze %dma_wait3A_453 : memref<1x2x8x2048xf32, #tpu.memory_space<vmem>> -> memref<2x8x2048xf32, #tpu.memory_space<vmem>>
      %dma_wait3A_455 = arith.constant 0 : i32
      %dma_wait3A_456 = arith.constant 0 : i32
      %dma_wait3A_457 = arith.constant 0 : i32
      %dma_wait3A_458 = tpu.memref_slice %arg8[%dma_wait3A_438, %dma_wait3A_455, %dma_wait3A_456, %dma_wait3A_457] : memref<1x12x2048x2048xf32, #tpu.memory_space<hbm>> -> memref<1x2x8x2048xf32, #tpu.memory_space<hbm>>
      %dma_wait3A_459 = tpu.memref_squeeze %dma_wait3A_458 : memref<1x2x8x2048xf32, #tpu.memory_space<hbm>> -> memref<2x8x2048xf32, #tpu.memory_space<hbm>>
      tpu.wait_dma2 semaphore(%arg20 : memref<!tpu.dma_semaphore, #tpu.memory_space<semaphore_mem>>) src(%dma_wait3A_459 : memref<2x8x2048xf32, #tpu.memory_space<hbm>>) dst(%dma_wait3A_454 : memref<2x8x2048xf32, #tpu.memory_space<vmem>>)
      %scan3A_460 = arith.constant 0 : i32
      %scan3A_461 = arith.constant 0 : i32
      %scan3A_462 = arith.constant 8 : i32
      %scan3A_463 = arith.addi %scan3A_461, %scan3A_462 : i32
      %scan3A_464 = arith.constant 1 : i32
      scf.for %scan3A_630 = %scan3A_461 to %scan3A_463 step %scan3A_464  : i32 {
        %add3A_631 = arith.addi %add3A_283, %scan3A_630 : i32
        %broadcast_in_dim3A = vector.broadcast %add3A_631 : i32 to vector<16xi32>
        %gather3A_632 = tpu.vector_load_idx %arg12[%broadcast_in_dim3A] : memref<2048xi32, #tpu.memory_space<vmem>>[vector<16xi32>], vector<16xi32>,
        %add3A_633 = arith.constant 111392 : i32
        %add3A_634 = vector.broadcast %add3A_633 : i32 to vector<16xi32>
        %add3A_635 = arith.addi %gather3A_632, %add3A_634 : vector<16xi32>
        %parallel_loop3A = arith.constant 0 : i32
        %parallel_loop3A_636 = arith.constant 128 : i32
        %parallel_loop3A_637 = arith.constant 1 : i32
        scf.for %parallel_loop3A_638 = %parallel_loop3A to %parallel_loop3A_636 step %parallel_loop3A_637  : i32 {
          %parallel_loop3A_639 = arith.constant 16 : i32
          %parallel_loop3A_640 = arith.muli %parallel_loop3A_638, %parallel_loop3A_639 : i32
          %parallel_loop3A_641 = arith.index_cast %parallel_loop3A_640 : i32 to index
          %parallel_loop3A_642 = tpu.vector_load %arg12[%parallel_loop3A_641] {strides = array<i32>} : memref<2048xi32, #tpu.memory_space<vmem>>, vector<16xi32>,
          %parallel_loop3A_643 = arith.subi %add3A_635, %parallel_loop3A_642 : vector<16xi32>
          %parallel_loop3A_644 = arith.constant 6 : i32
          %parallel_loop3A_645 = vector.broadcast %parallel_loop3A_644 : i32 to vector<16xi32>
          %parallel_loop3A_646 = arith.shrui %parallel_loop3A_643, %parallel_loop3A_645 : vector<16xi32>
          %parallel_loop3A_647 = arith.constant 63 : i32
          %parallel_loop3A_648 = vector.broadcast %parallel_loop3A_647 : i32 to vector<16xi32>
          %parallel_loop3A_649 = arith.andi %parallel_loop3A_643, %parallel_loop3A_648 : vector<16xi32>
          %parallel_loop3A_650 = arith.constant 28 : i32
          %parallel_loop3A_651 = arith.constant 36 : i32
          %parallel_loop3A_652 = vector.broadcast %parallel_loop3A_650 : i32 to vector<16xi32>
          %parallel_loop3A_653 = arith.maxsi %parallel_loop3A_652, %parallel_loop3A_649 : vector<16xi32>
          %parallel_loop3A_654 = vector.broadcast %parallel_loop3A_651 : i32 to vector<16xi32>
          %parallel_loop3A_655 = arith.minsi %parallel_loop3A_654, %parallel_loop3A_653 : vector<16xi32>
          %parallel_loop3A_656 = arith.constant 10443 : i32
          %parallel_loop3A_657 = vector.broadcast %parallel_loop3A_656 : i32 to vector<16xi32>
          %parallel_loop3A_658 = arith.addi %parallel_loop3A_646, %parallel_loop3A_657 : vector<16xi32>
          %parallel_loop3A_659 = tpu.vector_load_idx %arg16[%parallel_loop3A_658] : memref<20886xi32, #tpu.memory_space<vmem>>[vector<16xi32>], vector<16xi32>,
          %parallel_loop3A_660 = arith.constant -1 : i32
          %parallel_loop3A_661 = vector.broadcast %parallel_loop3A_660 : i32 to vector<16xi32>
          %parallel_loop3A_662 = arith.addi %parallel_loop3A_655, %parallel_loop3A_661 : vector<16xi32>
          %parallel_loop3A_663 = tpu.vector_load_idx %arg17[%parallel_loop3A_662] : memref<61xi32, #tpu.memory_space<vmem>>[vector<16xi32>], vector<16xi32>,
          %parallel_loop3A_664 = vector.bitcast %parallel_loop3A_659 : vector<16xi32> to vector<32xbf16>
          %parallel_loop3A_665 = vector.bitcast %parallel_loop3A_663 : vector<16xi32> to vector<32xbf16>
          %parallel_loop3A_666 = arith.addf %parallel_loop3A_664, %parallel_loop3A_665 : vector<32xbf16>
          %parallel_loop3A_667 = tpu.unpack_subelements %parallel_loop3A_666, 0 {pack_format = #tpu.pack_format<interleaved>} : vector<32xbf16> -> vector<16xf32>
          %parallel_loop3A_668 = tpu.unpack_subelements %parallel_loop3A_666, 1 {pack_format = #tpu.pack_format<interleaved>} : vector<32xbf16> -> vector<16xf32>
          %parallel_loop3A_669 = arith.constant 16 : i32
          %parallel_loop3A_670 = arith.muli %parallel_loop3A_638, %parallel_loop3A_669 : i32
          %parallel_loop3A_671 = arith.constant 1 : i32
          %parallel_loop3A_672 = arith.constant 0 : i32
          %parallel_loop3A_673 = arith.index_cast %parallel_loop3A_671 : i32 to index
          %parallel_loop3A_674 = arith.index_cast %parallel_loop3A_672 : i32 to index
          %parallel_loop3A_675 = arith.index_cast %scan3A_630 : i32 to index
          %parallel_loop3A_676 = arith.index_cast %parallel_loop3A_670 : i32 to index
          %parallel_loop3A_677 = tpu.vector_load %arg18[%parallel_loop3A_673, %parallel_loop3A_674, %parallel_loop3A_675, %parallel_loop3A_676] {strides = array<i32>} : memref<2x2x8x2048xf32, #tpu.memory_space<vmem>>, vector<16xf32>,
          tpu.vector_store %arg18[%parallel_loop3A_673, %parallel_loop3A_674, %parallel_loop3A_675, %parallel_loop3A_676], %parallel_loop3A_667 {strides = array<i32>} : memref<2x2x8x2048xf32, #tpu.memory_space<vmem>>, vector<16xf32>,
          %parallel_loop3A_678 = arith.constant 16 : i32
          %parallel_loop3A_679 = arith.muli %parallel_loop3A_638, %parallel_loop3A_678 : i32
          %parallel_loop3A_680 = arith.constant 1 : i32
          %parallel_loop3A_681 = arith.constant 1 : i32
          %parallel_loop3A_682 = arith.index_cast %parallel_loop3A_680 : i32 to index
          %parallel_loop3A_683 = arith.index_cast %parallel_loop3A_681 : i32 to index
          %parallel_loop3A_684 = arith.index_cast %scan3A_630 : i32 to index
          %parallel_loop3A_685 = arith.index_cast %parallel_loop3A_679 : i32 to index
          %parallel_loop3A_686 = tpu.vector_load %arg18[%parallel_loop3A_682, %parallel_loop3A_683, %parallel_loop3A_684, %parallel_loop3A_685] {strides = array<i32>} : memref<2x2x8x2048xf32, #tpu.memory_space<vmem>>, vector<16xf32>,
          tpu.vector_store %arg18[%parallel_loop3A_682, %parallel_loop3A_683, %parallel_loop3A_684, %parallel_loop3A_685], %parallel_loop3A_668 {strides = array<i32>} : memref<2x2x8x2048xf32, #tpu.memory_space<vmem>>, vector<16xf32>,
        } {sc.loop_unroll_factor = 8 : i64, sc.parallel_access}
      }
      %scan3A_465 = arith.constant 8 : i32
      %dma_start3A_466 = arith.constant 1 : i32
      %dma_start3A_467 = arith.constant 0 : i32
      %dma_start3A_468 = arith.constant 0 : i32
      %dma_start3A_469 = arith.constant 6 : i32
      %dma_start3A_470 = arith.constant 0 : i32
      %dma_start3A_471 = arith.constant 0 : i32
      %dma_start3A_472 = tpu.memref_slice %arg18[%dma_start3A_466, %dma_start3A_467, %dma_start3A_470, %dma_start3A_471] : memref<2x2x8x2048xf32, #tpu.memory_space<vmem>> -> memref<1x1x8x2048xf32, #tpu.memory_space<vmem>>
      %dma_start3A_473 = tpu.memref_squeeze %dma_start3A_472 : memref<1x1x8x2048xf32, #tpu.memory_space<vmem>> -> memref<8x2048xf32, #tpu.memory_space<vmem>>
      %dma_start3A_474 = arith.constant 0 : i32
      %dma_start3A_475 = tpu.memref_slice %arg8[%dma_start3A_468, %dma_start3A_469, %add3A_283, %dma_start3A_474] : memref<1x12x2048x2048xf32, #tpu.memory_space<hbm>> -> memref<1x1x8x2048xf32, #tpu.memory_space<hbm>>
      %dma_start3A_476 = tpu.memref_squeeze %dma_start3A_475 : memref<1x1x8x2048xf32, #tpu.memory_space<hbm>> -> memref<8x2048xf32, #tpu.memory_space<hbm>>
      %dma_start3A_477 = arith.constant 0 : i32
      %dma_start3A_478 = tpu.memref_slice %arg8[%dma_start3A_468, %dma_start3A_469, %add3A_283, %dma_start3A_477] : memref<1x12x2048x2048xf32, #tpu.memory_space<hbm>> -> memref<1x1x8x2048xf32, #tpu.memory_space<hbm>>
      %dma_start3A_479 = tpu.memref_squeeze %dma_start3A_478 : memref<1x1x8x2048xf32, #tpu.memory_space<hbm>> -> memref<8x2048xf32, #tpu.memory_space<hbm>>
      %dma_start3A_480 = arith.constant 0 : i32
      %dma_start3A_481 = arith.constant 0 : i32
      %dma_start3A_482 = tpu.memref_slice %arg18[%dma_start3A_466, %dma_start3A_467, %dma_start3A_480, %dma_start3A_481] : memref<2x2x8x2048xf32, #tpu.memory_space<vmem>> -> memref<1x1x8x2048xf32, #tpu.memory_space<vmem>>
      %dma_start3A_483 = tpu.memref_squeeze %dma_start3A_482 : memref<1x1x8x2048xf32, #tpu.memory_space<vmem>> -> memref<8x2048xf32, #tpu.memory_space<vmem>>
      tpu.enqueue_dma source(%dma_start3A_483 : memref<8x2048xf32, #tpu.memory_space<vmem>>) target(%dma_start3A_479 : memref<8x2048xf32, #tpu.memory_space<hbm>>) target_semaphore(%arg20 : memref<!tpu.dma_semaphore, #tpu.memory_space<semaphore_mem>>)
      %dma_start3A_484 = arith.constant 1 : i32
      %dma_start3A_485 = arith.constant 1 : i32
      %dma_start3A_486 = arith.constant 0 : i32
      %dma_start3A_487 = arith.constant 7 : i32
      %dma_start3A_488 = arith.constant 0 : i32
      %dma_start3A_489 = arith.constant 0 : i32
      %dma_start3A_490 = tpu.memref_slice %arg18[%dma_start3A_484, %dma_start3A_485, %dma_start3A_488, %dma_start3A_489] : memref<2x2x8x2048xf32, #tpu.memory_space<vmem>> -> memref<1x1x8x2048xf32, #tpu.memory_space<vmem>>
      %dma_start3A_491 = tpu.memref_squeeze %dma_start3A_490 : memref<1x1x8x2048xf32, #tpu.memory_space<vmem>> -> memref<8x2048xf32, #tpu.memory_space<vmem>>
      %dma_start3A_492 = arith.constant 0 : i32
      %dma_start3A_493 = tpu.memref_slice %arg8[%dma_start3A_486, %dma_start3A_487, %add3A_283, %dma_start3A_492] : memref<1x12x2048x2048xf32, #tpu.memory_space<hbm>> -> memref<1x1x8x2048xf32, #tpu.memory_space<hbm>>
      %dma_start3A_494 = tpu.memref_squeeze %dma_start3A_493 : memref<1x1x8x2048xf32, #tpu.memory_space<hbm>> -> memref<8x2048xf32, #tpu.memory_space<hbm>>
      %dma_start3A_495 = arith.constant 0 : i32
      %dma_start3A_496 = tpu.memref_slice %arg8[%dma_start3A_486, %dma_start3A_487, %add3A_283, %dma_start3A_495] : memref<1x12x2048x2048xf32, #tpu.memory_space<hbm>> -> memref<1x1x8x2048xf32, #tpu.memory_space<hbm>>
      %dma_start3A_497 = tpu.memref_squeeze %dma_start3A_496 : memref<1x1x8x2048xf32, #tpu.memory_space<hbm>> -> memref<8x2048xf32, #tpu.memory_space<hbm>>
      %dma_start3A_498 = arith.constant 0 : i32
      %dma_start3A_499 = arith.constant 0 : i32
      %dma_start3A_500 = tpu.memref_slice %arg18[%dma_start3A_484, %dma_start3A_485, %dma_start3A_498, %dma_start3A_499] : memref<2x2x8x2048xf32, #tpu.memory_space<vmem>> -> memref<1x1x8x2048xf32, #tpu.memory_space<vmem>>
      %dma_start3A_501 = tpu.memref_squeeze %dma_start3A_500 : memref<1x1x8x2048xf32, #tpu.memory_space<vmem>> -> memref<8x2048xf32, #tpu.memory_space<vmem>>
      tpu.enqueue_dma source(%dma_start3A_501 : memref<8x2048xf32, #tpu.memory_space<vmem>>) target(%dma_start3A_497 : memref<8x2048xf32, #tpu.memory_space<hbm>>) target_semaphore(%arg20 : memref<!tpu.dma_semaphore, #tpu.memory_space<semaphore_mem>>)
      %dma_wait3A_502 = arith.constant 0 : i32
      %dma_wait3A_503 = arith.constant 0 : i32
      %dma_wait3A_504 = arith.constant 0 : i32
      %dma_wait3A_505 = arith.constant 0 : i32
      %dma_wait3A_506 = arith.constant 0 : i32
      %dma_wait3A_507 = tpu.memref_slice %arg18[%dma_wait3A_503, %dma_wait3A_504, %dma_wait3A_505, %dma_wait3A_506] : memref<2x2x8x2048xf32, #tpu.memory_space<vmem>> -> memref<1x2x8x2048xf32, #tpu.memory_space<vmem>>
      %dma_wait3A_508 = tpu.memref_squeeze %dma_wait3A_507 : memref<1x2x8x2048xf32, #tpu.memory_space<vmem>> -> memref<2x8x2048xf32, #tpu.memory_space<vmem>>
      %dma_wait3A_509 = arith.constant 0 : i32
      %dma_wait3A_510 = arith.constant 0 : i32
      %dma_wait3A_511 = arith.constant 0 : i32
      %dma_wait3A_512 = tpu.memref_slice %arg8[%dma_wait3A_502, %dma_wait3A_509, %dma_wait3A_510, %dma_wait3A_511] : memref<1x12x2048x2048xf32, #tpu.memory_space<hbm>> -> memref<1x2x8x2048xf32, #tpu.memory_space<hbm>>
      %dma_wait3A_513 = tpu.memref_squeeze %dma_wait3A_512 : memref<1x2x8x2048xf32, #tpu.memory_space<hbm>> -> memref<2x8x2048xf32, #tpu.memory_space<hbm>>
      %dma_wait3A_514 = arith.constant 0 : i32
      %dma_wait3A_515 = arith.constant 0 : i32
      %dma_wait3A_516 = arith.constant 0 : i32
      %dma_wait3A_517 = tpu.memref_slice %arg18[%dma_wait3A_503, %dma_wait3A_514, %dma_wait3A_515, %dma_wait3A_516] : memref<2x2x8x2048xf32, #tpu.memory_space<vmem>> -> memref<1x2x8x2048xf32, #tpu.memory_space<vmem>>
      %dma_wait3A_518 = tpu.memref_squeeze %dma_wait3A_517 : memref<1x2x8x2048xf32, #tpu.memory_space<vmem>> -> memref<2x8x2048xf32, #tpu.memory_space<vmem>>
      %dma_wait3A_519 = arith.constant 0 : i32
      %dma_wait3A_520 = arith.constant 0 : i32
      %dma_wait3A_521 = arith.constant 0 : i32
      %dma_wait3A_522 = tpu.memref_slice %arg8[%dma_wait3A_502, %dma_wait3A_519, %dma_wait3A_520, %dma_wait3A_521] : memref<1x12x2048x2048xf32, #tpu.memory_space<hbm>> -> memref<1x2x8x2048xf32, #tpu.memory_space<hbm>>
      %dma_wait3A_523 = tpu.memref_squeeze %dma_wait3A_522 : memref<1x2x8x2048xf32, #tpu.memory_space<hbm>> -> memref<2x8x2048xf32, #tpu.memory_space<hbm>>
      tpu.wait_dma2 semaphore(%arg19 : memref<!tpu.dma_semaphore, #tpu.memory_space<semaphore_mem>>) src(%dma_wait3A_523 : memref<2x8x2048xf32, #tpu.memory_space<hbm>>) dst(%dma_wait3A_518 : memref<2x8x2048xf32, #tpu.memory_space<vmem>>)
      %scan3A_524 = arith.constant 0 : i32
      %scan3A_525 = arith.constant 0 : i32
      %scan3A_526 = arith.constant 8 : i32
      %scan3A_527 = arith.addi %scan3A_525, %scan3A_526 : i32
      %scan3A_528 = arith.constant 1 : i32
      scf.for %scan3A_630 = %scan3A_525 to %scan3A_527 step %scan3A_528  : i32 {
        %add3A_631 = arith.addi %add3A_283, %scan3A_630 : i32
        %broadcast_in_dim3A = vector.broadcast %add3A_631 : i32 to vector<16xi32>
        %gather3A_632 = tpu.vector_load_idx %arg12[%broadcast_in_dim3A] : memref<2048xi32, #tpu.memory_space<vmem>>[vector<16xi32>], vector<16xi32>,
        %add3A_633 = arith.constant 111392 : i32
        %add3A_634 = vector.broadcast %add3A_633 : i32 to vector<16xi32>
        %add3A_635 = arith.addi %gather3A_632, %add3A_634 : vector<16xi32>
        %parallel_loop3A = arith.constant 0 : i32
        %parallel_loop3A_636 = arith.constant 128 : i32
        %parallel_loop3A_637 = arith.constant 1 : i32
        scf.for %parallel_loop3A_638 = %parallel_loop3A to %parallel_loop3A_636 step %parallel_loop3A_637  : i32 {
          %parallel_loop3A_639 = arith.constant 16 : i32
          %parallel_loop3A_640 = arith.muli %parallel_loop3A_638, %parallel_loop3A_639 : i32
          %parallel_loop3A_641 = arith.index_cast %parallel_loop3A_640 : i32 to index
          %parallel_loop3A_642 = tpu.vector_load %arg12[%parallel_loop3A_641] {strides = array<i32>} : memref<2048xi32, #tpu.memory_space<vmem>>, vector<16xi32>,
          %parallel_loop3A_643 = arith.subi %add3A_635, %parallel_loop3A_642 : vector<16xi32>
          %parallel_loop3A_644 = arith.constant 6 : i32
          %parallel_loop3A_645 = vector.broadcast %parallel_loop3A_644 : i32 to vector<16xi32>
          %parallel_loop3A_646 = arith.shrui %parallel_loop3A_643, %parallel_loop3A_645 : vector<16xi32>
          %parallel_loop3A_647 = arith.constant 63 : i32
          %parallel_loop3A_648 = vector.broadcast %parallel_loop3A_647 : i32 to vector<16xi32>
          %parallel_loop3A_649 = arith.andi %parallel_loop3A_643, %parallel_loop3A_648 : vector<16xi32>
          %parallel_loop3A_650 = arith.constant 28 : i32
          %parallel_loop3A_651 = arith.constant 36 : i32
          %parallel_loop3A_652 = vector.broadcast %parallel_loop3A_650 : i32 to vector<16xi32>
          %parallel_loop3A_653 = arith.maxsi %parallel_loop3A_652, %parallel_loop3A_649 : vector<16xi32>
          %parallel_loop3A_654 = vector.broadcast %parallel_loop3A_651 : i32 to vector<16xi32>
          %parallel_loop3A_655 = arith.minsi %parallel_loop3A_654, %parallel_loop3A_653 : vector<16xi32>
          %parallel_loop3A_656 = arith.constant 13924 : i32
          %parallel_loop3A_657 = vector.broadcast %parallel_loop3A_656 : i32 to vector<16xi32>
          %parallel_loop3A_658 = arith.addi %parallel_loop3A_646, %parallel_loop3A_657 : vector<16xi32>
          %parallel_loop3A_659 = tpu.vector_load_idx %arg16[%parallel_loop3A_658] : memref<20886xi32, #tpu.memory_space<vmem>>[vector<16xi32>], vector<16xi32>,
          %parallel_loop3A_660 = arith.constant 8 : i32
          %parallel_loop3A_661 = vector.broadcast %parallel_loop3A_660 : i32 to vector<16xi32>
          %parallel_loop3A_662 = arith.addi %parallel_loop3A_655, %parallel_loop3A_661 : vector<16xi32>
          %parallel_loop3A_663 = tpu.vector_load_idx %arg17[%parallel_loop3A_662] : memref<61xi32, #tpu.memory_space<vmem>>[vector<16xi32>], vector<16xi32>,
          %parallel_loop3A_664 = vector.bitcast %parallel_loop3A_659 : vector<16xi32> to vector<32xbf16>
          %parallel_loop3A_665 = vector.bitcast %parallel_loop3A_663 : vector<16xi32> to vector<32xbf16>
          %parallel_loop3A_666 = arith.addf %parallel_loop3A_664, %parallel_loop3A_665 : vector<32xbf16>
          %parallel_loop3A_667 = tpu.unpack_subelements %parallel_loop3A_666, 0 {pack_format = #tpu.pack_format<interleaved>} : vector<32xbf16> -> vector<16xf32>
          %parallel_loop3A_668 = tpu.unpack_subelements %parallel_loop3A_666, 1 {pack_format = #tpu.pack_format<interleaved>} : vector<32xbf16> -> vector<16xf32>
          %parallel_loop3A_669 = arith.constant 16 : i32
          %parallel_loop3A_670 = arith.muli %parallel_loop3A_638, %parallel_loop3A_669 : i32
          %parallel_loop3A_671 = arith.constant 0 : i32
          %parallel_loop3A_672 = arith.constant 0 : i32
          %parallel_loop3A_673 = arith.index_cast %parallel_loop3A_671 : i32 to index
          %parallel_loop3A_674 = arith.index_cast %parallel_loop3A_672 : i32 to index
          %parallel_loop3A_675 = arith.index_cast %scan3A_630 : i32 to index
          %parallel_loop3A_676 = arith.index_cast %parallel_loop3A_670 : i32 to index
          %parallel_loop3A_677 = tpu.vector_load %arg18[%parallel_loop3A_673, %parallel_loop3A_674, %parallel_loop3A_675, %parallel_loop3A_676] {strides = array<i32>} : memref<2x2x8x2048xf32, #tpu.memory_space<vmem>>, vector<16xf32>,
          tpu.vector_store %arg18[%parallel_loop3A_673, %parallel_loop3A_674, %parallel_loop3A_675, %parallel_loop3A_676], %parallel_loop3A_667 {strides = array<i32>} : memref<2x2x8x2048xf32, #tpu.memory_space<vmem>>, vector<16xf32>,
          %parallel_loop3A_678 = arith.constant 16 : i32
          %parallel_loop3A_679 = arith.muli %parallel_loop3A_638, %parallel_loop3A_678 : i32
          %parallel_loop3A_680 = arith.constant 0 : i32
          %parallel_loop3A_681 = arith.constant 1 : i32
          %parallel_loop3A_682 = arith.index_cast %parallel_loop3A_680 : i32 to index
          %parallel_loop3A_683 = arith.index_cast %parallel_loop3A_681 : i32 to index
          %parallel_loop3A_684 = arith.index_cast %scan3A_630 : i32 to index
          %parallel_loop3A_685 = arith.index_cast %parallel_loop3A_679 : i32 to index
          %parallel_loop3A_686 = tpu.vector_load %arg18[%parallel_loop3A_682, %parallel_loop3A_683, %parallel_loop3A_684, %parallel_loop3A_685] {strides = array<i32>} : memref<2x2x8x2048xf32, #tpu.memory_space<vmem>>, vector<16xf32>,
          tpu.vector_store %arg18[%parallel_loop3A_682, %parallel_loop3A_683, %parallel_loop3A_684, %parallel_loop3A_685], %parallel_loop3A_668 {strides = array<i32>} : memref<2x2x8x2048xf32, #tpu.memory_space<vmem>>, vector<16xf32>,
        } {sc.loop_unroll_factor = 8 : i64, sc.parallel_access}
      }
      %scan3A_529 = arith.constant 8 : i32
      %dma_start3A_530 = arith.constant 0 : i32
      %dma_start3A_531 = arith.constant 0 : i32
      %dma_start3A_532 = arith.constant 0 : i32
      %dma_start3A_533 = arith.constant 8 : i32
      %dma_start3A_534 = arith.constant 0 : i32
      %dma_start3A_535 = arith.constant 0 : i32
      %dma_start3A_536 = tpu.memref_slice %arg18[%dma_start3A_530, %dma_start3A_531, %dma_start3A_534, %dma_start3A_535] : memref<2x2x8x2048xf32, #tpu.memory_space<vmem>> -> memref<1x1x8x2048xf32, #tpu.memory_space<vmem>>
      %dma_start3A_537 = tpu.memref_squeeze %dma_start3A_536 : memref<1x1x8x2048xf32, #tpu.memory_space<vmem>> -> memref<8x2048xf32, #tpu.memory_space<vmem>>
      %dma_start3A_538 = arith.constant 0 : i32
      %dma_start3A_539 = tpu.memref_slice %arg8[%dma_start3A_532, %dma_start3A_533, %add3A_283, %dma_start3A_538] : memref<1x12x2048x2048xf32, #tpu.memory_space<hbm>> -> memref<1x1x8x2048xf32, #tpu.memory_space<hbm>>
      %dma_start3A_540 = tpu.memref_squeeze %dma_start3A_539 : memref<1x1x8x2048xf32, #tpu.memory_space<hbm>> -> memref<8x2048xf32, #tpu.memory_space<hbm>>
      %dma_start3A_541 = arith.constant 0 : i32
      %dma_start3A_542 = tpu.memref_slice %arg8[%dma_start3A_532, %dma_start3A_533, %add3A_283, %dma_start3A_541] : memref<1x12x2048x2048xf32, #tpu.memory_space<hbm>> -> memref<1x1x8x2048xf32, #tpu.memory_space<hbm>>
      %dma_start3A_543 = tpu.memref_squeeze %dma_start3A_542 : memref<1x1x8x2048xf32, #tpu.memory_space<hbm>> -> memref<8x2048xf32, #tpu.memory_space<hbm>>
      %dma_start3A_544 = arith.constant 0 : i32
      %dma_start3A_545 = arith.constant 0 : i32
      %dma_start3A_546 = tpu.memref_slice %arg18[%dma_start3A_530, %dma_start3A_531, %dma_start3A_544, %dma_start3A_545] : memref<2x2x8x2048xf32, #tpu.memory_space<vmem>> -> memref<1x1x8x2048xf32, #tpu.memory_space<vmem>>
      %dma_start3A_547 = tpu.memref_squeeze %dma_start3A_546 : memref<1x1x8x2048xf32, #tpu.memory_space<vmem>> -> memref<8x2048xf32, #tpu.memory_space<vmem>>
      tpu.enqueue_dma source(%dma_start3A_547 : memref<8x2048xf32, #tpu.memory_space<vmem>>) target(%dma_start3A_543 : memref<8x2048xf32, #tpu.memory_space<hbm>>) target_semaphore(%arg19 : memref<!tpu.dma_semaphore, #tpu.memory_space<semaphore_mem>>)
      %dma_start3A_548 = arith.constant 0 : i32
      %dma_start3A_549 = arith.constant 1 : i32
      %dma_start3A_550 = arith.constant 0 : i32
      %dma_start3A_551 = arith.constant 9 : i32
      %dma_start3A_552 = arith.constant 0 : i32
      %dma_start3A_553 = arith.constant 0 : i32
      %dma_start3A_554 = tpu.memref_slice %arg18[%dma_start3A_548, %dma_start3A_549, %dma_start3A_552, %dma_start3A_553] : memref<2x2x8x2048xf32, #tpu.memory_space<vmem>> -> memref<1x1x8x2048xf32, #tpu.memory_space<vmem>>
      %dma_start3A_555 = tpu.memref_squeeze %dma_start3A_554 : memref<1x1x8x2048xf32, #tpu.memory_space<vmem>> -> memref<8x2048xf32, #tpu.memory_space<vmem>>
      %dma_start3A_556 = arith.constant 0 : i32
      %dma_start3A_557 = tpu.memref_slice %arg8[%dma_start3A_550, %dma_start3A_551, %add3A_283, %dma_start3A_556] : memref<1x12x2048x2048xf32, #tpu.memory_space<hbm>> -> memref<1x1x8x2048xf32, #tpu.memory_space<hbm>>
      %dma_start3A_558 = tpu.memref_squeeze %dma_start3A_557 : memref<1x1x8x2048xf32, #tpu.memory_space<hbm>> -> memref<8x2048xf32, #tpu.memory_space<hbm>>
      %dma_start3A_559 = arith.constant 0 : i32
      %dma_start3A_560 = tpu.memref_slice %arg8[%dma_start3A_550, %dma_start3A_551, %add3A_283, %dma_start3A_559] : memref<1x12x2048x2048xf32, #tpu.memory_space<hbm>> -> memref<1x1x8x2048xf32, #tpu.memory_space<hbm>>
      %dma_start3A_561 = tpu.memref_squeeze %dma_start3A_560 : memref<1x1x8x2048xf32, #tpu.memory_space<hbm>> -> memref<8x2048xf32, #tpu.memory_space<hbm>>
      %dma_start3A_562 = arith.constant 0 : i32
      %dma_start3A_563 = arith.constant 0 : i32
      %dma_start3A_564 = tpu.memref_slice %arg18[%dma_start3A_548, %dma_start3A_549, %dma_start3A_562, %dma_start3A_563] : memref<2x2x8x2048xf32, #tpu.memory_space<vmem>> -> memref<1x1x8x2048xf32, #tpu.memory_space<vmem>>
      %dma_start3A_565 = tpu.memref_squeeze %dma_start3A_564 : memref<1x1x8x2048xf32, #tpu.memory_space<vmem>> -> memref<8x2048xf32, #tpu.memory_space<vmem>>
      tpu.enqueue_dma source(%dma_start3A_565 : memref<8x2048xf32, #tpu.memory_space<vmem>>) target(%dma_start3A_561 : memref<8x2048xf32, #tpu.memory_space<hbm>>) target_semaphore(%arg19 : memref<!tpu.dma_semaphore, #tpu.memory_space<semaphore_mem>>)
      %dma_wait3A_566 = arith.constant 0 : i32
      %dma_wait3A_567 = arith.constant 1 : i32
      %dma_wait3A_568 = arith.constant 0 : i32
      %dma_wait3A_569 = arith.constant 0 : i32
      %dma_wait3A_570 = arith.constant 0 : i32
      %dma_wait3A_571 = tpu.memref_slice %arg18[%dma_wait3A_567, %dma_wait3A_568, %dma_wait3A_569, %dma_wait3A_570] : memref<2x2x8x2048xf32, #tpu.memory_space<vmem>> -> memref<1x2x8x2048xf32, #tpu.memory_space<vmem>>
      %dma_wait3A_572 = tpu.memref_squeeze %dma_wait3A_571 : memref<1x2x8x2048xf32, #tpu.memory_space<vmem>> -> memref<2x8x2048xf32, #tpu.memory_space<vmem>>
      %dma_wait3A_573 = arith.constant 0 : i32
      %dma_wait3A_574 = arith.constant 0 : i32
      %dma_wait3A_575 = arith.constant 0 : i32
      %dma_wait3A_576 = tpu.memref_slice %arg8[%dma_wait3A_566, %dma_wait3A_573, %dma_wait3A_574, %dma_wait3A_575] : memref<1x12x2048x2048xf32, #tpu.memory_space<hbm>> -> memref<1x2x8x2048xf32, #tpu.memory_space<hbm>>
      %dma_wait3A_577 = tpu.memref_squeeze %dma_wait3A_576 : memref<1x2x8x2048xf32, #tpu.memory_space<hbm>> -> memref<2x8x2048xf32, #tpu.memory_space<hbm>>
      %dma_wait3A_578 = arith.constant 0 : i32
      %dma_wait3A_579 = arith.constant 0 : i32
      %dma_wait3A_580 = arith.constant 0 : i32
      %dma_wait3A_581 = tpu.memref_slice %arg18[%dma_wait3A_567, %dma_wait3A_578, %dma_wait3A_579, %dma_wait3A_580] : memref<2x2x8x2048xf32, #tpu.memory_space<vmem>> -> memref<1x2x8x2048xf32, #tpu.memory_space<vmem>>
      %dma_wait3A_582 = tpu.memref_squeeze %dma_wait3A_581 : memref<1x2x8x2048xf32, #tpu.memory_space<vmem>> -> memref<2x8x2048xf32, #tpu.memory_space<vmem>>
      %dma_wait3A_583 = arith.constant 0 : i32
      %dma_wait3A_584 = arith.constant 0 : i32
      %dma_wait3A_585 = arith.constant 0 : i32
      %dma_wait3A_586 = tpu.memref_slice %arg8[%dma_wait3A_566, %dma_wait3A_583, %dma_wait3A_584, %dma_wait3A_585] : memref<1x12x2048x2048xf32, #tpu.memory_space<hbm>> -> memref<1x2x8x2048xf32, #tpu.memory_space<hbm>>
      %dma_wait3A_587 = tpu.memref_squeeze %dma_wait3A_586 : memref<1x2x8x2048xf32, #tpu.memory_space<hbm>> -> memref<2x8x2048xf32, #tpu.memory_space<hbm>>
      tpu.wait_dma2 semaphore(%arg20 : memref<!tpu.dma_semaphore, #tpu.memory_space<semaphore_mem>>) src(%dma_wait3A_587 : memref<2x8x2048xf32, #tpu.memory_space<hbm>>) dst(%dma_wait3A_582 : memref<2x8x2048xf32, #tpu.memory_space<vmem>>)
      %scan3A_588 = arith.constant 0 : i32
      %scan3A_589 = arith.constant 0 : i32
      %scan3A_590 = arith.constant 8 : i32
      %scan3A_591 = arith.addi %scan3A_589, %scan3A_590 : i32
      %scan3A_592 = arith.constant 1 : i32
      scf.for %scan3A_630 = %scan3A_589 to %scan3A_591 step %scan3A_592  : i32 {
        %add3A_631 = arith.addi %add3A_283, %scan3A_630 : i32
        %broadcast_in_dim3A = vector.broadcast %add3A_631 : i32 to vector<16xi32>
        %gather3A_632 = tpu.vector_load_idx %arg12[%broadcast_in_dim3A] : memref<2048xi32, #tpu.memory_space<vmem>>[vector<16xi32>], vector<16xi32>,
        %add3A_633 = arith.constant 111392 : i32
        %add3A_634 = vector.broadcast %add3A_633 : i32 to vector<16xi32>
        %add3A_635 = arith.addi %gather3A_632, %add3A_634 : vector<16xi32>
        %parallel_loop3A = arith.constant 0 : i32
        %parallel_loop3A_636 = arith.constant 128 : i32
        %parallel_loop3A_637 = arith.constant 1 : i32
        scf.for %parallel_loop3A_638 = %parallel_loop3A to %parallel_loop3A_636 step %parallel_loop3A_637  : i32 {
          %parallel_loop3A_639 = arith.constant 16 : i32
          %parallel_loop3A_640 = arith.muli %parallel_loop3A_638, %parallel_loop3A_639 : i32
          %parallel_loop3A_641 = arith.index_cast %parallel_loop3A_640 : i32 to index
          %parallel_loop3A_642 = tpu.vector_load %arg12[%parallel_loop3A_641] {strides = array<i32>} : memref<2048xi32, #tpu.memory_space<vmem>>, vector<16xi32>,
          %parallel_loop3A_643 = arith.subi %add3A_635, %parallel_loop3A_642 : vector<16xi32>
          %parallel_loop3A_644 = arith.constant 6 : i32
          %parallel_loop3A_645 = vector.broadcast %parallel_loop3A_644 : i32 to vector<16xi32>
          %parallel_loop3A_646 = arith.shrui %parallel_loop3A_643, %parallel_loop3A_645 : vector<16xi32>
          %parallel_loop3A_647 = arith.constant 63 : i32
          %parallel_loop3A_648 = vector.broadcast %parallel_loop3A_647 : i32 to vector<16xi32>
          %parallel_loop3A_649 = arith.andi %parallel_loop3A_643, %parallel_loop3A_648 : vector<16xi32>
          %parallel_loop3A_650 = arith.constant 28 : i32
          %parallel_loop3A_651 = arith.constant 36 : i32
          %parallel_loop3A_652 = vector.broadcast %parallel_loop3A_650 : i32 to vector<16xi32>
          %parallel_loop3A_653 = arith.maxsi %parallel_loop3A_652, %parallel_loop3A_649 : vector<16xi32>
          %parallel_loop3A_654 = vector.broadcast %parallel_loop3A_651 : i32 to vector<16xi32>
          %parallel_loop3A_655 = arith.minsi %parallel_loop3A_654, %parallel_loop3A_653 : vector<16xi32>
          %parallel_loop3A_656 = arith.constant 17405 : i32
          %parallel_loop3A_657 = vector.broadcast %parallel_loop3A_656 : i32 to vector<16xi32>
          %parallel_loop3A_658 = arith.addi %parallel_loop3A_646, %parallel_loop3A_657 : vector<16xi32>
          %parallel_loop3A_659 = tpu.vector_load_idx %arg16[%parallel_loop3A_658] : memref<20886xi32, #tpu.memory_space<vmem>>[vector<16xi32>], vector<16xi32>,
          %parallel_loop3A_660 = arith.constant 17 : i32
          %parallel_loop3A_661 = vector.broadcast %parallel_loop3A_660 : i32 to vector<16xi32>
          %parallel_loop3A_662 = arith.addi %parallel_loop3A_655, %parallel_loop3A_661 : vector<16xi32>
          %parallel_loop3A_663 = tpu.vector_load_idx %arg17[%parallel_loop3A_662] : memref<61xi32, #tpu.memory_space<vmem>>[vector<16xi32>], vector<16xi32>,
          %parallel_loop3A_664 = vector.bitcast %parallel_loop3A_659 : vector<16xi32> to vector<32xbf16>
          %parallel_loop3A_665 = vector.bitcast %parallel_loop3A_663 : vector<16xi32> to vector<32xbf16>
          %parallel_loop3A_666 = arith.addf %parallel_loop3A_664, %parallel_loop3A_665 : vector<32xbf16>
          %parallel_loop3A_667 = tpu.unpack_subelements %parallel_loop3A_666, 0 {pack_format = #tpu.pack_format<interleaved>} : vector<32xbf16> -> vector<16xf32>
          %parallel_loop3A_668 = tpu.unpack_subelements %parallel_loop3A_666, 1 {pack_format = #tpu.pack_format<interleaved>} : vector<32xbf16> -> vector<16xf32>
          %parallel_loop3A_669 = arith.constant 16 : i32
          %parallel_loop3A_670 = arith.muli %parallel_loop3A_638, %parallel_loop3A_669 : i32
          %parallel_loop3A_671 = arith.constant 1 : i32
          %parallel_loop3A_672 = arith.constant 0 : i32
          %parallel_loop3A_673 = arith.index_cast %parallel_loop3A_671 : i32 to index
          %parallel_loop3A_674 = arith.index_cast %parallel_loop3A_672 : i32 to index
          %parallel_loop3A_675 = arith.index_cast %scan3A_630 : i32 to index
          %parallel_loop3A_676 = arith.index_cast %parallel_loop3A_670 : i32 to index
          %parallel_loop3A_677 = tpu.vector_load %arg18[%parallel_loop3A_673, %parallel_loop3A_674, %parallel_loop3A_675, %parallel_loop3A_676] {strides = array<i32>} : memref<2x2x8x2048xf32, #tpu.memory_space<vmem>>, vector<16xf32>,
          tpu.vector_store %arg18[%parallel_loop3A_673, %parallel_loop3A_674, %parallel_loop3A_675, %parallel_loop3A_676], %parallel_loop3A_667 {strides = array<i32>} : memref<2x2x8x2048xf32, #tpu.memory_space<vmem>>, vector<16xf32>,
          %parallel_loop3A_678 = arith.constant 16 : i32
          %parallel_loop3A_679 = arith.muli %parallel_loop3A_638, %parallel_loop3A_678 : i32
          %parallel_loop3A_680 = arith.constant 1 : i32
          %parallel_loop3A_681 = arith.constant 1 : i32
          %parallel_loop3A_682 = arith.index_cast %parallel_loop3A_680 : i32 to index
          %parallel_loop3A_683 = arith.index_cast %parallel_loop3A_681 : i32 to index
          %parallel_loop3A_684 = arith.index_cast %scan3A_630 : i32 to index
          %parallel_loop3A_685 = arith.index_cast %parallel_loop3A_679 : i32 to index
          %parallel_loop3A_686 = tpu.vector_load %arg18[%parallel_loop3A_682, %parallel_loop3A_683, %parallel_loop3A_684, %parallel_loop3A_685] {strides = array<i32>} : memref<2x2x8x2048xf32, #tpu.memory_space<vmem>>, vector<16xf32>,
          tpu.vector_store %arg18[%parallel_loop3A_682, %parallel_loop3A_683, %parallel_loop3A_684, %parallel_loop3A_685], %parallel_loop3A_668 {strides = array<i32>} : memref<2x2x8x2048xf32, #tpu.memory_space<vmem>>, vector<16xf32>,
        } {sc.loop_unroll_factor = 8 : i64, sc.parallel_access}
      }
      %scan3A_593 = arith.constant 8 : i32
      %dma_start3A_594 = arith.constant 1 : i32
      %dma_start3A_595 = arith.constant 0 : i32
      %dma_start3A_596 = arith.constant 0 : i32
      %dma_start3A_597 = arith.constant 10 : i32
      %dma_start3A_598 = arith.constant 0 : i32
      %dma_start3A_599 = arith.constant 0 : i32
      %dma_start3A_600 = tpu.memref_slice %arg18[%dma_start3A_594, %dma_start3A_595, %dma_start3A_598, %dma_start3A_599] : memref<2x2x8x2048xf32, #tpu.memory_space<vmem>> -> memref<1x1x8x2048xf32, #tpu.memory_space<vmem>>
      %dma_start3A_601 = tpu.memref_squeeze %dma_start3A_600 : memref<1x1x8x2048xf32, #tpu.memory_space<vmem>> -> memref<8x2048xf32, #tpu.memory_space<vmem>>
      %dma_start3A_602 = arith.constant 0 : i32
      %dma_start3A_603 = tpu.memref_slice %arg8[%dma_start3A_596, %dma_start3A_597, %add3A_283, %dma_start3A_602] : memref<1x12x2048x2048xf32, #tpu.memory_space<hbm>> -> memref<1x1x8x2048xf32, #tpu.memory_space<hbm>>
      %dma_start3A_604 = tpu.memref_squeeze %dma_start3A_603 : memref<1x1x8x2048xf32, #tpu.memory_space<hbm>> -> memref<8x2048xf32, #tpu.memory_space<hbm>>
      %dma_start3A_605 = arith.constant 0 : i32
      %dma_start3A_606 = tpu.memref_slice %arg8[%dma_start3A_596, %dma_start3A_597, %add3A_283, %dma_start3A_605] : memref<1x12x2048x2048xf32, #tpu.memory_space<hbm>> -> memref<1x1x8x2048xf32, #tpu.memory_space<hbm>>
      %dma_start3A_607 = tpu.memref_squeeze %dma_start3A_606 : memref<1x1x8x2048xf32, #tpu.memory_space<hbm>> -> memref<8x2048xf32, #tpu.memory_space<hbm>>
      %dma_start3A_608 = arith.constant 0 : i32
      %dma_start3A_609 = arith.constant 0 : i32
      %dma_start3A_610 = tpu.memref_slice %arg18[%dma_start3A_594, %dma_start3A_595, %dma_start3A_608, %dma_start3A_609] : memref<2x2x8x2048xf32, #tpu.memory_space<vmem>> -> memref<1x1x8x2048xf32, #tpu.memory_space<vmem>>
      %dma_start3A_611 = tpu.memref_squeeze %dma_start3A_610 : memref<1x1x8x2048xf32, #tpu.memory_space<vmem>> -> memref<8x2048xf32, #tpu.memory_space<vmem>>
      tpu.enqueue_dma source(%dma_start3A_611 : memref<8x2048xf32, #tpu.memory_space<vmem>>) target(%dma_start3A_607 : memref<8x2048xf32, #tpu.memory_space<hbm>>) target_semaphore(%arg20 : memref<!tpu.dma_semaphore, #tpu.memory_space<semaphore_mem>>)
      %dma_start3A_612 = arith.constant 1 : i32
      %dma_start3A_613 = arith.constant 1 : i32
      %dma_start3A_614 = arith.constant 0 : i32
      %dma_start3A_615 = arith.constant 11 : i32
      %dma_start3A_616 = arith.constant 0 : i32
      %dma_start3A_617 = arith.constant 0 : i32
      %dma_start3A_618 = tpu.memref_slice %arg18[%dma_start3A_612, %dma_start3A_613, %dma_start3A_616, %dma_start3A_617] : memref<2x2x8x2048xf32, #tpu.memory_space<vmem>> -> memref<1x1x8x2048xf32, #tpu.memory_space<vmem>>
      %dma_start3A_619 = tpu.memref_squeeze %dma_start3A_618 : memref<1x1x8x2048xf32, #tpu.memory_space<vmem>> -> memref<8x2048xf32, #tpu.memory_space<vmem>>
      %dma_start3A_620 = arith.constant 0 : i32
      %dma_start3A_621 = tpu.memref_slice %arg8[%dma_start3A_614, %dma_start3A_615, %add3A_283, %dma_start3A_620] : memref<1x12x2048x2048xf32, #tpu.memory_space<hbm>> -> memref<1x1x8x2048xf32, #tpu.memory_space<hbm>>
      %dma_start3A_622 = tpu.memref_squeeze %dma_start3A_621 : memref<1x1x8x2048xf32, #tpu.memory_space<hbm>> -> memref<8x2048xf32, #tpu.memory_space<hbm>>
      %dma_start3A_623 = arith.constant 0 : i32
      %dma_start3A_624 = tpu.memref_slice %arg8[%dma_start3A_614, %dma_start3A_615, %add3A_283, %dma_start3A_623] : memref<1x12x2048x2048xf32, #tpu.memory_space<hbm>> -> memref<1x1x8x2048xf32, #tpu.memory_space<hbm>>
      %dma_start3A_625 = tpu.memref_squeeze %dma_start3A_624 : memref<1x1x8x2048xf32, #tpu.memory_space<hbm>> -> memref<8x2048xf32, #tpu.memory_space<hbm>>
      %dma_start3A_626 = arith.constant 0 : i32
      %dma_start3A_627 = arith.constant 0 : i32
      %dma_start3A_628 = tpu.memref_slice %arg18[%dma_start3A_612, %dma_start3A_613, %dma_start3A_626, %dma_start3A_627] : memref<2x2x8x2048xf32, #tpu.memory_space<vmem>> -> memref<1x1x8x2048xf32, #tpu.memory_space<vmem>>
      %dma_start3A_629 = tpu.memref_squeeze %dma_start3A_628 : memref<1x1x8x2048xf32, #tpu.memory_space<vmem>> -> memref<8x2048xf32, #tpu.memory_space<vmem>>
      tpu.enqueue_dma source(%dma_start3A_629 : memref<8x2048xf32, #tpu.memory_space<vmem>>) target(%dma_start3A_625 : memref<8x2048xf32, #tpu.memory_space<hbm>>) target_semaphore(%arg20 : memref<!tpu.dma_semaphore, #tpu.memory_space<semaphore_mem>>)
    }
    %scan3A_236 = arith.constant 8 : i32
    %dma_wait3A = arith.constant 0 : i32
    %dma_wait3A_237 = arith.constant 0 : i32
    %dma_wait3A_238 = arith.constant 0 : i32
    %dma_wait3A_239 = arith.constant 0 : i32
    %dma_wait3A_240 = arith.constant 0 : i32
    %dma_wait3A_241 = tpu.memref_slice %arg18[%dma_wait3A_237, %dma_wait3A_238, %dma_wait3A_239, %dma_wait3A_240] : memref<2x2x8x2048xf32, #tpu.memory_space<vmem>> -> memref<1x2x8x2048xf32, #tpu.memory_space<vmem>>
    %dma_wait3A_242 = tpu.memref_squeeze %dma_wait3A_241 : memref<1x2x8x2048xf32, #tpu.memory_space<vmem>> -> memref<2x8x2048xf32, #tpu.memory_space<vmem>>
    %dma_wait3A_243 = arith.constant 0 : i32
    %dma_wait3A_244 = arith.constant 0 : i32
    %dma_wait3A_245 = arith.constant 0 : i32
    %dma_wait3A_246 = tpu.memref_slice %arg8[%dma_wait3A, %dma_wait3A_243, %dma_wait3A_244, %dma_wait3A_245] : memref<1x12x2048x2048xf32, #tpu.memory_space<hbm>> -> memref<1x2x8x2048xf32, #tpu.memory_space<hbm>>
    %dma_wait3A_247 = tpu.memref_squeeze %dma_wait3A_246 : memref<1x2x8x2048xf32, #tpu.memory_space<hbm>> -> memref<2x8x2048xf32, #tpu.memory_space<hbm>>
    %dma_wait3A_248 = arith.constant 0 : i32
    %dma_wait3A_249 = arith.constant 0 : i32
    %dma_wait3A_250 = arith.constant 0 : i32
    %dma_wait3A_251 = tpu.memref_slice %arg18[%dma_wait3A_237, %dma_wait3A_248, %dma_wait3A_249, %dma_wait3A_250] : memref<2x2x8x2048xf32, #tpu.memory_space<vmem>> -> memref<1x2x8x2048xf32, #tpu.memory_space<vmem>>
    %dma_wait3A_252 = tpu.memref_squeeze %dma_wait3A_251 : memref<1x2x8x2048xf32, #tpu.memory_space<vmem>> -> memref<2x8x2048xf32, #tpu.memory_space<vmem>>
    %dma_wait3A_253 = arith.constant 0 : i32
    %dma_wait3A_254 = arith.constant 0 : i32
    %dma_wait3A_255 = arith.constant 0 : i32
    %dma_wait3A_256 = tpu.memref_slice %arg8[%dma_wait3A, %dma_wait3A_253, %dma_wait3A_254, %dma_wait3A_255] : memref<1x12x2048x2048xf32, #tpu.memory_space<hbm>> -> memref<1x2x8x2048xf32, #tpu.memory_space<hbm>>
    %dma_wait3A_257 = tpu.memref_squeeze %dma_wait3A_256 : memref<1x2x8x2048xf32, #tpu.memory_space<hbm>> -> memref<2x8x2048xf32, #tpu.memory_space<hbm>>
    tpu.wait_dma2 semaphore(%arg19 : memref<!tpu.dma_semaphore, #tpu.memory_space<semaphore_mem>>) src(%dma_wait3A_257 : memref<2x8x2048xf32, #tpu.memory_space<hbm>>) dst(%dma_wait3A_252 : memref<2x8x2048xf32, #tpu.memory_space<vmem>>)
    %dma_wait3A_258 = arith.constant 0 : i32
    %dma_wait3A_259 = arith.constant 1 : i32
    %dma_wait3A_260 = arith.constant 0 : i32
    %dma_wait3A_261 = arith.constant 0 : i32
    %dma_wait3A_262 = arith.constant 0 : i32
    %dma_wait3A_263 = tpu.memref_slice %arg18[%dma_wait3A_259, %dma_wait3A_260, %dma_wait3A_261, %dma_wait3A_262] : memref<2x2x8x2048xf32, #tpu.memory_space<vmem>> -> memref<1x2x8x2048xf32, #tpu.memory_space<vmem>>
    %dma_wait3A_264 = tpu.memref_squeeze %dma_wait3A_263 : memref<1x2x8x2048xf32, #tpu.memory_space<vmem>> -> memref<2x8x2048xf32, #tpu.memory_space<vmem>>
    %dma_wait3A_265 = arith.constant 0 : i32
    %dma_wait3A_266 = arith.constant 0 : i32
    %dma_wait3A_267 = arith.constant 0 : i32
    %dma_wait3A_268 = tpu.memref_slice %arg8[%dma_wait3A_258, %dma_wait3A_265, %dma_wait3A_266, %dma_wait3A_267] : memref<1x12x2048x2048xf32, #tpu.memory_space<hbm>> -> memref<1x2x8x2048xf32, #tpu.memory_space<hbm>>
    %dma_wait3A_269 = tpu.memref_squeeze %dma_wait3A_268 : memref<1x2x8x2048xf32, #tpu.memory_space<hbm>> -> memref<2x8x2048xf32, #tpu.memory_space<hbm>>
    %dma_wait3A_270 = arith.constant 0 : i32
    %dma_wait3A_271 = arith.constant 0 : i32
    %dma_wait3A_272 = arith.constant 0 : i32
    %dma_wait3A_273 = tpu.memref_slice %arg18[%dma_wait3A_259, %dma_wait3A_270, %dma_wait3A_271, %dma_wait3A_272] : memref<2x2x8x2048xf32, #tpu.memory_space<vmem>> -> memref<1x2x8x2048xf32, #tpu.memory_space<vmem>>
    %dma_wait3A_274 = tpu.memref_squeeze %dma_wait3A_273 : memref<1x2x8x2048xf32, #tpu.memory_space<vmem>> -> memref<2x8x2048xf32, #tpu.memory_space<vmem>>
    %dma_wait3A_275 = arith.constant 0 : i32
    %dma_wait3A_276 = arith.constant 0 : i32
    %dma_wait3A_277 = arith.constant 0 : i32
    %dma_wait3A_278 = tpu.memref_slice %arg8[%dma_wait3A_258, %dma_wait3A_275, %dma_wait3A_276, %dma_wait3A_277] : memref<1x12x2048x2048xf32, #tpu.memory_space<hbm>> -> memref<1x2x8x2048xf32, #tpu.memory_space<hbm>>
    %dma_wait3A_279 = tpu.memref_squeeze %dma_wait3A_278 : memref<1x2x8x2048xf32, #tpu.memory_space<hbm>> -> memref<2x8x2048xf32, #tpu.memory_space<hbm>>
    tpu.wait_dma2 semaphore(%arg20 : memref<!tpu.dma_semaphore, #tpu.memory_space<semaphore_mem>>) src(%dma_wait3A_279 : memref<2x8x2048xf32, #tpu.memory_space<hbm>>) dst(%dma_wait3A_274 : memref<2x8x2048xf32, #tpu.memory_space<vmem>>)
    return
  }
}

</mosaic_0001>

<sc_bundles>
// kernel: kernel.3.cloned.1.call-start
scs
__scs_entry_jumppad:
0x0: {  	(pc) =	sbr.rel $0x88, $3  }
0x1: {  	(tag) =	ssettag $0x0;
	lr =	simm.s32 $0x1  }
0x2: {  	[smem:$0x3F9D] =	sst lr;
	_ =	strace $0xD0000000  }
0x3: {  	_ = 	snop  }
0x4: {  	_ = 	snop  }
0x5: {  	_ = 	snop  }
0x6: {  	_ = 	snop  }
0x7: {  	_ = 	snop  }
__scs_overlays_trampoline_lowered:
0x8: {  	[smem:$0x3FAC] =	sst s0  }
0x9: {  	[smem:$0x3FAD] =	sst s1  }
0xa: {  	[smem:$0x3FAE] =	sst s2  }
0xb: {  	[smem:$0x3FAF] =	sst s3  }
0xc: {  	[smem:$0x3FB0] =	sst s4  }
0xd: {  	[smem:$0x3FB1] =	sst s5  }
0xe: {  	[smem:$0x3FB2] =	sst s6  }
0xf: {  	[smem:$0x3FB3] =	sst s7  }
0x10: {  	[smem:$0x3FB4] =	sst s8  }
0x11: {  	[smem:$0x3FB5] =	sst s9;
	s0 =	simm.s32 @!p0 $0x0  }
0x12: {  	s1 =	sld [smem:$0x3F9B];
	s0 =	simm.s32 @p0 $0x1  }
0x13: {  	[smem:$0x3FB6] =	sst s0;
	s0 =	simm.s32 @!p1 $0x0  }
0x14: {  	s2 =	sld [smem:$0x3F9A];
	s0 =	simm.s32 @p1 $0x1  }
0x15: {  	[smem:$0x3FB7] =	sst s0;
	s0 =	simm.s32 @!p2 $0x0  }
0x16: {  	s3 =	sld [smem:$0x3FDB];
	s0 =	simm.s32 @p2 $0x1  }
0x17: {  	s4 =	simm.s32 $0x1BF5;
	[smem:$0x3FB9] =	sst s0  }
0x18: {  	s0 =	sld [smem:$0x3F9C];
	_ =	swait.ge [sflag:s4], $0x0  }
0x19: {  	s7 =	sld [smem:$0x3F9D]  }
0x1a: {  	s8 =	sadd.s32 $0xFFFFE003, lr  }
0x1b: {  	s9 =	sadd.s32 $0xFFFFFEF7, lr;
	s5 =	simm.s32 $0xFFFFFFFF;
	p2 =	slt.u32 s8, $0xFFFFF086  }
0x1c: {  	p1 =	slt.u32 s9, $0xF7A;
	s5 =	simm.s32 @!p2 $0x0  }
0x1d: {  	s5 =	simm.s32 @p1 $0x1;
	p0 =	seq.s32 s7, s2  }
0x1e: {  	s7 =	smul.u32 @!p0 $0xF7A, s2;
	p2 =	seq.s32 @!p0 s5, $0x0  }
0x1f: {  	s9 =	smul.u32 $0xF7A, s1;
	s8 =	simm.s32 @!p0 $0x1BF5;
	p2 =	por !p2, p0  }
0x20: {  	[sflag:s8] =	ssyncset.s32 @!p0 $0xFFFFF086;
	s6 =	sadd.s32 @!p0 s3, s7;
	s7 =	simm.s32 @!p0 $0x108  }
0x21: {  	s3 =	sadd.s32 s3, s9;
	s6 =	sadd.s32 @!p0 $0x88, s6;
	s7 =	simm.s32 @p2 $0x1082  }
0x22: {  	[simem:s7], [sflag:s8] =	dma.local @!p0 [hbm:s6], $0xF7A  }
0x23: {  	s9 =	sor.u32 $0xD0000000, s2;
	s6 =	simm.s32 $0x108;
	_ =	swait.ge @!p0 [sflag:s8], $0x0  }
0x24: {  	s3 =	sadd.s32 $0x88, s3;
	s6 =	simm.s32 @!p1 $0x1082;
	[sflag:s4] =	ssyncset.s32 $0xFFFFF086  }
0x25: {  	[simem:s6], [sflag:s4] =	dma.local [hbm:s3], $0xF7A  }
0x26: {  	[smem:$0x3F9D] =	sst s1;
	(tag) =	ssettag s2;
	_ =	strace s9  }
0x27: {  	s1 =	sld [smem:$0x3FAD]  }
0x28: {  	s2 =	sld [smem:$0x3FAE]  }
0x29: {  	s4 =	sld [smem:$0x3FB0]  }
0x2a: {  	p0 =	seq.s32 s5, $0x0;
	s5 =	sld [smem:$0x3FB1]  }
0x2b: {  	s6 =	sld [smem:$0x3FB2]  }
0x2c: {  	s7 =	sld [smem:$0x3FB3]  }
0x2d: {  	s3 =	simm.s32 $0x108;
	s8 =	sld [smem:$0x3FB4]  }
0x2e: {  	s3 =	simm.s32 @!p0 $0x1082;
	s9 =	sld [smem:$0x3FB5]  }
0x2f: {  	lr =	sadd.s32 s0, s3;
	s0 =	sld [smem:$0x3FAC]  }
0x30: {  	s3 =	sld [smem:$0x3FAF]  }
0x31: {  	[smem:$0x3FB8] =	sst s10  }
0x32: {  	s10 =	sld [smem:$0x3FB6];
	_ =	sdelay $0x3  }
0x33: {  	p0 =	seq.s32 s10, $0x1;
	s10 =	sld [smem:$0x3FB8];
	_ =	sdelay $0x3  }
0x34: {  	[smem:$0x3FB8] =	sst s10  }
0x35: {  	s10 =	sld [smem:$0x3FB7];
	_ =	sdelay $0x3  }
0x36: {  	p1 =	seq.s32 s10, $0x1;
	s10 =	sld [smem:$0x3FB8];
	_ =	sdelay $0x3  }
0x37: {  	[smem:$0x3FB8] =	sst s10  }
0x38: {  	s10 =	sld [smem:$0x3FB9]  }
0x39: {  	_ = 	snop;
	(pc) =	sbr.ind lr, $3  }
0x3a: {  	_ = 	snop  }
0x3b: {  	_ = 	snop  }
0x3c: {  	p2 =	seq.s32 s10, $0x1;
	s10 =	sld [smem:$0x3FB8]  }
0x3d: {  	_ =	shalt  }
0x3e: {  	_ =	shalt  }
0x3f: {  	_ =	shalt  }
0x40: {  	_ =	shalt  }
0x41: {  	_ =	shalt  }
0x42: {  	_ =	shalt  }
0x43: {  	_ =	shalt  }
0x44: {  	_ =	shalt  }
0x45: {  	_ =	shalt  }
0x46: {  	_ =	shalt  }
0x47: {  	_ =	shalt  }
0x48: {  	_ =	shalt  }
0x49: {  	_ =	shalt  }
0x4a: {  	_ =	shalt  }
0x4b: {  	_ =	shalt  }
0x4c: {  	_ =	shalt  }
0x4d: {  	_ =	shalt  }
0x4e: {  	_ =	shalt  }
0x4f: {  	_ =	shalt  }
0x50: {  	_ =	shalt  }
0x51: {  	_ =	shalt  }
0x52: {  	_ =	shalt  }
0x53: {  	_ =	shalt  }
0x54: {  	_ =	shalt  }
0x55: {  	_ =	shalt  }
0x56: {  	_ =	shalt  }
0x57: {  	_ =	shalt  }
0x58: {  	_ =	shalt  }
0x59: {  	_ =	shalt  }
0x5a: {  	_ =	shalt  }
0x5b: {  	_ =	shalt  }
0x5c: {  	_ =	shalt  }
0x5d: {  	_ =	shalt  }
0x5e: {  	_ =	shalt  }
0x5f: {  	_ =	shalt  }
0x60: {  	_ =	shalt  }
0x61: {  	_ =	shalt  }
0x62: {  	_ =	shalt  }
0x63: {  	_ =	shalt  }
0x64: {  	_ =	shalt  }
0x65: {  	_ =	shalt  }
0x66: {  	_ =	shalt  }
0x67: {  	_ =	shalt  }
0x68: {  	_ =	shalt  }
0x69: {  	_ =	shalt  }
0x6a: {  	_ =	shalt  }
0x6b: {  	_ =	shalt  }
0x6c: {  	_ =	shalt  }
0x6d: {  	_ =	shalt  }
0x6e: {  	_ =	shalt  }
0x6f: {  	_ =	shalt  }
0x70: {  	_ =	shalt  }
0x71: {  	_ =	shalt  }
0x72: {  	_ =	shalt  }
0x73: {  	_ =	shalt  }
0x74: {  	_ =	shalt  }
0x75: {  	_ =	shalt  }
0x76: {  	_ =	shalt  }
0x77: {  	_ =	shalt  }
0x78: {  	_ =	shalt  }
0x79: {  	_ =	shalt  }
0x7a: {  	_ =	shalt  }
0x7b: {  	_ =	shalt  }
0x7c: {  	_ =	shalt  }
0x7d: {  	_ =	shalt  }
0x7e: {  	_ =	shalt  }
0x7f: {  	_ =	shalt  }
0x80: {  	_ =	shalt  }
0x81: {  	_ =	shalt  }
0x82: {  	_ =	shalt  }
0x83: {  	_ =	shalt  }
0x84: {  	_ =	shalt  }
0x85: {  	_ =	shalt  }
0x86: {  	_ =	shalt  }
0x87: {  	_ =	shalt  }
.Lfunc_end0:
.L_simem_size_0:
called_computation_lowered:
.L_overlay_start_0:
0x88: {  	s2 =	sld [smem:$0x3FD9]  }
0x89: {  	s3 =	sld [smem:$0x3FFE];
	_ =	sdelay $0x1  }
0x8a: {  	s1 =	srdreg.scid  }
0x8b: {  	s0 =	sand.u32 $0x1, s1  }
0x8c: {  	s17 =	sshll.u32 s0, $0xA;
	s2 =	sadd.s32 s3, s2  }
0x8d: {  	s2 =	sadd.s32 s2, s17  }
0x8e: {  	[smem:$0x3FC4] =	sst s2  }
0x8f: {  	_ = 	snop  }
0x90: {  	s2 =	sld [smem:$0x3FD0];
	(tm) =	ssettm $0x1  }
0x91: {  	s18 =	sld [smem:$0x3FFB];
	_ =	sdelay $0x3  }
0x92: {  	_ =	strace s18  }
0x93: {  	s3 =	sld [smem:$0x3FFC];
	_ =	sdelay $0x3  }
0x94: {  	_ =	strace s3  }
0x95: {  	s3 =	sld [smem:$0x3FFD];
	_ =	sdelay $0x3  }
0x96: {  	_ =	strace s3  }
0x97: {  	_ =	strace $0x8FFFFFFF  }
0x98: {  	s19 =	sld [smem:$0x3FDB];
	_ =	sdelay $0x1  }
0x99: {  	s4 =	simm.s32 $_scs_section_size  }
0x9a: {  	s5 =	simm.s32 $_size__tile_overlayer_lowered;
	s6 =	simm.s32 $_tile_overlayer_lowered  }
0x9b: {  	s22 =	simm.s32 $0x1BFF;
	s21 =	sshll.u32 s6, $0x1;
	s3 =	sadd.s32 s4, s19  }
0x9c: {  	s7 =	simm.s32 $0x0;
	s20 =	sshll.u32 s5, $0x1;
	s5 =	sadd.s32 s21, s3  }
0x9d: {  	[timem:s7], [sflag:s22] =	dma.local [hbm:s5], s20  }
0x9e: {  	_ =	swait.ge [sflag:s22], s20  }
0x9f: {  	s4 =	ssub.s32 $0x0, s20;
	[sflag:s22] =	ssyncset.done $0x0  }
0xa0: {  	[sflag:s22] =	ssyncadd.s32 s4;
	_ =	sdelay $0x1  }
0xa1: {  	s23 =	simm.s32 $0x1B8B  }
0xa2: {  	_ =	swait.ge [sflag:s23], $0x1  }
0xa3: {  	[sflag:s23] =	ssyncset.done $0x0  }
0xa4: {  	s25 =	simm.s32 $0x1B8E;
	s24 =	sld [smem:$0x3FFE];
	[sflag:s23] =	ssyncadd.s32 $0xFFFFFFFF  }
0xa5: {  	s26 =	simm.s32 $execute0_lowered;
	[smem:$0x3FD2] =	sst s25  }
0xa6: {  	s5 =	sshll.u32 s26, $0x1;
	_ =	strace $0x80000046;
	[dreg:$0x1] =	wrdreg $0xFFFFFFFF  }
0xa7: {  	s28 =	simm.s32 $_size_execute0_lowered;
	s3 =	sadd.s32 s3, s5;
	[dreg:$0x0] =	wrdreg $0x0  }
0xa8: {  	s5 =	sshll.u32 s28, $0x1;
	[dreg:$0x2] =	wrdreg s3  }
0xa9: {  	[dreg:$0x3] =	wrdreg s5  }
0xaa: {  	[dreg:$0x4] =	wrdreg $0xC0  }
0xab: {  	_ =	task [dreg:s7], $0x5FFFF  }
0xac: {  	[dreg:$0x1] =	wrdreg $0xFFFFFFFF  }
0xad: {  	[dreg:$0x0] =	wrdreg $0x60  }
0xae: {  	[dreg:$0x2] =	wrdreg s24  }
0xaf: {  	[dreg:$0x3] =	wrdreg s2  }
0xb0: {  	[dreg:$0x4] =	wrdreg $0x9  }
0xb1: {  	_ =	task.clear_ibuf [dreg:s7], $0x5FFFF;
	_ =	strace $0x90000046  }
0xb2: {  	s29 =	simm.s32 $0x9;
	_ =	strace $0x80000048  }
0xb3: {  	_ =	swait.ge [sflag:s29], $0x1  }
0xb4: {  	[sflag:s29] =	ssyncadd.s32 $0xFFFFFFFF  }
0xb5: {  	_ =	strace $0x90000048  }
0xb6: {  	_ =	sfence  }
0xb7: {  	s30 =	sld [smem:$0x0];
	_ =	sdelay $0x2  }
0xb8: {  	s31 =	sshll.u32 s1, $0xD;
	s1 =	sshrl.u32 s1, $0x2  }
0xb9: {  	s3 =	sand.u32 $0x4000, s31;
	s1 =	sadd.s32 s1, s30  }
0xba: {  	s0 =	sor.u32 s3, s0;
	s1 =	sshll.u32 s1, $0x11  }
0xbb: {  	s0 =	sor.u32 s1, s0  }
0xbc: {  	s0 =	sadd.s32 $0x8F2B, s0  }
0xbd: {  	[sflag:s0] =	ssyncadd.remote.s32 $0x1  }
0xbe: {  	_ =	sfence.sel $0xFFFF  }
0xbf: {  	[dreg:$0x0] =	wrdreg $0xFFFFFFFF;
	(pc) =	sbr.abs _section_cstart, $3  }
0xc0: {  	[dreg:$0x1] =	wrdreg $0xFFFFFFFF  }
0xc1: {  	_ =	task.clear_ibuf [dreg:s7], $0x2FFFF;
	_ =	strace $0x9FFFFFFF  }
0xc2: {  	(tm) =	ssettm $0x7FFFFFFF  }
0xc3: {  	_ =	shalt  }
tec
execute0_lowered:
.L_overlay_start_1:
0x0: {  	(tag) =	ssettag $0x1  }
0x1: {  	v0 =	vimm.s32 $0x24180C00  }
0x2: {  	v0 =	vunpack.c.0.s8.s32 v0  }
0x3: {  	vm0 =	vcmask $0xF00;
	v1 =	vimm.s32 $0x54483C30  }
0x4: {  	v1 =	vunpack.c.0.s8.s32 v1;
	v2 =	vnsel vm0, $0x60, v0;
	v0 =	vimm.s32 $0x25190D01  }
0x5: {  	v4 =	vimm.s32 $0x55493D31;
	vm1 =	vcmask $0x1F10;
	v3 =	vunpack.c.0.s8.s32 v0  }
0x6: {  	v4 =	vunpack.c.0.s8.s32 v4;
	v1 =	vsel vm1, v1, v2  }
0x7: {  	[tilespmem:$0x1FD20] =	vst v1;
	v1 =	vnsel vm0, $0x61, v3  }
0x8: {  	vm14 =	vcmask $0x300;
	vm13 =	vcmask $0x704;
	v1 =	vsel vm1, v4, v1  }
0x9: {  	vm12 =	vcmask $0xB08;
	vm11 =	vcmask $0xF0C;
	[tilespmem:$0x1FD30] =	vst v1;
	v1 =	vimm.s32 $0x300  }
0xa: {  	vm10 =	vcmask $0x1310;
	v2 =	vimm.s32 $0x301;
	v1 =	vsel vm14, $0x264, v1  }
0xb: {  	vm9 =	vcmask $0x1714;
	v2 =	vsel vm14, $0x265, v2;
	v1 =	vsel vm13, $0x270, v1  }
0xc: {  	vm8 =	vcmask $0x1B18;
	v2 =	vsel vm13, $0x271, v2;
	v1 =	vsel vm12, $0x27C, v1  }
0xd: {  	vm7 =	vcmask $0x1F1C;
	v2 =	vsel vm12, $0x27D, v2;
	v1 =	vsel vm11, $0x288, v1  }
0xe: {  	vm6 =	vcmask $0x2320;
	v2 =	vsel vm11, $0x289, v2;
	v1 =	vsel vm10, $0x294, v1  }
0xf: {  	vm5 =	vcmask $0x2724;
	v2 =	vsel vm10, $0x295, v2;
	v1 =	vsel vm9, $0x2A0, v1  }
0x10: {  	vm4 =	vcmask $0x2B28;
	v2 =	vsel vm9, $0x2A1, v2;
	v1 =	vsel vm8, $0x2AC, v1  }
0x11: {  	vm2 =	vcmask $0x2F2C;
	v2 =	vsel vm8, $0x2AD, v2;
	v1 =	vsel vm7, $0x2B8, v1  }
0x12: {  	vm3 =	vcmask $0x3330;
	v2 =	vsel vm7, $0x2B9, v2;
	v1 =	vsel vm6, $0x2C4, v1  }
0x13: {  	v3 =	vimm.s32 $0x261A0E02;
	v2 =	vsel vm6, $0x2C5, v2;
	v1 =	vsel vm5, $0x2D0, v1  }
0x14: {  	v3 =	vunpack.c.0.s8.s32 v3;
	v2 =	vsel vm5, $0x2D1, v2;
	v1 =	vsel vm4, $0x2DC, v1  }
0x15: {  	v4 =	vimm.s32 $0x564A3E32;
	v2 =	vsel vm4, $0x2DD, v2;
	v1 =	vsel vm2, $0x2E8, v1  }
0x16: {  	v2 =	vsel vm2, $0x2E9, v2;
	v18 =	vsel vm3, $0x2F4, v1;
	v1 =	vunpack.c.0.s8.s32 v4  }
0x17: {  	v19 =	vsel vm3, $0x2F5, v2;
	v2 =	vnsel vm0, $0x62, v3  }
0x18: {  	v3 =	vimm.s32 $0x271B0F03;
	v1 =	vsel vm1, v1, v2  }
0x19: {  	v2 =	vimm.s32 $0x302;
	[tilespmem:$0x1FD40] =	vst v1;
	v1 =	vunpack.c.0.s8.s32 v3;
	v3 =	vimm.s32 $0x574B3F33  }
0x1a: {  	v4 =	vimm.s32 $0x303;
	v2 =	vsel vm14, $0x266, v2;
	v3 =	vunpack.c.0.s8.s32 v3  }
0x1b: {  	v4 =	vsel vm14, $0x267, v4;
	v2 =	vsel vm13, $0x272, v2;
	v1 =	vnsel vm0, $0x63, v1  }
0x1c: {  	v4 =	vsel vm13, $0x273, v4;
	v2 =	vsel vm12, $0x27E, v2;
	v1 =	vsel vm1, v3, v1  }
0x1d: {  	[tilespmem:$0x1FD50] =	vst v1;
	v1 =	vsel vm11, $0x28A, v2;
	v2 =	vsel vm12, $0x27F, v4  }
0x1e: {  	v1 =	vsel vm10, $0x296, v1;
	v2 =	vsel vm11, $0x28B, v2  }
0x1f: {  	v1 =	vsel vm9, $0x2A2, v1;
	v2 =	vsel vm10, $0x297, v2  }
0x20: {  	v1 =	vsel vm8, $0x2AE, v1;
	v2 =	vsel vm9, $0x2A3, v2  }
0x21: {  	v0 =	vlaneseq.u32;
	v1 =	vsel vm7, $0x2BA, v1;
	v2 =	vsel vm8, $0x2AF, v2  }
0x22: {  	v3 =	vadd.s32 $0x9, v0;
	v1 =	vsel vm6, $0x2C6, v1;
	v2 =	vsel vm7, $0x2BB, v2  }
0x23: {  	[tilespmem:$0x1FD60] =	vst v3;
	v3 =	vimm.s32 $0x281C1004;
	v1 =	vsel vm5, $0x2D2, v1;
	v2 =	vsel vm6, $0x2C7, v2  }
0x24: {  	v4 =	vimm.s32 $0x584C4034;
	v1 =	vsel vm4, $0x2DE, v1;
	v2 =	vsel vm5, $0x2D3, v2  }
0x25: {  	v3 =	vunpack.c.0.s8.s32 v3;
	v1 =	vsel vm2, $0x2EA, v1;
	v2 =	vsel vm4, $0x2DF, v2  }
0x26: {  	v2 =	vsel vm2, $0x2EB, v2;
	v26 =	vsel vm3, $0x2F6, v1;
	v1 =	vunpack.c.0.s8.s32 v4  }
0x27: {  	v27 =	vsel vm3, $0x2F7, v2;
	v2 =	vnsel vm0, $0x64, v3  }
0x28: {  	v4 =	vimm.s32 $0x304;
	v3 =	vimm.s32 $0x291D1105;
	v1 =	vsel vm1, v1, v2  }
0x29: {  	v2 =	vsel vm14, $0x268, v4;
	[tilespmem:$0x1FD70] =	vst v1;
	v1 =	vunpack.c.0.s8.s32 v3;
	v3 =	vimm.s32 $0x594D4135  }
0x2a: {  	v4 =	vimm.s32 $0x305;
	v2 =	vsel vm13, $0x274, v2;
	v3 =	vunpack.c.0.s8.s32 v3  }
0x2b: {  	v4 =	vsel vm14, $0x269, v4;
	v2 =	vsel vm12, $0x280, v2;
	v1 =	vnsel vm0, $0x65, v1  }
0x2c: {  	v4 =	vsel vm13, $0x275, v4;
	v2 =	vsel vm11, $0x28C, v2;
	v1 =	vsel vm1, v3, v1  }
0x2d: {  	[tilespmem:$0x1FD80] =	vst v1;
	v1 =	vsel vm10, $0x298, v2;
	v2 =	vsel vm12, $0x281, v4  }
0x2e: {  	v1 =	vsel vm9, $0x2A4, v1;
	v2 =	vsel vm11, $0x28D, v2  }
0x2f: {  	v1 =	vsel vm8, $0x2B0, v1;
	v2 =	vsel vm10, $0x299, v2  }
0x30: {  	v1 =	vsel vm7, $0x2BC, v1;
	v2 =	vsel vm9, $0x2A5, v2  }
0x31: {  	v1 =	vsel vm6, $0x2C8, v1;
	v2 =	vsel vm8, $0x2B1, v2  }
0x32: {  	v1 =	vsel vm5, $0x2D4, v1;
	v2 =	vsel vm7, $0x2BD, v2  }
0x33: {  	v1 =	vsel vm4, $0x2E0, v1;
	v2 =	vsel vm6, $0x2C9, v2  }
0x34: {  	v3 =	vadd.s32 $0x12, v0;
	v1 =	vsel vm2, $0x2EC, v1;
	v2 =	vsel vm5, $0x2D5, v2  }
0x35: {  	v34 =	vsel vm3, $0x2F8, v1;
	v1 =	vsel vm4, $0x2E1, v2;
	v2 =	vimm.s32 $0x2A1E1206  }
0x36: {  	[tilespmem:$0x1FD90] =	vst v3;
	v3 =	vimm.s32 $0x5A4E4236;
	v1 =	vsel vm2, $0x2ED, v1;
	v2 =	vunpack.c.0.s8.s32 v2  }
0x37: {  	v35 =	vsel vm3, $0x2F9, v1;
	v1 =	vunpack.c.0.s8.s32 v3  }
0x38: {  	v3 =	vimm.s32 $0x2B1F1307;
	v2 =	vnsel vm0, $0x66, v2  }
0x39: {  	v4 =	vimm.s32 $0x5B4F4337;
	v3 =	vunpack.c.0.s8.s32 v3;
	v1 =	vsel vm1, v1, v2  }
0x3a: {  	[tilespmem:$0x1FDA0] =	vst v1;
	v1 =	vunpack.c.0.s8.s32 v4  }
0x3b: {  	v2 =	vimm.s32 $0x306;
	v3 =	vnsel vm0, $0x67, v3  }
0x3c: {  	v2 =	vsel vm14, $0x26A, v2;
	v4 =	vimm.s32 $0x307;
	v1 =	vsel vm1, v1, v3  }
0x3d: {  	[tilespmem:$0x1FDB0] =	vst v1;
	v1 =	vsel vm13, $0x276, v2;
	v2 =	vsel vm14, $0x26B, v4  }
0x3e: {  	v1 =	vsel vm12, $0x282, v1;
	v2 =	vsel vm13, $0x277, v2  }
0x3f: {  	v1 =	vsel vm11, $0x28E, v1;
	v2 =	vsel vm12, $0x283, v2  }
0x40: {  	v1 =	vsel vm10, $0x29A, v1;
	v2 =	vsel vm11, $0x28F, v2  }
0x41: {  	v1 =	vsel vm9, $0x2A6, v1;
	v2 =	vsel vm10, $0x29B, v2  }
0x42: {  	v5 =	vmul.u32 $0xC, v0;
	v1 =	vsel vm8, $0x2B2, v1;
	v2 =	vsel vm9, $0x2A7, v2  }
0x43: {  	v3 =	vadd.s32 $0x1B, v0;
	v1 =	vsel vm7, $0x2BE, v1;
	v2 =	vsel vm8, $0x2B3, v2  }
0x44: {  	[tilespmem:$0x1FDC0] =	vst v3;
	v3 =	vimm.s32 $0x2C201408;
	v1 =	vsel vm6, $0x2CA, v1;
	v2 =	vsel vm7, $0x2BF, v2  }
0x45: {  	v4 =	vimm.s32 $0x5C504438;
	v1 =	vsel vm5, $0x2D6, v1;
	v2 =	vsel vm6, $0x2CB, v2  }
0x46: {  	v3 =	vunpack.c.0.s8.s32 v3;
	v2 =	vsel vm5, $0x2D7, v2;
	v1 =	vsel vm4, $0x2E2, v1  }
0x47: {  	v4 =	vunpack.c.0.s8.s32 v4;
	v2 =	vsel vm4, $0x2E3, v2;
	v1 =	vsel vm2, $0x2EE, v1  }
0x48: {  	v3 =	vnsel vm0, $0x68, v3;
	v2 =	vsel vm2, $0x2EF, v2;
	v46 =	vsel vm3, $0x2FA, v1  }
0x49: {  	v1 =	vsel vm1, v4, v3;
	v3 =	vimm.s32 $0x309;
	v4 =	vimm.s32 $0x5D514539  }
0x4a: {  	v47 =	vsel vm3, $0x2FB, v2;
	[tilespmem:$0x1FDD0] =	vst v1;
	v1 =	vimm.s32 $0x2D211509;
	v2 =	vimm.s32 $0x308  }
0x4b: {  	v3 =	vsel vm14, $0x26D, v3;
	v1 =	vunpack.c.0.s8.s32 v1;
	v2 =	vsel vm14, $0x26C, v2  }
0x4c: {  	v4 =	vunpack.c.0.s8.s32 v4;
	v3 =	vsel vm13, $0x279, v3;
	v2 =	vsel vm13, $0x278, v2  }
0x4d: {  	v3 =	vsel vm12, $0x285, v3;
	v2 =	vsel vm12, $0x284, v2;
	v1 =	vnsel vm0, $0x69, v1  }
0x4e: {  	v3 =	vsel vm11, $0x291, v3;
	v2 =	vsel vm11, $0x290, v2;
	v1 =	vsel vm1, v4, v1  }
0x4f: {  	s0 =	rddreg [dreg:$0x0];
	s2 =	simm.s32 $0x0;
	[tilespmem:$0x1FDE0] =	vst v1;
	v1 =	vsel vm10, $0x29C, v2;
	v2 =	vsel vm10, $0x29D, v3;
	v3 =	vadd.s32 $0x24, v0  }
0x50: {  	[smem:$0x7FF] =	sst s2;
	[tilespmem:$0x1FDF0] =	vst v3  }
0x51: {  	s5 =	rddreg [dreg:$0x1];
	v10 =	vadd.s32 $0x24, v5;
	_ =	strace $0x80000047;
	[tilespmem:$0x1FE30] =	vst v5  }
0x52: {  	v12 =	vadd.s32 $0x25, v5;
	[tilespmem:$0x1FE40] =	vst v10  }
0x53: {  	v8 =	vor.u32 $0x10, v0;
	v11 =	vor.u32 $0x20, v0;
	v13 =	vadd.s32 $0xE4, v5;
	[tilespmem:$0x1FE50] =	vst v12  }
0x54: {  	v14 =	vor.u32 $0x30, v0;
	v15 =	vadd.s32 $0xE5, v5;
	v16 =	vadd.s32 $0x1A4, v5;
	[tilespmem:$0x1FE60] =	vst v13  }
0x55: {  	v17 =	vadd.s32 $0x1A5, v5;
	v20 =	vadd.s32 $0x26, v5;
	v21 =	vadd.s32 $0x27, v5;
	[tilespmem:$0x1FE70] =	vst v15  }
0x56: {  	v22 =	vadd.s32 $0xE6, v5;
	v23 =	vadd.s32 $0xE7, v5;
	v24 =	vadd.s32 $0x1A6, v5;
	[tilespmem:$0x1FE80] =	vst v16  }
0x57: {  	v25 =	vadd.s32 $0x1A7, v5;
	v28 =	vadd.s32 $0x28, v5;
	v29 =	vadd.s32 $0x29, v5;
	[tilespmem:$0x1FE90] =	vst v17  }
0x58: {  	v30 =	vadd.s32 $0xE8, v5;
	v31 =	vadd.s32 $0xE9, v5;
	v32 =	vadd.s32 $0x1A8, v5;
	[tilespmem:$0x1FEA0] =	vst v18  }
0x59: {  	v33 =	vadd.s32 $0x1A9, v5;
	v36 =	vadd.s32 $0x2A, v5;
	v37 =	vadd.s32 $0x2B, v5;
	[tilespmem:$0x1FEB0] =	vst v19  }
0x5a: {  	v38 =	vadd.s32 $0xEA, v5;
	v39 =	vadd.s32 $0xEB, v5;
	v44 =	vadd.s32 $0x1AA, v5;
	[tilespmem:$0x1FEC0] =	vst v20  }
0x5b: {  	v45 =	vadd.s32 $0x1AB, v5;
	v51 =	vadd.s32 $0x2C, v5;
	v1 =	vsel vm9, $0x2A8, v1;
	[tilespmem:$0x1FED0] =	vst v21  }
0x5c: {  	v52 =	vadd.s32 $0x2D, v5;
	v2 =	vsel vm9, $0x2A9, v2;
	v1 =	vsel vm8, $0x2B4, v1;
	[tilespmem:$0x1FEE0] =	vst v22  }
0x5d: {  	v53 =	vadd.s32 $0xEC, v5;
	v2 =	vsel vm8, $0x2B5, v2;
	[tilespmem:$0x1FEF0] =	vst v23;
	v1 =	vsel vm7, $0x2C0, v1  }
0x5e: {  	v54 =	vadd.s32 $0xED, v5;
	[tilespmem:$0x1FF00] =	vst v24;
	v2 =	vsel vm7, $0x2C1, v2;
	v1 =	vsel vm6, $0x2CC, v1  }
0x5f: {  	s28 =	simm.s32 $0x2380;
	v55 =	vadd.s32 $0x1AC, v5;
	[tilespmem:$0x1FF10] =	vst v25;
	v2 =	vsel vm6, $0x2CD, v2;
	v1 =	vsel vm5, $0x2D8, v1  }
0x60: {  	s9 =	simm.s32 $0x2700;
	v4 =	vimm.s32 $0x5E52463A;
	[tilespmem:$0x1FF20] =	vst v26;
	v2 =	vsel vm5, $0x2D9, v2;
	v1 =	vsel vm4, $0x2E4, v1  }
0x61: {  	s30 =	simm.s32 $0x7980;
	s31 =	simm.s32 $0x2780;
	v3 =	vimm.s32 $0x30B;
	[tilespmem:$0x1FF30] =	vst v27;
	v2 =	vsel vm4, $0x2E5, v2;
	v1 =	vsel vm2, $0x2F0, v1  }
0x62: {  	s1 =	srdreg.scid;
	s7 =	simm.s32 $0x7A00;
	s3 =	sadd.s32 $0xC00, s0;
	[tilespmem:$0x1FF40] =	vst v28;
	v2 =	vsel vm2, $0x2F1, v2;
	v57 =	vsel vm3, $0x2FC, v1;
	v1 =	vimm.s32 $0x30A  }
0x63: {  	s6 =	stileid.u32;
	s19 =	sadd.s32 $0xA00, s0;
	s1 =	sand.u32 $0x1, s1;
	[tilespmem:$0x1FF50] =	vst v29;
	v58 =	vsel vm3, $0x2FD, v2;
	v2 =	vimm.s32 $0x2E22160A;
	v1 =	vsel vm14, $0x26E, v1  }
0x64: {  	s20 =	sadd.s32 $0x800, s0;
	s21 =	sadd.s32 $0xE00, s0;
	s4 =	sadd.s32 $0x1000, s0;
	v3 =	vsel vm14, $0x26F, v3;
	[tilespmem:$0x1FF60] =	vst v30;
	v2 =	vunpack.c.0.s8.s32 v2;
	v1 =	vsel vm13, $0x27A, v1  }
0x65: {  	s0 =	sadd.s32 $0x600, s0;
	s25 =	sshll.u32 s6, $0x7;
	s26 =	sadd.s32 $0x80000, s5;
	v4 =	vunpack.c.0.s8.s32 v4;
	[tilespmem:$0x1FF70] =	vst v31;
	v3 =	vsel vm13, $0x27B, v3;
	v1 =	vsel vm12, $0x286, v1  }
0x66: {  	s29 =	sadd.s32 $0x100000, s5;
	s12 =	sadd.s32 $0x180000, s5;
	[dreg:$0x3] =	wrdreg s3;
	[tilespmem:$0x1FF80] =	vst v32;
	v3 =	vsel vm12, $0x287, v3;
	v2 =	vnsel vm0, $0x6A, v2;
	v1 =	vsel vm11, $0x292, v1  }
0x67: {  	s13 =	sadd.s32 $0x200000, s5;
	s14 =	sadd.s32 $0x280000, s5;
	[dreg:$0x4] =	wrdreg s19;
	[tilespmem:$0x1FF90] =	vst v33;
	v3 =	vsel vm11, $0x293, v3;
	v2 =	vsel vm1, v4, v2;
	v1 =	vsel vm10, $0x29E, v1  }
0x68: {  	s16 =	sadd.s32 $0x300000, s5;
	s17 =	sadd.s32 $0x380000, s5;
	v56 =	vadd.s32 $0x1AD, v5;
	[dreg:$0x5] =	wrdreg s20;
	[tilespmem:$0x1FE00] =	vst v2;
	v2 =	vsel vm10, $0x29F, v3;
	v1 =	vsel vm9, $0x2AA, v1  }
0x69: {  	s18 =	sadd.s32 $0x400000, s5;
	s6 =	simm.s32 $0x0;
	[dreg:$0x6] =	wrdreg s21;
	[tilespmem:$0x1FFA0] =	vst v34;
	v4 =	vimm.s32 $0x5F53473B;
	v2 =	vsel vm9, $0x2AB, v2;
	v1 =	vsel vm8, $0x2B6, v1  }
0x6a: {  	s22 =	ssub.s32 $0x2, s1;
	s1 =	sshll.u32 s1, $0x6;
	[dreg:$0x7] =	wrdreg s4;
	[tilespmem:$0x1FFB0] =	vst v35;
	v3 =	vimm.s32 $0x2F23170B;
	v2 =	vsel vm8, $0x2B7, v2;
	v1 =	vsel vm7, $0x2C2, v1  }
0x6b: {  	s23 =	sshrl.u32 s22, $0x1;
	s15 =	sor.u32 s1, s25;
	[dreg:$0x8] =	wrdreg s0;
	[tilespmem:$0x1FFC0] =	vst v36;
	v3 =	vunpack.c.0.s8.s32 v3;
	v2 =	vsel vm7, $0x2C3, v2;
	v1 =	vsel vm6, $0x2CE, v1  }
0x6c: {  	s25 =	simm.s32 $0xFA00;
	s24 =	ssub.s32 s22, s23;
	[dreg:$0x9] =	wrdreg s26;
	[tilespmem:$0x1FFD0] =	vst v37;
	v4 =	vunpack.c.0.s8.s32 v4;
	v2 =	vsel vm6, $0x2CF, v2;
	v1 =	vsel vm5, $0x2DA, v1  }
0x6d: {  	[dreg:$0xa] =	wrdreg s29;
	s19 =	sadd.s32 $0x480000, s5;
	s20 =	sadd.s32 $0x500000, s5;
	[tilespmem:$0x1FFE0] =	vst v38;
	v3 =	vnsel vm0, $0x6B, v3;
	v2 =	vsel vm5, $0x2DB, v2;
	v1 =	vsel vm4, $0x2E6, v1  }
0x6e: {  	s21 =	sadd.s32 $0x580000, s5;
	s0 =	smax.u32 s24, $0x1;
	s26 =	simm.s32 $0x2000;
	[tilespmem:$0x1FFF0] =	vst v39;
	v3 =	vsel vm1, v4, v3;
	v2 =	vsel vm4, $0x2E7, v2;
	v1 =	vsel vm2, $0x2F2, v1  }
0x6f: {  	s24 =	simm.s32 $0xBA00;
	s3 =	simm.s32 $0x13A00;
	s4 =	simm.s32 $0x1;
	[tilespmem:$0x1FE10] =	vst v3;
	v3 =	vadd.s32 $0x2D, v0;
	v62 =	vsel vm3, $0x2FE, v1;
	v1 =	vsel vm2, $0x2F3, v2  }
0x70: {  	s5 =	simm.s32 $0x2;
	[dreg:$0xb] =	wrdreg s0;
	s0 =	simm.s32 $0x1800;
	[tilespmem:$0x1FE20] =	vst v3;
	v3 =	vadd.s32 $0x2F, v5;
	v2 =	vadd.s32 $0x2E, v5;
	v63 =	vsel vm3, $0x2FF, v1  }
.LBB2_1:
0x71: {  	[dreg:$0xc] =	wrdreg s6  }
0x72: {  	s1 =	rddreg [dreg:$0x3];
	s6 =	simm.s32 $0x3  }
0x73: {  	[tilespmem:s2], [sflag:$0x3] =	stream.linear.gather [hbm4b:s1+s2], $0x800, $0x38;
	[tilespmem:$0x17A00] =	vst v63  }
0x74: {  	_ =	swait.ge [sflag:s6], $0x800  }
0x75: {  	[sflag:s6] =	ssyncset.done $0x0  }
0x76: {  	s8 =	simm.s32 $0x800;
	s29 =	rddreg [dreg:$0x4];
	[sflag:s6] =	ssyncadd.s32 $0xFFFFF800  }
0x77: {  	[tilespmem:s8], [sflag:$0x3] =	stream.linear.gather [hbm4b:s29+s2], $0x800, $0x38;
	[tilespmem:$0x17A00] =	vst v63  }
0x78: {  	_ =	swait.ge [sflag:s6], $0x800  }
0x79: {  	[sflag:s6] =	ssyncset.done $0x0  }
0x7a: {  	s11 =	simm.s32 $0x1000;
	s10 =	rddreg [dreg:$0x5];
	[sflag:s6] =	ssyncadd.s32 $0xFFFFF800  }
0x7b: {  	[tilespmem:s11], [sflag:$0x3] =	stream.linear.gather [hbm4b:s10+s2], $0x800, $0x38;
	[tilespmem:$0x17A00] =	vst v63  }
0x7c: {  	_ =	swait.ge [sflag:s6], $0x800  }
0x7d: {  	[sflag:s6] =	ssyncset.done $0x0  }
0x7e: {  	s22 =	rddreg [dreg:$0x6];
	[sflag:s6] =	ssyncadd.s32 $0xFFFFF800  }
0x7f: {  	[tilespmem:s26], [sflag:$0x3] =	stream.linear.gather [hbm4b:s22+s2], $0x380, $0x38;
	[tilespmem:$0x17A00] =	vst v63  }
0x80: {  	_ =	swait.ge [sflag:s6], $0x380  }
0x81: {  	[sflag:s6] =	ssyncset.done $0x0  }
0x82: {  	s23 =	rddreg [dreg:$0x7];
	[sflag:s6] =	ssyncadd.s32 $0xFFFFFC80  }
0x83: {  	[tilespmem:s28], [sflag:$0x3] =	stream.linear.gather [hbm4b:s23+s2], $0x380, $0x38;
	[tilespmem:$0x17A00] =	vst v63  }
0x84: {  	_ =	swait.ge [sflag:s6], $0x380  }
0x85: {  	[sflag:s6] =	ssyncset.done $0x0  }
0x86: {  	s29 =	rddreg [dreg:$0x8];
	[sflag:s6] =	ssyncadd.s32 $0xFFFFFC80  }
0x87: {  	[tilespmem:s9], [sflag:$0x3] =	stream.linear.gather [hbm4b:s29+s2], $0x80, $0x38;
	[tilespmem:$0x17A00] =	vst v63  }
0x88: {  	_ =	swait.ge [sflag:s6], $0x80  }
0x89: {  	[sflag:s6] =	ssyncset.done $0x0  }
0x8a: {  	s1 =	simm.s32 $0x0;
	[sflag:s6] =	ssyncadd.s32 $0xFFFFFF80  }
0x8b: {  	v1 =	vld [tilespmem:s1+$0x0];
	_ =	sdelay $0x1  }
0x8c: {  	v4 =	vld [tilespmem:s1+$0x800];
	_ =	sdelay $0x1  }
0x8d: {  	s6 =	simm.s32 $0x40;
	v5 =	vld [tilespmem:s1+$0x1000]  }
.LBB2_2:
0x8e: {  	s8 =	sshra.s32 s6, $0x2;
	p0 =	sne.s32 s6, $0x1FC0;
	s6 =	sadd.s32 $0x40, s6;
	v6 =	vmul.u32 $0x3B, v1  }
.Ltmp0:
0x8f: {  	v1 =	vld [tilespmem:s8+$0x0];
	(pc) =	sbr.rel @p0 .LBB2_2-.Ltmp0, $4  }
0x90: {  	v6 =	vadd.s32 v4, v6  }
0x91: {  	v4 =	vld [tilespmem:s8+$0x800];
	v6 =	vshll.u32 v6, $0x6  }
0x92: {  	v6 =	vadd.s32 v5, v6  }
0x93: {  	v5 =	vld [tilespmem:s8+$0x1000];
	[tilespmem:s1+$0x1800] =	vst v6;
	s1 =	smov.u32 s8  }
0x94: {  	v1 =	vmul.u32 $0x3B, v1;
	_ =	sdelay $0x1  }
0x95: {  	v1 =	vadd.s32 v4, v1  }
0x96: {  	v1 =	vshll.u32 v1, $0x6  }
0x97: {  	v4 =	vld [tilespmem:$0x1FD30];
	v1 =	vadd.s32 v5, v1  }
0x98: {  	[tilespmem:s1+$0x1800] =	vst v1;
	v1 =	vld [tilespmem:$0x1FD20];
	_ =	sdelay $0x6  }
0x99: {  	v4 =	vld.idx.msk [tilespmem:v4+s9+$0x0], $0xffff  }
0x9a: {  	v1 =	vld.idx.msk [tilespmem:v1+s9+$0x0], $0xffff;
	_ =	sdelay $0x2  }
0x9b: {  	s29 =	simm.s32 $0x24  }
0x9c: {  	v5 =	vmov s29  }
0x9d: {  	v1 =	vpack.i.f32.bf16 v4, v1;
	v4 =	vor.u32 $0x1, v5  }
0x9e: {  	[tilespmem:v0+s30+$0x0] =	vst.idx.msk $0x1ff, v1  }
0x9f: {  	v6 =	vld.idx.msk [tilespmem:v12+s28+$0x0], $0xffff  }
0xa0: {  	v7 =	vld.idx.msk [tilespmem:v10+s28+$0x0], $0xffff  }
0xa1: {  	v9 =	vld.idx.msk [tilespmem:v5+s26+$0x0], $0xffff  }
0xa2: {  	v1 =	vld.idx.msk [tilespmem:v4+s26+$0x0], $0xffff;
	_ =	sdelay $0x1  }
0xa3: {  	s1 =	simm.s32 $0x0  }
0xa4: {  	v4 =	vadd.s32 s1, v0;
	_ =	sdelay $0x1  }
0xa5: {  	v5 =	vadd.f32 v7, v9;
	v6 =	vadd.f32 v6, v1;
	_ =	sdelay $0x1  }
0xa6: {  	v5 =	vpack.i.f32.bf16 v6, v5  }
0xa7: {  	[tilespmem:v4+s31+$0x0] =	vst.idx.msk $0xffff, v5  }
0xa8: {  	v4 =	vld.idx.msk [tilespmem:v13+s28+$0x0], $0xffff  }
0xa9: {  	v5 =	vld.idx.msk [tilespmem:v15+s28+$0x0], $0xffff;
	_ =	sdelay $0x2  }
0xaa: {  	v6 =	vadd.s32 s1, v8;
	_ =	sdelay $0x1  }
0xab: {  	v4 =	vadd.f32 v4, v9;
	v5 =	vadd.f32 v5, v1;
	_ =	sdelay $0x1  }
0xac: {  	v4 =	vpack.i.f32.bf16 v5, v4  }
0xad: {  	[tilespmem:v6+s31+$0x0] =	vst.idx.msk $0xffff, v4  }
0xae: {  	v4 =	vld.idx.msk [tilespmem:v16+s28+$0x0], $0xffff  }
0xaf: {  	v5 =	vld.idx.msk [tilespmem:v17+s28+$0x0], $0xffff;
	_ =	sdelay $0x2  }
0xb0: {  	v6 =	vadd.s32 s1, v11;
	_ =	sdelay $0x1  }
0xb1: {  	v4 =	vadd.f32 v4, v9;
	v5 =	vadd.f32 v5, v1;
	_ =	sdelay $0x1  }
0xb2: {  	v4 =	vpack.i.f32.bf16 v5, v4  }
0xb3: {  	[tilespmem:v6+s31+$0x0] =	vst.idx.msk $0xffff, v4  }
0xb4: {  	v6 =	vld.idx.msk [tilespmem:v18+s28+$0x0], $0xffff;
	_ =	sdelay $0x1  }
0xb5: {  	v5 =	vld.idx.msk [tilespmem:v19+s28+$0x0], $0xffff;
	_ =	sdelay $0x2  }
0xb6: {  	s6 =	simm.s32 $0x30;
	v4 =	vadd.s32 s1, v14;
	v6 =	vadd.f32 v6, v9  }
.LBB2_4:
0xb7: {  	p0 =	sne.s32 s6, $0x2DC  }
0xb8: {  	v1 =	vadd.f32 v5, v1;
	s1 =	sadd.s32 $0x3B, s1;
	s8 =	smov.u32 s6;
	s6 =	sadd.s32 $0xC, s6  }
0xb9: {  	v5 =	vmov s8  }
0xba: {  	v7 =	vor.u32 $0x1, v5;
	v1 =	vpack.i.f32.bf16 v1, v6  }
0xbb: {  	[tilespmem:v4+s31+$0x0] =	vst.idx.msk $0x7ff, v1  }
0xbc: {  	v4 =	vld.idx.msk [tilespmem:v12+s28+$0x0], $0xffff  }
0xbd: {  	v6 =	vld.idx.msk [tilespmem:v10+s28+$0x0], $0xffff  }
0xbe: {  	v9 =	vld.idx.msk [tilespmem:v5+s26+$0x0], $0xffff  }
0xbf: {  	v1 =	vld.idx.msk [tilespmem:v7+s26+$0x0], $0xffff;
	_ =	sdelay $0x3  }
0xc0: {  	v5 =	vadd.s32 s1, v0;
	_ =	sdelay $0x1  }
0xc1: {  	v6 =	vadd.f32 v6, v9;
	v4 =	vadd.f32 v4, v1;
	_ =	sdelay $0x1  }
0xc2: {  	v4 =	vpack.i.f32.bf16 v4, v6  }
0xc3: {  	[tilespmem:v5+s31+$0x0] =	vst.idx.msk $0xffff, v4  }
0xc4: {  	v4 =	vld.idx.msk [tilespmem:v13+s28+$0x0], $0xffff  }
0xc5: {  	v5 =	vld.idx.msk [tilespmem:v15+s28+$0x0], $0xffff;
	_ =	sdelay $0x2  }
0xc6: {  	v6 =	vadd.s32 s1, v8;
	_ =	sdelay $0x1  }
0xc7: {  	v4 =	vadd.f32 v4, v9  }
0xc8: {  	v5 =	vadd.f32 v5, v1;
	_ =	sdelay $0x1  }
0xc9: {  	v4 =	vpack.i.f32.bf16 v5, v4  }
0xca: {  	[tilespmem:v6+s31+$0x0] =	vst.idx.msk $0xffff, v4  }
0xcb: {  	v4 =	vld.idx.msk [tilespmem:v16+s28+$0x0], $0xffff  }
0xcc: {  	v5 =	vld.idx.msk [tilespmem:v17+s28+$0x0], $0xffff;
	_ =	sdelay $0x1  }
0xcd: {  	v6 =	vadd.s32 s1, v11;
	_ =	sdelay $0x2  }
0xce: {  	v4 =	vadd.f32 v4, v9  }
0xcf: {  	v5 =	vadd.f32 v5, v1;
	_ =	sdelay $0x1  }
0xd0: {  	v4 =	vpack.i.f32.bf16 v5, v4  }
0xd1: {  	[tilespmem:v6+s31+$0x0] =	vst.idx.msk $0xffff, v4  }
0xd2: {  	v6 =	vld.idx.msk [tilespmem:v18+s28+$0x0], $0xffff  }
0xd3: {  	v5 =	vld.idx.msk [tilespmem:v19+s28+$0x0], $0xffff  }
.Ltmp1:
0xd4: {  	v4 =	vadd.s32 s1, v14;
	(pc) =	sbr.rel @p0 .LBB2_4-.Ltmp1, $2  }
0xd5: {  	_ =	sdelay $0x2  }
0xd6: {  	v6 =	vadd.f32 v6, v9  }
0xd7: {  	_ = 	snop  }
0xd8: {  	v1 =	vadd.f32 v5, v1;
	_ =	sdelay $0x1  }
0xd9: {  	v1 =	vpack.i.f32.bf16 v1, v6  }
0xda: {  	[tilespmem:v4+s31+$0x0] =	vst.idx.msk $0x7ff, v1;
	v1 =	vld [tilespmem:$0x1FD40]  }
0xdb: {  	v4 =	vld [tilespmem:$0x1FD50];
	_ =	sdelay $0x6  }
0xdc: {  	v1 =	vld.idx.msk [tilespmem:v1+s9+$0x0], $0xffff  }
0xdd: {  	v4 =	vld.idx.msk [tilespmem:v4+s9+$0x0], $0xffff;
	_ =	sdelay $0x4  }
0xde: {  	v1 =	vpack.i.f32.bf16 v4, v1;
	v4 =	vld [tilespmem:$0x1FD60];
	_ =	sdelay $0x3  }
0xdf: {  	s1 =	simm.s32 $0x24  }
0xe0: {  	v5 =	vmov s1  }
0xe1: {  	v6 =	vor.u32 $0x2, v5  }
0xe2: {  	v5 =	vor.u32 $0x3, v5  }
0xe3: {  	[tilespmem:v4+s30+$0x0] =	vst.idx.msk $0x1ff, v1  }
0xe4: {  	v7 =	vld.idx.msk [tilespmem:v21+s28+$0x0], $0xffff  }
0xe5: {  	v9 =	vld.idx.msk [tilespmem:v20+s28+$0x0], $0xffff  }
0xe6: {  	v4 =	vld.idx.msk [tilespmem:v6+s26+$0x0], $0xffff  }
0xe7: {  	v1 =	vld.idx.msk [tilespmem:v5+s26+$0x0], $0xffff;
	_ =	sdelay $0x1  }
0xe8: {  	s1 =	simm.s32 $0xD99  }
0xe9: {  	v5 =	vadd.s32 s1, v0;
	_ =	sdelay $0x1  }
0xea: {  	v6 =	vadd.f32 v9, v4;
	v7 =	vadd.f32 v7, v1;
	_ =	sdelay $0x1  }
0xeb: {  	v6 =	vpack.i.f32.bf16 v7, v6  }
0xec: {  	[tilespmem:v5+s31+$0x0] =	vst.idx.msk $0xffff, v6  }
0xed: {  	v5 =	vld.idx.msk [tilespmem:v22+s28+$0x0], $0xffff  }
0xee: {  	v6 =	vld.idx.msk [tilespmem:v23+s28+$0x0], $0xffff;
	_ =	sdelay $0x2  }
0xef: {  	v7 =	vadd.s32 s1, v8;
	_ =	sdelay $0x1  }
0xf0: {  	v5 =	vadd.f32 v5, v4;
	v6 =	vadd.f32 v6, v1;
	_ =	sdelay $0x1  }
0xf1: {  	v5 =	vpack.i.f32.bf16 v6, v5  }
0xf2: {  	[tilespmem:v7+s31+$0x0] =	vst.idx.msk $0xffff, v5  }
0xf3: {  	v5 =	vld.idx.msk [tilespmem:v24+s28+$0x0], $0xffff  }
0xf4: {  	v6 =	vld.idx.msk [tilespmem:v25+s28+$0x0], $0xffff;
	_ =	sdelay $0x2  }
0xf5: {  	v7 =	vadd.s32 s1, v11;
	_ =	sdelay $0x1  }
0xf6: {  	v5 =	vadd.f32 v5, v4;
	v6 =	vadd.f32 v6, v1;
	_ =	sdelay $0x1  }
0xf7: {  	v5 =	vpack.i.f32.bf16 v6, v5  }
0xf8: {  	[tilespmem:v7+s31+$0x0] =	vst.idx.msk $0xffff, v5  }
0xf9: {  	v7 =	vld.idx.msk [tilespmem:v26+s28+$0x0], $0xffff  }
0xfa: {  	s6 =	simm.s32 $0x30;
	v5 =	vadd.s32 s1, v14;
	v6 =	vld.idx.msk [tilespmem:v27+s28+$0x0], $0xffff  }
.LBB2_6:
0xfb: {  	_ =	sdelay $0x1  }
0xfc: {  	p0 =	sne.s32 s6, $0x2DC  }
0xfd: {  	s1 =	sadd.s32 $0x3B, s1;
	s8 =	smov.u32 s6;
	s6 =	sadd.s32 $0xC, s6;
	v4 =	vadd.f32 v7, v4  }
0xfe: {  	v7 =	vmov s8;
	v1 =	vadd.f32 v6, v1  }
0xff: {  	v6 =	vor.u32 $0x2, v7;
	v7 =	vor.u32 $0x3, v7  }
0x100: {  	v1 =	vpack.i.f32.bf16 v1, v4  }
0x101: {  	[tilespmem:v5+s31+$0x0] =	vst.idx.msk $0x7ff, v1  }
0x102: {  	v5 =	vld.idx.msk [tilespmem:v21+s28+$0x0], $0xffff  }
0x103: {  	v9 =	vld.idx.msk [tilespmem:v20+s28+$0x0], $0xffff  }
0x104: {  	v4 =	vld.idx.msk [tilespmem:v6+s26+$0x0], $0xffff  }
0x105: {  	v1 =	vld.idx.msk [tilespmem:v7+s26+$0x0], $0xffff;
	_ =	sdelay $0x2  }
0x106: {  	v6 =	vadd.s32 s1, v0;
	_ =	sdelay $0x1  }
0x107: {  	v7 =	vadd.f32 v9, v4  }
0x108: {  	v5 =	vadd.f32 v5, v1;
	_ =	sdelay $0x1  }
0x109: {  	v5 =	vpack.i.f32.bf16 v5, v7  }
0x10a: {  	[tilespmem:v6+s31+$0x0] =	vst.idx.msk $0xffff, v5  }
0x10b: {  	v5 =	vld.idx.msk [tilespmem:v22+s28+$0x0], $0xffff  }
0x10c: {  	v6 =	vld.idx.msk [tilespmem:v23+s28+$0x0], $0xffff;
	_ =	sdelay $0x1  }
0x10d: {  	v7 =	vadd.s32 s1, v8;
	_ =	sdelay $0x2  }
0x10e: {  	v5 =	vadd.f32 v5, v4  }
0x10f: {  	v6 =	vadd.f32 v6, v1;
	_ =	sdelay $0x1  }
0x110: {  	v5 =	vpack.i.f32.bf16 v6, v5  }
0x111: {  	[tilespmem:v7+s31+$0x0] =	vst.idx.msk $0xffff, v5  }
0x112: {  	v5 =	vld.idx.msk [tilespmem:v24+s28+$0x0], $0xffff  }
0x113: {  	v6 =	vld.idx.msk [tilespmem:v25+s28+$0x0], $0xffff  }
0x114: {  	v7 =	vadd.s32 s1, v11;
	_ =	sdelay $0x3  }
0x115: {  	v5 =	vadd.f32 v5, v4  }
0x116: {  	v6 =	vadd.f32 v6, v1  }
.Ltmp2:
0x117: {  	(pc) =	sbr.rel @p0 .LBB2_6-.Ltmp2, $4  }
0x118: {  	v5 =	vpack.i.f32.bf16 v6, v5  }
0x119: {  	[tilespmem:v7+s31+$0x0] =	vst.idx.msk $0xffff, v5  }
0x11a: {  	v7 =	vld.idx.msk [tilespmem:v26+s28+$0x0], $0xffff  }
0x11b: {  	v5 =	vadd.s32 s1, v14;
	v6 =	vld.idx.msk [tilespmem:v27+s28+$0x0], $0xffff  }
0x11c: {  	_ =	sdelay $0x3  }
0x11d: {  	v4 =	vadd.f32 v7, v4;
	v1 =	vadd.f32 v6, v1;
	_ =	sdelay $0x1  }
0x11e: {  	v1 =	vpack.i.f32.bf16 v1, v4;
	v4 =	vld [tilespmem:$0x1FD80]  }
0x11f: {  	[tilespmem:v5+s31+$0x0] =	vst.idx.msk $0x7ff, v1;
	v1 =	vld [tilespmem:$0x1FD70];
	_ =	sdelay $0x6  }
0x120: {  	v4 =	vld.idx.msk [tilespmem:v4+s9+$0x0], $0xffff  }
0x121: {  	v1 =	vld.idx.msk [tilespmem:v1+s9+$0x0], $0xffff;
	_ =	sdelay $0x4  }
0x122: {  	v1 =	vpack.i.f32.bf16 v4, v1;
	v4 =	vld [tilespmem:$0x1FD90];
	_ =	sdelay $0x3  }
0x123: {  	s1 =	simm.s32 $0x24  }
0x124: {  	v5 =	vmov s1  }
0x125: {  	v6 =	vadd.s32 $0x4, v5  }
0x126: {  	v5 =	vadd.s32 $0x5, v5  }
0x127: {  	[tilespmem:v4+s30+$0x0] =	vst.idx.msk $0x1ff, v1  }
0x128: {  	v7 =	vld.idx.msk [tilespmem:v29+s28+$0x0], $0xffff  }
0x129: {  	v9 =	vld.idx.msk [tilespmem:v28+s28+$0x0], $0xffff  }
0x12a: {  	v4 =	vld.idx.msk [tilespmem:v6+s26+$0x0], $0xffff  }
0x12b: {  	v1 =	vld.idx.msk [tilespmem:v5+s26+$0x0], $0xffff;
	_ =	sdelay $0x1  }
0x12c: {  	s1 =	simm.s32 $0x1B32  }
0x12d: {  	v5 =	vadd.s32 s1, v0;
	_ =	sdelay $0x1  }
0x12e: {  	v6 =	vadd.f32 v9, v4;
	v7 =	vadd.f32 v7, v1;
	_ =	sdelay $0x1  }
0x12f: {  	v6 =	vpack.i.f32.bf16 v7, v6  }
0x130: {  	[tilespmem:v5+s31+$0x0] =	vst.idx.msk $0xffff, v6  }
0x131: {  	v5 =	vld.idx.msk [tilespmem:v30+s28+$0x0], $0xffff  }
0x132: {  	v6 =	vld.idx.msk [tilespmem:v31+s28+$0x0], $0xffff;
	_ =	sdelay $0x2  }
0x133: {  	v7 =	vadd.s32 s1, v8;
	_ =	sdelay $0x1  }
0x134: {  	v5 =	vadd.f32 v5, v4;
	v6 =	vadd.f32 v6, v1;
	_ =	sdelay $0x1  }
0x135: {  	v5 =	vpack.i.f32.bf16 v6, v5  }
0x136: {  	[tilespmem:v7+s31+$0x0] =	vst.idx.msk $0xffff, v5  }
0x137: {  	v5 =	vld.idx.msk [tilespmem:v32+s28+$0x0], $0xffff  }
0x138: {  	v6 =	vld.idx.msk [tilespmem:v33+s28+$0x0], $0xffff;
	_ =	sdelay $0x2  }
0x139: {  	v7 =	vadd.s32 s1, v11;
	_ =	sdelay $0x1  }
0x13a: {  	v5 =	vadd.f32 v5, v4;
	v6 =	vadd.f32 v6, v1;
	_ =	sdelay $0x1  }
0x13b: {  	v5 =	vpack.i.f32.bf16 v6, v5  }
0x13c: {  	[tilespmem:v7+s31+$0x0] =	vst.idx.msk $0xffff, v5  }
0x13d: {  	v7 =	vld.idx.msk [tilespmem:v34+s28+$0x0], $0xffff  }
0x13e: {  	s6 =	simm.s32 $0x30;
	v5 =	vadd.s32 s1, v14;
	v6 =	vld.idx.msk [tilespmem:v35+s28+$0x0], $0xffff  }
.LBB2_8:
0x13f: {  	_ =	sdelay $0x1  }
0x140: {  	p0 =	sne.s32 s6, $0x2DC  }
0x141: {  	s1 =	sadd.s32 $0x3B, s1;
	s8 =	smov.u32 s6;
	s6 =	sadd.s32 $0xC, s6;
	v4 =	vadd.f32 v7, v4  }
0x142: {  	v7 =	vmov s8;
	v1 =	vadd.f32 v6, v1  }
0x143: {  	v6 =	vadd.s32 $0x4, v7;
	v7 =	vadd.s32 $0x5, v7  }
0x144: {  	v1 =	vpack.i.f32.bf16 v1, v4  }
0x145: {  	[tilespmem:v5+s31+$0x0] =	vst.idx.msk $0x7ff, v1  }
0x146: {  	v5 =	vld.idx.msk [tilespmem:v29+s28+$0x0], $0xffff  }
0x147: {  	v9 =	vld.idx.msk [tilespmem:v28+s28+$0x0], $0xffff  }
0x148: {  	v4 =	vld.idx.msk [tilespmem:v6+s26+$0x0], $0xffff  }
0x149: {  	v1 =	vld.idx.msk [tilespmem:v7+s26+$0x0], $0xffff;
	_ =	sdelay $0x2  }
0x14a: {  	v6 =	vadd.s32 s1, v0;
	_ =	sdelay $0x1  }
0x14b: {  	v7 =	vadd.f32 v9, v4  }
0x14c: {  	v5 =	vadd.f32 v5, v1;
	_ =	sdelay $0x1  }
0x14d: {  	v5 =	vpack.i.f32.bf16 v5, v7  }
0x14e: {  	[tilespmem:v6+s31+$0x0] =	vst.idx.msk $0xffff, v5  }
0x14f: {  	v5 =	vld.idx.msk [tilespmem:v30+s28+$0x0], $0xffff  }
0x150: {  	v6 =	vld.idx.msk [tilespmem:v31+s28+$0x0], $0xffff;
	_ =	sdelay $0x1  }
0x151: {  	v7 =	vadd.s32 s1, v8;
	_ =	sdelay $0x2  }
0x152: {  	v5 =	vadd.f32 v5, v4  }
0x153: {  	v6 =	vadd.f32 v6, v1;
	_ =	sdelay $0x1  }
0x154: {  	v5 =	vpack.i.f32.bf16 v6, v5  }
0x155: {  	[tilespmem:v7+s31+$0x0] =	vst.idx.msk $0xffff, v5  }
0x156: {  	v5 =	vld.idx.msk [tilespmem:v32+s28+$0x0], $0xffff  }
0x157: {  	v6 =	vld.idx.msk [tilespmem:v33+s28+$0x0], $0xffff  }
0x158: {  	v7 =	vadd.s32 s1, v11;
	_ =	sdelay $0x3  }
0x159: {  	v5 =	vadd.f32 v5, v4  }
0x15a: {  	v6 =	vadd.f32 v6, v1  }
.Ltmp3:
0x15b: {  	(pc) =	sbr.rel @p0 .LBB2_8-.Ltmp3, $4  }
0x15c: {  	v5 =	vpack.i.f32.bf16 v6, v5  }
0x15d: {  	[tilespmem:v7+s31+$0x0] =	vst.idx.msk $0xffff, v5  }
0x15e: {  	v7 =	vld.idx.msk [tilespmem:v34+s28+$0x0], $0xffff  }
0x15f: {  	v5 =	vadd.s32 s1, v14;
	v6 =	vld.idx.msk [tilespmem:v35+s28+$0x0], $0xffff  }
0x160: {  	_ =	sdelay $0x3  }
0x161: {  	v4 =	vadd.f32 v7, v4;
	v1 =	vadd.f32 v6, v1;
	_ =	sdelay $0x1  }
0x162: {  	v1 =	vpack.i.f32.bf16 v1, v4;
	v4 =	vld [tilespmem:$0x1FDB0]  }
0x163: {  	[tilespmem:v5+s31+$0x0] =	vst.idx.msk $0x7ff, v1;
	v1 =	vld [tilespmem:$0x1FDA0];
	_ =	sdelay $0x6  }
0x164: {  	v4 =	vld.idx.msk [tilespmem:v4+s9+$0x0], $0xffff  }
0x165: {  	v1 =	vld.idx.msk [tilespmem:v1+s9+$0x0], $0xffff;
	_ =	sdelay $0x4  }
0x166: {  	v1 =	vpack.i.f32.bf16 v4, v1;
	v4 =	vld [tilespmem:$0x1FDC0];
	_ =	sdelay $0x3  }
0x167: {  	s1 =	simm.s32 $0x24  }
0x168: {  	v5 =	vmov s1  }
0x169: {  	v6 =	vadd.s32 $0x6, v5  }
0x16a: {  	v5 =	vadd.s32 $0x7, v5  }
0x16b: {  	[tilespmem:v4+s30+$0x0] =	vst.idx.msk $0x1ff, v1  }
0x16c: {  	v7 =	vld.idx.msk [tilespmem:v37+s28+$0x0], $0xffff  }
0x16d: {  	v9 =	vld.idx.msk [tilespmem:v36+s28+$0x0], $0xffff  }
0x16e: {  	v4 =	vld.idx.msk [tilespmem:v6+s26+$0x0], $0xffff  }
0x16f: {  	v1 =	vld.idx.msk [tilespmem:v5+s26+$0x0], $0xffff;
	_ =	sdelay $0x1  }
0x170: {  	s1 =	simm.s32 $0x28CB  }
0x171: {  	v5 =	vadd.s32 s1, v0;
	_ =	sdelay $0x1  }
0x172: {  	v6 =	vadd.f32 v9, v4;
	v7 =	vadd.f32 v7, v1;
	_ =	sdelay $0x1  }
0x173: {  	v6 =	vpack.i.f32.bf16 v7, v6  }
0x174: {  	[tilespmem:v5+s31+$0x0] =	vst.idx.msk $0xffff, v6  }
0x175: {  	v5 =	vld.idx.msk [tilespmem:v38+s28+$0x0], $0xffff  }
0x176: {  	v6 =	vld.idx.msk [tilespmem:v39+s28+$0x0], $0xffff;
	_ =	sdelay $0x2  }
0x177: {  	v7 =	vadd.s32 s1, v8;
	_ =	sdelay $0x1  }
0x178: {  	v5 =	vadd.f32 v5, v4;
	v6 =	vadd.f32 v6, v1;
	_ =	sdelay $0x1  }
0x179: {  	v5 =	vpack.i.f32.bf16 v6, v5  }
0x17a: {  	[tilespmem:v7+s31+$0x0] =	vst.idx.msk $0xffff, v5  }
0x17b: {  	v5 =	vld.idx.msk [tilespmem:v44+s28+$0x0], $0xffff  }
0x17c: {  	v6 =	vld.idx.msk [tilespmem:v45+s28+$0x0], $0xffff;
	_ =	sdelay $0x2  }
0x17d: {  	v7 =	vadd.s32 s1, v11;
	_ =	sdelay $0x1  }
0x17e: {  	v5 =	vadd.f32 v5, v4;
	v6 =	vadd.f32 v6, v1;
	_ =	sdelay $0x1  }
0x17f: {  	v5 =	vpack.i.f32.bf16 v6, v5  }
0x180: {  	[tilespmem:v7+s31+$0x0] =	vst.idx.msk $0xffff, v5  }
0x181: {  	v7 =	vld.idx.msk [tilespmem:v46+s28+$0x0], $0xffff  }
0x182: {  	s6 =	simm.s32 $0x30;
	v5 =	vadd.s32 s1, v14;
	v6 =	vld.idx.msk [tilespmem:v47+s28+$0x0], $0xffff  }
.LBB2_10:
0x183: {  	_ =	sdelay $0x1  }
0x184: {  	p0 =	sne.s32 s6, $0x2DC  }
0x185: {  	s1 =	sadd.s32 $0x3B, s1;
	s8 =	smov.u32 s6;
	s6 =	sadd.s32 $0xC, s6;
	v4 =	vadd.f32 v7, v4  }
0x186: {  	v7 =	vmov s8;
	v1 =	vadd.f32 v6, v1  }
0x187: {  	v6 =	vadd.s32 $0x6, v7;
	v7 =	vadd.s32 $0x7, v7  }
0x188: {  	v1 =	vpack.i.f32.bf16 v1, v4  }
0x189: {  	[tilespmem:v5+s31+$0x0] =	vst.idx.msk $0x7ff, v1  }
0x18a: {  	v5 =	vld.idx.msk [tilespmem:v37+s28+$0x0], $0xffff  }
0x18b: {  	v9 =	vld.idx.msk [tilespmem:v36+s28+$0x0], $0xffff  }
0x18c: {  	v4 =	vld.idx.msk [tilespmem:v6+s26+$0x0], $0xffff  }
0x18d: {  	v1 =	vld.idx.msk [tilespmem:v7+s26+$0x0], $0xffff;
	_ =	sdelay $0x2  }
0x18e: {  	v6 =	vadd.s32 s1, v0;
	_ =	sdelay $0x1  }
0x18f: {  	v7 =	vadd.f32 v9, v4  }
0x190: {  	v5 =	vadd.f32 v5, v1;
	_ =	sdelay $0x1  }
0x191: {  	v5 =	vpack.i.f32.bf16 v5, v7  }
0x192: {  	[tilespmem:v6+s31+$0x0] =	vst.idx.msk $0xffff, v5  }
0x193: {  	v5 =	vld.idx.msk [tilespmem:v38+s28+$0x0], $0xffff  }
0x194: {  	v6 =	vld.idx.msk [tilespmem:v39+s28+$0x0], $0xffff;
	_ =	sdelay $0x1  }
0x195: {  	v7 =	vadd.s32 s1, v8;
	_ =	sdelay $0x2  }
0x196: {  	v5 =	vadd.f32 v5, v4  }
0x197: {  	v6 =	vadd.f32 v6, v1;
	_ =	sdelay $0x1  }
0x198: {  	v5 =	vpack.i.f32.bf16 v6, v5  }
0x199: {  	[tilespmem:v7+s31+$0x0] =	vst.idx.msk $0xffff, v5  }
0x19a: {  	v5 =	vld.idx.msk [tilespmem:v44+s28+$0x0], $0xffff  }
0x19b: {  	v6 =	vld.idx.msk [tilespmem:v45+s28+$0x0], $0xffff  }
0x19c: {  	v7 =	vadd.s32 s1, v11;
	_ =	sdelay $0x3  }
0x19d: {  	v5 =	vadd.f32 v5, v4  }
0x19e: {  	v6 =	vadd.f32 v6, v1  }
.Ltmp4:
0x19f: {  	(pc) =	sbr.rel @p0 .LBB2_10-.Ltmp4, $4  }
0x1a0: {  	v5 =	vpack.i.f32.bf16 v6, v5  }
0x1a1: {  	[tilespmem:v7+s31+$0x0] =	vst.idx.msk $0xffff, v5  }
0x1a2: {  	v7 =	vld.idx.msk [tilespmem:v46+s28+$0x0], $0xffff  }
0x1a3: {  	v5 =	vadd.s32 s1, v14;
	v6 =	vld.idx.msk [tilespmem:v47+s28+$0x0], $0xffff  }
0x1a4: {  	_ =	sdelay $0x3  }
0x1a5: {  	v4 =	vadd.f32 v7, v4;
	v1 =	vadd.f32 v6, v1;
	_ =	sdelay $0x1  }
0x1a6: {  	v1 =	vpack.i.f32.bf16 v1, v4;
	v4 =	vld [tilespmem:$0x1FDE0]  }
0x1a7: {  	[tilespmem:v5+s31+$0x0] =	vst.idx.msk $0x7ff, v1;
	v1 =	vld [tilespmem:$0x1FDD0];
	_ =	sdelay $0x6  }
0x1a8: {  	v4 =	vld.idx.msk [tilespmem:v4+s9+$0x0], $0xffff  }
0x1a9: {  	v1 =	vld.idx.msk [tilespmem:v1+s9+$0x0], $0xffff;
	_ =	sdelay $0x4  }
0x1aa: {  	v1 =	vpack.i.f32.bf16 v4, v1;
	v4 =	vld [tilespmem:$0x1FDF0];
	_ =	sdelay $0x3  }
0x1ab: {  	s1 =	simm.s32 $0x24  }
0x1ac: {  	v5 =	vmov s1  }
0x1ad: {  	v6 =	vadd.s32 $0x8, v5  }
0x1ae: {  	v5 =	vadd.s32 $0x9, v5  }
0x1af: {  	[tilespmem:v4+s30+$0x0] =	vst.idx.msk $0x1ff, v1  }
0x1b0: {  	v7 =	vld.idx.msk [tilespmem:v52+s28+$0x0], $0xffff  }
0x1b1: {  	v9 =	vld.idx.msk [tilespmem:v51+s28+$0x0], $0xffff  }
0x1b2: {  	v4 =	vld.idx.msk [tilespmem:v6+s26+$0x0], $0xffff  }
0x1b3: {  	v1 =	vld.idx.msk [tilespmem:v5+s26+$0x0], $0xffff;
	_ =	sdelay $0x1  }
0x1b4: {  	s1 =	simm.s32 $0x3664  }
0x1b5: {  	v5 =	vadd.s32 s1, v0;
	_ =	sdelay $0x1  }
0x1b6: {  	v6 =	vadd.f32 v9, v4;
	v7 =	vadd.f32 v7, v1;
	_ =	sdelay $0x1  }
0x1b7: {  	v6 =	vpack.i.f32.bf16 v7, v6  }
0x1b8: {  	[tilespmem:v5+s31+$0x0] =	vst.idx.msk $0xffff, v6  }
0x1b9: {  	v5 =	vld.idx.msk [tilespmem:v53+s28+$0x0], $0xffff  }
0x1ba: {  	v6 =	vld.idx.msk [tilespmem:v54+s28+$0x0], $0xffff;
	_ =	sdelay $0x2  }
0x1bb: {  	v7 =	vadd.s32 s1, v8;
	_ =	sdelay $0x1  }
0x1bc: {  	v5 =	vadd.f32 v5, v4;
	v6 =	vadd.f32 v6, v1;
	_ =	sdelay $0x1  }
0x1bd: {  	v5 =	vpack.i.f32.bf16 v6, v5  }
0x1be: {  	[tilespmem:v7+s31+$0x0] =	vst.idx.msk $0xffff, v5  }
0x1bf: {  	v5 =	vld.idx.msk [tilespmem:v55+s28+$0x0], $0xffff  }
0x1c0: {  	v6 =	vld.idx.msk [tilespmem:v56+s28+$0x0], $0xffff;
	_ =	sdelay $0x2  }
0x1c1: {  	v7 =	vadd.s32 s1, v11;
	_ =	sdelay $0x1  }
0x1c2: {  	v5 =	vadd.f32 v5, v4;
	v6 =	vadd.f32 v6, v1;
	_ =	sdelay $0x1  }
0x1c3: {  	v5 =	vpack.i.f32.bf16 v6, v5  }
0x1c4: {  	[tilespmem:v7+s31+$0x0] =	vst.idx.msk $0xffff, v5  }
0x1c5: {  	v7 =	vld.idx.msk [tilespmem:v57+s28+$0x0], $0xffff  }
0x1c6: {  	s6 =	simm.s32 $0x30;
	v5 =	vadd.s32 s1, v14;
	v6 =	vld.idx.msk [tilespmem:v58+s28+$0x0], $0xffff  }
.LBB2_12:
0x1c7: {  	_ =	sdelay $0x1  }
0x1c8: {  	p0 =	sne.s32 s6, $0x2DC  }
0x1c9: {  	s1 =	sadd.s32 $0x3B, s1;
	s8 =	smov.u32 s6;
	s6 =	sadd.s32 $0xC, s6;
	v4 =	vadd.f32 v7, v4  }
0x1ca: {  	v7 =	vmov s8;
	v1 =	vadd.f32 v6, v1  }
0x1cb: {  	v6 =	vadd.s32 $0x8, v7;
	v7 =	vadd.s32 $0x9, v7  }
0x1cc: {  	v1 =	vpack.i.f32.bf16 v1, v4  }
0x1cd: {  	[tilespmem:v5+s31+$0x0] =	vst.idx.msk $0x7ff, v1  }
0x1ce: {  	v5 =	vld.idx.msk [tilespmem:v52+s28+$0x0], $0xffff  }
0x1cf: {  	v9 =	vld.idx.msk [tilespmem:v51+s28+$0x0], $0xffff  }
0x1d0: {  	v4 =	vld.idx.msk [tilespmem:v6+s26+$0x0], $0xffff  }
0x1d1: {  	v1 =	vld.idx.msk [tilespmem:v7+s26+$0x0], $0xffff;
	_ =	sdelay $0x2  }
0x1d2: {  	v6 =	vadd.s32 s1, v0;
	_ =	sdelay $0x1  }
0x1d3: {  	v7 =	vadd.f32 v9, v4  }
0x1d4: {  	v5 =	vadd.f32 v5, v1;
	_ =	sdelay $0x1  }
0x1d5: {  	v5 =	vpack.i.f32.bf16 v5, v7  }
0x1d6: {  	[tilespmem:v6+s31+$0x0] =	vst.idx.msk $0xffff, v5  }
0x1d7: {  	v5 =	vld.idx.msk [tilespmem:v53+s28+$0x0], $0xffff  }
0x1d8: {  	v6 =	vld.idx.msk [tilespmem:v54+s28+$0x0], $0xffff;
	_ =	sdelay $0x1  }
0x1d9: {  	v7 =	vadd.s32 s1, v8;
	_ =	sdelay $0x2  }
0x1da: {  	v5 =	vadd.f32 v5, v4  }
0x1db: {  	v6 =	vadd.f32 v6, v1;
	_ =	sdelay $0x1  }
0x1dc: {  	v5 =	vpack.i.f32.bf16 v6, v5  }
0x1dd: {  	[tilespmem:v7+s31+$0x0] =	vst.idx.msk $0xffff, v5  }
0x1de: {  	v5 =	vld.idx.msk [tilespmem:v55+s28+$0x0], $0xffff  }
0x1df: {  	v6 =	vld.idx.msk [tilespmem:v56+s28+$0x0], $0xffff  }
0x1e0: {  	v7 =	vadd.s32 s1, v11;
	_ =	sdelay $0x3  }
0x1e1: {  	v5 =	vadd.f32 v5, v4  }
0x1e2: {  	v6 =	vadd.f32 v6, v1  }
.Ltmp5:
0x1e3: {  	(pc) =	sbr.rel @p0 .LBB2_12-.Ltmp5, $4  }
0x1e4: {  	v5 =	vpack.i.f32.bf16 v6, v5  }
0x1e5: {  	[tilespmem:v7+s31+$0x0] =	vst.idx.msk $0xffff, v5  }
0x1e6: {  	v7 =	vld.idx.msk [tilespmem:v57+s28+$0x0], $0xffff  }
0x1e7: {  	v5 =	vadd.s32 s1, v14;
	v6 =	vld.idx.msk [tilespmem:v58+s28+$0x0], $0xffff  }
0x1e8: {  	_ =	sdelay $0x3  }
0x1e9: {  	v4 =	vadd.f32 v7, v4;
	v1 =	vadd.f32 v6, v1;
	_ =	sdelay $0x1  }
0x1ea: {  	v1 =	vpack.i.f32.bf16 v1, v4;
	v4 =	vld [tilespmem:$0x1FE10]  }
0x1eb: {  	[tilespmem:v5+s31+$0x0] =	vst.idx.msk $0x7ff, v1;
	v1 =	vld [tilespmem:$0x1FE00];
	_ =	sdelay $0x6  }
0x1ec: {  	v4 =	vld.idx.msk [tilespmem:v4+s9+$0x0], $0xffff  }
0x1ed: {  	v1 =	vld.idx.msk [tilespmem:v1+s9+$0x0], $0xffff;
	_ =	sdelay $0x2  }
0x1ee: {  	s1 =	simm.s32 $0x24  }
0x1ef: {  	v5 =	vmov s1  }
0x1f0: {  	v6 =	vadd.s32 $0xA, v5;
	v1 =	vpack.i.f32.bf16 v4, v1;
	v4 =	vadd.s32 $0xB, v5;
	v5 =	vld [tilespmem:$0x1FE20];
	_ =	sdelay $0x7  }
0x1f1: {  	v12 =	vld [tilespmem:$0x1FE30];
	[tilespmem:v5+s30+$0x0] =	vst.idx.msk $0x1ff, v1  }
0x1f2: {  	v5 =	vld.idx.msk [tilespmem:v3+s28+$0x0], $0xffff  }
0x1f3: {  	v7 =	vld.idx.msk [tilespmem:v2+s28+$0x0], $0xffff  }
0x1f4: {  	v16 =	vld.idx.msk [tilespmem:v6+s26+$0x0], $0xffff  }
0x1f5: {  	v6 =	vld.idx.msk [tilespmem:v4+s26+$0x0], $0xffff;
	_ =	sdelay $0x1  }
0x1f6: {  	s1 =	simm.s32 $0x43FD  }
0x1f7: {  	v9 =	vadd.s32 s1, v0  }
0x1f8: {  	v1 =	vadd.s32 $0xEE, v12  }
0x1f9: {  	v4 =	vadd.s32 $0xEF, v12;
	v7 =	vadd.f32 v7, v16;
	v5 =	vadd.f32 v5, v6;
	_ =	sdelay $0x1  }
0x1fa: {  	v5 =	vpack.i.f32.bf16 v5, v7  }
0x1fb: {  	[tilespmem:v9+s31+$0x0] =	vst.idx.msk $0xffff, v5  }
0x1fc: {  	v7 =	vld.idx.msk [tilespmem:v1+s28+$0x0], $0xffff  }
0x1fd: {  	v9 =	vld.idx.msk [tilespmem:v4+s28+$0x0], $0xffff;
	_ =	sdelay $0x2  }
0x1fe: {  	v10 =	vadd.s32 s1, v8  }
0x1ff: {  	v5 =	vadd.s32 $0x1AE, v12  }
0x200: {  	v15 =	vadd.s32 $0x1AF, v12;
	v7 =	vadd.f32 v7, v16;
	v9 =	vadd.f32 v9, v6;
	_ =	sdelay $0x1  }
0x201: {  	v7 =	vpack.i.f32.bf16 v9, v7  }
0x202: {  	[tilespmem:v10+s31+$0x0] =	vst.idx.msk $0xffff, v7  }
0x203: {  	v7 =	vld.idx.msk [tilespmem:v5+s28+$0x0], $0xffff  }
0x204: {  	v9 =	vld.idx.msk [tilespmem:v15+s28+$0x0], $0xffff;
	_ =	sdelay $0x2  }
0x205: {  	v10 =	vadd.s32 s1, v11;
	_ =	sdelay $0x1  }
0x206: {  	v7 =	vadd.f32 v7, v16;
	v9 =	vadd.f32 v9, v6;
	_ =	sdelay $0x1  }
0x207: {  	v7 =	vpack.i.f32.bf16 v9, v7  }
0x208: {  	[tilespmem:v10+s31+$0x0] =	vst.idx.msk $0xffff, v7  }
0x209: {  	v10 =	vld.idx.msk [tilespmem:v62+s28+$0x0], $0xffff  }
0x20a: {  	v9 =	vld.idx.msk [tilespmem:v63+s28+$0x0], $0xffff;
	_ =	sdelay $0x1  }
0x20b: {  	s6 =	simm.s32 $0x30;
	v7 =	vadd.s32 s1, v14  }
.LBB2_14:
0x20c: {  	p0 =	sne.s32 s6, $0x2DC  }
0x20d: {  	v10 =	vadd.f32 v10, v16;
	s1 =	sadd.s32 $0x3B, s1;
	s8 =	smov.u32 s6;
	s6 =	sadd.s32 $0xC, s6  }
0x20e: {  	v6 =	vadd.f32 v9, v6;
	v12 =	vmov s8  }
0x20f: {  	v9 =	vadd.s32 $0xA, v12;
	v12 =	vadd.s32 $0xB, v12  }
0x210: {  	v6 =	vpack.i.f32.bf16 v6, v10  }
0x211: {  	[tilespmem:v7+s31+$0x0] =	vst.idx.msk $0x7ff, v6  }
0x212: {  	v7 =	vld.idx.msk [tilespmem:v3+s28+$0x0], $0xffff  }
0x213: {  	v10 =	vld.idx.msk [tilespmem:v2+s28+$0x0], $0xffff  }
0x214: {  	v16 =	vld.idx.msk [tilespmem:v9+s26+$0x0], $0xffff  }
0x215: {  	v6 =	vld.idx.msk [tilespmem:v12+s26+$0x0], $0xffff;
	_ =	sdelay $0x2  }
0x216: {  	v9 =	vadd.s32 s1, v0;
	_ =	sdelay $0x1  }
0x217: {  	v10 =	vadd.f32 v10, v16  }
0x218: {  	v7 =	vadd.f32 v7, v6;
	_ =	sdelay $0x1  }
0x219: {  	v7 =	vpack.i.f32.bf16 v7, v10  }
0x21a: {  	[tilespmem:v9+s31+$0x0] =	vst.idx.msk $0xffff, v7  }
0x21b: {  	v7 =	vld.idx.msk [tilespmem:v1+s28+$0x0], $0xffff  }
0x21c: {  	v9 =	vld.idx.msk [tilespmem:v4+s28+$0x0], $0xffff;
	_ =	sdelay $0x1  }
0x21d: {  	v10 =	vadd.s32 s1, v8;
	_ =	sdelay $0x2  }
0x21e: {  	v7 =	vadd.f32 v7, v16  }
0x21f: {  	v9 =	vadd.f32 v9, v6;
	_ =	sdelay $0x1  }
0x220: {  	v7 =	vpack.i.f32.bf16 v9, v7  }
0x221: {  	[tilespmem:v10+s31+$0x0] =	vst.idx.msk $0xffff, v7  }
0x222: {  	v7 =	vld.idx.msk [tilespmem:v5+s28+$0x0], $0xffff  }
0x223: {  	v9 =	vld.idx.msk [tilespmem:v15+s28+$0x0], $0xffff  }
0x224: {  	v10 =	vadd.s32 s1, v11;
	_ =	sdelay $0x3  }
0x225: {  	v7 =	vadd.f32 v7, v16  }
0x226: {  	v9 =	vadd.f32 v9, v6;
	_ =	sdelay $0x1  }
0x227: {  	v7 =	vpack.i.f32.bf16 v9, v7  }
0x228: {  	[tilespmem:v10+s31+$0x0] =	vst.idx.msk $0xffff, v7  }
0x229: {  	v10 =	vld.idx.msk [tilespmem:v62+s28+$0x0], $0xffff  }
.Ltmp6:
0x22a: {  	v7 =	vadd.s32 s1, v14;
	v9 =	vld.idx.msk [tilespmem:v63+s28+$0x0], $0xffff;
	(pc) =	sbr.rel @p0 .LBB2_14-.Ltmp6, $2  }
0x22b: {  	_ =	sdelay $0x2  }
0x22c: {  	s8 =	simm.s32 $0x0  }
0x22d: {  	_ = 	snop  }
0x22e: {  	v1 =	vadd.f32 v10, v16;
	v4 =	vadd.f32 v9, v6;
	_ =	sdelay $0x1  }
0x22f: {  	v1 =	vpack.i.f32.bf16 v4, v1  }
0x230: {  	[tilespmem:v7+s31+$0x0] =	vst.idx.msk $0x7ff, v1  }
.LBB2_16:
0x231: {  	p0 =	seq.s32 s8, $0x0  }
0x232: {  	s1 =	simm.s32 @!p0 $0x1  }
0x233: {  	_ =	swait.ge @!p0 [sflag:s1], $0x8000  }
0x234: {  	s6 =	sshll.u32 s8, $0x3;
	s22 =	simm.s32 $0x0;
	[sflag:s1] =	ssyncset.done @!p0 $0x0  }
0x235: {  	s9 =	sadd.s32 s15, s6;
	s6 =	simm.s32 $0xBA00;
	[sflag:s1] =	ssyncadd.s32 @!p0 $0xFFFF8000  }
.LBB2_17:
0x236: {  	s23 =	simm.s32 $0x1840  }
0x237: {  	v4 =	vld [tilespmem:s23+$0x30]  }
0x238: {  	s1 =	sor.u32 s9, s22;
	v5 =	vld [tilespmem:s23+$0xFFFFFFD0]  }
0x239: {  	v1 =	vmov s1;
	v6 =	vld [tilespmem:s23+$0xFFFFFFE0]  }
0x23a: {  	v7 =	vld [tilespmem:s23+$0xFFFFFFC0]  }
0x23b: {  	v9 =	vld [tilespmem:s23+$0xFFFFFFF0]  }
0x23c: {  	v12 =	vld [tilespmem:s23+$0x10]  }
0x23d: {  	v16 =	vld [tilespmem:s23+$0x20]  }
0x23e: {  	s29 =	simm.s32 $0x18C0;
	v1 =	vld.idx.msk [tilespmem:v1+s0+$0x0], $0xffff  }
0x23f: {  	v38 =	vld [tilespmem:s29+$0xFFFFFFE0]  }
0x240: {  	v39 =	vld [tilespmem:s29+$0xFFFFFFF0]  }
0x241: {  	v48 =	vld [tilespmem:s29+$0x0]  }
0x242: {  	v49 =	vld [tilespmem:s29+$0x10]  }
0x243: {  	v15 =	vadd.s32 $0x1B320, v1  }
0x244: {  	v1 =	vsub.s32 v15, v4;
	v5 =	vsub.s32 v15, v5;
	v6 =	vsub.s32 v15, v6  }
0x245: {  	v7 =	vsub.s32 v15, v7;
	v9 =	vsub.s32 v15, v9;
	v12 =	vsub.s32 v15, v12  }
0x246: {  	v16 =	vsub.s32 v15, v16;
	v38 =	vsub.s32 v15, v38;
	v29 =	vsub.s32 v15, v39  }
0x247: {  	v30 =	vsub.s32 v15, v48;
	v32 =	vsub.s32 v15, v49;
	v17 =	vand.u32 $0x3F, v7  }
0x248: {  	v10 =	vand.u32 $0x3F, v1;
	v13 =	vand.u32 $0x3F, v5;
	v17 =	vmax.u32 v17, $0x1C  }
0x249: {  	v1 =	vshrl.u32 v1, $0x6;
	v18 =	vand.u32 $0x3F, v6;
	v17 =	vmin.u32 v17, $0x24  }
0x24a: {  	v20 =	vld [tilespmem:s29+$0x30];
	v19 =	vand.u32 $0x3F, v9;
	v10 =	vmax.u32 v10, $0x1C;
	v17 =	vadd.s32 $0xFFFFFFE4, v17  }
0x24b: {  	v4 =	vld [tilespmem:s23+$0x0];
	v27 =	vand.u32 $0x3F, v12;
	v28 =	vand.u32 $0x3F, v16;
	v10 =	vmin.u32 v10, $0x24  }
0x24c: {  	v7 =	vshrl.u32 v7, $0x6;
	v5 =	vshrl.u32 v5, $0x6;
	v10 =	vadd.s32 $0xFFFFFFE4, v10  }
0x24d: {  	v6 =	vshrl.u32 v6, $0x6;
	v9 =	vshrl.u32 v9, $0x6;
	v23 =	vshrl.u32 v12, $0x6  }
0x24e: {  	v18 =	vmax.u32 v18, $0x1C;
	v19 =	vmax.u32 v19, $0x1C;
	v27 =	vmax.u32 v27, $0x1C  }
0x24f: {  	v28 =	vmax.u32 v28, $0x1C;
	v18 =	vmin.u32 v18, $0x24;
	v21 =	vld.idx.msk [tilespmem:v17+s30+$0x0], $0xffff;
	v17 =	vsub.s32 v15, v20  }
0x250: {  	v18 =	vadd.s32 $0xFFFFFFE4, v18;
	v4 =	vsub.s32 v15, v4;
	v1 =	vld.idx.msk [tilespmem:v1+s31+$0x0], $0xffff;
	v37 =	vand.u32 $0x3F, v17  }
0x251: {  	v19 =	vmin.u32 v19, $0x24;
	v26 =	vand.u32 $0x3F, v4;
	v10 =	vld.idx.msk [tilespmem:v10+s30+$0x0], $0xffff;
	v37 =	vmax.u32 v37, $0x1C  }
0x252: {  	v26 =	vmax.u32 v26, $0x1C;
	v17 =	vshrl.u32 v17, $0x6;
	v37 =	vmin.u32 v37, $0x24  }
0x253: {  	v20 =	vmin.u32 v26, $0x24;
	v26 =	vmin.u32 v27, $0x24;
	v27 =	vld [tilespmem:s29+$0xFFFFFFD0];
	v37 =	vadd.s32 $0xFFFFFFE4, v37  }
0x254: {  	v12 =	vld [tilespmem:s29+$0xFFFFFFC0];
	v16 =	vshrl.u32 v16, $0x6;
	v28 =	vmin.u32 v28, $0x24;
	v19 =	vadd.s32 $0xFFFFFFE4, v19  }
0x255: {  	v61 =	vand.u32 $0x3F, v38;
	v13 =	vmax.u32 v13, $0x1C;
	v28 =	vadd.s32 $0xFFFFFFE4, v28;
	v31 =	vld.idx.msk [tilespmem:v18+s30+$0x0], $0xffff  }
0x256: {  	v48 =	vand.u32 $0x3F, v30;
	v13 =	vmin.u32 v13, $0x24;
	v1 =	vadd.bf16 v10, v1;
	v10 =	vld [tilespmem:s29+$0x20]  }
0x257: {  	v49 =	vand.u32 $0x3F, v32;
	v38 =	vshrl.u32 v38, $0x6;
	v13 =	vadd.s32 $0xFFFFFFE4, v13;
	v17 =	vld.idx.msk [tilespmem:v17+s31+$0x0], $0xffff  }
0x258: {  	v22 =	vshrl.u32 v4, $0x6;
	v26 =	vadd.s32 $0xFFFFFFE4, v26;
	v27 =	vsub.s32 v15, v27;
	v37 =	vld.idx.msk [tilespmem:v37+s30+$0x0], $0xffff  }
0x259: {  	v4 =	vld.idx.msk [tilespmem:v19+s30+$0x0], $0xffff;
	v24 =	vunpack.i.u.bf16.f32 v1;
	v25 =	vunpack.i.l.bf16.f32 v1;
	v1 =	vand.u32 $0x3F, v27  }
0x25a: {  	v18 =	vand.u32 $0x3F, v29;
	v60 =	vld.idx.msk [tilespmem:v28+s30+$0x0], $0xffff;
	v28 =	vmax.u32 v49, $0x1C;
	v19 =	vmax.u32 v1, $0x1C  }
0x25b: {  	v35 =	vld.idx.msk [tilespmem:v7+s31+$0x0], $0xffff;
	v20 =	vadd.s32 $0xFFFFFFE4, v20;
	v18 =	vmax.u32 v18, $0x1C;
	v19 =	vmin.u32 v19, $0x24  }
0x25c: {  	v36 =	vld.idx.msk [tilespmem:v5+s31+$0x0], $0xffff;
	v33 =	vsub.s32 v15, v10;
	v10 =	vsub.s32 v15, v12;
	v12 =	vmax.u32 v61, $0x1C  }
0x25d: {  	v61 =	vld.idx.msk [tilespmem:v26+s30+$0x0], $0xffff;
	v26 =	vmax.u32 v48, $0x1C;
	v34 =	vadd.bf16 v37, v17;
	v17 =	vand.u32 $0x3F, v10  }
0x25e: {  	v40 =	vld.idx.msk [tilespmem:v6+s31+$0x0], $0xffff;
	v19 =	vadd.s32 $0xFFFFFFE4, v19;
	v48 =	vshrl.u32 v27, $0x6;
	v17 =	vmax.u32 v17, $0x1C  }
0x25f: {  	v13 =	vld.idx.msk [tilespmem:v13+s30+$0x0], $0xffff;
	v7 =	vmin.u32 v12, $0x24;
	v12 =	vmin.u32 v18, $0x24;
	v17 =	vmin.u32 v17, $0x24  }
0x260: {  	v1 =	vld.idx.msk [tilespmem:v20+s30+$0x0], $0xffff;
	v18 =	vmin.u32 v26, $0x24;
	v26 =	vmin.u32 v28, $0x24;
	v28 =	vadd.s32 $0xFFFFFFE4, v17  }
0x261: {  	v20 =	vand.u32 $0x3F, v33;
	v50 =	vshrl.u32 v10, $0x6;
	v5 =	vadd.s32 $0xFFFFFFE4, v12;
	v12 =	vld.idx.msk [tilespmem:v9+s31+$0x0], $0xffff  }
0x262: {  	v20 =	vmax.u32 v20, $0x1C;
	v6 =	vadd.s32 $0xFFFFFFE4, v7;
	v59 =	vadd.s32 $0xFFFFFFE4, v18;
	v7 =	vld.idx.msk [tilespmem:v16+s31+$0x0], $0xffff  }
0x263: {  	v49 =	vadd.s32 $0xFFFFFFE4, v26;
	v26 =	vshrl.u32 v30, $0x6;
	v16 =	vshrl.u32 v33, $0x6;
	v10 =	vld.idx.msk [tilespmem:v22+s31+$0x0], $0xffff  }
0x264: {  	[tilespmem:s6+$0x70] =	vst v24;
	v9 =	vld.idx.msk [tilespmem:v23+s31+$0x0], $0xffff;
	v18 =	vadd.bf16 v21, v35;
	v37 =	vshrl.u32 v29, $0x6;
	v17 =	vmin.u32 v20, $0x24  }
0x265: {  	s23 =	sadd.s32 $0x400, s6;
	[tilespmem:s6+$0xFFFFC070] =	vst v25;
	v22 =	vunpack.i.u.bf16.f32 v34;
	v20 =	vunpack.i.l.bf16.f32 v34;
	v39 =	vadd.s32 $0xFFFFFFE4, v17;
	v27 =	vld.idx.msk [tilespmem:v28+s30+$0x0], $0xffff  }
0x266: {  	s10 =	simm.s32 $0x8;
	s11 =	simm.s32 $0x1940;
	s1 =	smov.u32 s6;
	[tilespmem:s23+$0x70] =	vst v22;
	v17 =	vshrl.u32 v32, $0x6;
	v28 =	vld.idx.msk [tilespmem:v19+s30+$0x0], $0xffff;
	v19 =	vadd.bf16 v13, v36;
	v13 =	vadd.bf16 v31, v40  }
.LBB2_18:
0x267: {  	v21 =	vld [tilespmem:s11+$0x30];
	s10 =	sadd.s32 $0x8, s10;
	[tilespmem:s23+$0xFFFFC070] =	vst v20;
	v20 =	vunpack.i.u.bf16.f32 v18;
	v18 =	vunpack.i.l.bf16.f32 v18;
	v4 =	vadd.bf16 v4, v12  }
0x268: {  	v1 =	vadd.bf16 v1, v10;
	v12 =	vld [tilespmem:s11+$0xFFFFFFD0];
	p1 =	slt.u32 s10, $0x78;
	[tilespmem:s1+$0xFFFFC000] =	vst v18;
	v18 =	vunpack.i.u.bf16.f32 v19;
	v19 =	vunpack.i.l.bf16.f32 v19  }
0x269: {  	v9 =	vadd.bf16 v61, v9;
	v10 =	vld [tilespmem:s11+$0xFFFFFFE0];
	[tilespmem:s1+$0x0] =	vst v20;
	v20 =	vunpack.i.u.bf16.f32 v13;
	v13 =	vunpack.i.l.bf16.f32 v13  }
0x26a: {  	v7 =	vadd.bf16 v60, v7;
	v22 =	vld [tilespmem:s11+$0xFFFFFFF0];
	[tilespmem:s1+$0xFFFFC010] =	vst v19;
	v19 =	vunpack.i.u.bf16.f32 v4;
	v4 =	vunpack.i.l.bf16.f32 v4  }
0x26b: {  	v24 =	vunpack.i.u.bf16.f32 v9;
	v23 =	vld [tilespmem:s11+$0x0];
	[tilespmem:s1+$0x10] =	vst v18;
	v18 =	vunpack.i.u.bf16.f32 v1;
	v1 =	vunpack.i.l.bf16.f32 v1  }
0x26c: {  	v9 =	vunpack.i.l.bf16.f32 v9;
	v25 =	vld [tilespmem:s11+$0x10];
	v21 =	vsub.s32 v15, v21;
	[tilespmem:s1+$0xFFFFC020] =	vst v13;
	v13 =	vunpack.i.u.bf16.f32 v7  }
0x26d: {  	v7 =	vunpack.i.l.bf16.f32 v7;
	v29 =	vsub.s32 v15, v12;
	v12 =	vld [tilespmem:s11+$0x20];
	v30 =	vand.u32 $0x3F, v21;
	[tilespmem:s1+$0x20] =	vst v20  }
0x26e: {  	v20 =	vld [tilespmem:s11+$0xFFFFFFC0];
	v31 =	vand.u32 $0x3F, v29;
	v32 =	vsub.s32 v15, v10;
	v10 =	vmax.u32 v30, $0x1C;
	[tilespmem:s1+$0xFFFFC030] =	vst v4  }
0x26f: {  	v21 =	vshrl.u32 v21, $0x6;
	v22 =	vsub.s32 v15, v22;
	v4 =	vmin.u32 v10, $0x24;
	v30 =	vld.idx.msk [tilespmem:v6+s30+$0x0], $0xffff;
	[tilespmem:s1+$0x30] =	vst v19  }
0x270: {  	v6 =	vand.u32 $0x3F, v32;
	v19 =	vsub.s32 v15, v23;
	v10 =	vadd.s32 $0xFFFFFFE4, v4;
	v4 =	vld.idx.msk [tilespmem:v5+s30+$0x0], $0xffff;
	[tilespmem:s1+$0xFFFFC040] =	vst v1  }
0x271: {  	v5 =	vand.u32 $0x3F, v22;
	v23 =	vand.u32 $0x3F, v19;
	v25 =	vsub.s32 v15, v25;
	v1 =	vld.idx.msk [tilespmem:v59+s30+$0x0], $0xffff;
	[tilespmem:s1+$0x40] =	vst v18  }
0x272: {  	v18 =	vmax.u32 v31, $0x1C;
	v31 =	vand.u32 $0x3F, v25;
	v33 =	vsub.s32 v15, v12;
	v61 =	vld.idx.msk [tilespmem:v49+s30+$0x0], $0xffff;
	[tilespmem:s1+$0xFFFFC050] =	vst v9  }
0x273: {  	v6 =	vmax.u32 v6, $0x1C;
	v9 =	vsub.s32 v15, v20;
	v12 =	vand.u32 $0x3F, v33;
	v60 =	vld.idx.msk [tilespmem:v39+s30+$0x0], $0xffff;
	[tilespmem:s1+$0x50] =	vst v24  }
0x274: {  	v5 =	vmax.u32 v5, $0x1C;
	v23 =	vmax.u32 v23, $0x1C;
	v20 =	vand.u32 $0x3F, v9;
	v21 =	vld.idx.msk [tilespmem:v21+s31+$0x0], $0xffff;
	[tilespmem:s1+$0xFFFFC060] =	vst v7  }
0x275: {  	v12 =	vmax.u32 v12, $0x1C;
	v7 =	vmax.u32 v20, $0x1C;
	v20 =	vmax.u32 v31, $0x1C;
	v24 =	vld.idx.msk [tilespmem:v10+s30+$0x0], $0xffff;
	[tilespmem:s1+$0x60] =	vst v13;
	s1 =	smov.u32 s23  }
0x276: {  	v6 =	vmin.u32 v6, $0x24;
	v10 =	vmin.u32 v18, $0x24;
	v7 =	vmin.u32 v7, $0x24;
	v13 =	vld.idx.msk [tilespmem:v50+s31+$0x0], $0xffff  }
0x277: {  	v5 =	vmin.u32 v5, $0x24;
	v18 =	vmin.u32 v23, $0x24;
	v20 =	vmin.u32 v20, $0x24;
	v23 =	vld.idx.msk [tilespmem:v48+s31+$0x0], $0xffff  }
0x278: {  	v34 =	vadd.s32 $0xFFFFFFE4, v10;
	v31 =	vadd.s32 $0xFFFFFFE4, v7;
	v7 =	vmin.u32 v12, $0x24;
	v35 =	vld.idx.msk [tilespmem:v38+s31+$0x0], $0xffff  }
0x279: {  	v6 =	vadd.s32 $0xFFFFFFE4, v6;
	v5 =	vadd.s32 $0xFFFFFFE4, v5;
	v59 =	vadd.s32 $0xFFFFFFE4, v18;
	v12 =	vld.idx.msk [tilespmem:v37+s31+$0x0], $0xffff  }
.Ltmp7:
0x27a: {  	v50 =	vshrl.u32 v9, $0x6;
	v49 =	vadd.s32 $0xFFFFFFE4, v20;
	v39 =	vadd.s32 $0xFFFFFFE4, v7;
	v10 =	vld.idx.msk [tilespmem:v26+s31+$0x0], $0xffff;
	(pc) =	sbr.rel @p1 .LBB2_18-.Ltmp7, $4  }
0x27b: {  	v48 =	vshrl.u32 v29, $0x6;
	v38 =	vshrl.u32 v32, $0x6;
	v20 =	vadd.bf16 v24, v21;
	v9 =	vld.idx.msk [tilespmem:v17+s31+$0x0], $0xffff  }
0x27c: {  	v37 =	vshrl.u32 v22, $0x6;
	v26 =	vshrl.u32 v19, $0x6;
	v17 =	vshrl.u32 v25, $0x6;
	v7 =	vld.idx.msk [tilespmem:v16+s31+$0x0], $0xffff  }
0x27d: {  	s23 =	sadd.s32 $0x400, s23;
	v18 =	vadd.bf16 v27, v13;
	v16 =	vshrl.u32 v33, $0x6;
	v19 =	vunpack.i.u.bf16.f32 v20;
	v27 =	vld.idx.msk [tilespmem:v31+s30+$0x0], $0xffff  }
0x27e: {  	s11 =	sadd.s32 $0x80, s11;
	v20 =	vunpack.i.l.bf16.f32 v20;
	v13 =	vadd.bf16 v30, v35;
	[tilespmem:s23+$0x70] =	vst v19;
	v19 =	vadd.bf16 v28, v23;
	v28 =	vld.idx.msk [tilespmem:v34+s30+$0x0], $0xffff  }
0x27f: {  	[tilespmem:s23+$0xFFFFC070] =	vst v20;
	v15 =	vunpack.i.l.bf16.f32 v18  }
0x280: {  	v42 =	vunpack.i.u.bf16.f32 v18;
	[tilespmem:s1+$0xFFFFC000] =	vst v15  }
0x281: {  	v15 =	vunpack.i.l.bf16.f32 v19;
	[tilespmem:s1+$0x0] =	vst v42  }
0x282: {  	v43 =	vunpack.i.u.bf16.f32 v19;
	[tilespmem:s1+$0xFFFFC010] =	vst v15  }
0x283: {  	v4 =	vadd.bf16 v4, v12;
	v12 =	vunpack.i.l.bf16.f32 v13;
	[tilespmem:s1+$0x10] =	vst v43  }
0x284: {  	v13 =	vunpack.i.u.bf16.f32 v13;
	[tilespmem:s1+$0xFFFFC020] =	vst v12  }
0x285: {  	v1 =	vadd.bf16 v1, v10;
	v10 =	vunpack.i.l.bf16.f32 v4;
	[tilespmem:s1+$0x20] =	vst v13  }
0x286: {  	v4 =	vunpack.i.u.bf16.f32 v4;
	[tilespmem:s1+$0xFFFFC030] =	vst v10;
	v10 =	vld.idx.msk [tilespmem:v50+s31+$0x0], $0xffff  }
0x287: {  	v9 =	vadd.bf16 v61, v9;
	v12 =	vunpack.i.l.bf16.f32 v1;
	[tilespmem:s1+$0x30] =	vst v4  }
0x288: {  	v1 =	vunpack.i.u.bf16.f32 v1;
	[tilespmem:s1+$0xFFFFC040] =	vst v12;
	v4 =	vld.idx.msk [tilespmem:v48+s31+$0x0], $0xffff  }
0x289: {  	v6 =	vld.idx.msk [tilespmem:v6+s30+$0x0], $0xffff;
	v7 =	vadd.bf16 v60, v7;
	v12 =	vunpack.i.l.bf16.f32 v9;
	[tilespmem:s1+$0x40] =	vst v1  }
0x28a: {  	v1 =	vunpack.i.u.bf16.f32 v9;
	v9 =	vld.idx.msk [tilespmem:v38+s31+$0x0], $0xffff;
	[tilespmem:s1+$0xFFFFC050] =	vst v12  }
0x28b: {  	v5 =	vld.idx.msk [tilespmem:v5+s30+$0x0], $0xffff;
	v12 =	vunpack.i.l.bf16.f32 v7;
	[tilespmem:s1+$0x50] =	vst v1;
	v1 =	vadd.bf16 v27, v10  }
0x28c: {  	v7 =	vunpack.i.u.bf16.f32 v7;
	[tilespmem:s1+$0xFFFFC060] =	vst v12;
	v10 =	vld.idx.msk [tilespmem:v37+s31+$0x0], $0xffff  }
0x28d: {  	v13 =	vld.idx.msk [tilespmem:v26+s31+$0x0], $0xffff;
	[tilespmem:s1+$0x60] =	vst v7;
	v4 =	vadd.bf16 v28, v4;
	v7 =	vunpack.i.l.bf16.f32 v1  }
0x28e: {  	v12 =	vld.idx.msk [tilespmem:v59+s30+$0x0], $0xffff;
	v1 =	vunpack.i.u.bf16.f32 v1;
	[tilespmem:s23+$0xFFFFC000] =	vst v7  }
0x28f: {  	v6 =	vadd.bf16 v6, v9;
	v9 =	vunpack.i.l.bf16.f32 v4;
	v7 =	vld.idx.msk [tilespmem:v49+s30+$0x0], $0xffff;
	[tilespmem:s23+$0x0] =	vst v1  }
0x290: {  	v4 =	vunpack.i.u.bf16.f32 v4;
	v1 =	vld.idx.msk [tilespmem:v17+s31+$0x0], $0xffff;
	[tilespmem:s23+$0xFFFFC010] =	vst v9  }
0x291: {  	v9 =	vld.idx.msk [tilespmem:v39+s30+$0x0], $0xffff;
	[tilespmem:s23+$0x10] =	vst v4;
	v5 =	vadd.bf16 v5, v10;
	v10 =	vunpack.i.l.bf16.f32 v6  }
0x292: {  	v4 =	vld.idx.msk [tilespmem:v16+s31+$0x0], $0xffff;
	v6 =	vunpack.i.u.bf16.f32 v6;
	[tilespmem:s23+$0xFFFFC020] =	vst v10  }
0x293: {  	v10 =	vadd.bf16 v12, v13;
	[tilespmem:s23+$0x20] =	vst v6;
	v12 =	vunpack.i.l.bf16.f32 v5  }
0x294: {  	v5 =	vunpack.i.u.bf16.f32 v5;
	[tilespmem:s23+$0xFFFFC030] =	vst v12  }
0x295: {  	s22 =	sadd.s32 $0x1, s22;
	v1 =	vadd.bf16 v7, v1;
	v6 =	vunpack.i.l.bf16.f32 v10;
	[tilespmem:s23+$0x30] =	vst v5  }
0x296: {  	p1 =	sne.s32 s22, $0x8;
	v5 =	vunpack.i.u.bf16.f32 v10;
	[tilespmem:s23+$0xFFFFC040] =	vst v6  }
.Ltmp8:
0x297: {  	v4 =	vadd.bf16 v9, v4;
	[tilespmem:s23+$0x40] =	vst v5;
	v6 =	vunpack.i.l.bf16.f32 v1;
	(pc) =	sbr.rel @p1 .LBB2_17-.Ltmp8, $4  }
0x298: {  	v1 =	vunpack.i.u.bf16.f32 v1;
	[tilespmem:s23+$0xFFFFC050] =	vst v6  }
0x299: {  	v5 =	vunpack.i.l.bf16.f32 v4;
	[tilespmem:s23+$0x50] =	vst v1  }
0x29a: {  	v1 =	vunpack.i.u.bf16.f32 v4;
	[tilespmem:s23+$0xFFFFC060] =	vst v5  }
0x29b: {  	s6 =	sadd.s32 $0x80, s6;
	[tilespmem:s23+$0x60] =	vst v1  }
0x29c: {  	s22 =	sshll.u32 s9, $0x8;
	s1 =	rddreg [dreg:$0x1]  }
0x29d: {  	s23 =	rddreg [dreg:$0x9];
	s1 =	sadd.s32 s1, s22  }
0x29e: {  	[hbm4b:s1+s2] =	stream.linear.scatter [tilespmem:s7], [sflag:$0x1], $0x4000, $0x38;
	[tilespmem:$0x17A00] =	vst v63  }
0x29f: {  	s1 =	sadd.s32 s22, s23  }
0x2a0: {  	[hbm4b:s1+s2] =	stream.linear.scatter [tilespmem:s24], [sflag:$0x1], $0x4000, $0x38;
	[tilespmem:$0x17A00] =	vst v63  }
0x2a1: {  	s1 =	simm.s32 @!p0 $0x2  }
0x2a2: {  	_ =	swait.ge @!p0 [sflag:s1], $0x8000  }
0x2a3: {  	[sflag:s1] =	ssyncset.done @!p0 $0x0  }
0x2a4: {  	s29 =	simm.s32 $0x0;
	[sflag:s1] =	ssyncadd.s32 @!p0 $0xFFFF8000;
	s1 =	simm.s32 $0x13A70  }
.LBB2_21:
0x2a5: {  	s11 =	simm.s32 $0x1840  }
0x2a6: {  	v4 =	vld [tilespmem:s11+$0x30]  }
0x2a7: {  	s6 =	sor.u32 s9, s29;
	v5 =	vld [tilespmem:s11+$0xFFFFFFD0]  }
0x2a8: {  	v1 =	vmov s6;
	v6 =	vld [tilespmem:s11+$0xFFFFFFE0]  }
0x2a9: {  	v7 =	vld [tilespmem:s11+$0xFFFFFFF0]  }
0x2aa: {  	v9 =	vld [tilespmem:s11+$0x10]  }
0x2ab: {  	v10 =	vld [tilespmem:s11+$0x20]  }
0x2ac: {  	v13 =	vld [tilespmem:s11+$0xFFFFFFC0]  }
0x2ad: {  	s23 =	simm.s32 $0x18C0;
	v1 =	vld.idx.msk [tilespmem:v1+s0+$0x0], $0xffff  }
0x2ae: {  	v23 =	vld [tilespmem:s23+$0x30]  }
0x2af: {  	v24 =	vld [tilespmem:s23+$0xFFFFFFE0]  }
0x2b0: {  	v26 =	vld [tilespmem:s23+$0xFFFFFFF0]  }
0x2b1: {  	v28 =	vld [tilespmem:s23+$0x10]  }
0x2b2: {  	v15 =	vadd.s32 $0x1B320, v1  }
0x2b3: {  	v4 =	vsub.s32 v15, v4;
	v5 =	vsub.s32 v15, v5  }
0x2b4: {  	v6 =	vsub.s32 v15, v6;
	v7 =	vsub.s32 v15, v7;
	v9 =	vsub.s32 v15, v9  }
0x2b5: {  	v10 =	vsub.s32 v15, v10;
	v13 =	vsub.s32 v15, v13;
	v23 =	vsub.s32 v15, v23  }
0x2b6: {  	v24 =	vsub.s32 v15, v24;
	v26 =	vsub.s32 v15, v26;
	v28 =	vsub.s32 v15, v28  }
0x2b7: {  	v12 =	vand.u32 $0x3F, v4;
	v4 =	vshrl.u32 v4, $0x6;
	v16 =	vand.u32 $0x3F, v5  }
0x2b8: {  	v17 =	vand.u32 $0x3F, v6;
	v18 =	vand.u32 $0x3F, v7;
	v20 =	vand.u32 $0x3F, v9  }
0x2b9: {  	v21 =	vand.u32 $0x3F, v10;
	v22 =	vand.u32 $0x3F, v13;
	v13 =	vshrl.u32 v13, $0x6  }
0x2ba: {  	v5 =	vshrl.u32 v5, $0x6;
	v6 =	vshrl.u32 v6, $0x6;
	v7 =	vshrl.u32 v7, $0x6  }
0x2bb: {  	v1 =	vld [tilespmem:s11+$0x0];
	v9 =	vshrl.u32 v9, $0x6;
	v10 =	vshrl.u32 v10, $0x6;
	v30 =	vand.u32 $0x3F, v23  }
0x2bc: {  	v23 =	vshrl.u32 v23, $0x6;
	v34 =	vand.u32 $0x3F, v26;
	v36 =	vand.u32 $0x3F, v28  }
0x2bd: {  	v26 =	vshrl.u32 v26, $0x6;
	v41 =	vshrl.u32 v28, $0x6;
	v12 =	vmax.u32 v12, $0x1C  }
0x2be: {  	v4 =	vadd.s32 $0xD99, v4;
	v16 =	vmax.u32 v16, $0x1C;
	v12 =	vmin.u32 v12, $0x24  }
0x2bf: {  	v17 =	vmax.u32 v17, $0x1C;
	v18 =	vmax.u32 v18, $0x1C;
	v12 =	vadd.s32 $0xFFFFFFED, v12  }
0x2c0: {  	v22 =	vmax.u32 v22, $0x1C;
	v20 =	vmax.u32 v20, $0x1C;
	v1 =	vsub.s32 v15, v1  }
0x2c1: {  	v21 =	vmax.u32 v21, $0x1C;
	v19 =	vand.u32 $0x3F, v1;
	v1 =	vshrl.u32 v1, $0x6  }
0x2c2: {  	v13 =	vadd.s32 $0xD99, v13;
	v23 =	vadd.s32 $0xD99, v23;
	v27 =	vadd.s32 $0xD99, v1;
	v1 =	vld [tilespmem:s23+$0x0]  }
0x2c3: {  	v5 =	vadd.s32 $0xD99, v5;
	v6 =	vadd.s32 $0xD99, v6;
	v7 =	vadd.s32 $0xD99, v7;
	v4 =	vld.idx.msk [tilespmem:v4+s31+$0x0], $0xffff  }
0x2c4: {  	v9 =	vadd.s32 $0xD99, v9;
	v10 =	vadd.s32 $0xD99, v10;
	v30 =	vmax.u32 v30, $0x1C;
	v12 =	vld.idx.msk [tilespmem:v12+s30+$0x0], $0xffff  }
0x2c5: {  	v34 =	vmax.u32 v34, $0x1C;
	v36 =	vmax.u32 v36, $0x1C;
	v16 =	vmin.u32 v16, $0x24  }
0x2c6: {  	v31 =	vld [tilespmem:s23+$0xFFFFFFC0];
	v17 =	vmin.u32 v17, $0x24;
	v30 =	vmin.u32 v30, $0x24;
	v16 =	vadd.s32 $0xFFFFFFED, v16  }
0x2c7: {  	v20 =	vmin.u32 v20, $0x24;
	v23 =	vld.idx.msk [tilespmem:v23+s31+$0x0], $0xffff;
	v33 =	vsub.s32 v15, v1;
	v1 =	vadd.s32 $0xFFFFFFED, v30  }
0x2c8: {  	v18 =	vmin.u32 v18, $0x24;
	v50 =	vmin.u32 v36, $0x24;
	v20 =	vadd.s32 $0xFFFFFFED, v20;
	v36 =	vld.idx.msk [tilespmem:v5+s31+$0x0], $0xffff  }
0x2c9: {  	v4 =	vadd.bf16 v12, v4;
	v12 =	vadd.s32 $0xFFFFFFED, v17;
	v17 =	vadd.s32 $0xFFFFFFED, v18;
	v18 =	vld [tilespmem:s23+$0xFFFFFFD0]  }
0x2ca: {  	v22 =	vmin.u32 v22, $0x24;
	v21 =	vmin.u32 v21, $0x24;
	v19 =	vmax.u32 v19, $0x1C;
	v42 =	vld.idx.msk [tilespmem:v6+s31+$0x0], $0xffff  }
0x2cb: {  	v22 =	vadd.s32 $0xFFFFFFED, v22;
	v19 =	vmin.u32 v19, $0x24;
	v30 =	vld.idx.msk [tilespmem:v16+s30+$0x0], $0xffff;
	v16 =	vand.u32 $0x3F, v24  }
0x2cc: {  	v21 =	vadd.s32 $0xFFFFFFED, v21;
	v19 =	vadd.s32 $0xFFFFFFED, v19;
	v16 =	vmax.u32 v16, $0x1C;
	v37 =	vld.idx.msk [tilespmem:v1+s30+$0x0], $0xffff  }
0x2cd: {  	v49 =	vadd.s32 $0xFFFFFFED, v50;
	v24 =	vshrl.u32 v24, $0x6;
	v16 =	vmin.u32 v16, $0x24;
	v1 =	vld.idx.msk [tilespmem:v20+s30+$0x0], $0xffff  }
0x2ce: {  	v25 =	vunpack.i.u.bf16.f32 v4;
	v29 =	vunpack.i.l.bf16.f32 v4;
	v4 =	vsub.s32 v15, v18;
	v18 =	vld [tilespmem:s23+$0x20]  }
0x2cf: {  	v39 =	vadd.s32 $0xD99, v24;
	v6 =	vadd.s32 $0xFFFFFFED, v16;
	v20 =	vmin.u32 v34, $0x24;
	v35 =	vld.idx.msk [tilespmem:v12+s30+$0x0], $0xffff  }
0x2d0: {  	v5 =	vadd.s32 $0xFFFFFFED, v20;
	v12 =	vand.u32 $0x3F, v33;
	v40 =	vld.idx.msk [tilespmem:v17+s30+$0x0], $0xffff;
	v17 =	vsub.s32 v15, v31  }
0x2d1: {  	v48 =	vld.idx.msk [tilespmem:v19+s30+$0x0], $0xffff;
	v33 =	vshrl.u32 v33, $0x6;
	v32 =	vand.u32 $0x3F, v4;
	v19 =	vand.u32 $0x3F, v17  }
0x2d2: {  	v13 =	vld.idx.msk [tilespmem:v13+s31+$0x0], $0xffff;
	v12 =	vmax.u32 v12, $0x1C;
	v17 =	vshrl.u32 v17, $0x6;
	v34 =	vshrl.u32 v4, $0x6  }
0x2d3: {  	v9 =	vld.idx.msk [tilespmem:v9+s31+$0x0], $0xffff;
	v28 =	vadd.s32 $0xD99, v33;
	v31 =	vmax.u32 v32, $0x1C;
	v19 =	vmax.u32 v19, $0x1C  }
0x2d4: {  	v61 =	vld.idx.msk [tilespmem:v10+s31+$0x0], $0xffff;
	v12 =	vmin.u32 v12, $0x24;
	v19 =	vmin.u32 v19, $0x24;
	v18 =	vsub.s32 v15, v18  }
0x2d5: {  	v22 =	vld.idx.msk [tilespmem:v22+s30+$0x0], $0xffff;
	v31 =	vmin.u32 v31, $0x24;
	v19 =	vadd.s32 $0xFFFFFFED, v19;
	v43 =	vand.u32 $0x3F, v18  }
0x2d6: {  	v23 =	vadd.bf16 v37, v23;
	v31 =	vadd.s32 $0xFFFFFFED, v31;
	v32 =	vmax.u32 v43, $0x1C;
	v43 =	vld.idx.msk [tilespmem:v7+s31+$0x0], $0xffff  }
0x2d7: {  	v4 =	vadd.s32 $0xD99, v17;
	v50 =	vadd.s32 $0xD99, v34;
	v37 =	vadd.s32 $0xD99, v26;
	v7 =	vld.idx.msk [tilespmem:v27+s31+$0x0], $0xffff  }
0x2d8: {  	v59 =	vld.idx.msk [tilespmem:v21+s30+$0x0], $0xffff;
	v17 =	vadd.s32 $0xD99, v41;
	v60 =	vadd.s32 $0xFFFFFFED, v12;
	v18 =	vshrl.u32 v18, $0x6  }
0x2d9: {  	[tilespmem:s1+$0x0] =	vst v25;
	v12 =	vadd.bf16 v30, v36;
	v20 =	vunpack.i.u.bf16.f32 v23;
	v16 =	vadd.s32 $0xD99, v18  }
0x2da: {  	[tilespmem:s1+$0xFFFFC000] =	vst v29;
	s23 =	sadd.s32 $0x400, s1;
	v18 =	vadd.bf16 v22, v13;
	v13 =	vadd.bf16 v35, v42;
	v32 =	vmin.u32 v32, $0x24;
	v26 =	vld.idx.msk [tilespmem:v19+s30+$0x0], $0xffff  }
0x2db: {  	s10 =	simm.s32 $0x8;
	s6 =	smov.u32 s1;
	s11 =	simm.s32 $0x1940;
	[tilespmem:s23+$0x0] =	vst v20;
	v38 =	vadd.s32 $0xFFFFFFED, v32;
	v27 =	vld.idx.msk [tilespmem:v31+s30+$0x0], $0xffff;
	v19 =	vunpack.i.l.bf16.f32 v23;
	v10 =	vadd.bf16 v40, v43  }
.LBB2_22:
0x2dc: {  	v20 =	vld [tilespmem:s11+$0x30];
	s10 =	sadd.s32 $0x8, s10;
	[tilespmem:s23+$0xFFFFC000] =	vst v19;
	v19 =	vunpack.i.u.bf16.f32 v18;
	v7 =	vadd.bf16 v48, v7;
	v1 =	vadd.bf16 v1, v9  }
0x2dd: {  	v18 =	vunpack.i.l.bf16.f32 v18;
	v21 =	vadd.bf16 v59, v61;
	v9 =	vld [tilespmem:s11+$0xFFFFFFD0];
	p0 =	slt.u32 s10, $0x78;
	[tilespmem:s6+$0xFFFFFF90] =	vst v19;
	v19 =	vunpack.i.u.bf16.f32 v12  }
0x2de: {  	v12 =	vunpack.i.l.bf16.f32 v12;
	v22 =	vld [tilespmem:s11+$0xFFFFFFE0];
	[tilespmem:s6+$0xFFFFBF90] =	vst v18;
	v18 =	vunpack.i.u.bf16.f32 v13;
	v13 =	vunpack.i.l.bf16.f32 v13  }
0x2df: {  	v24 =	vunpack.i.u.bf16.f32 v7;
	v23 =	vld [tilespmem:s11+$0xFFFFFFF0];
	[tilespmem:s6+$0xFFFFBFA0] =	vst v12;
	v12 =	vunpack.i.u.bf16.f32 v10;
	v10 =	vunpack.i.l.bf16.f32 v10  }
0x2e0: {  	v7 =	vunpack.i.l.bf16.f32 v7;
	v29 =	vunpack.i.l.bf16.f32 v1;
	v25 =	vld [tilespmem:s11+$0x0];
	[tilespmem:s6+$0xFFFFFFA0] =	vst v19;
	v19 =	vunpack.i.u.bf16.f32 v1  }
0x2e1: {  	v1 =	vld [tilespmem:s11+$0x10];
	v20 =	vsub.s32 v15, v20;
	[tilespmem:s6+$0xFFFFBFB0] =	vst v13;
	v13 =	vunpack.i.u.bf16.f32 v21;
	v21 =	vunpack.i.l.bf16.f32 v21  }
0x2e2: {  	v9 =	vsub.s32 v15, v9;
	v30 =	vld [tilespmem:s11+$0x20];
	v31 =	vand.u32 $0x3F, v20;
	[tilespmem:s6+$0xFFFFFFB0] =	vst v18  }
0x2e3: {  	v20 =	vshrl.u32 v20, $0x6;
	v18 =	vld [tilespmem:s11+$0xFFFFFFC0];
	v22 =	vsub.s32 v15, v22;
	v31 =	vmax.u32 v31, $0x1C;
	[tilespmem:s6+$0xFFFFBFC0] =	vst v10  }
0x2e4: {  	v20 =	vadd.s32 $0xD99, v20;
	v10 =	vsub.s32 v15, v23;
	v23 =	vmin.u32 v31, $0x24;
	v31 =	vld.idx.msk [tilespmem:v6+s30+$0x0], $0xffff;
	[tilespmem:s6+$0xFFFFFFC0] =	vst v12  }
0x2e5: {  	v6 =	vand.u32 $0x3F, v9;
	v12 =	vsub.s32 v15, v25;
	v23 =	vadd.s32 $0xFFFFFFED, v23;
	v25 =	vld.idx.msk [tilespmem:v5+s30+$0x0], $0xffff;
	[tilespmem:s6+$0xFFFFBFD0] =	vst v7  }
0x2e6: {  	v5 =	vand.u32 $0x3F, v22;
	v7 =	vand.u32 $0x3F, v10;
	v32 =	vsub.s32 v15, v1;
	v48 =	vld.idx.msk [tilespmem:v60+s30+$0x0], $0xffff;
	[tilespmem:s6+$0xFFFFFFD0] =	vst v24  }
0x2e7: {  	v24 =	vand.u32 $0x3F, v12;
	v33 =	vand.u32 $0x3F, v32;
	v30 =	vsub.s32 v15, v30;
	v1 =	vld.idx.msk [tilespmem:v49+s30+$0x0], $0xffff;
	[tilespmem:s6+$0xFFFFBFE0] =	vst v29  }
0x2e8: {  	v6 =	vmax.u32 v6, $0x1C;
	v18 =	vsub.s32 v15, v18;
	v29 =	vand.u32 $0x3F, v30;
	v59 =	vld.idx.msk [tilespmem:v38+s30+$0x0], $0xffff;
	[tilespmem:s6+$0xFFFFFFE0] =	vst v19  }
0x2e9: {  	v5 =	vmax.u32 v5, $0x1C;
	v7 =	vmax.u32 v7, $0x1C;
	v19 =	vand.u32 $0x3F, v18;
	v20 =	vld.idx.msk [tilespmem:v20+s31+$0x0], $0xffff;
	[tilespmem:s6+$0xFFFFBFF0] =	vst v21  }
0x2ea: {  	v21 =	vmax.u32 v24, $0x1C;
	v24 =	vmax.u32 v33, $0x1C;
	v19 =	vmax.u32 v19, $0x1C;
	v23 =	vld.idx.msk [tilespmem:v23+s30+$0x0], $0xffff;
	[tilespmem:s6+$0xFFFFFFF0] =	vst v13;
	s6 =	smov.u32 s23  }
0x2eb: {  	v6 =	vmin.u32 v6, $0x24;
	v13 =	vmin.u32 v19, $0x24;
	v19 =	vmax.u32 v29, $0x1C;
	v29 =	vld.idx.msk [tilespmem:v4+s31+$0x0], $0xffff  }
0x2ec: {  	v21 =	vmin.u32 v21, $0x24;
	v4 =	vmin.u32 v5, $0x24;
	v5 =	vmin.u32 v7, $0x24;
	v33 =	vld.idx.msk [tilespmem:v50+s31+$0x0], $0xffff  }
0x2ed: {  	v18 =	vshrl.u32 v18, $0x6;
	v24 =	vmin.u32 v24, $0x24;
	v19 =	vmin.u32 v19, $0x24;
	v34 =	vld.idx.msk [tilespmem:v39+s31+$0x0], $0xffff  }
0x2ee: {  	v35 =	vshrl.u32 v9, $0x6;
	v22 =	vshrl.u32 v22, $0x6;
	v10 =	vshrl.u32 v10, $0x6;
	v36 =	vld.idx.msk [tilespmem:v37+s31+$0x0], $0xffff  }
0x2ef: {  	v12 =	vshrl.u32 v12, $0x6;
	v32 =	vshrl.u32 v32, $0x6;
	v30 =	vshrl.u32 v30, $0x6;
	v7 =	vld.idx.msk [tilespmem:v28+s31+$0x0], $0xffff  }
0x2f0: {  	v40 =	vadd.s32 $0xFFFFFFED, v6;
	v13 =	vadd.s32 $0xFFFFFFED, v13;
	v20 =	vadd.bf16 v23, v20;
	v9 =	vld.idx.msk [tilespmem:v17+s31+$0x0], $0xffff  }
0x2f1: {  	v60 =	vadd.s32 $0xFFFFFFED, v21;
	v6 =	vadd.s32 $0xFFFFFFED, v4;
	v5 =	vadd.s32 $0xFFFFFFED, v5;
	v61 =	vld.idx.msk [tilespmem:v16+s31+$0x0], $0xffff  }
.Ltmp9:
0x2f2: {  	s23 =	sadd.s32 $0x400, s23;
	v49 =	vadd.s32 $0xFFFFFFED, v24;
	v38 =	vadd.s32 $0xFFFFFFED, v19;
	v16 =	vunpack.i.u.bf16.f32 v20;
	(pc) =	sbr.rel @p0 .LBB2_22-.Ltmp9, $4  }
0x2f3: {  	v4 =	vadd.s32 $0xD99, v18;
	v50 =	vadd.s32 $0xD99, v35;
	v39 =	vadd.s32 $0xD99, v22;
	[tilespmem:s23+$0x0] =	vst v16  }
0x2f4: {  	v37 =	vadd.s32 $0xD99, v10;
	v28 =	vadd.s32 $0xD99, v12;
	v17 =	vadd.s32 $0xD99, v32  }
0x2f5: {  	v18 =	vadd.bf16 v26, v29;
	v12 =	vadd.bf16 v27, v33;
	v16 =	vadd.s32 $0xD99, v30;
	v26 =	vld.idx.msk [tilespmem:v13+s30+$0x0], $0xffff  }
0x2f6: {  	s11 =	sadd.s32 $0x80, s11;
	v19 =	vunpack.i.l.bf16.f32 v20;
	v10 =	vadd.bf16 v25, v36;
	v13 =	vadd.bf16 v31, v34;
	v27 =	vld.idx.msk [tilespmem:v40+s30+$0x0], $0xffff  }
0x2f7: {  	[tilespmem:s23+$0xFFFFC000] =	vst v19;
	v15 =	vunpack.i.u.bf16.f32 v18  }
0x2f8: {  	v43 =	vunpack.i.l.bf16.f32 v18;
	[tilespmem:s6+$0xFFFFFF90] =	vst v15  }
0x2f9: {  	[tilespmem:s6+$0xFFFFBF90] =	vst v43;
	v15 =	vunpack.i.l.bf16.f32 v12  }
0x2fa: {  	v12 =	vunpack.i.u.bf16.f32 v12;
	[tilespmem:s6+$0xFFFFBFA0] =	vst v15  }
0x2fb: {  	v15 =	vunpack.i.l.bf16.f32 v13;
	[tilespmem:s6+$0xFFFFFFA0] =	vst v12  }
0x2fc: {  	v12 =	vunpack.i.u.bf16.f32 v13;
	[tilespmem:s6+$0xFFFFBFB0] =	vst v15  }
0x2fd: {  	v7 =	vadd.bf16 v48, v7;
	v13 =	vunpack.i.l.bf16.f32 v10;
	[tilespmem:s6+$0xFFFFFFB0] =	vst v12  }
0x2fe: {  	v4 =	vld.idx.msk [tilespmem:v4+s31+$0x0], $0xffff;
	v10 =	vunpack.i.u.bf16.f32 v10;
	[tilespmem:s6+$0xFFFFBFC0] =	vst v13  }
0x2ff: {  	v1 =	vadd.bf16 v1, v9;
	v9 =	vunpack.i.l.bf16.f32 v7;
	[tilespmem:s6+$0xFFFFFFC0] =	vst v10  }
0x300: {  	v7 =	vunpack.i.u.bf16.f32 v7;
	[tilespmem:s6+$0xFFFFBFD0] =	vst v9;
	v9 =	vld.idx.msk [tilespmem:v50+s31+$0x0], $0xffff  }
0x301: {  	v6 =	vld.idx.msk [tilespmem:v6+s30+$0x0], $0xffff;
	v10 =	vadd.bf16 v59, v61;
	v12 =	vunpack.i.l.bf16.f32 v1;
	[tilespmem:s6+$0xFFFFFFD0] =	vst v7  }
0x302: {  	v1 =	vunpack.i.u.bf16.f32 v1;
	v7 =	vld.idx.msk [tilespmem:v39+s31+$0x0], $0xffff;
	[tilespmem:s6+$0xFFFFBFE0] =	vst v12  }
0x303: {  	v5 =	vld.idx.msk [tilespmem:v5+s30+$0x0], $0xffff;
	[tilespmem:s6+$0xFFFFFFE0] =	vst v1;
	v12 =	vunpack.i.l.bf16.f32 v10;
	v1 =	vadd.bf16 v26, v4  }
0x304: {  	v4 =	vunpack.i.u.bf16.f32 v10;
	v10 =	vld.idx.msk [tilespmem:v37+s31+$0x0], $0xffff;
	[tilespmem:s6+$0xFFFFBFF0] =	vst v12  }
0x305: {  	v13 =	vld.idx.msk [tilespmem:v28+s31+$0x0], $0xffff;
	[tilespmem:s6+$0xFFFFFFF0] =	vst v4;
	v4 =	vadd.bf16 v27, v9;
	v9 =	vunpack.i.u.bf16.f32 v1  }
0x306: {  	v12 =	vld.idx.msk [tilespmem:v60+s30+$0x0], $0xffff;
	v1 =	vunpack.i.l.bf16.f32 v1;
	[tilespmem:s23+$0xFFFFFF90] =	vst v9  }
0x307: {  	v6 =	vadd.bf16 v6, v7;
	v7 =	vld.idx.msk [tilespmem:v17+s31+$0x0], $0xffff;
	[tilespmem:s23+$0xFFFFBF90] =	vst v1;
	v1 =	vunpack.i.l.bf16.f32 v4  }
0x308: {  	v9 =	vld.idx.msk [tilespmem:v49+s30+$0x0], $0xffff;
	v4 =	vunpack.i.u.bf16.f32 v4;
	[tilespmem:s23+$0xFFFFBFA0] =	vst v1  }
0x309: {  	v5 =	vadd.bf16 v5, v10;
	v10 =	vunpack.i.l.bf16.f32 v6;
	v1 =	vld.idx.msk [tilespmem:v38+s30+$0x0], $0xffff;
	[tilespmem:s23+$0xFFFFFFA0] =	vst v4  }
0x30a: {  	v6 =	vunpack.i.u.bf16.f32 v6;
	v4 =	vld.idx.msk [tilespmem:v16+s31+$0x0], $0xffff;
	[tilespmem:s23+$0xFFFFBFB0] =	vst v10  }
0x30b: {  	v10 =	vadd.bf16 v12, v13;
	[tilespmem:s23+$0xFFFFFFB0] =	vst v6;
	v12 =	vunpack.i.l.bf16.f32 v5  }
0x30c: {  	v5 =	vunpack.i.u.bf16.f32 v5;
	[tilespmem:s23+$0xFFFFBFC0] =	vst v12  }
0x30d: {  	s29 =	sadd.s32 $0x1, s29;
	[tilespmem:s23+$0xFFFFFFC0] =	vst v5;
	v5 =	vunpack.i.u.bf16.f32 v10;
	v6 =	vadd.bf16 v9, v7  }
0x30e: {  	p0 =	sne.s32 s29, $0x8;
	v7 =	vunpack.i.l.bf16.f32 v10;
	[tilespmem:s23+$0xFFFFFFD0] =	vst v5  }
.Ltmp10:
0x30f: {  	[tilespmem:s23+$0xFFFFBFD0] =	vst v7;
	v1 =	vadd.bf16 v1, v4;
	v4 =	vunpack.i.l.bf16.f32 v6;
	(pc) =	sbr.rel @p0 .LBB2_21-.Ltmp10, $4  }
0x310: {  	v5 =	vunpack.i.u.bf16.f32 v6;
	[tilespmem:s23+$0xFFFFBFE0] =	vst v4  }
0x311: {  	[tilespmem:s23+$0xFFFFFFE0] =	vst v5;
	v4 =	vunpack.i.l.bf16.f32 v1  }
0x312: {  	v1 =	vunpack.i.u.bf16.f32 v1;
	[tilespmem:s23+$0xFFFFBFF0] =	vst v4  }
0x313: {  	s1 =	sadd.s32 $0x80, s1;
	[tilespmem:s23+$0xFFFFFFF0] =	vst v1  }
0x314: {  	s1 =	rddreg [dreg:$0xa]  }
0x315: {  	s29 =	simm.s32 $0x0;
	s1 =	sadd.s32 s22, s1  }
0x316: {  	[hbm4b:s1+s29] =	stream.linear.scatter [tilespmem:s25], [sflag:$0x2], $0x4000, $0x38;
	[tilespmem:$0x17A00] =	vst v63  }
0x317: {  	s23 =	sadd.s32 s22, s12  }
0x318: {  	[hbm4b:s23+s29] =	stream.linear.scatter [tilespmem:s3], [sflag:$0x2], $0x4000, $0x38;
	[tilespmem:$0x17A00] =	vst v63  }
0x319: {  	_ =	swait.ge [sflag:s4], $0x8000  }
0x31a: {  	[sflag:s4] =	ssyncset.done $0x0  }
0x31b: {  	s6 =	simm.s32 $0xBA00;
	[sflag:s4] =	ssyncadd.s32 $0xFFFF8000  }
.LBB2_25:
0x31c: {  	s11 =	simm.s32 $0x1840  }
0x31d: {  	v4 =	vld [tilespmem:s11+$0x30]  }
0x31e: {  	s1 =	sor.u32 s9, s29;
	v5 =	vld [tilespmem:s11+$0xFFFFFFD0]  }
0x31f: {  	v1 =	vmov s1;
	v6 =	vld [tilespmem:s11+$0xFFFFFFE0]  }
0x320: {  	v7 =	vld [tilespmem:s11+$0xFFFFFFF0]  }
0x321: {  	v9 =	vld [tilespmem:s11+$0x10]  }
0x322: {  	v10 =	vld [tilespmem:s11+$0x20]  }
0x323: {  	v13 =	vld [tilespmem:s11+$0xFFFFFFC0]  }
0x324: {  	s23 =	simm.s32 $0x18C0;
	v1 =	vld.idx.msk [tilespmem:v1+s0+$0x0], $0xffff  }
0x325: {  	v23 =	vld [tilespmem:s23+$0x30]  }
0x326: {  	v24 =	vld [tilespmem:s23+$0xFFFFFFE0]  }
0x327: {  	v26 =	vld [tilespmem:s23+$0xFFFFFFF0]  }
0x328: {  	v28 =	vld [tilespmem:s23+$0x10]  }
0x329: {  	v15 =	vadd.s32 $0x1B320, v1  }
0x32a: {  	v4 =	vsub.s32 v15, v4;
	v5 =	vsub.s32 v15, v5  }
0x32b: {  	v6 =	vsub.s32 v15, v6;
	v7 =	vsub.s32 v15, v7;
	v9 =	vsub.s32 v15, v9  }
0x32c: {  	v10 =	vsub.s32 v15, v10;
	v13 =	vsub.s32 v15, v13;
	v23 =	vsub.s32 v15, v23  }
0x32d: {  	v24 =	vsub.s32 v15, v24;
	v26 =	vsub.s32 v15, v26;
	v28 =	vsub.s32 v15, v28  }
0x32e: {  	v12 =	vand.u32 $0x3F, v4;
	v4 =	vshrl.u32 v4, $0x6;
	v16 =	vand.u32 $0x3F, v5  }
0x32f: {  	v17 =	vand.u32 $0x3F, v6;
	v18 =	vand.u32 $0x3F, v7;
	v20 =	vand.u32 $0x3F, v9  }
0x330: {  	v21 =	vand.u32 $0x3F, v10;
	v22 =	vand.u32 $0x3F, v13;
	v13 =	vshrl.u32 v13, $0x6  }
0x331: {  	v5 =	vshrl.u32 v5, $0x6;
	v6 =	vshrl.u32 v6, $0x6;
	v7 =	vshrl.u32 v7, $0x6  }
0x332: {  	v1 =	vld [tilespmem:s11+$0x0];
	v9 =	vshrl.u32 v9, $0x6;
	v10 =	vshrl.u32 v10, $0x6;
	v30 =	vand.u32 $0x3F, v23  }
0x333: {  	v23 =	vshrl.u32 v23, $0x6;
	v34 =	vand.u32 $0x3F, v26;
	v36 =	vand.u32 $0x3F, v28  }
0x334: {  	v26 =	vshrl.u32 v26, $0x6;
	v41 =	vshrl.u32 v28, $0x6;
	v12 =	vmax.u32 v12, $0x1C  }
0x335: {  	v4 =	vadd.s32 $0x1B32, v4;
	v16 =	vmax.u32 v16, $0x1C;
	v12 =	vmin.u32 v12, $0x24  }
0x336: {  	v17 =	vmax.u32 v17, $0x1C;
	v18 =	vmax.u32 v18, $0x1C;
	v12 =	vadd.s32 $0xFFFFFFF6, v12  }
0x337: {  	v22 =	vmax.u32 v22, $0x1C;
	v20 =	vmax.u32 v20, $0x1C;
	v1 =	vsub.s32 v15, v1  }
0x338: {  	v21 =	vmax.u32 v21, $0x1C;
	v19 =	vand.u32 $0x3F, v1;
	v1 =	vshrl.u32 v1, $0x6  }
0x339: {  	v13 =	vadd.s32 $0x1B32, v13;
	v23 =	vadd.s32 $0x1B32, v23;
	v27 =	vadd.s32 $0x1B32, v1;
	v1 =	vld [tilespmem:s23+$0x0]  }
0x33a: {  	v5 =	vadd.s32 $0x1B32, v5;
	v6 =	vadd.s32 $0x1B32, v6;
	v7 =	vadd.s32 $0x1B32, v7;
	v4 =	vld.idx.msk [tilespmem:v4+s31+$0x0], $0xffff  }
0x33b: {  	v9 =	vadd.s32 $0x1B32, v9;
	v10 =	vadd.s32 $0x1B32, v10;
	v30 =	vmax.u32 v30, $0x1C;
	v12 =	vld.idx.msk [tilespmem:v12+s30+$0x0], $0xffff  }
0x33c: {  	v34 =	vmax.u32 v34, $0x1C;
	v36 =	vmax.u32 v36, $0x1C;
	v16 =	vmin.u32 v16, $0x24  }
0x33d: {  	v31 =	vld [tilespmem:s23+$0xFFFFFFC0];
	v17 =	vmin.u32 v17, $0x24;
	v30 =	vmin.u32 v30, $0x24;
	v16 =	vadd.s32 $0xFFFFFFF6, v16  }
0x33e: {  	v20 =	vmin.u32 v20, $0x24;
	v23 =	vld.idx.msk [tilespmem:v23+s31+$0x0], $0xffff;
	v33 =	vsub.s32 v15, v1;
	v1 =	vadd.s32 $0xFFFFFFF6, v30  }
0x33f: {  	v18 =	vmin.u32 v18, $0x24;
	v50 =	vmin.u32 v36, $0x24;
	v20 =	vadd.s32 $0xFFFFFFF6, v20;
	v36 =	vld.idx.msk [tilespmem:v5+s31+$0x0], $0xffff  }
0x340: {  	v4 =	vadd.bf16 v12, v4;
	v12 =	vadd.s32 $0xFFFFFFF6, v17;
	v17 =	vadd.s32 $0xFFFFFFF6, v18;
	v18 =	vld [tilespmem:s23+$0xFFFFFFD0]  }
0x341: {  	v22 =	vmin.u32 v22, $0x24;
	v21 =	vmin.u32 v21, $0x24;
	v19 =	vmax.u32 v19, $0x1C;
	v42 =	vld.idx.msk [tilespmem:v6+s31+$0x0], $0xffff  }
0x342: {  	v22 =	vadd.s32 $0xFFFFFFF6, v22;
	v19 =	vmin.u32 v19, $0x24;
	v30 =	vld.idx.msk [tilespmem:v16+s30+$0x0], $0xffff;
	v16 =	vand.u32 $0x3F, v24  }
0x343: {  	v21 =	vadd.s32 $0xFFFFFFF6, v21;
	v19 =	vadd.s32 $0xFFFFFFF6, v19;
	v16 =	vmax.u32 v16, $0x1C;
	v37 =	vld.idx.msk [tilespmem:v1+s30+$0x0], $0xffff  }
0x344: {  	v49 =	vadd.s32 $0xFFFFFFF6, v50;
	v24 =	vshrl.u32 v24, $0x6;
	v16 =	vmin.u32 v16, $0x24;
	v1 =	vld.idx.msk [tilespmem:v20+s30+$0x0], $0xffff  }
0x345: {  	v25 =	vunpack.i.u.bf16.f32 v4;
	v29 =	vunpack.i.l.bf16.f32 v4;
	v4 =	vsub.s32 v15, v18;
	v18 =	vld [tilespmem:s23+$0x20]  }
0x346: {  	v39 =	vadd.s32 $0x1B32, v24;
	v6 =	vadd.s32 $0xFFFFFFF6, v16;
	v20 =	vmin.u32 v34, $0x24;
	v35 =	vld.idx.msk [tilespmem:v12+s30+$0x0], $0xffff  }
0x347: {  	v5 =	vadd.s32 $0xFFFFFFF6, v20;
	v12 =	vand.u32 $0x3F, v33;
	v40 =	vld.idx.msk [tilespmem:v17+s30+$0x0], $0xffff;
	v17 =	vsub.s32 v15, v31  }
0x348: {  	v48 =	vld.idx.msk [tilespmem:v19+s30+$0x0], $0xffff;
	v33 =	vshrl.u32 v33, $0x6;
	v32 =	vand.u32 $0x3F, v4;
	v19 =	vand.u32 $0x3F, v17  }
0x349: {  	v13 =	vld.idx.msk [tilespmem:v13+s31+$0x0], $0xffff;
	v12 =	vmax.u32 v12, $0x1C;
	v17 =	vshrl.u32 v17, $0x6;
	v34 =	vshrl.u32 v4, $0x6  }
0x34a: {  	v9 =	vld.idx.msk [tilespmem:v9+s31+$0x0], $0xffff;
	v28 =	vadd.s32 $0x1B32, v33;
	v31 =	vmax.u32 v32, $0x1C;
	v19 =	vmax.u32 v19, $0x1C  }
0x34b: {  	v61 =	vld.idx.msk [tilespmem:v10+s31+$0x0], $0xffff;
	v12 =	vmin.u32 v12, $0x24;
	v19 =	vmin.u32 v19, $0x24;
	v18 =	vsub.s32 v15, v18  }
0x34c: {  	v22 =	vld.idx.msk [tilespmem:v22+s30+$0x0], $0xffff;
	v31 =	vmin.u32 v31, $0x24;
	v19 =	vadd.s32 $0xFFFFFFF6, v19;
	v43 =	vand.u32 $0x3F, v18  }
0x34d: {  	v23 =	vadd.bf16 v37, v23;
	v31 =	vadd.s32 $0xFFFFFFF6, v31;
	v32 =	vmax.u32 v43, $0x1C;
	v43 =	vld.idx.msk [tilespmem:v7+s31+$0x0], $0xffff  }
0x34e: {  	v4 =	vadd.s32 $0x1B32, v17;
	v50 =	vadd.s32 $0x1B32, v34;
	v37 =	vadd.s32 $0x1B32, v26;
	v7 =	vld.idx.msk [tilespmem:v27+s31+$0x0], $0xffff  }
0x34f: {  	v59 =	vld.idx.msk [tilespmem:v21+s30+$0x0], $0xffff;
	v17 =	vadd.s32 $0x1B32, v41;
	v60 =	vadd.s32 $0xFFFFFFF6, v12;
	v18 =	vshrl.u32 v18, $0x6  }
0x350: {  	[tilespmem:s6+$0x70] =	vst v25;
	v12 =	vadd.bf16 v30, v36;
	v20 =	vunpack.i.u.bf16.f32 v23;
	v16 =	vadd.s32 $0x1B32, v18  }
0x351: {  	[tilespmem:s6+$0xFFFFC070] =	vst v29;
	s23 =	sadd.s32 $0x400, s6;
	v18 =	vadd.bf16 v22, v13;
	v13 =	vadd.bf16 v35, v42;
	v32 =	vmin.u32 v32, $0x24;
	v26 =	vld.idx.msk [tilespmem:v19+s30+$0x0], $0xffff  }
0x352: {  	s10 =	simm.s32 $0x8;
	s1 =	smov.u32 s6;
	s11 =	simm.s32 $0x1940;
	[tilespmem:s23+$0x70] =	vst v20;
	v38 =	vadd.s32 $0xFFFFFFF6, v32;
	v27 =	vld.idx.msk [tilespmem:v31+s30+$0x0], $0xffff;
	v19 =	vunpack.i.l.bf16.f32 v23;
	v10 =	vadd.bf16 v40, v43  }
.LBB2_26:
0x353: {  	v20 =	vld [tilespmem:s11+$0x30];
	s10 =	sadd.s32 $0x8, s10;
	[tilespmem:s23+$0xFFFFC070] =	vst v19;
	v19 =	vunpack.i.u.bf16.f32 v18;
	v7 =	vadd.bf16 v48, v7;
	v1 =	vadd.bf16 v1, v9  }
0x354: {  	v18 =	vunpack.i.l.bf16.f32 v18;
	v21 =	vadd.bf16 v59, v61;
	v9 =	vld [tilespmem:s11+$0xFFFFFFD0];
	p0 =	slt.u32 s10, $0x78;
	[tilespmem:s1+$0x0] =	vst v19;
	v19 =	vunpack.i.u.bf16.f32 v12  }
0x355: {  	v12 =	vunpack.i.l.bf16.f32 v12;
	v22 =	vld [tilespmem:s11+$0xFFFFFFE0];
	[tilespmem:s1+$0xFFFFC000] =	vst v18;
	v18 =	vunpack.i.u.bf16.f32 v13;
	v13 =	vunpack.i.l.bf16.f32 v13  }
0x356: {  	v24 =	vunpack.i.u.bf16.f32 v7;
	v23 =	vld [tilespmem:s11+$0xFFFFFFF0];
	[tilespmem:s1+$0xFFFFC010] =	vst v12;
	v12 =	vunpack.i.u.bf16.f32 v10;
	v10 =	vunpack.i.l.bf16.f32 v10  }
0x357: {  	v7 =	vunpack.i.l.bf16.f32 v7;
	v29 =	vunpack.i.l.bf16.f32 v1;
	v25 =	vld [tilespmem:s11+$0x0];
	[tilespmem:s1+$0x10] =	vst v19;
	v19 =	vunpack.i.u.bf16.f32 v1  }
0x358: {  	v1 =	vld [tilespmem:s11+$0x10];
	v20 =	vsub.s32 v15, v20;
	[tilespmem:s1+$0xFFFFC020] =	vst v13;
	v13 =	vunpack.i.u.bf16.f32 v21;
	v21 =	vunpack.i.l.bf16.f32 v21  }
0x359: {  	v9 =	vsub.s32 v15, v9;
	v30 =	vld [tilespmem:s11+$0x20];
	v31 =	vand.u32 $0x3F, v20;
	[tilespmem:s1+$0x20] =	vst v18  }
0x35a: {  	v20 =	vshrl.u32 v20, $0x6;
	v18 =	vld [tilespmem:s11+$0xFFFFFFC0];
	v22 =	vsub.s32 v15, v22;
	v31 =	vmax.u32 v31, $0x1C;
	[tilespmem:s1+$0xFFFFC030] =	vst v10  }
0x35b: {  	v20 =	vadd.s32 $0x1B32, v20;
	v10 =	vsub.s32 v15, v23;
	v23 =	vmin.u32 v31, $0x24;
	v31 =	vld.idx.msk [tilespmem:v6+s30+$0x0], $0xffff;
	[tilespmem:s1+$0x30] =	vst v12  }
0x35c: {  	v6 =	vand.u32 $0x3F, v9;
	v12 =	vsub.s32 v15, v25;
	v23 =	vadd.s32 $0xFFFFFFF6, v23;
	v25 =	vld.idx.msk [tilespmem:v5+s30+$0x0], $0xffff;
	[tilespmem:s1+$0xFFFFC040] =	vst v7  }
0x35d: {  	v5 =	vand.u32 $0x3F, v22;
	v7 =	vand.u32 $0x3F, v10;
	v32 =	vsub.s32 v15, v1;
	v48 =	vld.idx.msk [tilespmem:v60+s30+$0x0], $0xffff;
	[tilespmem:s1+$0x40] =	vst v24  }
0x35e: {  	v24 =	vand.u32 $0x3F, v12;
	v33 =	vand.u32 $0x3F, v32;
	v30 =	vsub.s32 v15, v30;
	v1 =	vld.idx.msk [tilespmem:v49+s30+$0x0], $0xffff;
	[tilespmem:s1+$0xFFFFC050] =	vst v29  }
0x35f: {  	v6 =	vmax.u32 v6, $0x1C;
	v18 =	vsub.s32 v15, v18;
	v29 =	vand.u32 $0x3F, v30;
	v59 =	vld.idx.msk [tilespmem:v38+s30+$0x0], $0xffff;
	[tilespmem:s1+$0x50] =	vst v19  }
0x360: {  	v5 =	vmax.u32 v5, $0x1C;
	v7 =	vmax.u32 v7, $0x1C;
	v19 =	vand.u32 $0x3F, v18;
	v20 =	vld.idx.msk [tilespmem:v20+s31+$0x0], $0xffff;
	[tilespmem:s1+$0xFFFFC060] =	vst v21  }
0x361: {  	v21 =	vmax.u32 v24, $0x1C;
	v24 =	vmax.u32 v33, $0x1C;
	v19 =	vmax.u32 v19, $0x1C;
	v23 =	vld.idx.msk [tilespmem:v23+s30+$0x0], $0xffff;
	[tilespmem:s1+$0x60] =	vst v13;
	s1 =	smov.u32 s23  }
0x362: {  	v6 =	vmin.u32 v6, $0x24;
	v13 =	vmin.u32 v19, $0x24;
	v19 =	vmax.u32 v29, $0x1C;
	v29 =	vld.idx.msk [tilespmem:v4+s31+$0x0], $0xffff  }
0x363: {  	v21 =	vmin.u32 v21, $0x24;
	v4 =	vmin.u32 v5, $0x24;
	v5 =	vmin.u32 v7, $0x24;
	v33 =	vld.idx.msk [tilespmem:v50+s31+$0x0], $0xffff  }
0x364: {  	v18 =	vshrl.u32 v18, $0x6;
	v24 =	vmin.u32 v24, $0x24;
	v19 =	vmin.u32 v19, $0x24;
	v34 =	vld.idx.msk [tilespmem:v39+s31+$0x0], $0xffff  }
0x365: {  	v35 =	vshrl.u32 v9, $0x6;
	v22 =	vshrl.u32 v22, $0x6;
	v10 =	vshrl.u32 v10, $0x6;
	v36 =	vld.idx.msk [tilespmem:v37+s31+$0x0], $0xffff  }
0x366: {  	v12 =	vshrl.u32 v12, $0x6;
	v32 =	vshrl.u32 v32, $0x6;
	v30 =	vshrl.u32 v30, $0x6;
	v7 =	vld.idx.msk [tilespmem:v28+s31+$0x0], $0xffff  }
0x367: {  	v40 =	vadd.s32 $0xFFFFFFF6, v6;
	v13 =	vadd.s32 $0xFFFFFFF6, v13;
	v20 =	vadd.bf16 v23, v20;
	v9 =	vld.idx.msk [tilespmem:v17+s31+$0x0], $0xffff  }
0x368: {  	v60 =	vadd.s32 $0xFFFFFFF6, v21;
	v6 =	vadd.s32 $0xFFFFFFF6, v4;
	v5 =	vadd.s32 $0xFFFFFFF6, v5;
	v61 =	vld.idx.msk [tilespmem:v16+s31+$0x0], $0xffff  }
.Ltmp11:
0x369: {  	s23 =	sadd.s32 $0x400, s23;
	v49 =	vadd.s32 $0xFFFFFFF6, v24;
	v38 =	vadd.s32 $0xFFFFFFF6, v19;
	v16 =	vunpack.i.u.bf16.f32 v20;
	(pc) =	sbr.rel @p0 .LBB2_26-.Ltmp11, $4  }
0x36a: {  	v4 =	vadd.s32 $0x1B32, v18;
	v50 =	vadd.s32 $0x1B32, v35;
	v39 =	vadd.s32 $0x1B32, v22;
	[tilespmem:s23+$0x70] =	vst v16  }
0x36b: {  	v37 =	vadd.s32 $0x1B32, v10;
	v28 =	vadd.s32 $0x1B32, v12;
	v17 =	vadd.s32 $0x1B32, v32  }
0x36c: {  	v18 =	vadd.bf16 v26, v29;
	v12 =	vadd.bf16 v27, v33;
	v16 =	vadd.s32 $0x1B32, v30;
	v26 =	vld.idx.msk [tilespmem:v13+s30+$0x0], $0xffff  }
0x36d: {  	s11 =	sadd.s32 $0x80, s11;
	v19 =	vunpack.i.l.bf16.f32 v20;
	v10 =	vadd.bf16 v25, v36;
	v13 =	vadd.bf16 v31, v34;
	v27 =	vld.idx.msk [tilespmem:v40+s30+$0x0], $0xffff  }
0x36e: {  	[tilespmem:s23+$0xFFFFC070] =	vst v19;
	v15 =	vunpack.i.u.bf16.f32 v18  }
0x36f: {  	v43 =	vunpack.i.l.bf16.f32 v18;
	[tilespmem:s1+$0x0] =	vst v15  }
0x370: {  	[tilespmem:s1+$0xFFFFC000] =	vst v43;
	v15 =	vunpack.i.l.bf16.f32 v12  }
0x371: {  	v12 =	vunpack.i.u.bf16.f32 v12;
	[tilespmem:s1+$0xFFFFC010] =	vst v15  }
0x372: {  	v15 =	vunpack.i.l.bf16.f32 v13;
	[tilespmem:s1+$0x10] =	vst v12  }
0x373: {  	v12 =	vunpack.i.u.bf16.f32 v13;
	[tilespmem:s1+$0xFFFFC020] =	vst v15  }
0x374: {  	v7 =	vadd.bf16 v48, v7;
	v13 =	vunpack.i.l.bf16.f32 v10;
	[tilespmem:s1+$0x20] =	vst v12  }
0x375: {  	v4 =	vld.idx.msk [tilespmem:v4+s31+$0x0], $0xffff;
	v10 =	vunpack.i.u.bf16.f32 v10;
	[tilespmem:s1+$0xFFFFC030] =	vst v13  }
0x376: {  	v1 =	vadd.bf16 v1, v9;
	v9 =	vunpack.i.l.bf16.f32 v7;
	[tilespmem:s1+$0x30] =	vst v10  }
0x377: {  	v7 =	vunpack.i.u.bf16.f32 v7;
	[tilespmem:s1+$0xFFFFC040] =	vst v9;
	v9 =	vld.idx.msk [tilespmem:v50+s31+$0x0], $0xffff  }
0x378: {  	v6 =	vld.idx.msk [tilespmem:v6+s30+$0x0], $0xffff;
	v10 =	vadd.bf16 v59, v61;
	v12 =	vunpack.i.l.bf16.f32 v1;
	[tilespmem:s1+$0x40] =	vst v7  }
0x379: {  	v1 =	vunpack.i.u.bf16.f32 v1;
	v7 =	vld.idx.msk [tilespmem:v39+s31+$0x0], $0xffff;
	[tilespmem:s1+$0xFFFFC050] =	vst v12  }
0x37a: {  	v5 =	vld.idx.msk [tilespmem:v5+s30+$0x0], $0xffff;
	[tilespmem:s1+$0x50] =	vst v1;
	v12 =	vunpack.i.l.bf16.f32 v10;
	v1 =	vadd.bf16 v26, v4  }
0x37b: {  	v4 =	vunpack.i.u.bf16.f32 v10;
	v10 =	vld.idx.msk [tilespmem:v37+s31+$0x0], $0xffff;
	[tilespmem:s1+$0xFFFFC060] =	vst v12  }
0x37c: {  	v13 =	vld.idx.msk [tilespmem:v28+s31+$0x0], $0xffff;
	[tilespmem:s1+$0x60] =	vst v4;
	v4 =	vadd.bf16 v27, v9;
	v9 =	vunpack.i.u.bf16.f32 v1  }
0x37d: {  	v12 =	vld.idx.msk [tilespmem:v60+s30+$0x0], $0xffff;
	v1 =	vunpack.i.l.bf16.f32 v1;
	[tilespmem:s23+$0x0] =	vst v9  }
0x37e: {  	v6 =	vadd.bf16 v6, v7;
	v7 =	vld.idx.msk [tilespmem:v17+s31+$0x0], $0xffff;
	[tilespmem:s23+$0xFFFFC000] =	vst v1;
	v1 =	vunpack.i.l.bf16.f32 v4  }
0x37f: {  	v9 =	vld.idx.msk [tilespmem:v49+s30+$0x0], $0xffff;
	v4 =	vunpack.i.u.bf16.f32 v4;
	[tilespmem:s23+$0xFFFFC010] =	vst v1  }
0x380: {  	v5 =	vadd.bf16 v5, v10;
	v10 =	vunpack.i.l.bf16.f32 v6;
	v1 =	vld.idx.msk [tilespmem:v38+s30+$0x0], $0xffff;
	[tilespmem:s23+$0x10] =	vst v4  }
0x381: {  	v6 =	vunpack.i.u.bf16.f32 v6;
	v4 =	vld.idx.msk [tilespmem:v16+s31+$0x0], $0xffff;
	[tilespmem:s23+$0xFFFFC020] =	vst v10  }
0x382: {  	v10 =	vadd.bf16 v12, v13;
	[tilespmem:s23+$0x20] =	vst v6;
	v12 =	vunpack.i.l.bf16.f32 v5  }
0x383: {  	v5 =	vunpack.i.u.bf16.f32 v5;
	[tilespmem:s23+$0xFFFFC030] =	vst v12  }
0x384: {  	s29 =	sadd.s32 $0x1, s29;
	[tilespmem:s23+$0x30] =	vst v5;
	v5 =	vunpack.i.u.bf16.f32 v10;
	v6 =	vadd.bf16 v9, v7  }
0x385: {  	p0 =	sne.s32 s29, $0x8;
	v7 =	vunpack.i.l.bf16.f32 v10;
	[tilespmem:s23+$0x40] =	vst v5  }
.Ltmp12:
0x386: {  	[tilespmem:s23+$0xFFFFC040] =	vst v7;
	v1 =	vadd.bf16 v1, v4;
	v4 =	vunpack.i.l.bf16.f32 v6;
	(pc) =	sbr.rel @p0 .LBB2_25-.Ltmp12, $4  }
0x387: {  	v5 =	vunpack.i.u.bf16.f32 v6;
	[tilespmem:s23+$0xFFFFC050] =	vst v4  }
0x388: {  	[tilespmem:s23+$0x50] =	vst v5;
	v4 =	vunpack.i.l.bf16.f32 v1  }
0x389: {  	v1 =	vunpack.i.u.bf16.f32 v1;
	[tilespmem:s23+$0xFFFFC060] =	vst v4  }
0x38a: {  	s6 =	sadd.s32 $0x80, s6;
	[tilespmem:s23+$0x60] =	vst v1  }
0x38b: {  	s1 =	sadd.s32 s22, s13;
	s29 =	simm.s32 $0x0  }
0x38c: {  	[hbm4b:s1+s29] =	stream.linear.scatter [tilespmem:s7], [sflag:$0x1], $0x4000, $0x38;
	[tilespmem:$0x17A00] =	vst v63  }
0x38d: {  	s23 =	sadd.s32 s22, s14  }
0x38e: {  	[hbm4b:s23+s29] =	stream.linear.scatter [tilespmem:s24], [sflag:$0x1], $0x4000, $0x38;
	[tilespmem:$0x17A00] =	vst v63  }
0x38f: {  	_ =	swait.ge [sflag:s5], $0x8000  }
0x390: {  	[sflag:s5] =	ssyncset.done $0x0  }
0x391: {  	s6 =	simm.s32 $0x13A70;
	[sflag:s5] =	ssyncadd.s32 $0xFFFF8000  }
.LBB2_29:
0x392: {  	s11 =	simm.s32 $0x1840  }
0x393: {  	v4 =	vld [tilespmem:s11+$0x30]  }
0x394: {  	s1 =	sor.u32 s9, s29;
	v5 =	vld [tilespmem:s11+$0xFFFFFFD0]  }
0x395: {  	v1 =	vmov s1;
	v6 =	vld [tilespmem:s11+$0xFFFFFFE0]  }
0x396: {  	v7 =	vld [tilespmem:s11+$0xFFFFFFF0]  }
0x397: {  	v9 =	vld [tilespmem:s11+$0x10]  }
0x398: {  	v10 =	vld [tilespmem:s11+$0x20]  }
0x399: {  	v13 =	vld [tilespmem:s11+$0xFFFFFFC0]  }
0x39a: {  	s23 =	simm.s32 $0x18C0;
	v1 =	vld.idx.msk [tilespmem:v1+s0+$0x0], $0xffff  }
0x39b: {  	v23 =	vld [tilespmem:s23+$0x30]  }
0x39c: {  	v24 =	vld [tilespmem:s23+$0xFFFFFFE0]  }
0x39d: {  	v26 =	vld [tilespmem:s23+$0xFFFFFFF0]  }
0x39e: {  	v28 =	vld [tilespmem:s23+$0x10]  }
0x39f: {  	v15 =	vadd.s32 $0x1B320, v1  }
0x3a0: {  	v4 =	vsub.s32 v15, v4;
	v5 =	vsub.s32 v15, v5  }
0x3a1: {  	v6 =	vsub.s32 v15, v6;
	v7 =	vsub.s32 v15, v7;
	v9 =	vsub.s32 v15, v9  }
0x3a2: {  	v10 =	vsub.s32 v15, v10;
	v13 =	vsub.s32 v15, v13;
	v23 =	vsub.s32 v15, v23  }
0x3a3: {  	v24 =	vsub.s32 v15, v24;
	v26 =	vsub.s32 v15, v26;
	v28 =	vsub.s32 v15, v28  }
0x3a4: {  	v12 =	vand.u32 $0x3F, v4;
	v4 =	vshrl.u32 v4, $0x6;
	v16 =	vand.u32 $0x3F, v5  }
0x3a5: {  	v17 =	vand.u32 $0x3F, v6;
	v18 =	vand.u32 $0x3F, v7;
	v20 =	vand.u32 $0x3F, v9  }
0x3a6: {  	v21 =	vand.u32 $0x3F, v10;
	v22 =	vand.u32 $0x3F, v13;
	v13 =	vshrl.u32 v13, $0x6  }
0x3a7: {  	v5 =	vshrl.u32 v5, $0x6;
	v6 =	vshrl.u32 v6, $0x6;
	v7 =	vshrl.u32 v7, $0x6  }
0x3a8: {  	v1 =	vld [tilespmem:s11+$0x0];
	v9 =	vshrl.u32 v9, $0x6;
	v10 =	vshrl.u32 v10, $0x6;
	v30 =	vand.u32 $0x3F, v23  }
0x3a9: {  	v23 =	vshrl.u32 v23, $0x6;
	v34 =	vand.u32 $0x3F, v26;
	v36 =	vand.u32 $0x3F, v28  }
0x3aa: {  	v26 =	vshrl.u32 v26, $0x6;
	v41 =	vshrl.u32 v28, $0x6;
	v12 =	vmax.u32 v12, $0x1C  }
0x3ab: {  	v4 =	vadd.s32 $0x28CB, v4;
	v16 =	vmax.u32 v16, $0x1C;
	v12 =	vmin.u32 v12, $0x24  }
0x3ac: {  	v17 =	vmax.u32 v17, $0x1C;
	v18 =	vmax.u32 v18, $0x1C;
	v12 =	vadd.s32 $0xFFFFFFFF, v12  }
0x3ad: {  	v22 =	vmax.u32 v22, $0x1C;
	v20 =	vmax.u32 v20, $0x1C;
	v1 =	vsub.s32 v15, v1  }
0x3ae: {  	v21 =	vmax.u32 v21, $0x1C;
	v19 =	vand.u32 $0x3F, v1;
	v1 =	vshrl.u32 v1, $0x6  }
0x3af: {  	v13 =	vadd.s32 $0x28CB, v13;
	v23 =	vadd.s32 $0x28CB, v23;
	v27 =	vadd.s32 $0x28CB, v1;
	v1 =	vld [tilespmem:s23+$0x0]  }
0x3b0: {  	v5 =	vadd.s32 $0x28CB, v5;
	v6 =	vadd.s32 $0x28CB, v6;
	v7 =	vadd.s32 $0x28CB, v7;
	v4 =	vld.idx.msk [tilespmem:v4+s31+$0x0], $0xffff  }
0x3b1: {  	v9 =	vadd.s32 $0x28CB, v9;
	v10 =	vadd.s32 $0x28CB, v10;
	v30 =	vmax.u32 v30, $0x1C;
	v12 =	vld.idx.msk [tilespmem:v12+s30+$0x0], $0xffff  }
0x3b2: {  	v34 =	vmax.u32 v34, $0x1C;
	v36 =	vmax.u32 v36, $0x1C;
	v16 =	vmin.u32 v16, $0x24  }
0x3b3: {  	v31 =	vld [tilespmem:s23+$0xFFFFFFC0];
	v17 =	vmin.u32 v17, $0x24;
	v30 =	vmin.u32 v30, $0x24;
	v16 =	vadd.s32 $0xFFFFFFFF, v16  }
0x3b4: {  	v20 =	vmin.u32 v20, $0x24;
	v23 =	vld.idx.msk [tilespmem:v23+s31+$0x0], $0xffff;
	v33 =	vsub.s32 v15, v1;
	v1 =	vadd.s32 $0xFFFFFFFF, v30  }
0x3b5: {  	v18 =	vmin.u32 v18, $0x24;
	v50 =	vmin.u32 v36, $0x24;
	v20 =	vadd.s32 $0xFFFFFFFF, v20;
	v36 =	vld.idx.msk [tilespmem:v5+s31+$0x0], $0xffff  }
0x3b6: {  	v4 =	vadd.bf16 v12, v4;
	v12 =	vadd.s32 $0xFFFFFFFF, v17;
	v17 =	vadd.s32 $0xFFFFFFFF, v18;
	v18 =	vld [tilespmem:s23+$0xFFFFFFD0]  }
0x3b7: {  	v22 =	vmin.u32 v22, $0x24;
	v21 =	vmin.u32 v21, $0x24;
	v19 =	vmax.u32 v19, $0x1C;
	v42 =	vld.idx.msk [tilespmem:v6+s31+$0x0], $0xffff  }
0x3b8: {  	v22 =	vadd.s32 $0xFFFFFFFF, v22;
	v19 =	vmin.u32 v19, $0x24;
	v30 =	vld.idx.msk [tilespmem:v16+s30+$0x0], $0xffff;
	v16 =	vand.u32 $0x3F, v24  }
0x3b9: {  	v21 =	vadd.s32 $0xFFFFFFFF, v21;
	v19 =	vadd.s32 $0xFFFFFFFF, v19;
	v16 =	vmax.u32 v16, $0x1C;
	v37 =	vld.idx.msk [tilespmem:v1+s30+$0x0], $0xffff  }
0x3ba: {  	v49 =	vadd.s32 $0xFFFFFFFF, v50;
	v24 =	vshrl.u32 v24, $0x6;
	v16 =	vmin.u32 v16, $0x24;
	v1 =	vld.idx.msk [tilespmem:v20+s30+$0x0], $0xffff  }
0x3bb: {  	v25 =	vunpack.i.u.bf16.f32 v4;
	v29 =	vunpack.i.l.bf16.f32 v4;
	v4 =	vsub.s32 v15, v18;
	v18 =	vld [tilespmem:s23+$0x20]  }
0x3bc: {  	v39 =	vadd.s32 $0x28CB, v24;
	v6 =	vadd.s32 $0xFFFFFFFF, v16;
	v20 =	vmin.u32 v34, $0x24;
	v35 =	vld.idx.msk [tilespmem:v12+s30+$0x0], $0xffff  }
0x3bd: {  	v5 =	vadd.s32 $0xFFFFFFFF, v20;
	v12 =	vand.u32 $0x3F, v33;
	v40 =	vld.idx.msk [tilespmem:v17+s30+$0x0], $0xffff;
	v17 =	vsub.s32 v15, v31  }
0x3be: {  	v48 =	vld.idx.msk [tilespmem:v19+s30+$0x0], $0xffff;
	v33 =	vshrl.u32 v33, $0x6;
	v32 =	vand.u32 $0x3F, v4;
	v19 =	vand.u32 $0x3F, v17  }
0x3bf: {  	v13 =	vld.idx.msk [tilespmem:v13+s31+$0x0], $0xffff;
	v12 =	vmax.u32 v12, $0x1C;
	v17 =	vshrl.u32 v17, $0x6;
	v34 =	vshrl.u32 v4, $0x6  }
0x3c0: {  	v9 =	vld.idx.msk [tilespmem:v9+s31+$0x0], $0xffff;
	v28 =	vadd.s32 $0x28CB, v33;
	v31 =	vmax.u32 v32, $0x1C;
	v19 =	vmax.u32 v19, $0x1C  }
0x3c1: {  	v61 =	vld.idx.msk [tilespmem:v10+s31+$0x0], $0xffff;
	v12 =	vmin.u32 v12, $0x24;
	v19 =	vmin.u32 v19, $0x24;
	v18 =	vsub.s32 v15, v18  }
0x3c2: {  	v22 =	vld.idx.msk [tilespmem:v22+s30+$0x0], $0xffff;
	v31 =	vmin.u32 v31, $0x24;
	v19 =	vadd.s32 $0xFFFFFFFF, v19;
	v43 =	vand.u32 $0x3F, v18  }
0x3c3: {  	v23 =	vadd.bf16 v37, v23;
	v31 =	vadd.s32 $0xFFFFFFFF, v31;
	v32 =	vmax.u32 v43, $0x1C;
	v43 =	vld.idx.msk [tilespmem:v7+s31+$0x0], $0xffff  }
0x3c4: {  	v4 =	vadd.s32 $0x28CB, v17;
	v50 =	vadd.s32 $0x28CB, v34;
	v37 =	vadd.s32 $0x28CB, v26;
	v7 =	vld.idx.msk [tilespmem:v27+s31+$0x0], $0xffff  }
0x3c5: {  	v59 =	vld.idx.msk [tilespmem:v21+s30+$0x0], $0xffff;
	v17 =	vadd.s32 $0x28CB, v41;
	v60 =	vadd.s32 $0xFFFFFFFF, v12;
	v18 =	vshrl.u32 v18, $0x6  }
0x3c6: {  	[tilespmem:s6+$0x0] =	vst v25;
	v12 =	vadd.bf16 v30, v36;
	v20 =	vunpack.i.u.bf16.f32 v23;
	v16 =	vadd.s32 $0x28CB, v18  }
0x3c7: {  	[tilespmem:s6+$0xFFFFC000] =	vst v29;
	s23 =	sadd.s32 $0x400, s6;
	v18 =	vadd.bf16 v22, v13;
	v13 =	vadd.bf16 v35, v42;
	v32 =	vmin.u32 v32, $0x24;
	v26 =	vld.idx.msk [tilespmem:v19+s30+$0x0], $0xffff  }
0x3c8: {  	s10 =	simm.s32 $0x8;
	s1 =	smov.u32 s6;
	s11 =	simm.s32 $0x1940;
	[tilespmem:s23+$0x0] =	vst v20;
	v38 =	vadd.s32 $0xFFFFFFFF, v32;
	v27 =	vld.idx.msk [tilespmem:v31+s30+$0x0], $0xffff;
	v19 =	vunpack.i.l.bf16.f32 v23;
	v10 =	vadd.bf16 v40, v43  }
.LBB2_30:
0x3c9: {  	v20 =	vld [tilespmem:s11+$0x30];
	s10 =	sadd.s32 $0x8, s10;
	[tilespmem:s23+$0xFFFFC000] =	vst v19;
	v19 =	vunpack.i.u.bf16.f32 v18;
	v7 =	vadd.bf16 v48, v7;
	v1 =	vadd.bf16 v1, v9  }
0x3ca: {  	v18 =	vunpack.i.l.bf16.f32 v18;
	v21 =	vadd.bf16 v59, v61;
	v9 =	vld [tilespmem:s11+$0xFFFFFFD0];
	p0 =	slt.u32 s10, $0x78;
	[tilespmem:s1+$0xFFFFFF90] =	vst v19;
	v19 =	vunpack.i.u.bf16.f32 v12  }
0x3cb: {  	v12 =	vunpack.i.l.bf16.f32 v12;
	v22 =	vld [tilespmem:s11+$0xFFFFFFE0];
	[tilespmem:s1+$0xFFFFBF90] =	vst v18;
	v18 =	vunpack.i.u.bf16.f32 v13;
	v13 =	vunpack.i.l.bf16.f32 v13  }
0x3cc: {  	v24 =	vunpack.i.u.bf16.f32 v7;
	v23 =	vld [tilespmem:s11+$0xFFFFFFF0];
	[tilespmem:s1+$0xFFFFBFA0] =	vst v12;
	v12 =	vunpack.i.u.bf16.f32 v10;
	v10 =	vunpack.i.l.bf16.f32 v10  }
0x3cd: {  	v7 =	vunpack.i.l.bf16.f32 v7;
	v29 =	vunpack.i.l.bf16.f32 v1;
	v25 =	vld [tilespmem:s11+$0x0];
	[tilespmem:s1+$0xFFFFFFA0] =	vst v19;
	v19 =	vunpack.i.u.bf16.f32 v1  }
0x3ce: {  	v1 =	vld [tilespmem:s11+$0x10];
	v20 =	vsub.s32 v15, v20;
	[tilespmem:s1+$0xFFFFBFB0] =	vst v13;
	v13 =	vunpack.i.u.bf16.f32 v21;
	v21 =	vunpack.i.l.bf16.f32 v21  }
0x3cf: {  	v9 =	vsub.s32 v15, v9;
	v30 =	vld [tilespmem:s11+$0x20];
	v31 =	vand.u32 $0x3F, v20;
	[tilespmem:s1+$0xFFFFFFB0] =	vst v18  }
0x3d0: {  	v20 =	vshrl.u32 v20, $0x6;
	v18 =	vld [tilespmem:s11+$0xFFFFFFC0];
	v22 =	vsub.s32 v15, v22;
	v31 =	vmax.u32 v31, $0x1C;
	[tilespmem:s1+$0xFFFFBFC0] =	vst v10  }
0x3d1: {  	v20 =	vadd.s32 $0x28CB, v20;
	v10 =	vsub.s32 v15, v23;
	v23 =	vmin.u32 v31, $0x24;
	v31 =	vld.idx.msk [tilespmem:v6+s30+$0x0], $0xffff;
	[tilespmem:s1+$0xFFFFFFC0] =	vst v12  }
0x3d2: {  	v6 =	vand.u32 $0x3F, v9;
	v12 =	vsub.s32 v15, v25;
	v23 =	vadd.s32 $0xFFFFFFFF, v23;
	v25 =	vld.idx.msk [tilespmem:v5+s30+$0x0], $0xffff;
	[tilespmem:s1+$0xFFFFBFD0] =	vst v7  }
0x3d3: {  	v5 =	vand.u32 $0x3F, v22;
	v7 =	vand.u32 $0x3F, v10;
	v32 =	vsub.s32 v15, v1;
	v48 =	vld.idx.msk [tilespmem:v60+s30+$0x0], $0xffff;
	[tilespmem:s1+$0xFFFFFFD0] =	vst v24  }
0x3d4: {  	v24 =	vand.u32 $0x3F, v12;
	v33 =	vand.u32 $0x3F, v32;
	v30 =	vsub.s32 v15, v30;
	v1 =	vld.idx.msk [tilespmem:v49+s30+$0x0], $0xffff;
	[tilespmem:s1+$0xFFFFBFE0] =	vst v29  }
0x3d5: {  	v6 =	vmax.u32 v6, $0x1C;
	v18 =	vsub.s32 v15, v18;
	v29 =	vand.u32 $0x3F, v30;
	v59 =	vld.idx.msk [tilespmem:v38+s30+$0x0], $0xffff;
	[tilespmem:s1+$0xFFFFFFE0] =	vst v19  }
0x3d6: {  	v5 =	vmax.u32 v5, $0x1C;
	v7 =	vmax.u32 v7, $0x1C;
	v19 =	vand.u32 $0x3F, v18;
	v20 =	vld.idx.msk [tilespmem:v20+s31+$0x0], $0xffff;
	[tilespmem:s1+$0xFFFFBFF0] =	vst v21  }
0x3d7: {  	v21 =	vmax.u32 v24, $0x1C;
	v24 =	vmax.u32 v33, $0x1C;
	v19 =	vmax.u32 v19, $0x1C;
	v23 =	vld.idx.msk [tilespmem:v23+s30+$0x0], $0xffff;
	[tilespmem:s1+$0xFFFFFFF0] =	vst v13;
	s1 =	smov.u32 s23  }
0x3d8: {  	v6 =	vmin.u32 v6, $0x24;
	v13 =	vmin.u32 v19, $0x24;
	v19 =	vmax.u32 v29, $0x1C;
	v29 =	vld.idx.msk [tilespmem:v4+s31+$0x0], $0xffff  }
0x3d9: {  	v21 =	vmin.u32 v21, $0x24;
	v4 =	vmin.u32 v5, $0x24;
	v5 =	vmin.u32 v7, $0x24;
	v33 =	vld.idx.msk [tilespmem:v50+s31+$0x0], $0xffff  }
0x3da: {  	v18 =	vshrl.u32 v18, $0x6;
	v24 =	vmin.u32 v24, $0x24;
	v19 =	vmin.u32 v19, $0x24;
	v34 =	vld.idx.msk [tilespmem:v39+s31+$0x0], $0xffff  }
0x3db: {  	v35 =	vshrl.u32 v9, $0x6;
	v22 =	vshrl.u32 v22, $0x6;
	v10 =	vshrl.u32 v10, $0x6;
	v36 =	vld.idx.msk [tilespmem:v37+s31+$0x0], $0xffff  }
0x3dc: {  	v12 =	vshrl.u32 v12, $0x6;
	v32 =	vshrl.u32 v32, $0x6;
	v30 =	vshrl.u32 v30, $0x6;
	v7 =	vld.idx.msk [tilespmem:v28+s31+$0x0], $0xffff  }
0x3dd: {  	v40 =	vadd.s32 $0xFFFFFFFF, v6;
	v13 =	vadd.s32 $0xFFFFFFFF, v13;
	v20 =	vadd.bf16 v23, v20;
	v9 =	vld.idx.msk [tilespmem:v17+s31+$0x0], $0xffff  }
0x3de: {  	v60 =	vadd.s32 $0xFFFFFFFF, v21;
	v6 =	vadd.s32 $0xFFFFFFFF, v4;
	v5 =	vadd.s32 $0xFFFFFFFF, v5;
	v61 =	vld.idx.msk [tilespmem:v16+s31+$0x0], $0xffff  }
.Ltmp13:
0x3df: {  	s23 =	sadd.s32 $0x400, s23;
	v49 =	vadd.s32 $0xFFFFFFFF, v24;
	v38 =	vadd.s32 $0xFFFFFFFF, v19;
	v16 =	vunpack.i.u.bf16.f32 v20;
	(pc) =	sbr.rel @p0 .LBB2_30-.Ltmp13, $4  }
0x3e0: {  	v4 =	vadd.s32 $0x28CB, v18;
	v50 =	vadd.s32 $0x28CB, v35;
	v39 =	vadd.s32 $0x28CB, v22;
	[tilespmem:s23+$0x0] =	vst v16  }
0x3e1: {  	v37 =	vadd.s32 $0x28CB, v10;
	v28 =	vadd.s32 $0x28CB, v12;
	v17 =	vadd.s32 $0x28CB, v32  }
0x3e2: {  	v18 =	vadd.bf16 v26, v29;
	v12 =	vadd.bf16 v27, v33;
	v16 =	vadd.s32 $0x28CB, v30;
	v26 =	vld.idx.msk [tilespmem:v13+s30+$0x0], $0xffff  }
0x3e3: {  	s11 =	sadd.s32 $0x80, s11;
	v19 =	vunpack.i.l.bf16.f32 v20;
	v10 =	vadd.bf16 v25, v36;
	v13 =	vadd.bf16 v31, v34;
	v27 =	vld.idx.msk [tilespmem:v40+s30+$0x0], $0xffff  }
0x3e4: {  	[tilespmem:s23+$0xFFFFC000] =	vst v19;
	v15 =	vunpack.i.u.bf16.f32 v18  }
0x3e5: {  	v43 =	vunpack.i.l.bf16.f32 v18;
	[tilespmem:s1+$0xFFFFFF90] =	vst v15  }
0x3e6: {  	[tilespmem:s1+$0xFFFFBF90] =	vst v43;
	v15 =	vunpack.i.l.bf16.f32 v12  }
0x3e7: {  	v12 =	vunpack.i.u.bf16.f32 v12;
	[tilespmem:s1+$0xFFFFBFA0] =	vst v15  }
0x3e8: {  	v15 =	vunpack.i.l.bf16.f32 v13;
	[tilespmem:s1+$0xFFFFFFA0] =	vst v12  }
0x3e9: {  	v12 =	vunpack.i.u.bf16.f32 v13;
	[tilespmem:s1+$0xFFFFBFB0] =	vst v15  }
0x3ea: {  	v7 =	vadd.bf16 v48, v7;
	v13 =	vunpack.i.l.bf16.f32 v10;
	[tilespmem:s1+$0xFFFFFFB0] =	vst v12  }
0x3eb: {  	v4 =	vld.idx.msk [tilespmem:v4+s31+$0x0], $0xffff;
	v10 =	vunpack.i.u.bf16.f32 v10;
	[tilespmem:s1+$0xFFFFBFC0] =	vst v13  }
0x3ec: {  	v1 =	vadd.bf16 v1, v9;
	v9 =	vunpack.i.l.bf16.f32 v7;
	[tilespmem:s1+$0xFFFFFFC0] =	vst v10  }
0x3ed: {  	v7 =	vunpack.i.u.bf16.f32 v7;
	[tilespmem:s1+$0xFFFFBFD0] =	vst v9;
	v9 =	vld.idx.msk [tilespmem:v50+s31+$0x0], $0xffff  }
0x3ee: {  	v6 =	vld.idx.msk [tilespmem:v6+s30+$0x0], $0xffff;
	v10 =	vadd.bf16 v59, v61;
	v12 =	vunpack.i.l.bf16.f32 v1;
	[tilespmem:s1+$0xFFFFFFD0] =	vst v7  }
0x3ef: {  	v1 =	vunpack.i.u.bf16.f32 v1;
	v7 =	vld.idx.msk [tilespmem:v39+s31+$0x0], $0xffff;
	[tilespmem:s1+$0xFFFFBFE0] =	vst v12  }
0x3f0: {  	v5 =	vld.idx.msk [tilespmem:v5+s30+$0x0], $0xffff;
	[tilespmem:s1+$0xFFFFFFE0] =	vst v1;
	v12 =	vunpack.i.l.bf16.f32 v10;
	v1 =	vadd.bf16 v26, v4  }
0x3f1: {  	v4 =	vunpack.i.u.bf16.f32 v10;
	v10 =	vld.idx.msk [tilespmem:v37+s31+$0x0], $0xffff;
	[tilespmem:s1+$0xFFFFBFF0] =	vst v12  }
0x3f2: {  	v13 =	vld.idx.msk [tilespmem:v28+s31+$0x0], $0xffff;
	[tilespmem:s1+$0xFFFFFFF0] =	vst v4;
	v4 =	vadd.bf16 v27, v9;
	v9 =	vunpack.i.u.bf16.f32 v1  }
0x3f3: {  	v12 =	vld.idx.msk [tilespmem:v60+s30+$0x0], $0xffff;
	v1 =	vunpack.i.l.bf16.f32 v1;
	[tilespmem:s23+$0xFFFFFF90] =	vst v9  }
0x3f4: {  	v6 =	vadd.bf16 v6, v7;
	v7 =	vld.idx.msk [tilespmem:v17+s31+$0x0], $0xffff;
	[tilespmem:s23+$0xFFFFBF90] =	vst v1;
	v1 =	vunpack.i.l.bf16.f32 v4  }
0x3f5: {  	v9 =	vld.idx.msk [tilespmem:v49+s30+$0x0], $0xffff;
	v4 =	vunpack.i.u.bf16.f32 v4;
	[tilespmem:s23+$0xFFFFBFA0] =	vst v1  }
0x3f6: {  	v5 =	vadd.bf16 v5, v10;
	v10 =	vunpack.i.l.bf16.f32 v6;
	v1 =	vld.idx.msk [tilespmem:v38+s30+$0x0], $0xffff;
	[tilespmem:s23+$0xFFFFFFA0] =	vst v4  }
0x3f7: {  	v6 =	vunpack.i.u.bf16.f32 v6;
	v4 =	vld.idx.msk [tilespmem:v16+s31+$0x0], $0xffff;
	[tilespmem:s23+$0xFFFFBFB0] =	vst v10  }
0x3f8: {  	v10 =	vadd.bf16 v12, v13;
	[tilespmem:s23+$0xFFFFFFB0] =	vst v6;
	v12 =	vunpack.i.l.bf16.f32 v5  }
0x3f9: {  	v5 =	vunpack.i.u.bf16.f32 v5;
	[tilespmem:s23+$0xFFFFBFC0] =	vst v12  }
0x3fa: {  	s29 =	sadd.s32 $0x1, s29;
	[tilespmem:s23+$0xFFFFFFC0] =	vst v5;
	v5 =	vunpack.i.u.bf16.f32 v10;
	v6 =	vadd.bf16 v9, v7  }
0x3fb: {  	p0 =	sne.s32 s29, $0x8;
	v7 =	vunpack.i.l.bf16.f32 v10;
	[tilespmem:s23+$0xFFFFFFD0] =	vst v5  }
.Ltmp14:
0x3fc: {  	[tilespmem:s23+$0xFFFFBFD0] =	vst v7;
	v1 =	vadd.bf16 v1, v4;
	v4 =	vunpack.i.l.bf16.f32 v6;
	(pc) =	sbr.rel @p0 .LBB2_29-.Ltmp14, $4  }
0x3fd: {  	v5 =	vunpack.i.u.bf16.f32 v6;
	[tilespmem:s23+$0xFFFFBFE0] =	vst v4  }
0x3fe: {  	[tilespmem:s23+$0xFFFFFFE0] =	vst v5;
	v4 =	vunpack.i.l.bf16.f32 v1  }
0x3ff: {  	v1 =	vunpack.i.u.bf16.f32 v1;
	[tilespmem:s23+$0xFFFFBFF0] =	vst v4  }
0x400: {  	s6 =	sadd.s32 $0x80, s6;
	[tilespmem:s23+$0xFFFFFFF0] =	vst v1  }
0x401: {  	s1 =	sadd.s32 s22, s16;
	s29 =	simm.s32 $0x0  }
0x402: {  	[hbm4b:s1+s29] =	stream.linear.scatter [tilespmem:s25], [sflag:$0x2], $0x4000, $0x38;
	[tilespmem:$0x17A00] =	vst v63  }
0x403: {  	s23 =	sadd.s32 s22, s17  }
0x404: {  	[hbm4b:s23+s29] =	stream.linear.scatter [tilespmem:s3], [sflag:$0x2], $0x4000, $0x38;
	[tilespmem:$0x17A00] =	vst v63  }
0x405: {  	_ =	swait.ge [sflag:s4], $0x8000  }
0x406: {  	[sflag:s4] =	ssyncset.done $0x0  }
0x407: {  	s6 =	simm.s32 $0xBA00;
	[sflag:s4] =	ssyncadd.s32 $0xFFFF8000  }
.LBB2_33:
0x408: {  	s11 =	simm.s32 $0x1840  }
0x409: {  	v4 =	vld [tilespmem:s11+$0x30]  }
0x40a: {  	s1 =	sor.u32 s9, s29;
	v5 =	vld [tilespmem:s11+$0xFFFFFFD0]  }
0x40b: {  	v1 =	vmov s1;
	v6 =	vld [tilespmem:s11+$0xFFFFFFE0]  }
0x40c: {  	v7 =	vld [tilespmem:s11+$0xFFFFFFF0]  }
0x40d: {  	v9 =	vld [tilespmem:s11+$0x10]  }
0x40e: {  	v10 =	vld [tilespmem:s11+$0x20]  }
0x40f: {  	v13 =	vld [tilespmem:s11+$0xFFFFFFC0]  }
0x410: {  	s23 =	simm.s32 $0x18C0;
	v1 =	vld.idx.msk [tilespmem:v1+s0+$0x0], $0xffff  }
0x411: {  	v23 =	vld [tilespmem:s23+$0x30]  }
0x412: {  	v24 =	vld [tilespmem:s23+$0xFFFFFFE0]  }
0x413: {  	v26 =	vld [tilespmem:s23+$0xFFFFFFF0]  }
0x414: {  	v28 =	vld [tilespmem:s23+$0x10]  }
0x415: {  	v15 =	vadd.s32 $0x1B320, v1  }
0x416: {  	v4 =	vsub.s32 v15, v4;
	v5 =	vsub.s32 v15, v5  }
0x417: {  	v6 =	vsub.s32 v15, v6;
	v7 =	vsub.s32 v15, v7;
	v9 =	vsub.s32 v15, v9  }
0x418: {  	v10 =	vsub.s32 v15, v10;
	v13 =	vsub.s32 v15, v13;
	v23 =	vsub.s32 v15, v23  }
0x419: {  	v24 =	vsub.s32 v15, v24;
	v26 =	vsub.s32 v15, v26;
	v28 =	vsub.s32 v15, v28  }
0x41a: {  	v12 =	vand.u32 $0x3F, v4;
	v4 =	vshrl.u32 v4, $0x6;
	v16 =	vand.u32 $0x3F, v5  }
0x41b: {  	v17 =	vand.u32 $0x3F, v6;
	v18 =	vand.u32 $0x3F, v7;
	v20 =	vand.u32 $0x3F, v9  }
0x41c: {  	v21 =	vand.u32 $0x3F, v10;
	v22 =	vand.u32 $0x3F, v13;
	v13 =	vshrl.u32 v13, $0x6  }
0x41d: {  	v5 =	vshrl.u32 v5, $0x6;
	v6 =	vshrl.u32 v6, $0x6;
	v7 =	vshrl.u32 v7, $0x6  }
0x41e: {  	v1 =	vld [tilespmem:s11+$0x0];
	v9 =	vshrl.u32 v9, $0x6;
	v10 =	vshrl.u32 v10, $0x6;
	v30 =	vand.u32 $0x3F, v23  }
0x41f: {  	v23 =	vshrl.u32 v23, $0x6;
	v34 =	vand.u32 $0x3F, v26;
	v36 =	vand.u32 $0x3F, v28  }
0x420: {  	v26 =	vshrl.u32 v26, $0x6;
	v41 =	vshrl.u32 v28, $0x6;
	v12 =	vmax.u32 v12, $0x1C  }
0x421: {  	v4 =	vadd.s32 $0x3664, v4;
	v16 =	vmax.u32 v16, $0x1C;
	v12 =	vmin.u32 v12, $0x24  }
0x422: {  	v17 =	vmax.u32 v17, $0x1C;
	v18 =	vmax.u32 v18, $0x1C;
	v12 =	vadd.s32 $0x8, v12  }
0x423: {  	v22 =	vmax.u32 v22, $0x1C;
	v20 =	vmax.u32 v20, $0x1C;
	v1 =	vsub.s32 v15, v1  }
0x424: {  	v21 =	vmax.u32 v21, $0x1C;
	v19 =	vand.u32 $0x3F, v1;
	v1 =	vshrl.u32 v1, $0x6  }
0x425: {  	v13 =	vadd.s32 $0x3664, v13;
	v23 =	vadd.s32 $0x3664, v23;
	v27 =	vadd.s32 $0x3664, v1;
	v1 =	vld [tilespmem:s23+$0x0]  }
0x426: {  	v5 =	vadd.s32 $0x3664, v5;
	v6 =	vadd.s32 $0x3664, v6;
	v7 =	vadd.s32 $0x3664, v7;
	v4 =	vld.idx.msk [tilespmem:v4+s31+$0x0], $0xffff  }
0x427: {  	v9 =	vadd.s32 $0x3664, v9;
	v10 =	vadd.s32 $0x3664, v10;
	v30 =	vmax.u32 v30, $0x1C;
	v12 =	vld.idx.msk [tilespmem:v12+s30+$0x0], $0xffff  }
0x428: {  	v34 =	vmax.u32 v34, $0x1C;
	v36 =	vmax.u32 v36, $0x1C;
	v16 =	vmin.u32 v16, $0x24  }
0x429: {  	v31 =	vld [tilespmem:s23+$0xFFFFFFC0];
	v17 =	vmin.u32 v17, $0x24;
	v30 =	vmin.u32 v30, $0x24;
	v16 =	vadd.s32 $0x8, v16  }
0x42a: {  	v20 =	vmin.u32 v20, $0x24;
	v23 =	vld.idx.msk [tilespmem:v23+s31+$0x0], $0xffff;
	v33 =	vsub.s32 v15, v1;
	v1 =	vadd.s32 $0x8, v30  }
0x42b: {  	v18 =	vmin.u32 v18, $0x24;
	v50 =	vmin.u32 v36, $0x24;
	v20 =	vadd.s32 $0x8, v20;
	v36 =	vld.idx.msk [tilespmem:v5+s31+$0x0], $0xffff  }
0x42c: {  	v4 =	vadd.bf16 v12, v4;
	v12 =	vadd.s32 $0x8, v17;
	v17 =	vadd.s32 $0x8, v18;
	v18 =	vld [tilespmem:s23+$0xFFFFFFD0]  }
0x42d: {  	v22 =	vmin.u32 v22, $0x24;
	v21 =	vmin.u32 v21, $0x24;
	v19 =	vmax.u32 v19, $0x1C;
	v42 =	vld.idx.msk [tilespmem:v6+s31+$0x0], $0xffff  }
0x42e: {  	v22 =	vadd.s32 $0x8, v22;
	v19 =	vmin.u32 v19, $0x24;
	v30 =	vld.idx.msk [tilespmem:v16+s30+$0x0], $0xffff;
	v16 =	vand.u32 $0x3F, v24  }
0x42f: {  	v21 =	vadd.s32 $0x8, v21;
	v19 =	vadd.s32 $0x8, v19;
	v16 =	vmax.u32 v16, $0x1C;
	v37 =	vld.idx.msk [tilespmem:v1+s30+$0x0], $0xffff  }
0x430: {  	v49 =	vadd.s32 $0x8, v50;
	v24 =	vshrl.u32 v24, $0x6;
	v16 =	vmin.u32 v16, $0x24;
	v1 =	vld.idx.msk [tilespmem:v20+s30+$0x0], $0xffff  }
0x431: {  	v25 =	vunpack.i.u.bf16.f32 v4;
	v29 =	vunpack.i.l.bf16.f32 v4;
	v4 =	vsub.s32 v15, v18;
	v18 =	vld [tilespmem:s23+$0x20]  }
0x432: {  	v39 =	vadd.s32 $0x3664, v24;
	v6 =	vadd.s32 $0x8, v16;
	v20 =	vmin.u32 v34, $0x24;
	v35 =	vld.idx.msk [tilespmem:v12+s30+$0x0], $0xffff  }
0x433: {  	v5 =	vadd.s32 $0x8, v20;
	v12 =	vand.u32 $0x3F, v33;
	v40 =	vld.idx.msk [tilespmem:v17+s30+$0x0], $0xffff;
	v17 =	vsub.s32 v15, v31  }
0x434: {  	v48 =	vld.idx.msk [tilespmem:v19+s30+$0x0], $0xffff;
	v33 =	vshrl.u32 v33, $0x6;
	v32 =	vand.u32 $0x3F, v4;
	v19 =	vand.u32 $0x3F, v17  }
0x435: {  	v13 =	vld.idx.msk [tilespmem:v13+s31+$0x0], $0xffff;
	v12 =	vmax.u32 v12, $0x1C;
	v17 =	vshrl.u32 v17, $0x6;
	v34 =	vshrl.u32 v4, $0x6  }
0x436: {  	v9 =	vld.idx.msk [tilespmem:v9+s31+$0x0], $0xffff;
	v28 =	vadd.s32 $0x3664, v33;
	v31 =	vmax.u32 v32, $0x1C;
	v19 =	vmax.u32 v19, $0x1C  }
0x437: {  	v61 =	vld.idx.msk [tilespmem:v10+s31+$0x0], $0xffff;
	v12 =	vmin.u32 v12, $0x24;
	v19 =	vmin.u32 v19, $0x24;
	v18 =	vsub.s32 v15, v18  }
0x438: {  	v22 =	vld.idx.msk [tilespmem:v22+s30+$0x0], $0xffff;
	v31 =	vmin.u32 v31, $0x24;
	v19 =	vadd.s32 $0x8, v19;
	v43 =	vand.u32 $0x3F, v18  }
0x439: {  	v23 =	vadd.bf16 v37, v23;
	v31 =	vadd.s32 $0x8, v31;
	v32 =	vmax.u32 v43, $0x1C;
	v43 =	vld.idx.msk [tilespmem:v7+s31+$0x0], $0xffff  }
0x43a: {  	v4 =	vadd.s32 $0x3664, v17;
	v50 =	vadd.s32 $0x3664, v34;
	v37 =	vadd.s32 $0x3664, v26;
	v7 =	vld.idx.msk [tilespmem:v27+s31+$0x0], $0xffff  }
0x43b: {  	v59 =	vld.idx.msk [tilespmem:v21+s30+$0x0], $0xffff;
	v17 =	vadd.s32 $0x3664, v41;
	v60 =	vadd.s32 $0x8, v12;
	v18 =	vshrl.u32 v18, $0x6  }
0x43c: {  	[tilespmem:s6+$0x70] =	vst v25;
	v12 =	vadd.bf16 v30, v36;
	v20 =	vunpack.i.u.bf16.f32 v23;
	v16 =	vadd.s32 $0x3664, v18  }
0x43d: {  	[tilespmem:s6+$0xFFFFC070] =	vst v29;
	s23 =	sadd.s32 $0x400, s6;
	v18 =	vadd.bf16 v22, v13;
	v13 =	vadd.bf16 v35, v42;
	v32 =	vmin.u32 v32, $0x24;
	v26 =	vld.idx.msk [tilespmem:v19+s30+$0x0], $0xffff  }
0x43e: {  	s10 =	simm.s32 $0x8;
	s1 =	smov.u32 s6;
	s11 =	simm.s32 $0x1940;
	[tilespmem:s23+$0x70] =	vst v20;
	v38 =	vadd.s32 $0x8, v32;
	v27 =	vld.idx.msk [tilespmem:v31+s30+$0x0], $0xffff;
	v19 =	vunpack.i.l.bf16.f32 v23;
	v10 =	vadd.bf16 v40, v43  }
.LBB2_34:
0x43f: {  	v20 =	vld [tilespmem:s11+$0x30];
	s10 =	sadd.s32 $0x8, s10;
	[tilespmem:s23+$0xFFFFC070] =	vst v19;
	v19 =	vunpack.i.u.bf16.f32 v18;
	v7 =	vadd.bf16 v48, v7;
	v1 =	vadd.bf16 v1, v9  }
0x440: {  	v18 =	vunpack.i.l.bf16.f32 v18;
	v21 =	vadd.bf16 v59, v61;
	v9 =	vld [tilespmem:s11+$0xFFFFFFD0];
	p0 =	slt.u32 s10, $0x78;
	[tilespmem:s1+$0x0] =	vst v19;
	v19 =	vunpack.i.u.bf16.f32 v12  }
0x441: {  	v12 =	vunpack.i.l.bf16.f32 v12;
	v22 =	vld [tilespmem:s11+$0xFFFFFFE0];
	[tilespmem:s1+$0xFFFFC000] =	vst v18;
	v18 =	vunpack.i.u.bf16.f32 v13;
	v13 =	vunpack.i.l.bf16.f32 v13  }
0x442: {  	v24 =	vunpack.i.u.bf16.f32 v7;
	v23 =	vld [tilespmem:s11+$0xFFFFFFF0];
	[tilespmem:s1+$0xFFFFC010] =	vst v12;
	v12 =	vunpack.i.u.bf16.f32 v10;
	v10 =	vunpack.i.l.bf16.f32 v10  }
0x443: {  	v7 =	vunpack.i.l.bf16.f32 v7;
	v29 =	vunpack.i.l.bf16.f32 v1;
	v25 =	vld [tilespmem:s11+$0x0];
	[tilespmem:s1+$0x10] =	vst v19;
	v19 =	vunpack.i.u.bf16.f32 v1  }
0x444: {  	v1 =	vld [tilespmem:s11+$0x10];
	v20 =	vsub.s32 v15, v20;
	[tilespmem:s1+$0xFFFFC020] =	vst v13;
	v13 =	vunpack.i.u.bf16.f32 v21;
	v21 =	vunpack.i.l.bf16.f32 v21  }
0x445: {  	v9 =	vsub.s32 v15, v9;
	v30 =	vld [tilespmem:s11+$0x20];
	v31 =	vand.u32 $0x3F, v20;
	[tilespmem:s1+$0x20] =	vst v18  }
0x446: {  	v20 =	vshrl.u32 v20, $0x6;
	v18 =	vld [tilespmem:s11+$0xFFFFFFC0];
	v22 =	vsub.s32 v15, v22;
	v31 =	vmax.u32 v31, $0x1C;
	[tilespmem:s1+$0xFFFFC030] =	vst v10  }
0x447: {  	v20 =	vadd.s32 $0x3664, v20;
	v10 =	vsub.s32 v15, v23;
	v23 =	vmin.u32 v31, $0x24;
	v31 =	vld.idx.msk [tilespmem:v6+s30+$0x0], $0xffff;
	[tilespmem:s1+$0x30] =	vst v12  }
0x448: {  	v6 =	vand.u32 $0x3F, v9;
	v12 =	vsub.s32 v15, v25;
	v23 =	vadd.s32 $0x8, v23;
	v25 =	vld.idx.msk [tilespmem:v5+s30+$0x0], $0xffff;
	[tilespmem:s1+$0xFFFFC040] =	vst v7  }
0x449: {  	v5 =	vand.u32 $0x3F, v22;
	v7 =	vand.u32 $0x3F, v10;
	v32 =	vsub.s32 v15, v1;
	v48 =	vld.idx.msk [tilespmem:v60+s30+$0x0], $0xffff;
	[tilespmem:s1+$0x40] =	vst v24  }
0x44a: {  	v24 =	vand.u32 $0x3F, v12;
	v33 =	vand.u32 $0x3F, v32;
	v30 =	vsub.s32 v15, v30;
	v1 =	vld.idx.msk [tilespmem:v49+s30+$0x0], $0xffff;
	[tilespmem:s1+$0xFFFFC050] =	vst v29  }
0x44b: {  	v6 =	vmax.u32 v6, $0x1C;
	v18 =	vsub.s32 v15, v18;
	v29 =	vand.u32 $0x3F, v30;
	v59 =	vld.idx.msk [tilespmem:v38+s30+$0x0], $0xffff;
	[tilespmem:s1+$0x50] =	vst v19  }
0x44c: {  	v5 =	vmax.u32 v5, $0x1C;
	v7 =	vmax.u32 v7, $0x1C;
	v19 =	vand.u32 $0x3F, v18;
	v20 =	vld.idx.msk [tilespmem:v20+s31+$0x0], $0xffff;
	[tilespmem:s1+$0xFFFFC060] =	vst v21  }
0x44d: {  	v21 =	vmax.u32 v24, $0x1C;
	v24 =	vmax.u32 v33, $0x1C;
	v19 =	vmax.u32 v19, $0x1C;
	v23 =	vld.idx.msk [tilespmem:v23+s30+$0x0], $0xffff;
	[tilespmem:s1+$0x60] =	vst v13;
	s1 =	smov.u32 s23  }
0x44e: {  	v6 =	vmin.u32 v6, $0x24;
	v13 =	vmin.u32 v19, $0x24;
	v19 =	vmax.u32 v29, $0x1C;
	v29 =	vld.idx.msk [tilespmem:v4+s31+$0x0], $0xffff  }
0x44f: {  	v21 =	vmin.u32 v21, $0x24;
	v4 =	vmin.u32 v5, $0x24;
	v5 =	vmin.u32 v7, $0x24;
	v33 =	vld.idx.msk [tilespmem:v50+s31+$0x0], $0xffff  }
0x450: {  	v18 =	vshrl.u32 v18, $0x6;
	v24 =	vmin.u32 v24, $0x24;
	v19 =	vmin.u32 v19, $0x24;
	v34 =	vld.idx.msk [tilespmem:v39+s31+$0x0], $0xffff  }
0x451: {  	v35 =	vshrl.u32 v9, $0x6;
	v22 =	vshrl.u32 v22, $0x6;
	v10 =	vshrl.u32 v10, $0x6;
	v36 =	vld.idx.msk [tilespmem:v37+s31+$0x0], $0xffff  }
0x452: {  	v12 =	vshrl.u32 v12, $0x6;
	v32 =	vshrl.u32 v32, $0x6;
	v30 =	vshrl.u32 v30, $0x6;
	v7 =	vld.idx.msk [tilespmem:v28+s31+$0x0], $0xffff  }
0x453: {  	v40 =	vadd.s32 $0x8, v6;
	v13 =	vadd.s32 $0x8, v13;
	v20 =	vadd.bf16 v23, v20;
	v9 =	vld.idx.msk [tilespmem:v17+s31+$0x0], $0xffff  }
0x454: {  	v60 =	vadd.s32 $0x8, v21;
	v6 =	vadd.s32 $0x8, v4;
	v5 =	vadd.s32 $0x8, v5;
	v61 =	vld.idx.msk [tilespmem:v16+s31+$0x0], $0xffff  }
.Ltmp15:
0x455: {  	s23 =	sadd.s32 $0x400, s23;
	v49 =	vadd.s32 $0x8, v24;
	v38 =	vadd.s32 $0x8, v19;
	v16 =	vunpack.i.u.bf16.f32 v20;
	(pc) =	sbr.rel @p0 .LBB2_34-.Ltmp15, $4  }
0x456: {  	v4 =	vadd.s32 $0x3664, v18;
	v50 =	vadd.s32 $0x3664, v35;
	v39 =	vadd.s32 $0x3664, v22;
	[tilespmem:s23+$0x70] =	vst v16  }
0x457: {  	v37 =	vadd.s32 $0x3664, v10;
	v28 =	vadd.s32 $0x3664, v12;
	v17 =	vadd.s32 $0x3664, v32  }
0x458: {  	v18 =	vadd.bf16 v26, v29;
	v12 =	vadd.bf16 v27, v33;
	v16 =	vadd.s32 $0x3664, v30;
	v26 =	vld.idx.msk [tilespmem:v13+s30+$0x0], $0xffff  }
0x459: {  	s11 =	sadd.s32 $0x80, s11;
	v19 =	vunpack.i.l.bf16.f32 v20;
	v10 =	vadd.bf16 v25, v36;
	v13 =	vadd.bf16 v31, v34;
	v27 =	vld.idx.msk [tilespmem:v40+s30+$0x0], $0xffff  }
0x45a: {  	[tilespmem:s23+$0xFFFFC070] =	vst v19;
	v15 =	vunpack.i.u.bf16.f32 v18  }
0x45b: {  	v43 =	vunpack.i.l.bf16.f32 v18;
	[tilespmem:s1+$0x0] =	vst v15  }
0x45c: {  	[tilespmem:s1+$0xFFFFC000] =	vst v43;
	v15 =	vunpack.i.l.bf16.f32 v12  }
0x45d: {  	v12 =	vunpack.i.u.bf16.f32 v12;
	[tilespmem:s1+$0xFFFFC010] =	vst v15  }
0x45e: {  	v15 =	vunpack.i.l.bf16.f32 v13;
	[tilespmem:s1+$0x10] =	vst v12  }
0x45f: {  	v12 =	vunpack.i.u.bf16.f32 v13;
	[tilespmem:s1+$0xFFFFC020] =	vst v15  }
0x460: {  	v7 =	vadd.bf16 v48, v7;
	v13 =	vunpack.i.l.bf16.f32 v10;
	[tilespmem:s1+$0x20] =	vst v12  }
0x461: {  	v4 =	vld.idx.msk [tilespmem:v4+s31+$0x0], $0xffff;
	v10 =	vunpack.i.u.bf16.f32 v10;
	[tilespmem:s1+$0xFFFFC030] =	vst v13  }
0x462: {  	v1 =	vadd.bf16 v1, v9;
	v9 =	vunpack.i.l.bf16.f32 v7;
	[tilespmem:s1+$0x30] =	vst v10  }
0x463: {  	v7 =	vunpack.i.u.bf16.f32 v7;
	[tilespmem:s1+$0xFFFFC040] =	vst v9;
	v9 =	vld.idx.msk [tilespmem:v50+s31+$0x0], $0xffff  }
0x464: {  	v6 =	vld.idx.msk [tilespmem:v6+s30+$0x0], $0xffff;
	v10 =	vadd.bf16 v59, v61;
	v12 =	vunpack.i.l.bf16.f32 v1;
	[tilespmem:s1+$0x40] =	vst v7  }
0x465: {  	v1 =	vunpack.i.u.bf16.f32 v1;
	v7 =	vld.idx.msk [tilespmem:v39+s31+$0x0], $0xffff;
	[tilespmem:s1+$0xFFFFC050] =	vst v12  }
0x466: {  	v5 =	vld.idx.msk [tilespmem:v5+s30+$0x0], $0xffff;
	[tilespmem:s1+$0x50] =	vst v1;
	v12 =	vunpack.i.l.bf16.f32 v10;
	v1 =	vadd.bf16 v26, v4  }
0x467: {  	v4 =	vunpack.i.u.bf16.f32 v10;
	v10 =	vld.idx.msk [tilespmem:v37+s31+$0x0], $0xffff;
	[tilespmem:s1+$0xFFFFC060] =	vst v12  }
0x468: {  	v13 =	vld.idx.msk [tilespmem:v28+s31+$0x0], $0xffff;
	[tilespmem:s1+$0x60] =	vst v4;
	v4 =	vadd.bf16 v27, v9;
	v9 =	vunpack.i.u.bf16.f32 v1  }
0x469: {  	v12 =	vld.idx.msk [tilespmem:v60+s30+$0x0], $0xffff;
	v1 =	vunpack.i.l.bf16.f32 v1;
	[tilespmem:s23+$0x0] =	vst v9  }
0x46a: {  	v6 =	vadd.bf16 v6, v7;
	v7 =	vld.idx.msk [tilespmem:v17+s31+$0x0], $0xffff;
	[tilespmem:s23+$0xFFFFC000] =	vst v1;
	v1 =	vunpack.i.l.bf16.f32 v4  }
0x46b: {  	v9 =	vld.idx.msk [tilespmem:v49+s30+$0x0], $0xffff;
	v4 =	vunpack.i.u.bf16.f32 v4;
	[tilespmem:s23+$0xFFFFC010] =	vst v1  }
0x46c: {  	v5 =	vadd.bf16 v5, v10;
	v10 =	vunpack.i.l.bf16.f32 v6;
	v1 =	vld.idx.msk [tilespmem:v38+s30+$0x0], $0xffff;
	[tilespmem:s23+$0x10] =	vst v4  }
0x46d: {  	v6 =	vunpack.i.u.bf16.f32 v6;
	v4 =	vld.idx.msk [tilespmem:v16+s31+$0x0], $0xffff;
	[tilespmem:s23+$0xFFFFC020] =	vst v10  }
0x46e: {  	v10 =	vadd.bf16 v12, v13;
	[tilespmem:s23+$0x20] =	vst v6;
	v12 =	vunpack.i.l.bf16.f32 v5  }
0x46f: {  	v5 =	vunpack.i.u.bf16.f32 v5;
	[tilespmem:s23+$0xFFFFC030] =	vst v12  }
0x470: {  	s29 =	sadd.s32 $0x1, s29;
	[tilespmem:s23+$0x30] =	vst v5;
	v5 =	vunpack.i.u.bf16.f32 v10;
	v6 =	vadd.bf16 v9, v7  }
0x471: {  	p0 =	sne.s32 s29, $0x8;
	v7 =	vunpack.i.l.bf16.f32 v10;
	[tilespmem:s23+$0x40] =	vst v5  }
.Ltmp16:
0x472: {  	[tilespmem:s23+$0xFFFFC040] =	vst v7;
	v1 =	vadd.bf16 v1, v4;
	v4 =	vunpack.i.l.bf16.f32 v6;
	(pc) =	sbr.rel @p0 .LBB2_33-.Ltmp16, $4  }
0x473: {  	v5 =	vunpack.i.u.bf16.f32 v6;
	[tilespmem:s23+$0xFFFFC050] =	vst v4  }
0x474: {  	[tilespmem:s23+$0x50] =	vst v5;
	v4 =	vunpack.i.l.bf16.f32 v1  }
0x475: {  	v1 =	vunpack.i.u.bf16.f32 v1;
	[tilespmem:s23+$0xFFFFC060] =	vst v4  }
0x476: {  	s6 =	sadd.s32 $0x80, s6;
	[tilespmem:s23+$0x60] =	vst v1  }
0x477: {  	s1 =	sadd.s32 s22, s18;
	s29 =	simm.s32 $0x0  }
0x478: {  	[hbm4b:s1+s29] =	stream.linear.scatter [tilespmem:s7], [sflag:$0x1], $0x4000, $0x38;
	[tilespmem:$0x17A00] =	vst v63  }
0x479: {  	s23 =	sadd.s32 s22, s19  }
0x47a: {  	[hbm4b:s23+s29] =	stream.linear.scatter [tilespmem:s24], [sflag:$0x1], $0x4000, $0x38;
	[tilespmem:$0x17A00] =	vst v63  }
0x47b: {  	_ =	swait.ge [sflag:s5], $0x8000  }
0x47c: {  	[sflag:s5] =	ssyncset.done $0x0  }
0x47d: {  	s6 =	simm.s32 $0x13A70;
	[sflag:s5] =	ssyncadd.s32 $0xFFFF8000  }
.LBB2_37:
0x47e: {  	s11 =	simm.s32 $0x1840  }
0x47f: {  	v4 =	vld [tilespmem:s11+$0x30]  }
0x480: {  	s1 =	sor.u32 s9, s29;
	v5 =	vld [tilespmem:s11+$0xFFFFFFD0]  }
0x481: {  	v1 =	vmov s1;
	v6 =	vld [tilespmem:s11+$0xFFFFFFE0]  }
0x482: {  	v7 =	vld [tilespmem:s11+$0xFFFFFFF0]  }
0x483: {  	v9 =	vld [tilespmem:s11+$0x10]  }
0x484: {  	v10 =	vld [tilespmem:s11+$0x20]  }
0x485: {  	v13 =	vld [tilespmem:s11+$0xFFFFFFC0]  }
0x486: {  	s23 =	simm.s32 $0x18C0;
	v1 =	vld.idx.msk [tilespmem:v1+s0+$0x0], $0xffff  }
0x487: {  	v23 =	vld [tilespmem:s23+$0x30]  }
0x488: {  	v24 =	vld [tilespmem:s23+$0xFFFFFFE0]  }
0x489: {  	v26 =	vld [tilespmem:s23+$0xFFFFFFF0]  }
0x48a: {  	v28 =	vld [tilespmem:s23+$0x10]  }
0x48b: {  	v15 =	vadd.s32 $0x1B320, v1  }
0x48c: {  	v4 =	vsub.s32 v15, v4;
	v5 =	vsub.s32 v15, v5  }
0x48d: {  	v6 =	vsub.s32 v15, v6;
	v7 =	vsub.s32 v15, v7;
	v9 =	vsub.s32 v15, v9  }
0x48e: {  	v10 =	vsub.s32 v15, v10;
	v13 =	vsub.s32 v15, v13;
	v23 =	vsub.s32 v15, v23  }
0x48f: {  	v24 =	vsub.s32 v15, v24;
	v26 =	vsub.s32 v15, v26;
	v28 =	vsub.s32 v15, v28  }
0x490: {  	v12 =	vand.u32 $0x3F, v4;
	v4 =	vshrl.u32 v4, $0x6;
	v16 =	vand.u32 $0x3F, v5  }
0x491: {  	v17 =	vand.u32 $0x3F, v6;
	v18 =	vand.u32 $0x3F, v7;
	v20 =	vand.u32 $0x3F, v9  }
0x492: {  	v21 =	vand.u32 $0x3F, v10;
	v22 =	vand.u32 $0x3F, v13;
	v13 =	vshrl.u32 v13, $0x6  }
0x493: {  	v5 =	vshrl.u32 v5, $0x6;
	v6 =	vshrl.u32 v6, $0x6;
	v7 =	vshrl.u32 v7, $0x6  }
0x494: {  	v1 =	vld [tilespmem:s11+$0x0];
	v9 =	vshrl.u32 v9, $0x6;
	v10 =	vshrl.u32 v10, $0x6;
	v30 =	vand.u32 $0x3F, v23  }
0x495: {  	v23 =	vshrl.u32 v23, $0x6;
	v34 =	vand.u32 $0x3F, v26;
	v36 =	vand.u32 $0x3F, v28  }
0x496: {  	v26 =	vshrl.u32 v26, $0x6;
	v41 =	vshrl.u32 v28, $0x6;
	v12 =	vmax.u32 v12, $0x1C  }
0x497: {  	v4 =	vadd.s32 $0x43FD, v4;
	v16 =	vmax.u32 v16, $0x1C;
	v12 =	vmin.u32 v12, $0x24  }
0x498: {  	v17 =	vmax.u32 v17, $0x1C;
	v18 =	vmax.u32 v18, $0x1C;
	v12 =	vadd.s32 $0x11, v12  }
0x499: {  	v22 =	vmax.u32 v22, $0x1C;
	v20 =	vmax.u32 v20, $0x1C;
	v1 =	vsub.s32 v15, v1  }
0x49a: {  	v21 =	vmax.u32 v21, $0x1C;
	v19 =	vand.u32 $0x3F, v1;
	v1 =	vshrl.u32 v1, $0x6  }
0x49b: {  	v13 =	vadd.s32 $0x43FD, v13;
	v23 =	vadd.s32 $0x43FD, v23;
	v27 =	vadd.s32 $0x43FD, v1;
	v1 =	vld [tilespmem:s23+$0x0]  }
0x49c: {  	v5 =	vadd.s32 $0x43FD, v5;
	v6 =	vadd.s32 $0x43FD, v6;
	v7 =	vadd.s32 $0x43FD, v7;
	v4 =	vld.idx.msk [tilespmem:v4+s31+$0x0], $0xffff  }
0x49d: {  	v9 =	vadd.s32 $0x43FD, v9;
	v10 =	vadd.s32 $0x43FD, v10;
	v30 =	vmax.u32 v30, $0x1C;
	v12 =	vld.idx.msk [tilespmem:v12+s30+$0x0], $0xffff  }
0x49e: {  	v34 =	vmax.u32 v34, $0x1C;
	v36 =	vmax.u32 v36, $0x1C;
	v16 =	vmin.u32 v16, $0x24  }
0x49f: {  	v31 =	vld [tilespmem:s23+$0xFFFFFFC0];
	v17 =	vmin.u32 v17, $0x24;
	v30 =	vmin.u32 v30, $0x24;
	v16 =	vadd.s32 $0x11, v16  }
0x4a0: {  	v20 =	vmin.u32 v20, $0x24;
	v23 =	vld.idx.msk [tilespmem:v23+s31+$0x0], $0xffff;
	v33 =	vsub.s32 v15, v1;
	v1 =	vadd.s32 $0x11, v30  }
0x4a1: {  	v18 =	vmin.u32 v18, $0x24;
	v50 =	vmin.u32 v36, $0x24;
	v20 =	vadd.s32 $0x11, v20;
	v36 =	vld.idx.msk [tilespmem:v5+s31+$0x0], $0xffff  }
0x4a2: {  	v4 =	vadd.bf16 v12, v4;
	v12 =	vadd.s32 $0x11, v17;
	v17 =	vadd.s32 $0x11, v18;
	v18 =	vld [tilespmem:s23+$0xFFFFFFD0]  }
0x4a3: {  	v22 =	vmin.u32 v22, $0x24;
	v21 =	vmin.u32 v21, $0x24;
	v19 =	vmax.u32 v19, $0x1C;
	v42 =	vld.idx.msk [tilespmem:v6+s31+$0x0], $0xffff  }
0x4a4: {  	v22 =	vadd.s32 $0x11, v22;
	v19 =	vmin.u32 v19, $0x24;
	v30 =	vld.idx.msk [tilespmem:v16+s30+$0x0], $0xffff;
	v16 =	vand.u32 $0x3F, v24  }
0x4a5: {  	v21 =	vadd.s32 $0x11, v21;
	v19 =	vadd.s32 $0x11, v19;
	v16 =	vmax.u32 v16, $0x1C;
	v37 =	vld.idx.msk [tilespmem:v1+s30+$0x0], $0xffff  }
0x4a6: {  	v49 =	vadd.s32 $0x11, v50;
	v24 =	vshrl.u32 v24, $0x6;
	v16 =	vmin.u32 v16, $0x24;
	v1 =	vld.idx.msk [tilespmem:v20+s30+$0x0], $0xffff  }
0x4a7: {  	v25 =	vunpack.i.u.bf16.f32 v4;
	v29 =	vunpack.i.l.bf16.f32 v4;
	v4 =	vsub.s32 v15, v18;
	v18 =	vld [tilespmem:s23+$0x20]  }
0x4a8: {  	v39 =	vadd.s32 $0x43FD, v24;
	v6 =	vadd.s32 $0x11, v16;
	v20 =	vmin.u32 v34, $0x24;
	v35 =	vld.idx.msk [tilespmem:v12+s30+$0x0], $0xffff  }
0x4a9: {  	v5 =	vadd.s32 $0x11, v20;
	v12 =	vand.u32 $0x3F, v33;
	v40 =	vld.idx.msk [tilespmem:v17+s30+$0x0], $0xffff;
	v17 =	vsub.s32 v15, v31  }
0x4aa: {  	v48 =	vld.idx.msk [tilespmem:v19+s30+$0x0], $0xffff;
	v33 =	vshrl.u32 v33, $0x6;
	v32 =	vand.u32 $0x3F, v4;
	v19 =	vand.u32 $0x3F, v17  }
0x4ab: {  	v13 =	vld.idx.msk [tilespmem:v13+s31+$0x0], $0xffff;
	v12 =	vmax.u32 v12, $0x1C;
	v17 =	vshrl.u32 v17, $0x6;
	v34 =	vshrl.u32 v4, $0x6  }
0x4ac: {  	v9 =	vld.idx.msk [tilespmem:v9+s31+$0x0], $0xffff;
	v28 =	vadd.s32 $0x43FD, v33;
	v31 =	vmax.u32 v32, $0x1C;
	v19 =	vmax.u32 v19, $0x1C  }
0x4ad: {  	v61 =	vld.idx.msk [tilespmem:v10+s31+$0x0], $0xffff;
	v12 =	vmin.u32 v12, $0x24;
	v19 =	vmin.u32 v19, $0x24;
	v18 =	vsub.s32 v15, v18  }
0x4ae: {  	v22 =	vld.idx.msk [tilespmem:v22+s30+$0x0], $0xffff;
	v31 =	vmin.u32 v31, $0x24;
	v19 =	vadd.s32 $0x11, v19;
	v43 =	vand.u32 $0x3F, v18  }
0x4af: {  	v23 =	vadd.bf16 v37, v23;
	v31 =	vadd.s32 $0x11, v31;
	v32 =	vmax.u32 v43, $0x1C;
	v43 =	vld.idx.msk [tilespmem:v7+s31+$0x0], $0xffff  }
0x4b0: {  	v4 =	vadd.s32 $0x43FD, v17;
	v50 =	vadd.s32 $0x43FD, v34;
	v37 =	vadd.s32 $0x43FD, v26;
	v7 =	vld.idx.msk [tilespmem:v27+s31+$0x0], $0xffff  }
0x4b1: {  	v59 =	vld.idx.msk [tilespmem:v21+s30+$0x0], $0xffff;
	v17 =	vadd.s32 $0x43FD, v41;
	v60 =	vadd.s32 $0x11, v12;
	v18 =	vshrl.u32 v18, $0x6  }
0x4b2: {  	[tilespmem:s6+$0x0] =	vst v25;
	v12 =	vadd.bf16 v30, v36;
	v20 =	vunpack.i.u.bf16.f32 v23;
	v16 =	vadd.s32 $0x43FD, v18  }
0x4b3: {  	[tilespmem:s6+$0xFFFFC000] =	vst v29;
	s23 =	sadd.s32 $0x400, s6;
	v18 =	vadd.bf16 v22, v13;
	v13 =	vadd.bf16 v35, v42;
	v32 =	vmin.u32 v32, $0x24;
	v26 =	vld.idx.msk [tilespmem:v19+s30+$0x0], $0xffff  }
0x4b4: {  	s10 =	simm.s32 $0x8;
	s1 =	smov.u32 s6;
	s11 =	simm.s32 $0x1940;
	[tilespmem:s23+$0x0] =	vst v20;
	v38 =	vadd.s32 $0x11, v32;
	v27 =	vld.idx.msk [tilespmem:v31+s30+$0x0], $0xffff;
	v19 =	vunpack.i.l.bf16.f32 v23;
	v10 =	vadd.bf16 v40, v43  }
.LBB2_38:
0x4b5: {  	v20 =	vld [tilespmem:s11+$0x30];
	s10 =	sadd.s32 $0x8, s10;
	[tilespmem:s23+$0xFFFFC000] =	vst v19;
	v19 =	vunpack.i.u.bf16.f32 v18;
	v7 =	vadd.bf16 v48, v7;
	v1 =	vadd.bf16 v1, v9  }
0x4b6: {  	v18 =	vunpack.i.l.bf16.f32 v18;
	v21 =	vadd.bf16 v59, v61;
	v9 =	vld [tilespmem:s11+$0xFFFFFFD0];
	p0 =	slt.u32 s10, $0x78;
	[tilespmem:s1+$0xFFFFFF90] =	vst v19;
	v19 =	vunpack.i.u.bf16.f32 v12  }
0x4b7: {  	v12 =	vunpack.i.l.bf16.f32 v12;
	v22 =	vld [tilespmem:s11+$0xFFFFFFE0];
	[tilespmem:s1+$0xFFFFBF90] =	vst v18;
	v18 =	vunpack.i.u.bf16.f32 v13;
	v13 =	vunpack.i.l.bf16.f32 v13  }
0x4b8: {  	v24 =	vunpack.i.u.bf16.f32 v7;
	v23 =	vld [tilespmem:s11+$0xFFFFFFF0];
	[tilespmem:s1+$0xFFFFBFA0] =	vst v12;
	v12 =	vunpack.i.u.bf16.f32 v10;
	v10 =	vunpack.i.l.bf16.f32 v10  }
0x4b9: {  	v7 =	vunpack.i.l.bf16.f32 v7;
	v29 =	vunpack.i.l.bf16.f32 v1;
	v25 =	vld [tilespmem:s11+$0x0];
	[tilespmem:s1+$0xFFFFFFA0] =	vst v19;
	v19 =	vunpack.i.u.bf16.f32 v1  }
0x4ba: {  	v1 =	vld [tilespmem:s11+$0x10];
	v20 =	vsub.s32 v15, v20;
	[tilespmem:s1+$0xFFFFBFB0] =	vst v13;
	v13 =	vunpack.i.u.bf16.f32 v21;
	v21 =	vunpack.i.l.bf16.f32 v21  }
0x4bb: {  	v9 =	vsub.s32 v15, v9;
	v30 =	vld [tilespmem:s11+$0x20];
	v31 =	vand.u32 $0x3F, v20;
	[tilespmem:s1+$0xFFFFFFB0] =	vst v18  }
0x4bc: {  	v20 =	vshrl.u32 v20, $0x6;
	v18 =	vld [tilespmem:s11+$0xFFFFFFC0];
	v22 =	vsub.s32 v15, v22;
	v31 =	vmax.u32 v31, $0x1C;
	[tilespmem:s1+$0xFFFFBFC0] =	vst v10  }
0x4bd: {  	v20 =	vadd.s32 $0x43FD, v20;
	v10 =	vsub.s32 v15, v23;
	v23 =	vmin.u32 v31, $0x24;
	v31 =	vld.idx.msk [tilespmem:v6+s30+$0x0], $0xffff;
	[tilespmem:s1+$0xFFFFFFC0] =	vst v12  }
0x4be: {  	v6 =	vand.u32 $0x3F, v9;
	v12 =	vsub.s32 v15, v25;
	v23 =	vadd.s32 $0x11, v23;
	v25 =	vld.idx.msk [tilespmem:v5+s30+$0x0], $0xffff;
	[tilespmem:s1+$0xFFFFBFD0] =	vst v7  }
0x4bf: {  	v5 =	vand.u32 $0x3F, v22;
	v7 =	vand.u32 $0x3F, v10;
	v32 =	vsub.s32 v15, v1;
	v48 =	vld.idx.msk [tilespmem:v60+s30+$0x0], $0xffff;
	[tilespmem:s1+$0xFFFFFFD0] =	vst v24  }
0x4c0: {  	v24 =	vand.u32 $0x3F, v12;
	v33 =	vand.u32 $0x3F, v32;
	v30 =	vsub.s32 v15, v30;
	v1 =	vld.idx.msk [tilespmem:v49+s30+$0x0], $0xffff;
	[tilespmem:s1+$0xFFFFBFE0] =	vst v29  }
0x4c1: {  	v6 =	vmax.u32 v6, $0x1C;
	v18 =	vsub.s32 v15, v18;
	v29 =	vand.u32 $0x3F, v30;
	v59 =	vld.idx.msk [tilespmem:v38+s30+$0x0], $0xffff;
	[tilespmem:s1+$0xFFFFFFE0] =	vst v19  }
0x4c2: {  	v5 =	vmax.u32 v5, $0x1C;
	v7 =	vmax.u32 v7, $0x1C;
	v19 =	vand.u32 $0x3F, v18;
	v20 =	vld.idx.msk [tilespmem:v20+s31+$0x0], $0xffff;
	[tilespmem:s1+$0xFFFFBFF0] =	vst v21  }
0x4c3: {  	v21 =	vmax.u32 v24, $0x1C;
	v24 =	vmax.u32 v33, $0x1C;
	v19 =	vmax.u32 v19, $0x1C;
	v23 =	vld.idx.msk [tilespmem:v23+s30+$0x0], $0xffff;
	[tilespmem:s1+$0xFFFFFFF0] =	vst v13;
	s1 =	smov.u32 s23  }
0x4c4: {  	v6 =	vmin.u32 v6, $0x24;
	v13 =	vmin.u32 v19, $0x24;
	v19 =	vmax.u32 v29, $0x1C;
	v29 =	vld.idx.msk [tilespmem:v4+s31+$0x0], $0xffff  }
0x4c5: {  	v21 =	vmin.u32 v21, $0x24;
	v4 =	vmin.u32 v5, $0x24;
	v5 =	vmin.u32 v7, $0x24;
	v33 =	vld.idx.msk [tilespmem:v50+s31+$0x0], $0xffff  }
0x4c6: {  	v18 =	vshrl.u32 v18, $0x6;
	v24 =	vmin.u32 v24, $0x24;
	v19 =	vmin.u32 v19, $0x24;
	v34 =	vld.idx.msk [tilespmem:v39+s31+$0x0], $0xffff  }
0x4c7: {  	v35 =	vshrl.u32 v9, $0x6;
	v22 =	vshrl.u32 v22, $0x6;
	v10 =	vshrl.u32 v10, $0x6;
	v36 =	vld.idx.msk [tilespmem:v37+s31+$0x0], $0xffff  }
0x4c8: {  	v12 =	vshrl.u32 v12, $0x6;
	v32 =	vshrl.u32 v32, $0x6;
	v30 =	vshrl.u32 v30, $0x6;
	v7 =	vld.idx.msk [tilespmem:v28+s31+$0x0], $0xffff  }
0x4c9: {  	v40 =	vadd.s32 $0x11, v6;
	v13 =	vadd.s32 $0x11, v13;
	v20 =	vadd.bf16 v23, v20;
	v9 =	vld.idx.msk [tilespmem:v17+s31+$0x0], $0xffff  }
0x4ca: {  	v60 =	vadd.s32 $0x11, v21;
	v6 =	vadd.s32 $0x11, v4;
	v5 =	vadd.s32 $0x11, v5;
	v61 =	vld.idx.msk [tilespmem:v16+s31+$0x0], $0xffff  }
.Ltmp17:
0x4cb: {  	s23 =	sadd.s32 $0x400, s23;
	v49 =	vadd.s32 $0x11, v24;
	v38 =	vadd.s32 $0x11, v19;
	v16 =	vunpack.i.u.bf16.f32 v20;
	(pc) =	sbr.rel @p0 .LBB2_38-.Ltmp17, $4  }
0x4cc: {  	v4 =	vadd.s32 $0x43FD, v18;
	v50 =	vadd.s32 $0x43FD, v35;
	v39 =	vadd.s32 $0x43FD, v22;
	[tilespmem:s23+$0x0] =	vst v16  }
0x4cd: {  	v37 =	vadd.s32 $0x43FD, v10;
	v28 =	vadd.s32 $0x43FD, v12;
	v17 =	vadd.s32 $0x43FD, v32  }
0x4ce: {  	v18 =	vadd.bf16 v26, v29;
	v12 =	vadd.bf16 v27, v33;
	v16 =	vadd.s32 $0x43FD, v30;
	v26 =	vld.idx.msk [tilespmem:v13+s30+$0x0], $0xffff  }
0x4cf: {  	s11 =	sadd.s32 $0x80, s11;
	v19 =	vunpack.i.l.bf16.f32 v20;
	v10 =	vadd.bf16 v25, v36;
	v13 =	vadd.bf16 v31, v34;
	v27 =	vld.idx.msk [tilespmem:v40+s30+$0x0], $0xffff  }
0x4d0: {  	[tilespmem:s23+$0xFFFFC000] =	vst v19;
	v15 =	vunpack.i.u.bf16.f32 v18  }
0x4d1: {  	v43 =	vunpack.i.l.bf16.f32 v18;
	[tilespmem:s1+$0xFFFFFF90] =	vst v15  }
0x4d2: {  	[tilespmem:s1+$0xFFFFBF90] =	vst v43;
	v15 =	vunpack.i.l.bf16.f32 v12  }
0x4d3: {  	v12 =	vunpack.i.u.bf16.f32 v12;
	[tilespmem:s1+$0xFFFFBFA0] =	vst v15  }
0x4d4: {  	v15 =	vunpack.i.l.bf16.f32 v13;
	[tilespmem:s1+$0xFFFFFFA0] =	vst v12  }
0x4d5: {  	v12 =	vunpack.i.u.bf16.f32 v13;
	[tilespmem:s1+$0xFFFFBFB0] =	vst v15  }
0x4d6: {  	v7 =	vadd.bf16 v48, v7;
	v13 =	vunpack.i.l.bf16.f32 v10;
	[tilespmem:s1+$0xFFFFFFB0] =	vst v12  }
0x4d7: {  	v4 =	vld.idx.msk [tilespmem:v4+s31+$0x0], $0xffff;
	v10 =	vunpack.i.u.bf16.f32 v10;
	[tilespmem:s1+$0xFFFFBFC0] =	vst v13  }
0x4d8: {  	v1 =	vadd.bf16 v1, v9;
	v9 =	vunpack.i.l.bf16.f32 v7;
	[tilespmem:s1+$0xFFFFFFC0] =	vst v10  }
0x4d9: {  	v7 =	vunpack.i.u.bf16.f32 v7;
	[tilespmem:s1+$0xFFFFBFD0] =	vst v9;
	v9 =	vld.idx.msk [tilespmem:v50+s31+$0x0], $0xffff  }
0x4da: {  	v6 =	vld.idx.msk [tilespmem:v6+s30+$0x0], $0xffff;
	v10 =	vadd.bf16 v59, v61;
	v12 =	vunpack.i.l.bf16.f32 v1;
	[tilespmem:s1+$0xFFFFFFD0] =	vst v7  }
0x4db: {  	v1 =	vunpack.i.u.bf16.f32 v1;
	v7 =	vld.idx.msk [tilespmem:v39+s31+$0x0], $0xffff;
	[tilespmem:s1+$0xFFFFBFE0] =	vst v12  }
0x4dc: {  	v5 =	vld.idx.msk [tilespmem:v5+s30+$0x0], $0xffff;
	[tilespmem:s1+$0xFFFFFFE0] =	vst v1;
	v12 =	vunpack.i.l.bf16.f32 v10;
	v1 =	vadd.bf16 v26, v4  }
0x4dd: {  	v4 =	vunpack.i.u.bf16.f32 v10;
	v10 =	vld.idx.msk [tilespmem:v37+s31+$0x0], $0xffff;
	[tilespmem:s1+$0xFFFFBFF0] =	vst v12  }
0x4de: {  	v13 =	vld.idx.msk [tilespmem:v28+s31+$0x0], $0xffff;
	[tilespmem:s1+$0xFFFFFFF0] =	vst v4;
	v4 =	vadd.bf16 v27, v9;
	v9 =	vunpack.i.u.bf16.f32 v1  }
0x4df: {  	v12 =	vld.idx.msk [tilespmem:v60+s30+$0x0], $0xffff;
	v1 =	vunpack.i.l.bf16.f32 v1;
	[tilespmem:s23+$0xFFFFFF90] =	vst v9  }
0x4e0: {  	v6 =	vadd.bf16 v6, v7;
	v7 =	vld.idx.msk [tilespmem:v17+s31+$0x0], $0xffff;
	[tilespmem:s23+$0xFFFFBF90] =	vst v1;
	v1 =	vunpack.i.l.bf16.f32 v4  }
0x4e1: {  	v9 =	vld.idx.msk [tilespmem:v49+s30+$0x0], $0xffff;
	v4 =	vunpack.i.u.bf16.f32 v4;
	[tilespmem:s23+$0xFFFFBFA0] =	vst v1  }
0x4e2: {  	v5 =	vadd.bf16 v5, v10;
	v10 =	vunpack.i.l.bf16.f32 v6;
	v1 =	vld.idx.msk [tilespmem:v38+s30+$0x0], $0xffff;
	[tilespmem:s23+$0xFFFFFFA0] =	vst v4  }
0x4e3: {  	v6 =	vunpack.i.u.bf16.f32 v6;
	v4 =	vld.idx.msk [tilespmem:v16+s31+$0x0], $0xffff;
	[tilespmem:s23+$0xFFFFBFB0] =	vst v10  }
0x4e4: {  	v10 =	vadd.bf16 v12, v13;
	[tilespmem:s23+$0xFFFFFFB0] =	vst v6;
	v12 =	vunpack.i.l.bf16.f32 v5  }
0x4e5: {  	v5 =	vunpack.i.u.bf16.f32 v5;
	[tilespmem:s23+$0xFFFFBFC0] =	vst v12  }
0x4e6: {  	s29 =	sadd.s32 $0x1, s29;
	[tilespmem:s23+$0xFFFFFFC0] =	vst v5;
	v5 =	vunpack.i.u.bf16.f32 v10;
	v6 =	vadd.bf16 v9, v7  }
0x4e7: {  	p0 =	sne.s32 s29, $0x8;
	v7 =	vunpack.i.l.bf16.f32 v10;
	[tilespmem:s23+$0xFFFFFFD0] =	vst v5  }
.Ltmp18:
0x4e8: {  	[tilespmem:s23+$0xFFFFBFD0] =	vst v7;
	v1 =	vadd.bf16 v1, v4;
	v4 =	vunpack.i.l.bf16.f32 v6;
	(pc) =	sbr.rel @p0 .LBB2_37-.Ltmp18, $4  }
0x4e9: {  	v5 =	vunpack.i.u.bf16.f32 v6;
	[tilespmem:s23+$0xFFFFBFE0] =	vst v4  }
0x4ea: {  	[tilespmem:s23+$0xFFFFFFE0] =	vst v5;
	v4 =	vunpack.i.l.bf16.f32 v1  }
0x4eb: {  	v1 =	vunpack.i.u.bf16.f32 v1;
	[tilespmem:s23+$0xFFFFBFF0] =	vst v4  }
0x4ec: {  	s6 =	sadd.s32 $0x80, s6;
	[tilespmem:s23+$0xFFFFFFF0] =	vst v1  }
0x4ed: {  	s8 =	sadd.s32 $0x1, s8  }
0x4ee: {  	p0 =	sne.s32 s8, $0x8  }
.Ltmp19:
0x4ef: {  	_ = 	snop;
	(pc) =	sbr.rel @p0 .LBB2_16-.Ltmp19, $4  }
0x4f0: {  	s1 =	sadd.s32 s22, s20  }
0x4f1: {  	[hbm4b:s1+s2] =	stream.linear.scatter [tilespmem:s25], [sflag:$0x2], $0x4000, $0x38;
	[tilespmem:$0x17A00] =	vst v63  }
0x4f2: {  	s29 =	sadd.s32 s22, s21  }
0x4f3: {  	[hbm4b:s29+s2] =	stream.linear.scatter [tilespmem:s3], [sflag:$0x2], $0x4000, $0x38;
	[tilespmem:$0x17A00] =	vst v63  }
0x4f4: {  	_ =	swait.ge [sflag:s4], $0x8000  }
0x4f5: {  	[sflag:s4] =	ssyncset.done $0x0  }
0x4f6: {  	[sflag:s4] =	ssyncadd.s32 $0xFFFF8000  }
0x4f7: {  	_ =	swait.ge [sflag:s5], $0x8000  }
0x4f8: {  	v10 =	vld [tilespmem:$0x1FE40]  }
0x4f9: {  	v12 =	vld [tilespmem:$0x1FE50]  }
0x4fa: {  	v13 =	vld [tilespmem:$0x1FE60]  }
0x4fb: {  	v15 =	vld [tilespmem:$0x1FE70]  }
0x4fc: {  	v16 =	vld [tilespmem:$0x1FE80]  }
0x4fd: {  	v17 =	vld [tilespmem:$0x1FE90]  }
0x4fe: {  	v18 =	vld [tilespmem:$0x1FEA0]  }
0x4ff: {  	v19 =	vld [tilespmem:$0x1FEB0]  }
0x500: {  	v20 =	vld [tilespmem:$0x1FEC0]  }
0x501: {  	v21 =	vld [tilespmem:$0x1FED0]  }
0x502: {  	v22 =	vld [tilespmem:$0x1FEE0]  }
0x503: {  	v23 =	vld [tilespmem:$0x1FEF0]  }
0x504: {  	v24 =	vld [tilespmem:$0x1FF00]  }
0x505: {  	v25 =	vld [tilespmem:$0x1FF10]  }
0x506: {  	v26 =	vld [tilespmem:$0x1FF20]  }
0x507: {  	v27 =	vld [tilespmem:$0x1FF30]  }
0x508: {  	v28 =	vld [tilespmem:$0x1FF40]  }
0x509: {  	v29 =	vld [tilespmem:$0x1FF50]  }
0x50a: {  	v30 =	vld [tilespmem:$0x1FF60]  }
0x50b: {  	v31 =	vld [tilespmem:$0x1FF70]  }
0x50c: {  	s6 =	rddreg [dreg:$0xc];
	v32 =	vld [tilespmem:$0x1FF80]  }
0x50d: {  	s1 =	rddreg [dreg:$0xb];
	v33 =	vld [tilespmem:$0x1FF90];
	s6 =	sadd.s32 $0x1, s6  }
0x50e: {  	v34 =	vld [tilespmem:$0x1FFA0];
	p0 =	sne.s32 s6, s1  }
.Ltmp20:
0x50f: {  	v35 =	vld [tilespmem:$0x1FFB0];
	(pc) =	sbr.rel @p0 .LBB2_1-.Ltmp20, $4  }
0x510: {  	v36 =	vld [tilespmem:$0x1FFC0]  }
0x511: {  	v37 =	vld [tilespmem:$0x1FFD0]  }
0x512: {  	[sflag:s5] =	ssyncset.done $0x0;
	v38 =	vld [tilespmem:$0x1FFE0]  }
0x513: {  	s9 =	simm.s32 $0x2700;
	v39 =	vld [tilespmem:$0x1FFF0];
	[sflag:s5] =	ssyncadd.s32 $0xFFFF8000  }
0x514: {  	_ =	sfence.sel $0x180000  }
0x515: {  	[bflag:$0x0] =	sbarrier.arrive $0xFFFF  }
0x516: {  	_ =	strace $0x90000047  }
0x517: {  	s0 =	stileid.u32;
	[bflag:$0x2] =	sbarrier.arrive $0xFFFF  }
0x518: {  	p0 =	sne.s32 s0, $0x0;
	s0 =	rddreg [dreg:$0x2]  }
0x519: {  	s0 =	sadd.s32 @!p0 $0x100000, s0  }
0x51a: {  	[sflag:s0] =	ssyncadd.tile.s32 @!p0 $0x1;
	_ =	shalt  }
.Lfunc_end2:
_tile_overlayer_lowered:
.L_overlay_start_2:
0x51b: {  	(tag) =	ssettag $0x2  }
0x51c: {  	s0 =	rddreg [dreg:$0x0];
	s2 =	stileid.u32  }
0x51d: {  	s1 =	rddreg [dreg:$0x1];
	p0 =	sne.s32 s2, $0x0  }
0x51e: {  	s3 =	rddreg [dreg:$0x2];
	[bflag:$0x3] =	sbarrier.arrive $0xFFFF;
	s2 =	simm.s32 @!p0 $0x1C03  }
0x51f: {  	[timem:s3], [sflag:s2] =	dma.local @!p0 [hbm:s0], s1  }
0x520: {  	s0 =	simm.s32 @!p0 $0x3  }
0x521: {  	_ =	swait.ge @!p0 [sflag:s0], s1  }
0x522: {  	s1 =	ssub.s32 @!p0 $0x0, s1;
	[sflag:s0] =	ssyncset.done @!p0 $0x0  }
0x523: {  	[sflag:s0] =	ssyncadd.s32 @!p0 s1  }
0x524: {  	[bflag:$0x3] =	sbarrier.arrive $0xFFFF  }
0x525: {  	_ =	shalt  }

</sc_bundles>
